<compile_context>
chip_gen: v7x
topology: tpu7x:2x2x1
jax: 0.10.2.dev20260603
libtpu: 0.0.44.dev20260713+nightly
codegen_flags: <defaults>
</compile_context>

<pallas_src>
import functools

import jax
import jax.numpy as jnp
from jax import lax
from jax.experimental import pallas as pl
from jax.experimental.pallas import tpu as pltpu
from jax.experimental.pallas import tpu_sc as plsc

NU, NI = 30000, 20000
N = NU + NI
E = 200000
DIN, DH = 128, 64

NC, NS = 2, 16
NW = NC * NS
CK = 80
NCH = 80
EPW = NCH * CK
EPAD = NW * EPW

EPR = E // NW
NPAD = EPW - EPR
RPAD_U = NU + 16
ZR = 1880
CNTW = 16

BN = 1000
NUB = NU // BN
NIB = NI // BN
NB = N // BN


def _prep_idx(src, dst, rng):
    pad_dst = rng + (jnp.arange(NW, dtype=jnp.int32)[:, None]
                     + jnp.arange(NPAD, dtype=jnp.int32)[None, :]) % 16
    pad_src = jnp.arange(NPAD, dtype=jnp.int32)[None, :] % 1024 + jnp.zeros(
        (NW, 1), jnp.int32)
    sf = jnp.concatenate(
        [src.astype(jnp.int32).reshape(NW, EPR), pad_src], axis=1)
    df = jnp.concatenate(
        [dst.astype(jnp.int32).reshape(NW, EPR), pad_dst], axis=1)
    return jnp.stack([sf.reshape(NW, NCH, CK), df.reshape(NW, NCH, CK)],
                     axis=2)



def _aligned_split(rng, s):
    per = ((rng + NS - 1) // NS + 7) // 8 * 8
    off = jnp.minimum(s * per, rng - per)
    return per, off


def _seg_phase(c, s, w, x_hbm, ih, zrows_hbm, gout, row_off, rng,
               acc, i0, i1, i2, i3, rA, rB,
               semGA, semGB, semSA, semSB, semI0, semI1, semI2, semI3):
    ibufs = (i0, i1, i2, i3)
    isems = (semI0, semI1, semI2, semI3)

    def istart(q, jidx):
        pltpu.async_copy(ih.at[w, jidx], ibufs[q], isems[q])

    def iwait(q, jidx):
        pltpu.make_async_copy(ih.at[w, jidx], ibufs[q], isems[q]).wait()

    def gstart(ib, r, sg):
        pltpu.async_copy(x_hbm.at[ib.at[0]], r, sg)

    def gwait(ib, r, sg):
        pltpu.make_async_copy(x_hbm.at[ib.at[0]], r, sg).wait()

    def sstart(r, ib, ss):
        pltpu.async_copy(r, acc.at[ib.at[1]], ss, add=True)

    def swait(r, ib, ss):
        pltpu.make_async_copy(r, acc.at[ib.at[1]], ss).wait()

    zper, zoff = _aligned_split(rng, s)
    pltpu.sync_copy(zrows_hbm.at[pl.ds(0, zper)], acc.at[pl.ds(zoff, zper)])
    for q in range(4):
        istart(q, q)
    iwait(0, 0)
    iwait(1, 1)
    plsc.subcore_barrier()
    gstart(i0, rA, semGA)
    gstart(i1, rB, semGB)

    def body(jj, carry):
        c0 = 4 * jj
        gwait(i0, rA, semGA)
        sstart(rA, i0, semSA)
        gwait(i1, rB, semGB)
        sstart(rB, i1, semSB)

        swait(rA, i0, semSA)

        @pl.when(c0 + 4 < NCH)
        def _():
            istart(0, c0 + 4)

        iwait(2, c0 + 2)
        gstart(i2, rA, semGA)

        swait(rB, i1, semSB)

        @pl.when(c0 + 5 < NCH)
        def _():
            istart(1, c0 + 5)

        iwait(3, c0 + 3)
        gstart(i3, rB, semGB)

        gwait(i2, rA, semGA)
        sstart(rA, i2, semSA)
        gwait(i3, rB, semGB)
        sstart(rB, i3, semSB)

        swait(rA, i2, semSA)

        @pl.when(c0 + 6 < NCH)
        def _():
            istart(2, c0 + 6)

        @pl.when(c0 + 4 < NCH)
        def _():
            iwait(0, c0 + 4)
            gstart(i0, rA, semGA)

        swait(rB, i3, semSB)

        @pl.when(c0 + 7 < NCH)
        def _():
            istart(3, c0 + 7)

        @pl.when(c0 + 5 < NCH)
        def _():
            iwait(1, c0 + 5)
            gstart(i1, rB, semGB)

        return carry

    lax.fori_loop(0, NCH // 4, body, 0)
    plsc.subcore_barrier()

    dper, doff = _aligned_split(rng, s)
    pltpu.sync_copy(acc.at[pl.ds(doff, dper)],
                    gout.at[c, pl.ds(row_off + doff, dper)])
    plsc.subcore_barrier()


@functools.lru_cache(maxsize=None)
def _segsum_kernel():
    mesh = plsc.VectorSubcoreMesh(
        core_axis_name="c", subcore_axis_name="s",
        num_cores=NC, num_subcores=NS)

    @functools.partial(
        pl.kernel,
        out_type=(jax.ShapeDtypeStruct((NC, N, DH), jnp.float32),
                  jax.ShapeDtypeStruct((NC, N, DH), jnp.float32)),
        mesh=mesh,
        scratch_types=[
            pltpu.VMEM_SHARED((RPAD_U, DH), jnp.float32),
            pltpu.VMEM((2, CK), jnp.int32),
            pltpu.VMEM((2, CK), jnp.int32),
            pltpu.VMEM((2, CK), jnp.int32),
            pltpu.VMEM((2, CK), jnp.int32),
            pltpu.VMEM((CK, DH), jnp.float32),
            pltpu.VMEM((CK, DH), jnp.float32),
        ] + [pltpu.SemaphoreType.DMA] * 8,
        compiler_params=pltpu.CompilerParams(use_tc_tiling_on_sc=False),
    )
    def k(x_hbm, zrows_hbm, i1h, i0h, i2h, ga, gb,
          acc, i0, i1, i2, i3, rA, rB,
          semGA, semGB, semSA, semSB, semI0, semI1, semI2, semI3):
        c = lax.axis_index("c")
        s = lax.axis_index("s")
        w = c * NS + s
        args = (acc, i0, i1, i2, i3, rA, rB,
                semGA, semGB, semSA, semSB, semI0, semI1, semI2, semI3)
        _seg_phase(c, s, w, x_hbm, i1h, zrows_hbm, ga, 0, NU, *args)
        _seg_phase(c, s, w, x_hbm, i0h, zrows_hbm, ga, NU, NI, *args)
        _seg_phase(c, s, w, x_hbm, i2h, zrows_hbm, gb, 0, NU, *args)

    return k


def _sc_segsum(x, zrows, i1, i0, i2):
    return _segsum_kernel()(x, zrows, i1, i0, i2)


def _cnt_phase(c, s, w, ih, zc_hbm, cout, row_off, rng,
               cacc, idx_v, ones_v):
    zper, zoff = _aligned_split(rng, s)
    pltpu.sync_copy(zc_hbm.at[pl.ds(0, zper)], cacc.at[pl.ds(zoff, zper)])
    pltpu.sync_copy(ih.at[w], idx_v)
    plsc.subcore_barrier()

    def body(j, carry):
        pltpu.sync_copy(ones_v, cacc.at[idx_v.at[j, 1]], add=True)
        return carry

    lax.fori_loop(0, NCH, body, 0)
    plsc.subcore_barrier()

    dper, doff = _aligned_split(rng, s)
    pltpu.sync_copy(cacc.at[pl.ds(doff, dper)],
                    cout.at[c, pl.ds(row_off + doff, dper)])
    plsc.subcore_barrier()


@functools.lru_cache(maxsize=None)
def _counts_kernel():
    mesh = plsc.VectorSubcoreMesh(
        core_axis_name="c", subcore_axis_name="s",
        num_cores=NC, num_subcores=NS)

    @functools.partial(
        pl.kernel,
        out_type=(jax.ShapeDtypeStruct((NC, N, CNTW), jnp.float32),
                  jax.ShapeDtypeStruct((NC, N, CNTW), jnp.float32)),
        mesh=mesh,
        scratch_types=[
            pltpu.VMEM_SHARED((RPAD_U, CNTW), jnp.float32),
            pltpu.VMEM((NCH, 2, CK), jnp.int32),
            pltpu.VMEM((CK, CNTW), jnp.float32),
        ],
        compiler_params=pltpu.CompilerParams(use_tc_tiling_on_sc=False),
    )
    def k(ones_hbm, zc_hbm, i1h, i0h, i2h, ca, cb, cacc, idx_v, ones_v):
        c = lax.axis_index("c")
        s = lax.axis_index("s")
        w = c * NS + s
        pltpu.sync_copy(ones_hbm, ones_v)
        _cnt_phase(c, s, w, i1h, zc_hbm, ca, 0, NU, cacc, idx_v, ones_v)
        _cnt_phase(c, s, w, i0h, zc_hbm, ca, NU, NI, cacc, idx_v, ones_v)
        _cnt_phase(c, s, w, i2h, zc_hbm, cb, 0, NU, cacc, idx_v, ones_v)

    return k


def _sc_counts(ones_rows, zc, i1, i0, i2):
    return _counts_kernel()(ones_rows, zc, i1, i0, i2)



def _inproj_body(xu_ref, xi_ref, wu_ref, wi_ref, bu_ref, bi_ref, o_ref):
    su = pl.program_id(0) < NUB
    x = jnp.where(su, xu_ref[...], xi_ref[...])
    wv = jnp.where(su, wu_ref[...], wi_ref[...])
    b = jnp.where(su, bu_ref[...], bi_ref[...])
    o_ref[...] = jnp.maximum(
        jnp.dot(x, wv, preferred_element_type=jnp.float32) + b, 0.0)


def _inproj(x_user, x_item, wu, bu, wi, bi):
    return pl.pallas_call(
        _inproj_body,
        grid=(NB,),
        in_specs=[
            pl.BlockSpec((BN, DIN), lambda i: (jnp.minimum(i, NUB - 1), 0)),
            pl.BlockSpec((BN, DIN), lambda i: (jnp.clip(i - NUB, 0, NIB - 1), 0)),
            pl.BlockSpec((DIN, DH), lambda i: (0, 0)),
            pl.BlockSpec((DIN, DH), lambda i: (0, 0)),
            pl.BlockSpec((1, DH), lambda i: (0, 0)),
            pl.BlockSpec((1, DH), lambda i: (0, 0)),
        ],
        out_specs=pl.BlockSpec((BN, DH), lambda i: (i, 0)),
        out_shape=jax.ShapeDtypeStruct((N, DH), jnp.float32),
    )(x_user, x_item, wu, wi, bu.reshape(1, DH), bi.reshape(1, DH))


def _layer_body(x_ref, ga_ref, ca_ref, gb_ref, cb_ref,
                root_ref, wau_ref, wai_ref, wb_ref, b_ref, o_ref):
    su = pl.program_id(0) < NUB
    x = x_ref[...]
    h = jnp.dot(x, root_ref[...], preferred_element_type=jnp.float32) + b_ref[...]
    ga = ga_ref[...]
    ca = ca_ref[...]
    na = (ga[0] + ga[1]) / jnp.maximum(ca[0, :, 0:1] + ca[1, :, 0:1], 1.0)
    wa = jnp.where(su, wau_ref[...], wai_ref[...])
    h = h + jnp.dot(na, wa, preferred_element_type=jnp.float32)
    gb = gb_ref[...]
    cb = cb_ref[...]
    nb = (gb[0] + gb[1]) / jnp.maximum(cb[0, :, 0:1] + cb[1, :, 0:1], 1.0)
    hb = jnp.dot(nb, wb_ref[...], preferred_element_type=jnp.float32)
    h = h + jnp.where(su, hb, jnp.zeros_like(hb))
    o_ref[...] = jnp.maximum(h, 0.0)


def _layer(x, ga, ca, gb, cb, root, w_rel1, w_rel0, w_rel2, bias):
    wspec = pl.BlockSpec((DH, DH), lambda i: (0, 0))
    return pl.pallas_call(
        _layer_body,
        grid=(NB,),
        in_specs=[
            pl.BlockSpec((BN, DH), lambda i: (i, 0)),
            pl.BlockSpec((NC, BN, DH), lambda i: (0, i, 0)),
            pl.BlockSpec((NC, BN, CNTW), lambda i: (0, i, 0)),
            pl.BlockSpec((NC, BN, DH), lambda i: (0, i, 0)),
            pl.BlockSpec((NC, BN, CNTW), lambda i: (0, i, 0)),
            wspec, wspec, wspec, wspec,
            pl.BlockSpec((1, DH), lambda i: (0, 0)),
        ],
        out_specs=pl.BlockSpec((BN, DH), lambda i: (i, 0)),
        out_shape=jax.ShapeDtypeStruct((N, DH), jnp.float32),
    )(x, ga, ca, gb, cb, root, w_rel1, w_rel0, w_rel2, bias.reshape(1, DH))


def _layer_out_body(x_ref, ga_ref, ca_ref, gb_ref, cb_ref,
                    root_ref, wau_ref, wai_ref, wb_ref, b_ref,
                    wou_ref, bou_ref, woi_ref, boi_ref,
                    ou_ref, oi_ref):
    su = pl.program_id(0) < NUB
    x = x_ref[...]
    h = jnp.dot(x, root_ref[...], preferred_element_type=jnp.float32) + b_ref[...]
    ga = ga_ref[...]
    ca = ca_ref[...]
    na = (ga[0] + ga[1]) / jnp.maximum(ca[0, :, 0:1] + ca[1, :, 0:1], 1.0)
    wa = jnp.where(su, wau_ref[...], wai_ref[...])
    h = h + jnp.dot(na, wa, preferred_element_type=jnp.float32)
    gb = gb_ref[...]
    cb = cb_ref[...]
    nb = (gb[0] + gb[1]) / jnp.maximum(cb[0, :, 0:1] + cb[1, :, 0:1], 1.0)
    hb = jnp.dot(nb, wb_ref[...], preferred_element_type=jnp.float32)
    h = h + jnp.where(su, hb, jnp.zeros_like(hb))
    h = jnp.maximum(h, 0.0)
    ou_ref[...] = jnp.dot(h, wou_ref[...],
                          preferred_element_type=jnp.float32) + bou_ref[...]
    oi_ref[...] = jnp.dot(h, woi_ref[...],
                          preferred_element_type=jnp.float32) + boi_ref[...]


def _layer_out(x, ga, ca, gb, cb, root, w_rel1, w_rel0, w_rel2, bias,
               wou, bou, woi, boi):
    wspec = pl.BlockSpec((DH, DH), lambda i: (0, 0))
    bspec = pl.BlockSpec((1, DH), lambda i: (0, 0))
    ou, oi = pl.pallas_call(
        _layer_out_body,
        grid=(NB,),
        in_specs=[
            pl.BlockSpec((BN, DH), lambda i: (i, 0)),
            pl.BlockSpec((NC, BN, DH), lambda i: (0, i, 0)),
            pl.BlockSpec((NC, BN, CNTW), lambda i: (0, i, 0)),
            pl.BlockSpec((NC, BN, DH), lambda i: (0, i, 0)),
            pl.BlockSpec((NC, BN, CNTW), lambda i: (0, i, 0)),
            wspec, wspec, wspec, wspec, bspec,
            wspec, bspec, wspec, bspec,
        ],
        out_specs=(
            pl.BlockSpec((BN, DH), lambda i: (jnp.minimum(i, NUB), 0)),
            pl.BlockSpec((BN, DH),
                         lambda i: (jnp.where(i < NUB, NIB, i - NUB), 0)),
        ),
        out_shape=(jax.ShapeDtypeStruct((NU + BN, DH), jnp.float32),
                   jax.ShapeDtypeStruct((NI + BN, DH), jnp.float32)),
    )(x, ga, ca, gb, cb, root, w_rel1, w_rel0, w_rel2, bias.reshape(1, DH),
      wou, bou.reshape(1, DH), woi, boi.reshape(1, DH))
    return ou[:NU], oi[:NI]



def kernel(x_user, x_item, edge_index_clicks, edge_index_rev_clicks,
           edge_index_follows, W_in_user, b_in_user, W_in_item, b_in_item,
           W0_rel0, W0_rel1, W0_rel2, root0, bias0,
           W1_rel0, W1_rel1, W1_rel2, root1, bias1,
           W_out_user, b_out_user, W_out_item, b_out_item):
    i0 = _prep_idx(edge_index_clicks[0], edge_index_clicks[1], NI)
    i1 = _prep_idx(edge_index_rev_clicks[0] + NU, edge_index_rev_clicks[1], NU)
    i2 = _prep_idx(edge_index_follows[0], edge_index_follows[1], NU)

    zrows = jnp.zeros((ZR, DH), jnp.float32)
    ones_rows = jnp.ones((CK, CNTW), jnp.float32)
    zc = jnp.zeros((ZR, CNTW), jnp.float32)

    ca, cb = _sc_counts(ones_rows, zc, i1, i0, i2)

    x0 = _inproj(x_user, x_item, W_in_user, b_in_user, W_in_item, b_in_item)
    ga, gb = _sc_segsum(x0, zrows, i1, i0, i2)
    x1 = _layer(x0, ga, ca, gb, cb, root0, W0_rel1, W0_rel0, W0_rel2, bias0)
    ga, gb = _sc_segsum(x1, zrows, i1, i0, i2)
    out_user, out_item = _layer_out(
        x1, ga, ca, gb, cb, root1, W1_rel1, W1_rel0, W1_rel2, bias1,
        W_out_user, b_out_user, W_out_item, b_out_item)
    return (out_user, out_item)

# --- scband reference (transcript-rebuilt; emitter-appended) ---
"""Pipeline reference for scband-rgcnencoder-19628000543182 (READ-ONLY COPY).

The authoritative reference and input builder live on the scoring server;
editing this copy changes nothing except your own understanding.
"""

import jax, jax.numpy as jnp
import numpy as np

NU, NI = 30000, 20000
N = NU + NI
E = 200000
DIN, DH = 128, 64


def setup_inputs(seed: int = 0):
    key = jax.random.key(seed)
    ks = jax.random.split(key, 24)

    def nrm(k, shape, scale):
        return jax.random.normal(k, shape, dtype=jnp.float32) * scale

    s_in = 1.0 / np.sqrt(DIN)
    s_h = 1.0 / np.sqrt(DH)
    inp = {}
    inp["x_user"] = nrm(ks[0], (NU, DIN), 1.0)
    inp["x_item"] = nrm(ks[1], (NI, DIN), 1.0)
    inp["edge_index_clicks"] = jax.random.randint(ks[2], (2, E), 0, 20000)
    inp["edge_index_rev_clicks"] = jax.random.randint(ks[3], (2, E), 0, 20000)
    inp["edge_index_follows"] = jax.random.randint(ks[4], (2, E), 0, 30000)
    inp["W_in_user"] = nrm(ks[5], (DIN, DH), s_in)
    inp["b_in_user"] = jnp.zeros((DH,), jnp.float32)
    inp["W_in_item"] = nrm(ks[6], (DIN, DH), s_in)
    inp["b_in_item"] = jnp.zeros((DH,), jnp.float32)
    inp["W0_rel0"] = nrm(ks[7], (DH, DH), s_h)
    inp["W0_rel1"] = nrm(ks[8], (DH, DH), s_h)
    inp["W0_rel2"] = nrm(ks[9], (DH, DH), s_h)
    inp["root0"] = nrm(ks[10], (DH, DH), s_h)
    inp["bias0"] = jnp.zeros((DH,), jnp.float32)
    inp["W1_rel0"] = nrm(ks[11], (DH, DH), s_h)
    inp["W1_rel1"] = nrm(ks[12], (DH, DH), s_h)
    inp["W1_rel2"] = nrm(ks[13], (DH, DH), s_h)
    inp["root1"] = nrm(ks[14], (DH, DH), s_h)
    inp["bias1"] = jnp.zeros((DH,), jnp.float32)
    inp["W_out_user"] = nrm(ks[15], (DH, DH), s_h)
    inp["b_out_user"] = jnp.zeros((DH,), jnp.float32)
    inp["W_out_item"] = nrm(ks[16], (DH, DH), s_h)
    inp["b_out_item"] = jnp.zeros((DH,), jnp.float32)
    return inp


def _rgcn_layer(x_all, rels, rel_ws, root, bias):
    # PyG RGCNConv with root_weight=True, bias=True, aggr='mean' (default):
    # out[i] = x[i] @ root + bias + sum_r mean_{j in N_r(i)} (x[j] @ W_r)
    out = x_all @ root + bias
    for (src, dst), W in zip(rels, rel_ws):
        msg = jnp.take(x_all, src, axis=0) @ W
        agg = jax.ops.segment_sum(msg, dst, num_segments=N)
        cnt = jax.ops.segment_sum(jnp.ones((dst.shape[0], 1), jnp.float32), dst, num_segments=N)
        out = out + agg / jnp.maximum(cnt, 1.0)
    return out


def reference(x_user, x_item, edge_index_clicks, edge_index_rev_clicks,
              edge_index_follows, W_in_user, b_in_user, W_in_item, b_in_item,
              W0_rel0, W0_rel1, W0_rel2, root0, bias0,
              W1_rel0, W1_rel1, W1_rel2, root1, bias1,
              W_out_user, b_out_user, W_out_item, b_out_item):
    # per-node-type input projection + relu
    hu = jax.nn.relu(x_user @ W_in_user + b_in_user)
    hi = jax.nn.relu(x_item @ W_in_item + b_in_item)
    # homogenize: user nodes occupy [0, NU), item nodes [NU, N)
    rels = [
        (edge_index_clicks[0], edge_index_clicks[1] + NU),          # user -> item
        (edge_index_rev_clicks[0] + NU, edge_index_rev_clicks[1]),  # item -> user
        (edge_index_follows[0], edge_index_follows[1]),             # user -> user
    ]
    x_all = jnp.concatenate([hu, hi], axis=0)
    x_all = jax.nn.relu(_rgcn_layer(x_all, rels, [W0_rel0, W0_rel1, W0_rel2], root0, bias0))
    x_all = jax.nn.relu(_rgcn_layer(x_all, rels, [W1_rel0, W1_rel1, W1_rel2], root1, bias1))
    out_user = x_all[:NU] @ W_out_user + b_out_user
    out_item = x_all[NU:] @ W_out_item + b_out_item
    return (out_user, out_item)

if __name__ == "__main__":
    import jax
    _d = setup_inputs()
    print(jax.jit(kernel)(*tuple(_d.values())))

</pallas_src>

<mosaic_0001>
#map = affine_map<(d0, d1) -> (0, 0)>
#map1 = affine_map<(d0, d1) -> (0, 0, 0, 0)>
#map2 = affine_map<(d0, d1) -> (0, 0, 0)>
module attributes {stable_mosaic.version = 14 : i64} {
  func.func @k(%arg0: i32, %arg1: i32, %arg2: memref<50000x64xf32, #tpu.memory_space<hbm>>, %arg3: memref<1880x64xf32, #tpu.memory_space<hbm>>, %arg4: memref<32x80x2x80xi32, #tpu.memory_space<hbm>>, %arg5: memref<32x80x2x80xi32, #tpu.memory_space<hbm>>, %arg6: memref<32x80x2x80xi32, #tpu.memory_space<hbm>>, %arg7: memref<2x50000x64xf32, #tpu.memory_space<hbm>>, %arg8: memref<2x50000x64xf32, #tpu.memory_space<hbm>>, %arg9: memref<30016x64xf32, #tpu.memory_space<vmem_shared>>, %arg10: memref<2x80xi32, #tpu.memory_space<vmem>>, %arg11: memref<2x80xi32, #tpu.memory_space<vmem>>, %arg12: memref<2x80xi32, #tpu.memory_space<vmem>>, %arg13: memref<2x80xi32, #tpu.memory_space<vmem>>, %arg14: memref<80x64xf32, #tpu.memory_space<vmem>>, %arg15: memref<80x64xf32, #tpu.memory_space<vmem>>, %arg16: memref<!tpu.dma_semaphore, #tpu.memory_space<semaphore_mem>>, %arg17: memref<!tpu.dma_semaphore, #tpu.memory_space<semaphore_mem>>, %arg18: memref<!tpu.dma_semaphore, #tpu.memory_space<semaphore_mem>>, %arg19: memref<!tpu.dma_semaphore, #tpu.memory_space<semaphore_mem>>, %arg20: memref<!tpu.dma_semaphore, #tpu.memory_space<semaphore_mem>>, %arg21: memref<!tpu.dma_semaphore, #tpu.memory_space<semaphore_mem>>, %arg22: memref<!tpu.dma_semaphore, #tpu.memory_space<semaphore_mem>>, %arg23: memref<!tpu.dma_semaphore, #tpu.memory_space<semaphore_mem>>) attributes {dimension_semantics = [#tpu.dimension_semantics<core_parallel>, #tpu.dimension_semantics<subcore_parallel>], iteration_bounds = array<i64: 2, 16>, scalar_prefetch = 0 : i64, scratch_operands = 15 : i64, tpu.core_type = #tpu.core_type<sc_vector_subcore>, window_params = [{transform_indices = #map}, {transform_indices = #map}, {transform_indices = #map1}, {transform_indices = #map1}, {transform_indices = #map1}, {transform_indices = #map2}, {transform_indices = #map2}]} {
    %mul3A = arith.constant 16 : i32
    %mul3A_0 = arith.muli %arg0, %mul3A : i32
    %add3A = arith.addi %mul3A_0, %arg1 : i32
    %mul3A_1 = arith.constant 1880 : i32
    %mul3A_2 = arith.muli %arg1, %mul3A_1 : i32
    %min3A = arith.constant 28120 : i32
    %min3A_3 = arith.minsi %mul3A_2, %min3A : i32
    "tpu.region"() ({
      %run_scoped3A = tpu.sem_alloc : memref<!tpu.dma_semaphore, #tpu.memory_space<semaphore_mem>>
      %dma_start3A_257 = arith.constant 0 : i32
      %dma_start3A_258 = tpu.memref_slice %arg9[%min3A_3, %dma_start3A_257] : memref<30016x64xf32, #tpu.memory_space<vmem_shared>> -> memref<1880x64xf32, #tpu.memory_space<vmem_shared>>
      %dma_start3A_259 = arith.constant 0 : i32
      %dma_start3A_260 = arith.constant 0 : i32
      %dma_start3A_261 = tpu.memref_slice %arg3[%dma_start3A_259, %dma_start3A_260] : memref<1880x64xf32, #tpu.memory_space<hbm>> -> memref<1880x64xf32, #tpu.memory_space<hbm>>
      tpu.enqueue_dma source(%dma_start3A_261 : memref<1880x64xf32, #tpu.memory_space<hbm>>) target(%dma_start3A_258 : memref<1880x64xf32, #tpu.memory_space<vmem_shared>>) target_semaphore(%run_scoped3A : memref<!tpu.dma_semaphore, #tpu.memory_space<semaphore_mem>>)
      %dma_wait3A_262 = arith.constant 0 : i32
      %dma_wait3A_263 = tpu.memref_slice %arg9[%min3A_3, %dma_wait3A_262] : memref<30016x64xf32, #tpu.memory_space<vmem_shared>> -> memref<1880x64xf32, #tpu.memory_space<vmem_shared>>
      %dma_wait3A_264 = arith.constant 0 : i32
      %dma_wait3A_265 = arith.constant 0 : i32
      %dma_wait3A_266 = tpu.memref_slice %arg3[%dma_wait3A_264, %dma_wait3A_265] : memref<1880x64xf32, #tpu.memory_space<hbm>> -> memref<1880x64xf32, #tpu.memory_space<hbm>>
      tpu.wait_dma2 semaphore(%run_scoped3A : memref<!tpu.dma_semaphore, #tpu.memory_space<semaphore_mem>>) src(%dma_wait3A_266 : memref<1880x64xf32, #tpu.memory_space<hbm>>) dst(%dma_wait3A_263 : memref<1880x64xf32, #tpu.memory_space<vmem_shared>>)
      tpu.yield
    }) : () -> ()
    %dma_start3A = arith.constant 0 : i32
    %dma_start3A_4 = arith.constant 0 : i32
    %dma_start3A_5 = arith.constant 0 : i32
    %dma_start3A_6 = tpu.memref_slice %arg4[%add3A, %dma_start3A, %dma_start3A_4, %dma_start3A_5] : memref<32x80x2x80xi32, #tpu.memory_space<hbm>> -> memref<1x1x2x80xi32, #tpu.memory_space<hbm>>
    %dma_start3A_7 = tpu.memref_squeeze %dma_start3A_6 : memref<1x1x2x80xi32, #tpu.memory_space<hbm>> -> memref<2x80xi32, #tpu.memory_space<hbm>>
    %dma_start3A_8 = arith.constant 0 : i32
    %dma_start3A_9 = arith.constant 0 : i32
    %dma_start3A_10 = tpu.memref_slice %arg4[%add3A, %dma_start3A, %dma_start3A_8, %dma_start3A_9] : memref<32x80x2x80xi32, #tpu.memory_space<hbm>> -> memref<1x1x2x80xi32, #tpu.memory_space<hbm>>
    %dma_start3A_11 = tpu.memref_squeeze %dma_start3A_10 : memref<1x1x2x80xi32, #tpu.memory_space<hbm>> -> memref<2x80xi32, #tpu.memory_space<hbm>>
    tpu.enqueue_dma source(%dma_start3A_11 : memref<2x80xi32, #tpu.memory_space<hbm>>) target(%arg10 : memref<2x80xi32, #tpu.memory_space<vmem>>) target_semaphore(%arg20 : memref<!tpu.dma_semaphore, #tpu.memory_space<semaphore_mem>>)
    %dma_start3A_12 = arith.constant 1 : i32
    %dma_start3A_13 = arith.constant 0 : i32
    %dma_start3A_14 = arith.constant 0 : i32
    %dma_start3A_15 = tpu.memref_slice %arg4[%add3A, %dma_start3A_12, %dma_start3A_13, %dma_start3A_14] : memref<32x80x2x80xi32, #tpu.memory_space<hbm>> -> memref<1x1x2x80xi32, #tpu.memory_space<hbm>>
    %dma_start3A_16 = tpu.memref_squeeze %dma_start3A_15 : memref<1x1x2x80xi32, #tpu.memory_space<hbm>> -> memref<2x80xi32, #tpu.memory_space<hbm>>
    %dma_start3A_17 = arith.constant 0 : i32
    %dma_start3A_18 = arith.constant 0 : i32
    %dma_start3A_19 = tpu.memref_slice %arg4[%add3A, %dma_start3A_12, %dma_start3A_17, %dma_start3A_18] : memref<32x80x2x80xi32, #tpu.memory_space<hbm>> -> memref<1x1x2x80xi32, #tpu.memory_space<hbm>>
    %dma_start3A_20 = tpu.memref_squeeze %dma_start3A_19 : memref<1x1x2x80xi32, #tpu.memory_space<hbm>> -> memref<2x80xi32, #tpu.memory_space<hbm>>
    tpu.enqueue_dma source(%dma_start3A_20 : memref<2x80xi32, #tpu.memory_space<hbm>>) target(%arg11 : memref<2x80xi32, #tpu.memory_space<vmem>>) target_semaphore(%arg21 : memref<!tpu.dma_semaphore, #tpu.memory_space<semaphore_mem>>)
    %dma_start3A_21 = arith.constant 2 : i32
    %dma_start3A_22 = arith.constant 0 : i32
    %dma_start3A_23 = arith.constant 0 : i32
    %dma_start3A_24 = tpu.memref_slice %arg4[%add3A, %dma_start3A_21, %dma_start3A_22, %dma_start3A_23] : memref<32x80x2x80xi32, #tpu.memory_space<hbm>> -> memref<1x1x2x80xi32, #tpu.memory_space<hbm>>
    %dma_start3A_25 = tpu.memref_squeeze %dma_start3A_24 : memref<1x1x2x80xi32, #tpu.memory_space<hbm>> -> memref<2x80xi32, #tpu.memory_space<hbm>>
    %dma_start3A_26 = arith.constant 0 : i32
    %dma_start3A_27 = arith.constant 0 : i32
    %dma_start3A_28 = tpu.memref_slice %arg4[%add3A, %dma_start3A_21, %dma_start3A_26, %dma_start3A_27] : memref<32x80x2x80xi32, #tpu.memory_space<hbm>> -> memref<1x1x2x80xi32, #tpu.memory_space<hbm>>
    %dma_start3A_29 = tpu.memref_squeeze %dma_start3A_28 : memref<1x1x2x80xi32, #tpu.memory_space<hbm>> -> memref<2x80xi32, #tpu.memory_space<hbm>>
    tpu.enqueue_dma source(%dma_start3A_29 : memref<2x80xi32, #tpu.memory_space<hbm>>) target(%arg12 : memref<2x80xi32, #tpu.memory_space<vmem>>) target_semaphore(%arg22 : memref<!tpu.dma_semaphore, #tpu.memory_space<semaphore_mem>>)
    %dma_start3A_30 = arith.constant 3 : i32
    %dma_start3A_31 = arith.constant 0 : i32
    %dma_start3A_32 = arith.constant 0 : i32
    %dma_start3A_33 = tpu.memref_slice %arg4[%add3A, %dma_start3A_30, %dma_start3A_31, %dma_start3A_32] : memref<32x80x2x80xi32, #tpu.memory_space<hbm>> -> memref<1x1x2x80xi32, #tpu.memory_space<hbm>>
    %dma_start3A_34 = tpu.memref_squeeze %dma_start3A_33 : memref<1x1x2x80xi32, #tpu.memory_space<hbm>> -> memref<2x80xi32, #tpu.memory_space<hbm>>
    %dma_start3A_35 = arith.constant 0 : i32
    %dma_start3A_36 = arith.constant 0 : i32
    %dma_start3A_37 = tpu.memref_slice %arg4[%add3A, %dma_start3A_30, %dma_start3A_35, %dma_start3A_36] : memref<32x80x2x80xi32, #tpu.memory_space<hbm>> -> memref<1x1x2x80xi32, #tpu.memory_space<hbm>>
    %dma_start3A_38 = tpu.memref_squeeze %dma_start3A_37 : memref<1x1x2x80xi32, #tpu.memory_space<hbm>> -> memref<2x80xi32, #tpu.memory_space<hbm>>
    tpu.enqueue_dma source(%dma_start3A_38 : memref<2x80xi32, #tpu.memory_space<hbm>>) target(%arg13 : memref<2x80xi32, #tpu.memory_space<vmem>>) target_semaphore(%arg23 : memref<!tpu.dma_semaphore, #tpu.memory_space<semaphore_mem>>)
    %dma_wait3A = arith.constant 0 : i32
    %dma_wait3A_39 = arith.constant 0 : i32
    %dma_wait3A_40 = arith.constant 0 : i32
    %dma_wait3A_41 = tpu.memref_slice %arg4[%add3A, %dma_wait3A, %dma_wait3A_39, %dma_wait3A_40] : memref<32x80x2x80xi32, #tpu.memory_space<hbm>> -> memref<1x1x2x80xi32, #tpu.memory_space<hbm>>
    %dma_wait3A_42 = tpu.memref_squeeze %dma_wait3A_41 : memref<1x1x2x80xi32, #tpu.memory_space<hbm>> -> memref<2x80xi32, #tpu.memory_space<hbm>>
    %dma_wait3A_43 = arith.constant 0 : i32
    %dma_wait3A_44 = arith.constant 0 : i32
    %dma_wait3A_45 = tpu.memref_slice %arg4[%add3A, %dma_wait3A, %dma_wait3A_43, %dma_wait3A_44] : memref<32x80x2x80xi32, #tpu.memory_space<hbm>> -> memref<1x1x2x80xi32, #tpu.memory_space<hbm>>
    %dma_wait3A_46 = tpu.memref_squeeze %dma_wait3A_45 : memref<1x1x2x80xi32, #tpu.memory_space<hbm>> -> memref<2x80xi32, #tpu.memory_space<hbm>>
    tpu.wait_dma2 semaphore(%arg20 : memref<!tpu.dma_semaphore, #tpu.memory_space<semaphore_mem>>) src(%dma_wait3A_46 : memref<2x80xi32, #tpu.memory_space<hbm>>) dst(%arg10 : memref<2x80xi32, #tpu.memory_space<vmem>>)
    %dma_wait3A_47 = arith.constant 1 : i32
    %dma_wait3A_48 = arith.constant 0 : i32
    %dma_wait3A_49 = arith.constant 0 : i32
    %dma_wait3A_50 = tpu.memref_slice %arg4[%add3A, %dma_wait3A_47, %dma_wait3A_48, %dma_wait3A_49] : memref<32x80x2x80xi32, #tpu.memory_space<hbm>> -> memref<1x1x2x80xi32, #tpu.memory_space<hbm>>
    %dma_wait3A_51 = tpu.memref_squeeze %dma_wait3A_50 : memref<1x1x2x80xi32, #tpu.memory_space<hbm>> -> memref<2x80xi32, #tpu.memory_space<hbm>>
    %dma_wait3A_52 = arith.constant 0 : i32
    %dma_wait3A_53 = arith.constant 0 : i32
    %dma_wait3A_54 = tpu.memref_slice %arg4[%add3A, %dma_wait3A_47, %dma_wait3A_52, %dma_wait3A_53] : memref<32x80x2x80xi32, #tpu.memory_space<hbm>> -> memref<1x1x2x80xi32, #tpu.memory_space<hbm>>
    %dma_wait3A_55 = tpu.memref_squeeze %dma_wait3A_54 : memref<1x1x2x80xi32, #tpu.memory_space<hbm>> -> memref<2x80xi32, #tpu.memory_space<hbm>>
    tpu.wait_dma2 semaphore(%arg21 : memref<!tpu.dma_semaphore, #tpu.memory_space<semaphore_mem>>) src(%dma_wait3A_55 : memref<2x80xi32, #tpu.memory_space<hbm>>) dst(%arg11 : memref<2x80xi32, #tpu.memory_space<vmem>>)
    %barrier3A = arith.constant 0 : index
    tpu.barrier barrier_id(%barrier3A)
    %dma_start3A_56 = arith.constant 0 : i32
    %dma_start3A_57 = arith.constant 0 : i32
    %dma_start3A_58 = tpu.memref_slice %arg10[%dma_start3A_56, %dma_start3A_57] : memref<2x80xi32, #tpu.memory_space<vmem>> -> memref<1x80xi32, #tpu.memory_space<vmem>>
    %dma_start3A_59 = tpu.memref_squeeze %dma_start3A_58 : memref<1x80xi32, #tpu.memory_space<vmem>> -> memref<80xi32, #tpu.memory_space<vmem>>
    %dma_start3A_60 = arith.constant 0 : i32
    %dma_start3A_61 = arith.constant 0 : i32
    %dma_start3A_62 = tpu.memref_slice %arg2[%dma_start3A_60, %dma_start3A_61] : memref<50000x64xf32, #tpu.memory_space<hbm>> -> memref<50000x64xf32, #tpu.memory_space<hbm>>
    tpu.enqueue_indirect_dma source(%dma_start3A_62 : memref<50000x64xf32, #tpu.memory_space<hbm>>) target(%arg14 : memref<80x64xf32, #tpu.memory_space<vmem>>) offsets(%dma_start3A_59 : memref<80xi32, #tpu.memory_space<vmem>>) semaphore(%arg16 : memref<!tpu.dma_semaphore, #tpu.memory_space<semaphore_mem>>)
    %dma_start3A_63 = arith.constant 0 : i32
    %dma_start3A_64 = arith.constant 0 : i32
    %dma_start3A_65 = tpu.memref_slice %arg11[%dma_start3A_63, %dma_start3A_64] : memref<2x80xi32, #tpu.memory_space<vmem>> -> memref<1x80xi32, #tpu.memory_space<vmem>>
    %dma_start3A_66 = tpu.memref_squeeze %dma_start3A_65 : memref<1x80xi32, #tpu.memory_space<vmem>> -> memref<80xi32, #tpu.memory_space<vmem>>
    %dma_start3A_67 = arith.constant 0 : i32
    %dma_start3A_68 = arith.constant 0 : i32
    %dma_start3A_69 = tpu.memref_slice %arg2[%dma_start3A_67, %dma_start3A_68] : memref<50000x64xf32, #tpu.memory_space<hbm>> -> memref<50000x64xf32, #tpu.memory_space<hbm>>
    tpu.enqueue_indirect_dma source(%dma_start3A_69 : memref<50000x64xf32, #tpu.memory_space<hbm>>) target(%arg15 : memref<80x64xf32, #tpu.memory_space<vmem>>) offsets(%dma_start3A_66 : memref<80xi32, #tpu.memory_space<vmem>>) semaphore(%arg17 : memref<!tpu.dma_semaphore, #tpu.memory_space<semaphore_mem>>)
    %scan3A = arith.constant 0 : i32
    %scan3A_70 = arith.constant 0 : i32
    %scan3A_71 = arith.constant 20 : i32
    %scan3A_72 = arith.addi %scan3A_70, %scan3A_71 : i32
    %scan3A_73 = arith.constant 1 : i32
    scf.for %scan3A_257 = %scan3A_70 to %scan3A_72 step %scan3A_73  : i32 {
      %mul3A_258 = arith.constant 4 : i32
      %mul3A_259 = arith.muli %mul3A_258, %scan3A_257 : i32
      %dma_wait3A_260 = arith.constant 0 : i32
      %dma_wait3A_261 = arith.constant 0 : i32
      %dma_wait3A_262 = tpu.memref_slice %arg10[%dma_wait3A_260, %dma_wait3A_261] : memref<2x80xi32, #tpu.memory_space<vmem>> -> memref<1x80xi32, #tpu.memory_space<vmem>>
      %dma_wait3A_263 = tpu.memref_squeeze %dma_wait3A_262 : memref<1x80xi32, #tpu.memory_space<vmem>> -> memref<80xi32, #tpu.memory_space<vmem>>
      %dma_wait3A_264 = arith.constant 0 : i32
      %dma_wait3A_265 = arith.constant 0 : i32
      %dma_wait3A_266 = tpu.memref_slice %arg2[%dma_wait3A_264, %dma_wait3A_265] : memref<50000x64xf32, #tpu.memory_space<hbm>> -> memref<50000x64xf32, #tpu.memory_space<hbm>>
      tpu.wait_indirect_dma semaphore(%arg16 : memref<!tpu.dma_semaphore, #tpu.memory_space<semaphore_mem>>) src(%dma_wait3A_266 : memref<50000x64xf32, #tpu.memory_space<hbm>>) dst(%arg14 : memref<80x64xf32, #tpu.memory_space<vmem>>)
      %dma_start3A_267 = arith.constant 1 : i32
      %dma_start3A_268 = arith.constant 0 : i32
      %dma_start3A_269 = tpu.memref_slice %arg10[%dma_start3A_267, %dma_start3A_268] : memref<2x80xi32, #tpu.memory_space<vmem>> -> memref<1x80xi32, #tpu.memory_space<vmem>>
      %dma_start3A_270 = tpu.memref_squeeze %dma_start3A_269 : memref<1x80xi32, #tpu.memory_space<vmem>> -> memref<80xi32, #tpu.memory_space<vmem>>
      %dma_start3A_271 = arith.constant 0 : i32
      %dma_start3A_272 = arith.constant 0 : i32
      %dma_start3A_273 = tpu.memref_slice %arg9[%dma_start3A_271, %dma_start3A_272] : memref<30016x64xf32, #tpu.memory_space<vmem_shared>> -> memref<30016x64xf32, #tpu.memory_space<vmem_shared>>
      tpu.enqueue_indirect_dma source(%arg14 : memref<80x64xf32, #tpu.memory_space<vmem>>) target(%dma_start3A_273 : memref<30016x64xf32, #tpu.memory_space<vmem_shared>>) offsets(%dma_start3A_270 : memref<80xi32, #tpu.memory_space<vmem>>) semaphore(%arg18 : memref<!tpu.dma_semaphore, #tpu.memory_space<semaphore_mem>>) {add = true}
      %dma_wait3A_274 = arith.constant 0 : i32
      %dma_wait3A_275 = arith.constant 0 : i32
      %dma_wait3A_276 = tpu.memref_slice %arg11[%dma_wait3A_274, %dma_wait3A_275] : memref<2x80xi32, #tpu.memory_space<vmem>> -> memref<1x80xi32, #tpu.memory_space<vmem>>
      %dma_wait3A_277 = tpu.memref_squeeze %dma_wait3A_276 : memref<1x80xi32, #tpu.memory_space<vmem>> -> memref<80xi32, #tpu.memory_space<vmem>>
      %dma_wait3A_278 = arith.constant 0 : i32
      %dma_wait3A_279 = arith.constant 0 : i32
      %dma_wait3A_280 = tpu.memref_slice %arg2[%dma_wait3A_278, %dma_wait3A_279] : memref<50000x64xf32, #tpu.memory_space<hbm>> -> memref<50000x64xf32, #tpu.memory_space<hbm>>
      tpu.wait_indirect_dma semaphore(%arg17 : memref<!tpu.dma_semaphore, #tpu.memory_space<semaphore_mem>>) src(%dma_wait3A_280 : memref<50000x64xf32, #tpu.memory_space<hbm>>) dst(%arg15 : memref<80x64xf32, #tpu.memory_space<vmem>>)
      %dma_start3A_281 = arith.constant 1 : i32
      %dma_start3A_282 = arith.constant 0 : i32
      %dma_start3A_283 = tpu.memref_slice %arg11[%dma_start3A_281, %dma_start3A_282] : memref<2x80xi32, #tpu.memory_space<vmem>> -> memref<1x80xi32, #tpu.memory_space<vmem>>
      %dma_start3A_284 = tpu.memref_squeeze %dma_start3A_283 : memref<1x80xi32, #tpu.memory_space<vmem>> -> memref<80xi32, #tpu.memory_space<vmem>>
      %dma_start3A_285 = arith.constant 0 : i32
      %dma_start3A_286 = arith.constant 0 : i32
      %dma_start3A_287 = tpu.memref_slice %arg9[%dma_start3A_285, %dma_start3A_286] : memref<30016x64xf32, #tpu.memory_space<vmem_shared>> -> memref<30016x64xf32, #tpu.memory_space<vmem_shared>>
      tpu.enqueue_indirect_dma source(%arg15 : memref<80x64xf32, #tpu.memory_space<vmem>>) target(%dma_start3A_287 : memref<30016x64xf32, #tpu.memory_space<vmem_shared>>) offsets(%dma_start3A_284 : memref<80xi32, #tpu.memory_space<vmem>>) semaphore(%arg19 : memref<!tpu.dma_semaphore, #tpu.memory_space<semaphore_mem>>) {add = true}
      %dma_wait3A_288 = arith.constant 1 : i32
      %dma_wait3A_289 = arith.constant 0 : i32
      %dma_wait3A_290 = tpu.memref_slice %arg10[%dma_wait3A_288, %dma_wait3A_289] : memref<2x80xi32, #tpu.memory_space<vmem>> -> memref<1x80xi32, #tpu.memory_space<vmem>>
      %dma_wait3A_291 = tpu.memref_squeeze %dma_wait3A_290 : memref<1x80xi32, #tpu.memory_space<vmem>> -> memref<80xi32, #tpu.memory_space<vmem>>
      %dma_wait3A_292 = arith.constant 0 : i32
      %dma_wait3A_293 = arith.constant 0 : i32
      %dma_wait3A_294 = tpu.memref_slice %arg9[%dma_wait3A_292, %dma_wait3A_293] : memref<30016x64xf32, #tpu.memory_space<vmem_shared>> -> memref<30016x64xf32, #tpu.memory_space<vmem_shared>>
      tpu.wait_indirect_dma semaphore(%arg18 : memref<!tpu.dma_semaphore, #tpu.memory_space<semaphore_mem>>) src(%arg14 : memref<80x64xf32, #tpu.memory_space<vmem>>) dst(%dma_wait3A_294 : memref<30016x64xf32, #tpu.memory_space<vmem_shared>>)
      %add3A_295 = arith.constant 4 : i32
      %add3A_296 = arith.addi %mul3A_259, %add3A_295 : i32
      %lt3A = arith.constant 80 : i32
      %lt3A_297 = arith.cmpi slt, %add3A_296, %lt3A : i32
      %convert_element_type3A = arith.extui %lt3A_297 : i1 to i32
      %cond3A = arith.constant 0 : i32
      %cond3A_298 = arith.cmpi ne, %convert_element_type3A, %cond3A : i32
      scf.if %cond3A_298 {
        %add3A_417 = arith.constant 4 : i32
        %add3A_418 = arith.addi %mul3A_259, %add3A_417 : i32
        %dma_start3A_419 = arith.constant 0 : i32
        %dma_start3A_420 = arith.constant 0 : i32
        %dma_start3A_421 = tpu.memref_slice %arg4[%add3A, %add3A_418, %dma_start3A_419, %dma_start3A_420] : memref<32x80x2x80xi32, #tpu.memory_space<hbm>> -> memref<1x1x2x80xi32, #tpu.memory_space<hbm>>
        %dma_start3A_422 = tpu.memref_squeeze %dma_start3A_421 : memref<1x1x2x80xi32, #tpu.memory_space<hbm>> -> memref<2x80xi32, #tpu.memory_space<hbm>>
        %dma_start3A_423 = arith.constant 0 : i32
        %dma_start3A_424 = arith.constant 0 : i32
        %dma_start3A_425 = tpu.memref_slice %arg4[%add3A, %add3A_418, %dma_start3A_423, %dma_start3A_424] : memref<32x80x2x80xi32, #tpu.memory_space<hbm>> -> memref<1x1x2x80xi32, #tpu.memory_space<hbm>>
        %dma_start3A_426 = tpu.memref_squeeze %dma_start3A_425 : memref<1x1x2x80xi32, #tpu.memory_space<hbm>> -> memref<2x80xi32, #tpu.memory_space<hbm>>
        tpu.enqueue_dma source(%dma_start3A_426 : memref<2x80xi32, #tpu.memory_space<hbm>>) target(%arg10 : memref<2x80xi32, #tpu.memory_space<vmem>>) target_semaphore(%arg20 : memref<!tpu.dma_semaphore, #tpu.memory_space<semaphore_mem>>)
      } else {
      }
      %add3A_299 = arith.constant 2 : i32
      %add3A_300 = arith.addi %mul3A_259, %add3A_299 : i32
      %dma_wait3A_301 = arith.constant 0 : i32
      %dma_wait3A_302 = arith.constant 0 : i32
      %dma_wait3A_303 = tpu.memref_slice %arg4[%add3A, %add3A_300, %dma_wait3A_301, %dma_wait3A_302] : memref<32x80x2x80xi32, #tpu.memory_space<hbm>> -> memref<1x1x2x80xi32, #tpu.memory_space<hbm>>
      %dma_wait3A_304 = tpu.memref_squeeze %dma_wait3A_303 : memref<1x1x2x80xi32, #tpu.memory_space<hbm>> -> memref<2x80xi32, #tpu.memory_space<hbm>>
      %dma_wait3A_305 = arith.constant 0 : i32
      %dma_wait3A_306 = arith.constant 0 : i32
      %dma_wait3A_307 = tpu.memref_slice %arg4[%add3A, %add3A_300, %dma_wait3A_305, %dma_wait3A_306] : memref<32x80x2x80xi32, #tpu.memory_space<hbm>> -> memref<1x1x2x80xi32, #tpu.memory_space<hbm>>
      %dma_wait3A_308 = tpu.memref_squeeze %dma_wait3A_307 : memref<1x1x2x80xi32, #tpu.memory_space<hbm>> -> memref<2x80xi32, #tpu.memory_space<hbm>>
      tpu.wait_dma2 semaphore(%arg22 : memref<!tpu.dma_semaphore, #tpu.memory_space<semaphore_mem>>) src(%dma_wait3A_308 : memref<2x80xi32, #tpu.memory_space<hbm>>) dst(%arg12 : memref<2x80xi32, #tpu.memory_space<vmem>>)
      %dma_start3A_309 = arith.constant 0 : i32
      %dma_start3A_310 = arith.constant 0 : i32
      %dma_start3A_311 = tpu.memref_slice %arg12[%dma_start3A_309, %dma_start3A_310] : memref<2x80xi32, #tpu.memory_space<vmem>> -> memref<1x80xi32, #tpu.memory_space<vmem>>
      %dma_start3A_312 = tpu.memref_squeeze %dma_start3A_311 : memref<1x80xi32, #tpu.memory_space<vmem>> -> memref<80xi32, #tpu.memory_space<vmem>>
      %dma_start3A_313 = arith.constant 0 : i32
      %dma_start3A_314 = arith.constant 0 : i32
      %dma_start3A_315 = tpu.memref_slice %arg2[%dma_start3A_313, %dma_start3A_314] : memref<50000x64xf32, #tpu.memory_space<hbm>> -> memref<50000x64xf32, #tpu.memory_space<hbm>>
      tpu.enqueue_indirect_dma source(%dma_start3A_315 : memref<50000x64xf32, #tpu.memory_space<hbm>>) target(%arg14 : memref<80x64xf32, #tpu.memory_space<vmem>>) offsets(%dma_start3A_312 : memref<80xi32, #tpu.memory_space<vmem>>) semaphore(%arg16 : memref<!tpu.dma_semaphore, #tpu.memory_space<semaphore_mem>>)
      %dma_wait3A_316 = arith.constant 1 : i32
      %dma_wait3A_317 = arith.constant 0 : i32
      %dma_wait3A_318 = tpu.memref_slice %arg11[%dma_wait3A_316, %dma_wait3A_317] : memref<2x80xi32, #tpu.memory_space<vmem>> -> memref<1x80xi32, #tpu.memory_space<vmem>>
      %dma_wait3A_319 = tpu.memref_squeeze %dma_wait3A_318 : memref<1x80xi32, #tpu.memory_space<vmem>> -> memref<80xi32, #tpu.memory_space<vmem>>
      %dma_wait3A_320 = arith.constant 0 : i32
      %dma_wait3A_321 = arith.constant 0 : i32
      %dma_wait3A_322 = tpu.memref_slice %arg9[%dma_wait3A_320, %dma_wait3A_321] : memref<30016x64xf32, #tpu.memory_space<vmem_shared>> -> memref<30016x64xf32, #tpu.memory_space<vmem_shared>>
      tpu.wait_indirect_dma semaphore(%arg19 : memref<!tpu.dma_semaphore, #tpu.memory_space<semaphore_mem>>) src(%arg15 : memref<80x64xf32, #tpu.memory_space<vmem>>) dst(%dma_wait3A_322 : memref<30016x64xf32, #tpu.memory_space<vmem_shared>>)
      %add3A_323 = arith.constant 5 : i32
      %add3A_324 = arith.addi %mul3A_259, %add3A_323 : i32
      %lt3A_325 = arith.constant 80 : i32
      %lt3A_326 = arith.cmpi slt, %add3A_324, %lt3A_325 : i32
      %convert_element_type3A_327 = arith.extui %lt3A_326 : i1 to i32
      %cond3A_328 = arith.constant 0 : i32
      %cond3A_329 = arith.cmpi ne, %convert_element_type3A_327, %cond3A_328 : i32
      scf.if %cond3A_329 {
        %add3A_417 = arith.constant 5 : i32
        %add3A_418 = arith.addi %mul3A_259, %add3A_417 : i32
        %dma_start3A_419 = arith.constant 0 : i32
        %dma_start3A_420 = arith.constant 0 : i32
        %dma_start3A_421 = tpu.memref_slice %arg4[%add3A, %add3A_418, %dma_start3A_419, %dma_start3A_420] : memref<32x80x2x80xi32, #tpu.memory_space<hbm>> -> memref<1x1x2x80xi32, #tpu.memory_space<hbm>>
        %dma_start3A_422 = tpu.memref_squeeze %dma_start3A_421 : memref<1x1x2x80xi32, #tpu.memory_space<hbm>> -> memref<2x80xi32, #tpu.memory_space<hbm>>
        %dma_start3A_423 = arith.constant 0 : i32
        %dma_start3A_424 = arith.constant 0 : i32
        %dma_start3A_425 = tpu.memref_slice %arg4[%add3A, %add3A_418, %dma_start3A_423, %dma_start3A_424] : memref<32x80x2x80xi32, #tpu.memory_space<hbm>> -> memref<1x1x2x80xi32, #tpu.memory_space<hbm>>
        %dma_start3A_426 = tpu.memref_squeeze %dma_start3A_425 : memref<1x1x2x80xi32, #tpu.memory_space<hbm>> -> memref<2x80xi32, #tpu.memory_space<hbm>>
        tpu.enqueue_dma source(%dma_start3A_426 : memref<2x80xi32, #tpu.memory_space<hbm>>) target(%arg11 : memref<2x80xi32, #tpu.memory_space<vmem>>) target_semaphore(%arg21 : memref<!tpu.dma_semaphore, #tpu.memory_space<semaphore_mem>>)
      } else {
      }
      %add3A_330 = arith.constant 3 : i32
      %add3A_331 = arith.addi %mul3A_259, %add3A_330 : i32
      %dma_wait3A_332 = arith.constant 0 : i32
      %dma_wait3A_333 = arith.constant 0 : i32
      %dma_wait3A_334 = tpu.memref_slice %arg4[%add3A, %add3A_331, %dma_wait3A_332, %dma_wait3A_333] : memref<32x80x2x80xi32, #tpu.memory_space<hbm>> -> memref<1x1x2x80xi32, #tpu.memory_space<hbm>>
      %dma_wait3A_335 = tpu.memref_squeeze %dma_wait3A_334 : memref<1x1x2x80xi32, #tpu.memory_space<hbm>> -> memref<2x80xi32, #tpu.memory_space<hbm>>
      %dma_wait3A_336 = arith.constant 0 : i32
      %dma_wait3A_337 = arith.constant 0 : i32
      %dma_wait3A_338 = tpu.memref_slice %arg4[%add3A, %add3A_331, %dma_wait3A_336, %dma_wait3A_337] : memref<32x80x2x80xi32, #tpu.memory_space<hbm>> -> memref<1x1x2x80xi32, #tpu.memory_space<hbm>>
      %dma_wait3A_339 = tpu.memref_squeeze %dma_wait3A_338 : memref<1x1x2x80xi32, #tpu.memory_space<hbm>> -> memref<2x80xi32, #tpu.memory_space<hbm>>
      tpu.wait_dma2 semaphore(%arg23 : memref<!tpu.dma_semaphore, #tpu.memory_space<semaphore_mem>>) src(%dma_wait3A_339 : memref<2x80xi32, #tpu.memory_space<hbm>>) dst(%arg13 : memref<2x80xi32, #tpu.memory_space<vmem>>)
      %dma_start3A_340 = arith.constant 0 : i32
      %dma_start3A_341 = arith.constant 0 : i32
      %dma_start3A_342 = tpu.memref_slice %arg13[%dma_start3A_340, %dma_start3A_341] : memref<2x80xi32, #tpu.memory_space<vmem>> -> memref<1x80xi32, #tpu.memory_space<vmem>>
      %dma_start3A_343 = tpu.memref_squeeze %dma_start3A_342 : memref<1x80xi32, #tpu.memory_space<vmem>> -> memref<80xi32, #tpu.memory_space<vmem>>
      %dma_start3A_344 = arith.constant 0 : i32
      %dma_start3A_345 = arith.constant 0 : i32
      %dma_start3A_346 = tpu.memref_slice %arg2[%dma_start3A_344, %dma_start3A_345] : memref<50000x64xf32, #tpu.memory_space<hbm>> -> memref<50000x64xf32, #tpu.memory_space<hbm>>
      tpu.enqueue_indirect_dma source(%dma_start3A_346 : memref<50000x64xf32, #tpu.memory_space<hbm>>) target(%arg15 : memref<80x64xf32, #tpu.memory_space<vmem>>) offsets(%dma_start3A_343 : memref<80xi32, #tpu.memory_space<vmem>>) semaphore(%arg17 : memref<!tpu.dma_semaphore, #tpu.memory_space<semaphore_mem>>)
      %dma_wait3A_347 = arith.constant 0 : i32
      %dma_wait3A_348 = arith.constant 0 : i32
      %dma_wait3A_349 = tpu.memref_slice %arg12[%dma_wait3A_347, %dma_wait3A_348] : memref<2x80xi32, #tpu.memory_space<vmem>> -> memref<1x80xi32, #tpu.memory_space<vmem>>
      %dma_wait3A_350 = tpu.memref_squeeze %dma_wait3A_349 : memref<1x80xi32, #tpu.memory_space<vmem>> -> memref<80xi32, #tpu.memory_space<vmem>>
      %dma_wait3A_351 = arith.constant 0 : i32
      %dma_wait3A_352 = arith.constant 0 : i32
      %dma_wait3A_353 = tpu.memref_slice %arg2[%dma_wait3A_351, %dma_wait3A_352] : memref<50000x64xf32, #tpu.memory_space<hbm>> -> memref<50000x64xf32, #tpu.memory_space<hbm>>
      tpu.wait_indirect_dma semaphore(%arg16 : memref<!tpu.dma_semaphore, #tpu.memory_space<semaphore_mem>>) src(%dma_wait3A_353 : memref<50000x64xf32, #tpu.memory_space<hbm>>) dst(%arg14 : memref<80x64xf32, #tpu.memory_space<vmem>>)
      %dma_start3A_354 = arith.constant 1 : i32
      %dma_start3A_355 = arith.constant 0 : i32
      %dma_start3A_356 = tpu.memref_slice %arg12[%dma_start3A_354, %dma_start3A_355] : memref<2x80xi32, #tpu.memory_space<vmem>> -> memref<1x80xi32, #tpu.memory_space<vmem>>
      %dma_start3A_357 = tpu.memref_squeeze %dma_start3A_356 : memref<1x80xi32, #tpu.memory_space<vmem>> -> memref<80xi32, #tpu.memory_space<vmem>>
      %dma_start3A_358 = arith.constant 0 : i32
      %dma_start3A_359 = arith.constant 0 : i32
      %dma_start3A_360 = tpu.memref_slice %arg9[%dma_start3A_358, %dma_start3A_359] : memref<30016x64xf32, #tpu.memory_space<vmem_shared>> -> memref<30016x64xf32, #tpu.memory_space<vmem_shared>>
      tpu.enqueue_indirect_dma source(%arg14 : memref<80x64xf32, #tpu.memory_space<vmem>>) target(%dma_start3A_360 : memref<30016x64xf32, #tpu.memory_space<vmem_shared>>) offsets(%dma_start3A_357 : memref<80xi32, #tpu.memory_space<vmem>>) semaphore(%arg18 : memref<!tpu.dma_semaphore, #tpu.memory_space<semaphore_mem>>) {add = true}
      %dma_wait3A_361 = arith.constant 0 : i32
      %dma_wait3A_362 = arith.constant 0 : i32
      %dma_wait3A_363 = tpu.memref_slice %arg13[%dma_wait3A_361, %dma_wait3A_362] : memref<2x80xi32, #tpu.memory_space<vmem>> -> memref<1x80xi32, #tpu.memory_space<vmem>>
      %dma_wait3A_364 = tpu.memref_squeeze %dma_wait3A_363 : memref<1x80xi32, #tpu.memory_space<vmem>> -> memref<80xi32, #tpu.memory_space<vmem>>
      %dma_wait3A_365 = arith.constant 0 : i32
      %dma_wait3A_366 = arith.constant 0 : i32
      %dma_wait3A_367 = tpu.memref_slice %arg2[%dma_wait3A_365, %dma_wait3A_366] : memref<50000x64xf32, #tpu.memory_space<hbm>> -> memref<50000x64xf32, #tpu.memory_space<hbm>>
      tpu.wait_indirect_dma semaphore(%arg17 : memref<!tpu.dma_semaphore, #tpu.memory_space<semaphore_mem>>) src(%dma_wait3A_367 : memref<50000x64xf32, #tpu.memory_space<hbm>>) dst(%arg15 : memref<80x64xf32, #tpu.memory_space<vmem>>)
      %dma_start3A_368 = arith.constant 1 : i32
      %dma_start3A_369 = arith.constant 0 : i32
      %dma_start3A_370 = tpu.memref_slice %arg13[%dma_start3A_368, %dma_start3A_369] : memref<2x80xi32, #tpu.memory_space<vmem>> -> memref<1x80xi32, #tpu.memory_space<vmem>>
      %dma_start3A_371 = tpu.memref_squeeze %dma_start3A_370 : memref<1x80xi32, #tpu.memory_space<vmem>> -> memref<80xi32, #tpu.memory_space<vmem>>
      %dma_start3A_372 = arith.constant 0 : i32
      %dma_start3A_373 = arith.constant 0 : i32
      %dma_start3A_374 = tpu.memref_slice %arg9[%dma_start3A_372, %dma_start3A_373] : memref<30016x64xf32, #tpu.memory_space<vmem_shared>> -> memref<30016x64xf32, #tpu.memory_space<vmem_shared>>
      tpu.enqueue_indirect_dma source(%arg15 : memref<80x64xf32, #tpu.memory_space<vmem>>) target(%dma_start3A_374 : memref<30016x64xf32, #tpu.memory_space<vmem_shared>>) offsets(%dma_start3A_371 : memref<80xi32, #tpu.memory_space<vmem>>) semaphore(%arg19 : memref<!tpu.dma_semaphore, #tpu.memory_space<semaphore_mem>>) {add = true}
      %dma_wait3A_375 = arith.constant 1 : i32
      %dma_wait3A_376 = arith.constant 0 : i32
      %dma_wait3A_377 = tpu.memref_slice %arg12[%dma_wait3A_375, %dma_wait3A_376] : memref<2x80xi32, #tpu.memory_space<vmem>> -> memref<1x80xi32, #tpu.memory_space<vmem>>
      %dma_wait3A_378 = tpu.memref_squeeze %dma_wait3A_377 : memref<1x80xi32, #tpu.memory_space<vmem>> -> memref<80xi32, #tpu.memory_space<vmem>>
      %dma_wait3A_379 = arith.constant 0 : i32
      %dma_wait3A_380 = arith.constant 0 : i32
      %dma_wait3A_381 = tpu.memref_slice %arg9[%dma_wait3A_379, %dma_wait3A_380] : memref<30016x64xf32, #tpu.memory_space<vmem_shared>> -> memref<30016x64xf32, #tpu.memory_space<vmem_shared>>
      tpu.wait_indirect_dma semaphore(%arg18 : memref<!tpu.dma_semaphore, #tpu.memory_space<semaphore_mem>>) src(%arg14 : memref<80x64xf32, #tpu.memory_space<vmem>>) dst(%dma_wait3A_381 : memref<30016x64xf32, #tpu.memory_space<vmem_shared>>)
      %add3A_382 = arith.constant 6 : i32
      %add3A_383 = arith.addi %mul3A_259, %add3A_382 : i32
      %lt3A_384 = arith.constant 80 : i32
      %lt3A_385 = arith.cmpi slt, %add3A_383, %lt3A_384 : i32
      %convert_element_type3A_386 = arith.extui %lt3A_385 : i1 to i32
      %cond3A_387 = arith.constant 0 : i32
      %cond3A_388 = arith.cmpi ne, %convert_element_type3A_386, %cond3A_387 : i32
      scf.if %cond3A_388 {
        %add3A_417 = arith.constant 6 : i32
        %add3A_418 = arith.addi %mul3A_259, %add3A_417 : i32
        %dma_start3A_419 = arith.constant 0 : i32
        %dma_start3A_420 = arith.constant 0 : i32
        %dma_start3A_421 = tpu.memref_slice %arg4[%add3A, %add3A_418, %dma_start3A_419, %dma_start3A_420] : memref<32x80x2x80xi32, #tpu.memory_space<hbm>> -> memref<1x1x2x80xi32, #tpu.memory_space<hbm>>
        %dma_start3A_422 = tpu.memref_squeeze %dma_start3A_421 : memref<1x1x2x80xi32, #tpu.memory_space<hbm>> -> memref<2x80xi32, #tpu.memory_space<hbm>>
        %dma_start3A_423 = arith.constant 0 : i32
        %dma_start3A_424 = arith.constant 0 : i32
        %dma_start3A_425 = tpu.memref_slice %arg4[%add3A, %add3A_418, %dma_start3A_423, %dma_start3A_424] : memref<32x80x2x80xi32, #tpu.memory_space<hbm>> -> memref<1x1x2x80xi32, #tpu.memory_space<hbm>>
        %dma_start3A_426 = tpu.memref_squeeze %dma_start3A_425 : memref<1x1x2x80xi32, #tpu.memory_space<hbm>> -> memref<2x80xi32, #tpu.memory_space<hbm>>
        tpu.enqueue_dma source(%dma_start3A_426 : memref<2x80xi32, #tpu.memory_space<hbm>>) target(%arg12 : memref<2x80xi32, #tpu.memory_space<vmem>>) target_semaphore(%arg22 : memref<!tpu.dma_semaphore, #tpu.memory_space<semaphore_mem>>)
      } else {
      }
      %add3A_389 = arith.constant 4 : i32
      %add3A_390 = arith.addi %mul3A_259, %add3A_389 : i32
      %lt3A_391 = arith.constant 80 : i32
      %lt3A_392 = arith.cmpi slt, %add3A_390, %lt3A_391 : i32
      %convert_element_type3A_393 = arith.extui %lt3A_392 : i1 to i32
      %cond3A_394 = arith.constant 0 : i32
      %cond3A_395 = arith.cmpi ne, %convert_element_type3A_393, %cond3A_394 : i32
      scf.if %cond3A_395 {
        %add3A_417 = arith.constant 4 : i32
        %add3A_418 = arith.addi %mul3A_259, %add3A_417 : i32
        %dma_wait3A_419 = arith.constant 0 : i32
        %dma_wait3A_420 = arith.constant 0 : i32
        %dma_wait3A_421 = tpu.memref_slice %arg4[%add3A, %add3A_418, %dma_wait3A_419, %dma_wait3A_420] : memref<32x80x2x80xi32, #tpu.memory_space<hbm>> -> memref<1x1x2x80xi32, #tpu.memory_space<hbm>>
        %dma_wait3A_422 = tpu.memref_squeeze %dma_wait3A_421 : memref<1x1x2x80xi32, #tpu.memory_space<hbm>> -> memref<2x80xi32, #tpu.memory_space<hbm>>
        %dma_wait3A_423 = arith.constant 0 : i32
        %dma_wait3A_424 = arith.constant 0 : i32
        %dma_wait3A_425 = tpu.memref_slice %arg4[%add3A, %add3A_418, %dma_wait3A_423, %dma_wait3A_424] : memref<32x80x2x80xi32, #tpu.memory_space<hbm>> -> memref<1x1x2x80xi32, #tpu.memory_space<hbm>>
        %dma_wait3A_426 = tpu.memref_squeeze %dma_wait3A_425 : memref<1x1x2x80xi32, #tpu.memory_space<hbm>> -> memref<2x80xi32, #tpu.memory_space<hbm>>
        tpu.wait_dma2 semaphore(%arg20 : memref<!tpu.dma_semaphore, #tpu.memory_space<semaphore_mem>>) src(%dma_wait3A_426 : memref<2x80xi32, #tpu.memory_space<hbm>>) dst(%arg10 : memref<2x80xi32, #tpu.memory_space<vmem>>)
        %dma_start3A_427 = arith.constant 0 : i32
        %dma_start3A_428 = arith.constant 0 : i32
        %dma_start3A_429 = tpu.memref_slice %arg10[%dma_start3A_427, %dma_start3A_428] : memref<2x80xi32, #tpu.memory_space<vmem>> -> memref<1x80xi32, #tpu.memory_space<vmem>>
        %dma_start3A_430 = tpu.memref_squeeze %dma_start3A_429 : memref<1x80xi32, #tpu.memory_space<vmem>> -> memref<80xi32, #tpu.memory_space<vmem>>
        %dma_start3A_431 = arith.constant 0 : i32
        %dma_start3A_432 = arith.constant 0 : i32
        %dma_start3A_433 = tpu.memref_slice %arg2[%dma_start3A_431, %dma_start3A_432] : memref<50000x64xf32, #tpu.memory_space<hbm>> -> memref<50000x64xf32, #tpu.memory_space<hbm>>
        tpu.enqueue_indirect_dma source(%dma_start3A_433 : memref<50000x64xf32, #tpu.memory_space<hbm>>) target(%arg14 : memref<80x64xf32, #tpu.memory_space<vmem>>) offsets(%dma_start3A_430 : memref<80xi32, #tpu.memory_space<vmem>>) semaphore(%arg16 : memref<!tpu.dma_semaphore, #tpu.memory_space<semaphore_mem>>)
      } else {
      }
      %dma_wait3A_396 = arith.constant 1 : i32
      %dma_wait3A_397 = arith.constant 0 : i32
      %dma_wait3A_398 = tpu.memref_slice %arg13[%dma_wait3A_396, %dma_wait3A_397] : memref<2x80xi32, #tpu.memory_space<vmem>> -> memref<1x80xi32, #tpu.memory_space<vmem>>
      %dma_wait3A_399 = tpu.memref_squeeze %dma_wait3A_398 : memref<1x80xi32, #tpu.memory_space<vmem>> -> memref<80xi32, #tpu.memory_space<vmem>>
      %dma_wait3A_400 = arith.constant 0 : i32
      %dma_wait3A_401 = arith.constant 0 : i32
      %dma_wait3A_402 = tpu.memref_slice %arg9[%dma_wait3A_400, %dma_wait3A_401] : memref<30016x64xf32, #tpu.memory_space<vmem_shared>> -> memref<30016x64xf32, #tpu.memory_space<vmem_shared>>
      tpu.wait_indirect_dma semaphore(%arg19 : memref<!tpu.dma_semaphore, #tpu.memory_space<semaphore_mem>>) src(%arg15 : memref<80x64xf32, #tpu.memory_space<vmem>>) dst(%dma_wait3A_402 : memref<30016x64xf32, #tpu.memory_space<vmem_shared>>)
      %add3A_403 = arith.constant 7 : i32
      %add3A_404 = arith.addi %mul3A_259, %add3A_403 : i32
      %lt3A_405 = arith.constant 80 : i32
      %lt3A_406 = arith.cmpi slt, %add3A_404, %lt3A_405 : i32
      %convert_element_type3A_407 = arith.extui %lt3A_406 : i1 to i32
      %cond3A_408 = arith.constant 0 : i32
      %cond3A_409 = arith.cmpi ne, %convert_element_type3A_407, %cond3A_408 : i32
      scf.if %cond3A_409 {
        %add3A_417 = arith.constant 7 : i32
        %add3A_418 = arith.addi %mul3A_259, %add3A_417 : i32
        %dma_start3A_419 = arith.constant 0 : i32
        %dma_start3A_420 = arith.constant 0 : i32
        %dma_start3A_421 = tpu.memref_slice %arg4[%add3A, %add3A_418, %dma_start3A_419, %dma_start3A_420] : memref<32x80x2x80xi32, #tpu.memory_space<hbm>> -> memref<1x1x2x80xi32, #tpu.memory_space<hbm>>
        %dma_start3A_422 = tpu.memref_squeeze %dma_start3A_421 : memref<1x1x2x80xi32, #tpu.memory_space<hbm>> -> memref<2x80xi32, #tpu.memory_space<hbm>>
        %dma_start3A_423 = arith.constant 0 : i32
        %dma_start3A_424 = arith.constant 0 : i32
        %dma_start3A_425 = tpu.memref_slice %arg4[%add3A, %add3A_418, %dma_start3A_423, %dma_start3A_424] : memref<32x80x2x80xi32, #tpu.memory_space<hbm>> -> memref<1x1x2x80xi32, #tpu.memory_space<hbm>>
        %dma_start3A_426 = tpu.memref_squeeze %dma_start3A_425 : memref<1x1x2x80xi32, #tpu.memory_space<hbm>> -> memref<2x80xi32, #tpu.memory_space<hbm>>
        tpu.enqueue_dma source(%dma_start3A_426 : memref<2x80xi32, #tpu.memory_space<hbm>>) target(%arg13 : memref<2x80xi32, #tpu.memory_space<vmem>>) target_semaphore(%arg23 : memref<!tpu.dma_semaphore, #tpu.memory_space<semaphore_mem>>)
      } else {
      }
      %add3A_410 = arith.constant 5 : i32
      %add3A_411 = arith.addi %mul3A_259, %add3A_410 : i32
      %lt3A_412 = arith.constant 80 : i32
      %lt3A_413 = arith.cmpi slt, %add3A_411, %lt3A_412 : i32
      %convert_element_type3A_414 = arith.extui %lt3A_413 : i1 to i32
      %cond3A_415 = arith.constant 0 : i32
      %cond3A_416 = arith.cmpi ne, %convert_element_type3A_414, %cond3A_415 : i32
      scf.if %cond3A_416 {
        %add3A_417 = arith.constant 5 : i32
        %add3A_418 = arith.addi %mul3A_259, %add3A_417 : i32
        %dma_wait3A_419 = arith.constant 0 : i32
        %dma_wait3A_420 = arith.constant 0 : i32
        %dma_wait3A_421 = tpu.memref_slice %arg4[%add3A, %add3A_418, %dma_wait3A_419, %dma_wait3A_420] : memref<32x80x2x80xi32, #tpu.memory_space<hbm>> -> memref<1x1x2x80xi32, #tpu.memory_space<hbm>>
        %dma_wait3A_422 = tpu.memref_squeeze %dma_wait3A_421 : memref<1x1x2x80xi32, #tpu.memory_space<hbm>> -> memref<2x80xi32, #tpu.memory_space<hbm>>
        %dma_wait3A_423 = arith.constant 0 : i32
        %dma_wait3A_424 = arith.constant 0 : i32
        %dma_wait3A_425 = tpu.memref_slice %arg4[%add3A, %add3A_418, %dma_wait3A_423, %dma_wait3A_424] : memref<32x80x2x80xi32, #tpu.memory_space<hbm>> -> memref<1x1x2x80xi32, #tpu.memory_space<hbm>>
        %dma_wait3A_426 = tpu.memref_squeeze %dma_wait3A_425 : memref<1x1x2x80xi32, #tpu.memory_space<hbm>> -> memref<2x80xi32, #tpu.memory_space<hbm>>
        tpu.wait_dma2 semaphore(%arg21 : memref<!tpu.dma_semaphore, #tpu.memory_space<semaphore_mem>>) src(%dma_wait3A_426 : memref<2x80xi32, #tpu.memory_space<hbm>>) dst(%arg11 : memref<2x80xi32, #tpu.memory_space<vmem>>)
        %dma_start3A_427 = arith.constant 0 : i32
        %dma_start3A_428 = arith.constant 0 : i32
        %dma_start3A_429 = tpu.memref_slice %arg11[%dma_start3A_427, %dma_start3A_428] : memref<2x80xi32, #tpu.memory_space<vmem>> -> memref<1x80xi32, #tpu.memory_space<vmem>>
        %dma_start3A_430 = tpu.memref_squeeze %dma_start3A_429 : memref<1x80xi32, #tpu.memory_space<vmem>> -> memref<80xi32, #tpu.memory_space<vmem>>
        %dma_start3A_431 = arith.constant 0 : i32
        %dma_start3A_432 = arith.constant 0 : i32
        %dma_start3A_433 = tpu.memref_slice %arg2[%dma_start3A_431, %dma_start3A_432] : memref<50000x64xf32, #tpu.memory_space<hbm>> -> memref<50000x64xf32, #tpu.memory_space<hbm>>
        tpu.enqueue_indirect_dma source(%dma_start3A_433 : memref<50000x64xf32, #tpu.memory_space<hbm>>) target(%arg15 : memref<80x64xf32, #tpu.memory_space<vmem>>) offsets(%dma_start3A_430 : memref<80xi32, #tpu.memory_space<vmem>>) semaphore(%arg17 : memref<!tpu.dma_semaphore, #tpu.memory_space<semaphore_mem>>)
      } else {
      }
    }
    %scan3A_74 = arith.constant 20 : i32
    %barrier3A_75 = arith.constant 0 : index
    tpu.barrier barrier_id(%barrier3A_75)
    %mul3A_76 = arith.constant 1880 : i32
    %mul3A_77 = arith.muli %arg1, %mul3A_76 : i32
    %min3A_78 = arith.constant 28120 : i32
    %min3A_79 = arith.minsi %mul3A_77, %min3A_78 : i32
    %add3A_80 = arith.constant 0 : i32
    %add3A_81 = arith.addi %add3A_80, %min3A_79 : i32
    "tpu.region"() ({
      %run_scoped3A = tpu.sem_alloc : memref<!tpu.dma_semaphore, #tpu.memory_space<semaphore_mem>>
      %dma_start3A_257 = arith.constant 0 : i32
      %dma_start3A_258 = tpu.memref_slice %arg7[%arg0, %add3A_81, %dma_start3A_257] : memref<2x50000x64xf32, #tpu.memory_space<hbm>> -> memref<1x1880x64xf32, #tpu.memory_space<hbm>>
      %dma_start3A_259 = tpu.memref_squeeze %dma_start3A_258 : memref<1x1880x64xf32, #tpu.memory_space<hbm>> -> memref<1880x64xf32, #tpu.memory_space<hbm>>
      %dma_start3A_260 = arith.constant 0 : i32
      %dma_start3A_261 = tpu.memref_slice %arg9[%min3A_79, %dma_start3A_260] : memref<30016x64xf32, #tpu.memory_space<vmem_shared>> -> memref<1880x64xf32, #tpu.memory_space<vmem_shared>>
      tpu.enqueue_dma source(%dma_start3A_261 : memref<1880x64xf32, #tpu.memory_space<vmem_shared>>) target(%dma_start3A_259 : memref<1880x64xf32, #tpu.memory_space<hbm>>) target_semaphore(%run_scoped3A : memref<!tpu.dma_semaphore, #tpu.memory_space<semaphore_mem>>)
      %dma_wait3A_262 = arith.constant 0 : i32
      %dma_wait3A_263 = tpu.memref_slice %arg7[%arg0, %add3A_81, %dma_wait3A_262] : memref<2x50000x64xf32, #tpu.memory_space<hbm>> -> memref<1x1880x64xf32, #tpu.memory_space<hbm>>
      %dma_wait3A_264 = tpu.memref_squeeze %dma_wait3A_263 : memref<1x1880x64xf32, #tpu.memory_space<hbm>> -> memref<1880x64xf32, #tpu.memory_space<hbm>>
      %dma_wait3A_265 = arith.constant 0 : i32
      %dma_wait3A_266 = tpu.memref_slice %arg9[%min3A_79, %dma_wait3A_265] : memref<30016x64xf32, #tpu.memory_space<vmem_shared>> -> memref<1880x64xf32, #tpu.memory_space<vmem_shared>>
      tpu.wait_dma2 semaphore(%run_scoped3A : memref<!tpu.dma_semaphore, #tpu.memory_space<semaphore_mem>>) src(%dma_wait3A_266 : memref<1880x64xf32, #tpu.memory_space<vmem_shared>>) dst(%dma_wait3A_264 : memref<1880x64xf32, #tpu.memory_space<hbm>>)
      tpu.yield
    }) : () -> ()
    %barrier3A_82 = arith.constant 0 : index
    tpu.barrier barrier_id(%barrier3A_82)
    %mul3A_83 = arith.constant 1256 : i32
    %mul3A_84 = arith.muli %arg1, %mul3A_83 : i32
    %min3A_85 = arith.constant 18744 : i32
    %min3A_86 = arith.minsi %mul3A_84, %min3A_85 : i32
    "tpu.region"() ({
      %run_scoped3A = tpu.sem_alloc : memref<!tpu.dma_semaphore, #tpu.memory_space<semaphore_mem>>
      %dma_start3A_257 = arith.constant 0 : i32
      %dma_start3A_258 = tpu.memref_slice %arg9[%min3A_86, %dma_start3A_257] : memref<30016x64xf32, #tpu.memory_space<vmem_shared>> -> memref<1256x64xf32, #tpu.memory_space<vmem_shared>>
      %dma_start3A_259 = arith.constant 0 : i32
      %dma_start3A_260 = arith.constant 0 : i32
      %dma_start3A_261 = tpu.memref_slice %arg3[%dma_start3A_259, %dma_start3A_260] : memref<1880x64xf32, #tpu.memory_space<hbm>> -> memref<1256x64xf32, #tpu.memory_space<hbm>>
      tpu.enqueue_dma source(%dma_start3A_261 : memref<1256x64xf32, #tpu.memory_space<hbm>>) target(%dma_start3A_258 : memref<1256x64xf32, #tpu.memory_space<vmem_shared>>) target_semaphore(%run_scoped3A : memref<!tpu.dma_semaphore, #tpu.memory_space<semaphore_mem>>)
      %dma_wait3A_262 = arith.constant 0 : i32
      %dma_wait3A_263 = tpu.memref_slice %arg9[%min3A_86, %dma_wait3A_262] : memref<30016x64xf32, #tpu.memory_space<vmem_shared>> -> memref<1256x64xf32, #tpu.memory_space<vmem_shared>>
      %dma_wait3A_264 = arith.constant 0 : i32
      %dma_wait3A_265 = arith.constant 0 : i32
      %dma_wait3A_266 = tpu.memref_slice %arg3[%dma_wait3A_264, %dma_wait3A_265] : memref<1880x64xf32, #tpu.memory_space<hbm>> -> memref<1256x64xf32, #tpu.memory_space<hbm>>
      tpu.wait_dma2 semaphore(%run_scoped3A : memref<!tpu.dma_semaphore, #tpu.memory_space<semaphore_mem>>) src(%dma_wait3A_266 : memref<1256x64xf32, #tpu.memory_space<hbm>>) dst(%dma_wait3A_263 : memref<1256x64xf32, #tpu.memory_space<vmem_shared>>)
      tpu.yield
    }) : () -> ()
    %dma_start3A_87 = arith.constant 0 : i32
    %dma_start3A_88 = arith.constant 0 : i32
    %dma_start3A_89 = arith.constant 0 : i32
    %dma_start3A_90 = tpu.memref_slice %arg5[%add3A, %dma_start3A_87, %dma_start3A_88, %dma_start3A_89] : memref<32x80x2x80xi32, #tpu.memory_space<hbm>> -> memref<1x1x2x80xi32, #tpu.memory_space<hbm>>
    %dma_start3A_91 = tpu.memref_squeeze %dma_start3A_90 : memref<1x1x2x80xi32, #tpu.memory_space<hbm>> -> memref<2x80xi32, #tpu.memory_space<hbm>>
    %dma_start3A_92 = arith.constant 0 : i32
    %dma_start3A_93 = arith.constant 0 : i32
    %dma_start3A_94 = tpu.memref_slice %arg5[%add3A, %dma_start3A_87, %dma_start3A_92, %dma_start3A_93] : memref<32x80x2x80xi32, #tpu.memory_space<hbm>> -> memref<1x1x2x80xi32, #tpu.memory_space<hbm>>
    %dma_start3A_95 = tpu.memref_squeeze %dma_start3A_94 : memref<1x1x2x80xi32, #tpu.memory_space<hbm>> -> memref<2x80xi32, #tpu.memory_space<hbm>>
    tpu.enqueue_dma source(%dma_start3A_95 : memref<2x80xi32, #tpu.memory_space<hbm>>) target(%arg10 : memref<2x80xi32, #tpu.memory_space<vmem>>) target_semaphore(%arg20 : memref<!tpu.dma_semaphore, #tpu.memory_space<semaphore_mem>>)
    %dma_start3A_96 = arith.constant 1 : i32
    %dma_start3A_97 = arith.constant 0 : i32
    %dma_start3A_98 = arith.constant 0 : i32
    %dma_start3A_99 = tpu.memref_slice %arg5[%add3A, %dma_start3A_96, %dma_start3A_97, %dma_start3A_98] : memref<32x80x2x80xi32, #tpu.memory_space<hbm>> -> memref<1x1x2x80xi32, #tpu.memory_space<hbm>>
    %dma_start3A_100 = tpu.memref_squeeze %dma_start3A_99 : memref<1x1x2x80xi32, #tpu.memory_space<hbm>> -> memref<2x80xi32, #tpu.memory_space<hbm>>
    %dma_start3A_101 = arith.constant 0 : i32
    %dma_start3A_102 = arith.constant 0 : i32
    %dma_start3A_103 = tpu.memref_slice %arg5[%add3A, %dma_start3A_96, %dma_start3A_101, %dma_start3A_102] : memref<32x80x2x80xi32, #tpu.memory_space<hbm>> -> memref<1x1x2x80xi32, #tpu.memory_space<hbm>>
    %dma_start3A_104 = tpu.memref_squeeze %dma_start3A_103 : memref<1x1x2x80xi32, #tpu.memory_space<hbm>> -> memref<2x80xi32, #tpu.memory_space<hbm>>
    tpu.enqueue_dma source(%dma_start3A_104 : memref<2x80xi32, #tpu.memory_space<hbm>>) target(%arg11 : memref<2x80xi32, #tpu.memory_space<vmem>>) target_semaphore(%arg21 : memref<!tpu.dma_semaphore, #tpu.memory_space<semaphore_mem>>)
    %dma_start3A_105 = arith.constant 2 : i32
    %dma_start3A_106 = arith.constant 0 : i32
    %dma_start3A_107 = arith.constant 0 : i32
    %dma_start3A_108 = tpu.memref_slice %arg5[%add3A, %dma_start3A_105, %dma_start3A_106, %dma_start3A_107] : memref<32x80x2x80xi32, #tpu.memory_space<hbm>> -> memref<1x1x2x80xi32, #tpu.memory_space<hbm>>
    %dma_start3A_109 = tpu.memref_squeeze %dma_start3A_108 : memref<1x1x2x80xi32, #tpu.memory_space<hbm>> -> memref<2x80xi32, #tpu.memory_space<hbm>>
    %dma_start3A_110 = arith.constant 0 : i32
    %dma_start3A_111 = arith.constant 0 : i32
    %dma_start3A_112 = tpu.memref_slice %arg5[%add3A, %dma_start3A_105, %dma_start3A_110, %dma_start3A_111] : memref<32x80x2x80xi32, #tpu.memory_space<hbm>> -> memref<1x1x2x80xi32, #tpu.memory_space<hbm>>
    %dma_start3A_113 = tpu.memref_squeeze %dma_start3A_112 : memref<1x1x2x80xi32, #tpu.memory_space<hbm>> -> memref<2x80xi32, #tpu.memory_space<hbm>>
    tpu.enqueue_dma source(%dma_start3A_113 : memref<2x80xi32, #tpu.memory_space<hbm>>) target(%arg12 : memref<2x80xi32, #tpu.memory_space<vmem>>) target_semaphore(%arg22 : memref<!tpu.dma_semaphore, #tpu.memory_space<semaphore_mem>>)
    %dma_start3A_114 = arith.constant 3 : i32
    %dma_start3A_115 = arith.constant 0 : i32
    %dma_start3A_116 = arith.constant 0 : i32
    %dma_start3A_117 = tpu.memref_slice %arg5[%add3A, %dma_start3A_114, %dma_start3A_115, %dma_start3A_116] : memref<32x80x2x80xi32, #tpu.memory_space<hbm>> -> memref<1x1x2x80xi32, #tpu.memory_space<hbm>>
    %dma_start3A_118 = tpu.memref_squeeze %dma_start3A_117 : memref<1x1x2x80xi32, #tpu.memory_space<hbm>> -> memref<2x80xi32, #tpu.memory_space<hbm>>
    %dma_start3A_119 = arith.constant 0 : i32
    %dma_start3A_120 = arith.constant 0 : i32
    %dma_start3A_121 = tpu.memref_slice %arg5[%add3A, %dma_start3A_114, %dma_start3A_119, %dma_start3A_120] : memref<32x80x2x80xi32, #tpu.memory_space<hbm>> -> memref<1x1x2x80xi32, #tpu.memory_space<hbm>>
    %dma_start3A_122 = tpu.memref_squeeze %dma_start3A_121 : memref<1x1x2x80xi32, #tpu.memory_space<hbm>> -> memref<2x80xi32, #tpu.memory_space<hbm>>
    tpu.enqueue_dma source(%dma_start3A_122 : memref<2x80xi32, #tpu.memory_space<hbm>>) target(%arg13 : memref<2x80xi32, #tpu.memory_space<vmem>>) target_semaphore(%arg23 : memref<!tpu.dma_semaphore, #tpu.memory_space<semaphore_mem>>)
    %dma_wait3A_123 = arith.constant 0 : i32
    %dma_wait3A_124 = arith.constant 0 : i32
    %dma_wait3A_125 = arith.constant 0 : i32
    %dma_wait3A_126 = tpu.memref_slice %arg5[%add3A, %dma_wait3A_123, %dma_wait3A_124, %dma_wait3A_125] : memref<32x80x2x80xi32, #tpu.memory_space<hbm>> -> memref<1x1x2x80xi32, #tpu.memory_space<hbm>>
    %dma_wait3A_127 = tpu.memref_squeeze %dma_wait3A_126 : memref<1x1x2x80xi32, #tpu.memory_space<hbm>> -> memref<2x80xi32, #tpu.memory_space<hbm>>
    %dma_wait3A_128 = arith.constant 0 : i32
    %dma_wait3A_129 = arith.constant 0 : i32
    %dma_wait3A_130 = tpu.memref_slice %arg5[%add3A, %dma_wait3A_123, %dma_wait3A_128, %dma_wait3A_129] : memref<32x80x2x80xi32, #tpu.memory_space<hbm>> -> memref<1x1x2x80xi32, #tpu.memory_space<hbm>>
    %dma_wait3A_131 = tpu.memref_squeeze %dma_wait3A_130 : memref<1x1x2x80xi32, #tpu.memory_space<hbm>> -> memref<2x80xi32, #tpu.memory_space<hbm>>
    tpu.wait_dma2 semaphore(%arg20 : memref<!tpu.dma_semaphore, #tpu.memory_space<semaphore_mem>>) src(%dma_wait3A_131 : memref<2x80xi32, #tpu.memory_space<hbm>>) dst(%arg10 : memref<2x80xi32, #tpu.memory_space<vmem>>)
    %dma_wait3A_132 = arith.constant 1 : i32
    %dma_wait3A_133 = arith.constant 0 : i32
    %dma_wait3A_134 = arith.constant 0 : i32
    %dma_wait3A_135 = tpu.memref_slice %arg5[%add3A, %dma_wait3A_132, %dma_wait3A_133, %dma_wait3A_134] : memref<32x80x2x80xi32, #tpu.memory_space<hbm>> -> memref<1x1x2x80xi32, #tpu.memory_space<hbm>>
    %dma_wait3A_136 = tpu.memref_squeeze %dma_wait3A_135 : memref<1x1x2x80xi32, #tpu.memory_space<hbm>> -> memref<2x80xi32, #tpu.memory_space<hbm>>
    %dma_wait3A_137 = arith.constant 0 : i32
    %dma_wait3A_138 = arith.constant 0 : i32
    %dma_wait3A_139 = tpu.memref_slice %arg5[%add3A, %dma_wait3A_132, %dma_wait3A_137, %dma_wait3A_138] : memref<32x80x2x80xi32, #tpu.memory_space<hbm>> -> memref<1x1x2x80xi32, #tpu.memory_space<hbm>>
    %dma_wait3A_140 = tpu.memref_squeeze %dma_wait3A_139 : memref<1x1x2x80xi32, #tpu.memory_space<hbm>> -> memref<2x80xi32, #tpu.memory_space<hbm>>
    tpu.wait_dma2 semaphore(%arg21 : memref<!tpu.dma_semaphore, #tpu.memory_space<semaphore_mem>>) src(%dma_wait3A_140 : memref<2x80xi32, #tpu.memory_space<hbm>>) dst(%arg11 : memref<2x80xi32, #tpu.memory_space<vmem>>)
    %barrier3A_141 = arith.constant 0 : index
    tpu.barrier barrier_id(%barrier3A_141)
    %dma_start3A_142 = arith.constant 0 : i32
    %dma_start3A_143 = arith.constant 0 : i32
    %dma_start3A_144 = tpu.memref_slice %arg10[%dma_start3A_142, %dma_start3A_143] : memref<2x80xi32, #tpu.memory_space<vmem>> -> memref<1x80xi32, #tpu.memory_space<vmem>>
    %dma_start3A_145 = tpu.memref_squeeze %dma_start3A_144 : memref<1x80xi32, #tpu.memory_space<vmem>> -> memref<80xi32, #tpu.memory_space<vmem>>
    %dma_start3A_146 = arith.constant 0 : i32
    %dma_start3A_147 = arith.constant 0 : i32
    %dma_start3A_148 = tpu.memref_slice %arg2[%dma_start3A_146, %dma_start3A_147] : memref<50000x64xf32, #tpu.memory_space<hbm>> -> memref<50000x64xf32, #tpu.memory_space<hbm>>
    tpu.enqueue_indirect_dma source(%dma_start3A_148 : memref<50000x64xf32, #tpu.memory_space<hbm>>) target(%arg14 : memref<80x64xf32, #tpu.memory_space<vmem>>) offsets(%dma_start3A_145 : memref<80xi32, #tpu.memory_space<vmem>>) semaphore(%arg16 : memref<!tpu.dma_semaphore, #tpu.memory_space<semaphore_mem>>)
    %dma_start3A_149 = arith.constant 0 : i32
    %dma_start3A_150 = arith.constant 0 : i32
    %dma_start3A_151 = tpu.memref_slice %arg11[%dma_start3A_149, %dma_start3A_150] : memref<2x80xi32, #tpu.memory_space<vmem>> -> memref<1x80xi32, #tpu.memory_space<vmem>>
    %dma_start3A_152 = tpu.memref_squeeze %dma_start3A_151 : memref<1x80xi32, #tpu.memory_space<vmem>> -> memref<80xi32, #tpu.memory_space<vmem>>
    %dma_start3A_153 = arith.constant 0 : i32
    %dma_start3A_154 = arith.constant 0 : i32
    %dma_start3A_155 = tpu.memref_slice %arg2[%dma_start3A_153, %dma_start3A_154] : memref<50000x64xf32, #tpu.memory_space<hbm>> -> memref<50000x64xf32, #tpu.memory_space<hbm>>
    tpu.enqueue_indirect_dma source(%dma_start3A_155 : memref<50000x64xf32, #tpu.memory_space<hbm>>) target(%arg15 : memref<80x64xf32, #tpu.memory_space<vmem>>) offsets(%dma_start3A_152 : memref<80xi32, #tpu.memory_space<vmem>>) semaphore(%arg17 : memref<!tpu.dma_semaphore, #tpu.memory_space<semaphore_mem>>)
    %scan3A_156 = arith.constant 0 : i32
    %scan3A_157 = arith.constant 0 : i32
    %scan3A_158 = arith.constant 20 : i32
    %scan3A_159 = arith.addi %scan3A_157, %scan3A_158 : i32
    %scan3A_160 = arith.constant 1 : i32
    scf.for %scan3A_257 = %scan3A_157 to %scan3A_159 step %scan3A_160  : i32 {
      %mul3A_258 = arith.constant 4 : i32
      %mul3A_259 = arith.muli %mul3A_258, %scan3A_257 : i32
      %dma_wait3A_260 = arith.constant 0 : i32
      %dma_wait3A_261 = arith.constant 0 : i32
      %dma_wait3A_262 = tpu.memref_slice %arg10[%dma_wait3A_260, %dma_wait3A_261] : memref<2x80xi32, #tpu.memory_space<vmem>> -> memref<1x80xi32, #tpu.memory_space<vmem>>
      %dma_wait3A_263 = tpu.memref_squeeze %dma_wait3A_262 : memref<1x80xi32, #tpu.memory_space<vmem>> -> memref<80xi32, #tpu.memory_space<vmem>>
      %dma_wait3A_264 = arith.constant 0 : i32
      %dma_wait3A_265 = arith.constant 0 : i32
      %dma_wait3A_266 = tpu.memref_slice %arg2[%dma_wait3A_264, %dma_wait3A_265] : memref<50000x64xf32, #tpu.memory_space<hbm>> -> memref<50000x64xf32, #tpu.memory_space<hbm>>
      tpu.wait_indirect_dma semaphore(%arg16 : memref<!tpu.dma_semaphore, #tpu.memory_space<semaphore_mem>>) src(%dma_wait3A_266 : memref<50000x64xf32, #tpu.memory_space<hbm>>) dst(%arg14 : memref<80x64xf32, #tpu.memory_space<vmem>>)
      %dma_start3A_267 = arith.constant 1 : i32
      %dma_start3A_268 = arith.constant 0 : i32
      %dma_start3A_269 = tpu.memref_slice %arg10[%dma_start3A_267, %dma_start3A_268] : memref<2x80xi32, #tpu.memory_space<vmem>> -> memref<1x80xi32, #tpu.memory_space<vmem>>
      %dma_start3A_270 = tpu.memref_squeeze %dma_start3A_269 : memref<1x80xi32, #tpu.memory_space<vmem>> -> memref<80xi32, #tpu.memory_space<vmem>>
      %dma_start3A_271 = arith.constant 0 : i32
      %dma_start3A_272 = arith.constant 0 : i32
      %dma_start3A_273 = tpu.memref_slice %arg9[%dma_start3A_271, %dma_start3A_272] : memref<30016x64xf32, #tpu.memory_space<vmem_shared>> -> memref<30016x64xf32, #tpu.memory_space<vmem_shared>>
      tpu.enqueue_indirect_dma source(%arg14 : memref<80x64xf32, #tpu.memory_space<vmem>>) target(%dma_start3A_273 : memref<30016x64xf32, #tpu.memory_space<vmem_shared>>) offsets(%dma_start3A_270 : memref<80xi32, #tpu.memory_space<vmem>>) semaphore(%arg18 : memref<!tpu.dma_semaphore, #tpu.memory_space<semaphore_mem>>) {add = true}
      %dma_wait3A_274 = arith.constant 0 : i32
      %dma_wait3A_275 = arith.constant 0 : i32
      %dma_wait3A_276 = tpu.memref_slice %arg11[%dma_wait3A_274, %dma_wait3A_275] : memref<2x80xi32, #tpu.memory_space<vmem>> -> memref<1x80xi32, #tpu.memory_space<vmem>>
      %dma_wait3A_277 = tpu.memref_squeeze %dma_wait3A_276 : memref<1x80xi32, #tpu.memory_space<vmem>> -> memref<80xi32, #tpu.memory_space<vmem>>
      %dma_wait3A_278 = arith.constant 0 : i32
      %dma_wait3A_279 = arith.constant 0 : i32
      %dma_wait3A_280 = tpu.memref_slice %arg2[%dma_wait3A_278, %dma_wait3A_279] : memref<50000x64xf32, #tpu.memory_space<hbm>> -> memref<50000x64xf32, #tpu.memory_space<hbm>>
      tpu.wait_indirect_dma semaphore(%arg17 : memref<!tpu.dma_semaphore, #tpu.memory_space<semaphore_mem>>) src(%dma_wait3A_280 : memref<50000x64xf32, #tpu.memory_space<hbm>>) dst(%arg15 : memref<80x64xf32, #tpu.memory_space<vmem>>)
      %dma_start3A_281 = arith.constant 1 : i32
      %dma_start3A_282 = arith.constant 0 : i32
      %dma_start3A_283 = tpu.memref_slice %arg11[%dma_start3A_281, %dma_start3A_282] : memref<2x80xi32, #tpu.memory_space<vmem>> -> memref<1x80xi32, #tpu.memory_space<vmem>>
      %dma_start3A_284 = tpu.memref_squeeze %dma_start3A_283 : memref<1x80xi32, #tpu.memory_space<vmem>> -> memref<80xi32, #tpu.memory_space<vmem>>
      %dma_start3A_285 = arith.constant 0 : i32
      %dma_start3A_286 = arith.constant 0 : i32
      %dma_start3A_287 = tpu.memref_slice %arg9[%dma_start3A_285, %dma_start3A_286] : memref<30016x64xf32, #tpu.memory_space<vmem_shared>> -> memref<30016x64xf32, #tpu.memory_space<vmem_shared>>
      tpu.enqueue_indirect_dma source(%arg15 : memref<80x64xf32, #tpu.memory_space<vmem>>) target(%dma_start3A_287 : memref<30016x64xf32, #tpu.memory_space<vmem_shared>>) offsets(%dma_start3A_284 : memref<80xi32, #tpu.memory_space<vmem>>) semaphore(%arg19 : memref<!tpu.dma_semaphore, #tpu.memory_space<semaphore_mem>>) {add = true}
      %dma_wait3A_288 = arith.constant 1 : i32
      %dma_wait3A_289 = arith.constant 0 : i32
      %dma_wait3A_290 = tpu.memref_slice %arg10[%dma_wait3A_288, %dma_wait3A_289] : memref<2x80xi32, #tpu.memory_space<vmem>> -> memref<1x80xi32, #tpu.memory_space<vmem>>
      %dma_wait3A_291 = tpu.memref_squeeze %dma_wait3A_290 : memref<1x80xi32, #tpu.memory_space<vmem>> -> memref<80xi32, #tpu.memory_space<vmem>>
      %dma_wait3A_292 = arith.constant 0 : i32
      %dma_wait3A_293 = arith.constant 0 : i32
      %dma_wait3A_294 = tpu.memref_slice %arg9[%dma_wait3A_292, %dma_wait3A_293] : memref<30016x64xf32, #tpu.memory_space<vmem_shared>> -> memref<30016x64xf32, #tpu.memory_space<vmem_shared>>
      tpu.wait_indirect_dma semaphore(%arg18 : memref<!tpu.dma_semaphore, #tpu.memory_space<semaphore_mem>>) src(%arg14 : memref<80x64xf32, #tpu.memory_space<vmem>>) dst(%dma_wait3A_294 : memref<30016x64xf32, #tpu.memory_space<vmem_shared>>)
      %add3A_295 = arith.constant 4 : i32
      %add3A_296 = arith.addi %mul3A_259, %add3A_295 : i32
      %lt3A = arith.constant 80 : i32
      %lt3A_297 = arith.cmpi slt, %add3A_296, %lt3A : i32
      %convert_element_type3A = arith.extui %lt3A_297 : i1 to i32
      %cond3A = arith.constant 0 : i32
      %cond3A_298 = arith.cmpi ne, %convert_element_type3A, %cond3A : i32
      scf.if %cond3A_298 {
        %add3A_417 = arith.constant 4 : i32
        %add3A_418 = arith.addi %mul3A_259, %add3A_417 : i32
        %dma_start3A_419 = arith.constant 0 : i32
        %dma_start3A_420 = arith.constant 0 : i32
        %dma_start3A_421 = tpu.memref_slice %arg5[%add3A, %add3A_418, %dma_start3A_419, %dma_start3A_420] : memref<32x80x2x80xi32, #tpu.memory_space<hbm>> -> memref<1x1x2x80xi32, #tpu.memory_space<hbm>>
        %dma_start3A_422 = tpu.memref_squeeze %dma_start3A_421 : memref<1x1x2x80xi32, #tpu.memory_space<hbm>> -> memref<2x80xi32, #tpu.memory_space<hbm>>
        %dma_start3A_423 = arith.constant 0 : i32
        %dma_start3A_424 = arith.constant 0 : i32
        %dma_start3A_425 = tpu.memref_slice %arg5[%add3A, %add3A_418, %dma_start3A_423, %dma_start3A_424] : memref<32x80x2x80xi32, #tpu.memory_space<hbm>> -> memref<1x1x2x80xi32, #tpu.memory_space<hbm>>
        %dma_start3A_426 = tpu.memref_squeeze %dma_start3A_425 : memref<1x1x2x80xi32, #tpu.memory_space<hbm>> -> memref<2x80xi32, #tpu.memory_space<hbm>>
        tpu.enqueue_dma source(%dma_start3A_426 : memref<2x80xi32, #tpu.memory_space<hbm>>) target(%arg10 : memref<2x80xi32, #tpu.memory_space<vmem>>) target_semaphore(%arg20 : memref<!tpu.dma_semaphore, #tpu.memory_space<semaphore_mem>>)
      } else {
      }
      %add3A_299 = arith.constant 2 : i32
      %add3A_300 = arith.addi %mul3A_259, %add3A_299 : i32
      %dma_wait3A_301 = arith.constant 0 : i32
      %dma_wait3A_302 = arith.constant 0 : i32
      %dma_wait3A_303 = tpu.memref_slice %arg5[%add3A, %add3A_300, %dma_wait3A_301, %dma_wait3A_302] : memref<32x80x2x80xi32, #tpu.memory_space<hbm>> -> memref<1x1x2x80xi32, #tpu.memory_space<hbm>>
      %dma_wait3A_304 = tpu.memref_squeeze %dma_wait3A_303 : memref<1x1x2x80xi32, #tpu.memory_space<hbm>> -> memref<2x80xi32, #tpu.memory_space<hbm>>
      %dma_wait3A_305 = arith.constant 0 : i32
      %dma_wait3A_306 = arith.constant 0 : i32
      %dma_wait3A_307 = tpu.memref_slice %arg5[%add3A, %add3A_300, %dma_wait3A_305, %dma_wait3A_306] : memref<32x80x2x80xi32, #tpu.memory_space<hbm>> -> memref<1x1x2x80xi32, #tpu.memory_space<hbm>>
      %dma_wait3A_308 = tpu.memref_squeeze %dma_wait3A_307 : memref<1x1x2x80xi32, #tpu.memory_space<hbm>> -> memref<2x80xi32, #tpu.memory_space<hbm>>
      tpu.wait_dma2 semaphore(%arg22 : memref<!tpu.dma_semaphore, #tpu.memory_space<semaphore_mem>>) src(%dma_wait3A_308 : memref<2x80xi32, #tpu.memory_space<hbm>>) dst(%arg12 : memref<2x80xi32, #tpu.memory_space<vmem>>)
      %dma_start3A_309 = arith.constant 0 : i32
      %dma_start3A_310 = arith.constant 0 : i32
      %dma_start3A_311 = tpu.memref_slice %arg12[%dma_start3A_309, %dma_start3A_310] : memref<2x80xi32, #tpu.memory_space<vmem>> -> memref<1x80xi32, #tpu.memory_space<vmem>>
      %dma_start3A_312 = tpu.memref_squeeze %dma_start3A_311 : memref<1x80xi32, #tpu.memory_space<vmem>> -> memref<80xi32, #tpu.memory_space<vmem>>
      %dma_start3A_313 = arith.constant 0 : i32
      %dma_start3A_314 = arith.constant 0 : i32
      %dma_start3A_315 = tpu.memref_slice %arg2[%dma_start3A_313, %dma_start3A_314] : memref<50000x64xf32, #tpu.memory_space<hbm>> -> memref<50000x64xf32, #tpu.memory_space<hbm>>
      tpu.enqueue_indirect_dma source(%dma_start3A_315 : memref<50000x64xf32, #tpu.memory_space<hbm>>) target(%arg14 : memref<80x64xf32, #tpu.memory_space<vmem>>) offsets(%dma_start3A_312 : memref<80xi32, #tpu.memory_space<vmem>>) semaphore(%arg16 : memref<!tpu.dma_semaphore, #tpu.memory_space<semaphore_mem>>)
      %dma_wait3A_316 = arith.constant 1 : i32
      %dma_wait3A_317 = arith.constant 0 : i32
      %dma_wait3A_318 = tpu.memref_slice %arg11[%dma_wait3A_316, %dma_wait3A_317] : memref<2x80xi32, #tpu.memory_space<vmem>> -> memref<1x80xi32, #tpu.memory_space<vmem>>
      %dma_wait3A_319 = tpu.memref_squeeze %dma_wait3A_318 : memref<1x80xi32, #tpu.memory_space<vmem>> -> memref<80xi32, #tpu.memory_space<vmem>>
      %dma_wait3A_320 = arith.constant 0 : i32
      %dma_wait3A_321 = arith.constant 0 : i32
      %dma_wait3A_322 = tpu.memref_slice %arg9[%dma_wait3A_320, %dma_wait3A_321] : memref<30016x64xf32, #tpu.memory_space<vmem_shared>> -> memref<30016x64xf32, #tpu.memory_space<vmem_shared>>
      tpu.wait_indirect_dma semaphore(%arg19 : memref<!tpu.dma_semaphore, #tpu.memory_space<semaphore_mem>>) src(%arg15 : memref<80x64xf32, #tpu.memory_space<vmem>>) dst(%dma_wait3A_322 : memref<30016x64xf32, #tpu.memory_space<vmem_shared>>)
      %add3A_323 = arith.constant 5 : i32
      %add3A_324 = arith.addi %mul3A_259, %add3A_323 : i32
      %lt3A_325 = arith.constant 80 : i32
      %lt3A_326 = arith.cmpi slt, %add3A_324, %lt3A_325 : i32
      %convert_element_type3A_327 = arith.extui %lt3A_326 : i1 to i32
      %cond3A_328 = arith.constant 0 : i32
      %cond3A_329 = arith.cmpi ne, %convert_element_type3A_327, %cond3A_328 : i32
      scf.if %cond3A_329 {
        %add3A_417 = arith.constant 5 : i32
        %add3A_418 = arith.addi %mul3A_259, %add3A_417 : i32
        %dma_start3A_419 = arith.constant 0 : i32
        %dma_start3A_420 = arith.constant 0 : i32
        %dma_start3A_421 = tpu.memref_slice %arg5[%add3A, %add3A_418, %dma_start3A_419, %dma_start3A_420] : memref<32x80x2x80xi32, #tpu.memory_space<hbm>> -> memref<1x1x2x80xi32, #tpu.memory_space<hbm>>
        %dma_start3A_422 = tpu.memref_squeeze %dma_start3A_421 : memref<1x1x2x80xi32, #tpu.memory_space<hbm>> -> memref<2x80xi32, #tpu.memory_space<hbm>>
        %dma_start3A_423 = arith.constant 0 : i32
        %dma_start3A_424 = arith.constant 0 : i32
        %dma_start3A_425 = tpu.memref_slice %arg5[%add3A, %add3A_418, %dma_start3A_423, %dma_start3A_424] : memref<32x80x2x80xi32, #tpu.memory_space<hbm>> -> memref<1x1x2x80xi32, #tpu.memory_space<hbm>>
        %dma_start3A_426 = tpu.memref_squeeze %dma_start3A_425 : memref<1x1x2x80xi32, #tpu.memory_space<hbm>> -> memref<2x80xi32, #tpu.memory_space<hbm>>
        tpu.enqueue_dma source(%dma_start3A_426 : memref<2x80xi32, #tpu.memory_space<hbm>>) target(%arg11 : memref<2x80xi32, #tpu.memory_space<vmem>>) target_semaphore(%arg21 : memref<!tpu.dma_semaphore, #tpu.memory_space<semaphore_mem>>)
      } else {
      }
      %add3A_330 = arith.constant 3 : i32
      %add3A_331 = arith.addi %mul3A_259, %add3A_330 : i32
      %dma_wait3A_332 = arith.constant 0 : i32
      %dma_wait3A_333 = arith.constant 0 : i32
      %dma_wait3A_334 = tpu.memref_slice %arg5[%add3A, %add3A_331, %dma_wait3A_332, %dma_wait3A_333] : memref<32x80x2x80xi32, #tpu.memory_space<hbm>> -> memref<1x1x2x80xi32, #tpu.memory_space<hbm>>
      %dma_wait3A_335 = tpu.memref_squeeze %dma_wait3A_334 : memref<1x1x2x80xi32, #tpu.memory_space<hbm>> -> memref<2x80xi32, #tpu.memory_space<hbm>>
      %dma_wait3A_336 = arith.constant 0 : i32
      %dma_wait3A_337 = arith.constant 0 : i32
      %dma_wait3A_338 = tpu.memref_slice %arg5[%add3A, %add3A_331, %dma_wait3A_336, %dma_wait3A_337] : memref<32x80x2x80xi32, #tpu.memory_space<hbm>> -> memref<1x1x2x80xi32, #tpu.memory_space<hbm>>
      %dma_wait3A_339 = tpu.memref_squeeze %dma_wait3A_338 : memref<1x1x2x80xi32, #tpu.memory_space<hbm>> -> memref<2x80xi32, #tpu.memory_space<hbm>>
      tpu.wait_dma2 semaphore(%arg23 : memref<!tpu.dma_semaphore, #tpu.memory_space<semaphore_mem>>) src(%dma_wait3A_339 : memref<2x80xi32, #tpu.memory_space<hbm>>) dst(%arg13 : memref<2x80xi32, #tpu.memory_space<vmem>>)
      %dma_start3A_340 = arith.constant 0 : i32
      %dma_start3A_341 = arith.constant 0 : i32
      %dma_start3A_342 = tpu.memref_slice %arg13[%dma_start3A_340, %dma_start3A_341] : memref<2x80xi32, #tpu.memory_space<vmem>> -> memref<1x80xi32, #tpu.memory_space<vmem>>
      %dma_start3A_343 = tpu.memref_squeeze %dma_start3A_342 : memref<1x80xi32, #tpu.memory_space<vmem>> -> memref<80xi32, #tpu.memory_space<vmem>>
      %dma_start3A_344 = arith.constant 0 : i32
      %dma_start3A_345 = arith.constant 0 : i32
      %dma_start3A_346 = tpu.memref_slice %arg2[%dma_start3A_344, %dma_start3A_345] : memref<50000x64xf32, #tpu.memory_space<hbm>> -> memref<50000x64xf32, #tpu.memory_space<hbm>>
      tpu.enqueue_indirect_dma source(%dma_start3A_346 : memref<50000x64xf32, #tpu.memory_space<hbm>>) target(%arg15 : memref<80x64xf32, #tpu.memory_space<vmem>>) offsets(%dma_start3A_343 : memref<80xi32, #tpu.memory_space<vmem>>) semaphore(%arg17 : memref<!tpu.dma_semaphore, #tpu.memory_space<semaphore_mem>>)
      %dma_wait3A_347 = arith.constant 0 : i32
      %dma_wait3A_348 = arith.constant 0 : i32
      %dma_wait3A_349 = tpu.memref_slice %arg12[%dma_wait3A_347, %dma_wait3A_348] : memref<2x80xi32, #tpu.memory_space<vmem>> -> memref<1x80xi32, #tpu.memory_space<vmem>>
      %dma_wait3A_350 = tpu.memref_squeeze %dma_wait3A_349 : memref<1x80xi32, #tpu.memory_space<vmem>> -> memref<80xi32, #tpu.memory_space<vmem>>
      %dma_wait3A_351 = arith.constant 0 : i32
      %dma_wait3A_352 = arith.constant 0 : i32
      %dma_wait3A_353 = tpu.memref_slice %arg2[%dma_wait3A_351, %dma_wait3A_352] : memref<50000x64xf32, #tpu.memory_space<hbm>> -> memref<50000x64xf32, #tpu.memory_space<hbm>>
      tpu.wait_indirect_dma semaphore(%arg16 : memref<!tpu.dma_semaphore, #tpu.memory_space<semaphore_mem>>) src(%dma_wait3A_353 : memref<50000x64xf32, #tpu.memory_space<hbm>>) dst(%arg14 : memref<80x64xf32, #tpu.memory_space<vmem>>)
      %dma_start3A_354 = arith.constant 1 : i32
      %dma_start3A_355 = arith.constant 0 : i32
      %dma_start3A_356 = tpu.memref_slice %arg12[%dma_start3A_354, %dma_start3A_355] : memref<2x80xi32, #tpu.memory_space<vmem>> -> memref<1x80xi32, #tpu.memory_space<vmem>>
      %dma_start3A_357 = tpu.memref_squeeze %dma_start3A_356 : memref<1x80xi32, #tpu.memory_space<vmem>> -> memref<80xi32, #tpu.memory_space<vmem>>
      %dma_start3A_358 = arith.constant 0 : i32
      %dma_start3A_359 = arith.constant 0 : i32
      %dma_start3A_360 = tpu.memref_slice %arg9[%dma_start3A_358, %dma_start3A_359] : memref<30016x64xf32, #tpu.memory_space<vmem_shared>> -> memref<30016x64xf32, #tpu.memory_space<vmem_shared>>
      tpu.enqueue_indirect_dma source(%arg14 : memref<80x64xf32, #tpu.memory_space<vmem>>) target(%dma_start3A_360 : memref<30016x64xf32, #tpu.memory_space<vmem_shared>>) offsets(%dma_start3A_357 : memref<80xi32, #tpu.memory_space<vmem>>) semaphore(%arg18 : memref<!tpu.dma_semaphore, #tpu.memory_space<semaphore_mem>>) {add = true}
      %dma_wait3A_361 = arith.constant 0 : i32
      %dma_wait3A_362 = arith.constant 0 : i32
      %dma_wait3A_363 = tpu.memref_slice %arg13[%dma_wait3A_361, %dma_wait3A_362] : memref<2x80xi32, #tpu.memory_space<vmem>> -> memref<1x80xi32, #tpu.memory_space<vmem>>
      %dma_wait3A_364 = tpu.memref_squeeze %dma_wait3A_363 : memref<1x80xi32, #tpu.memory_space<vmem>> -> memref<80xi32, #tpu.memory_space<vmem>>
      %dma_wait3A_365 = arith.constant 0 : i32
      %dma_wait3A_366 = arith.constant 0 : i32
      %dma_wait3A_367 = tpu.memref_slice %arg2[%dma_wait3A_365, %dma_wait3A_366] : memref<50000x64xf32, #tpu.memory_space<hbm>> -> memref<50000x64xf32, #tpu.memory_space<hbm>>
      tpu.wait_indirect_dma semaphore(%arg17 : memref<!tpu.dma_semaphore, #tpu.memory_space<semaphore_mem>>) src(%dma_wait3A_367 : memref<50000x64xf32, #tpu.memory_space<hbm>>) dst(%arg15 : memref<80x64xf32, #tpu.memory_space<vmem>>)
      %dma_start3A_368 = arith.constant 1 : i32
      %dma_start3A_369 = arith.constant 0 : i32
      %dma_start3A_370 = tpu.memref_slice %arg13[%dma_start3A_368, %dma_start3A_369] : memref<2x80xi32, #tpu.memory_space<vmem>> -> memref<1x80xi32, #tpu.memory_space<vmem>>
      %dma_start3A_371 = tpu.memref_squeeze %dma_start3A_370 : memref<1x80xi32, #tpu.memory_space<vmem>> -> memref<80xi32, #tpu.memory_space<vmem>>
      %dma_start3A_372 = arith.constant 0 : i32
      %dma_start3A_373 = arith.constant 0 : i32
      %dma_start3A_374 = tpu.memref_slice %arg9[%dma_start3A_372, %dma_start3A_373] : memref<30016x64xf32, #tpu.memory_space<vmem_shared>> -> memref<30016x64xf32, #tpu.memory_space<vmem_shared>>
      tpu.enqueue_indirect_dma source(%arg15 : memref<80x64xf32, #tpu.memory_space<vmem>>) target(%dma_start3A_374 : memref<30016x64xf32, #tpu.memory_space<vmem_shared>>) offsets(%dma_start3A_371 : memref<80xi32, #tpu.memory_space<vmem>>) semaphore(%arg19 : memref<!tpu.dma_semaphore, #tpu.memory_space<semaphore_mem>>) {add = true}
      %dma_wait3A_375 = arith.constant 1 : i32
      %dma_wait3A_376 = arith.constant 0 : i32
      %dma_wait3A_377 = tpu.memref_slice %arg12[%dma_wait3A_375, %dma_wait3A_376] : memref<2x80xi32, #tpu.memory_space<vmem>> -> memref<1x80xi32, #tpu.memory_space<vmem>>
      %dma_wait3A_378 = tpu.memref_squeeze %dma_wait3A_377 : memref<1x80xi32, #tpu.memory_space<vmem>> -> memref<80xi32, #tpu.memory_space<vmem>>
      %dma_wait3A_379 = arith.constant 0 : i32
      %dma_wait3A_380 = arith.constant 0 : i32
      %dma_wait3A_381 = tpu.memref_slice %arg9[%dma_wait3A_379, %dma_wait3A_380] : memref<30016x64xf32, #tpu.memory_space<vmem_shared>> -> memref<30016x64xf32, #tpu.memory_space<vmem_shared>>
      tpu.wait_indirect_dma semaphore(%arg18 : memref<!tpu.dma_semaphore, #tpu.memory_space<semaphore_mem>>) src(%arg14 : memref<80x64xf32, #tpu.memory_space<vmem>>) dst(%dma_wait3A_381 : memref<30016x64xf32, #tpu.memory_space<vmem_shared>>)
      %add3A_382 = arith.constant 6 : i32
      %add3A_383 = arith.addi %mul3A_259, %add3A_382 : i32
      %lt3A_384 = arith.constant 80 : i32
      %lt3A_385 = arith.cmpi slt, %add3A_383, %lt3A_384 : i32
      %convert_element_type3A_386 = arith.extui %lt3A_385 : i1 to i32
      %cond3A_387 = arith.constant 0 : i32
      %cond3A_388 = arith.cmpi ne, %convert_element_type3A_386, %cond3A_387 : i32
      scf.if %cond3A_388 {
        %add3A_417 = arith.constant 6 : i32
        %add3A_418 = arith.addi %mul3A_259, %add3A_417 : i32
        %dma_start3A_419 = arith.constant 0 : i32
        %dma_start3A_420 = arith.constant 0 : i32
        %dma_start3A_421 = tpu.memref_slice %arg5[%add3A, %add3A_418, %dma_start3A_419, %dma_start3A_420] : memref<32x80x2x80xi32, #tpu.memory_space<hbm>> -> memref<1x1x2x80xi32, #tpu.memory_space<hbm>>
        %dma_start3A_422 = tpu.memref_squeeze %dma_start3A_421 : memref<1x1x2x80xi32, #tpu.memory_space<hbm>> -> memref<2x80xi32, #tpu.memory_space<hbm>>
        %dma_start3A_423 = arith.constant 0 : i32
        %dma_start3A_424 = arith.constant 0 : i32
        %dma_start3A_425 = tpu.memref_slice %arg5[%add3A, %add3A_418, %dma_start3A_423, %dma_start3A_424] : memref<32x80x2x80xi32, #tpu.memory_space<hbm>> -> memref<1x1x2x80xi32, #tpu.memory_space<hbm>>
        %dma_start3A_426 = tpu.memref_squeeze %dma_start3A_425 : memref<1x1x2x80xi32, #tpu.memory_space<hbm>> -> memref<2x80xi32, #tpu.memory_space<hbm>>
        tpu.enqueue_dma source(%dma_start3A_426 : memref<2x80xi32, #tpu.memory_space<hbm>>) target(%arg12 : memref<2x80xi32, #tpu.memory_space<vmem>>) target_semaphore(%arg22 : memref<!tpu.dma_semaphore, #tpu.memory_space<semaphore_mem>>)
      } else {
      }
      %add3A_389 = arith.constant 4 : i32
      %add3A_390 = arith.addi %mul3A_259, %add3A_389 : i32
      %lt3A_391 = arith.constant 80 : i32
      %lt3A_392 = arith.cmpi slt, %add3A_390, %lt3A_391 : i32
      %convert_element_type3A_393 = arith.extui %lt3A_392 : i1 to i32
      %cond3A_394 = arith.constant 0 : i32
      %cond3A_395 = arith.cmpi ne, %convert_element_type3A_393, %cond3A_394 : i32
      scf.if %cond3A_395 {
        %add3A_417 = arith.constant 4 : i32
        %add3A_418 = arith.addi %mul3A_259, %add3A_417 : i32
        %dma_wait3A_419 = arith.constant 0 : i32
        %dma_wait3A_420 = arith.constant 0 : i32
        %dma_wait3A_421 = tpu.memref_slice %arg5[%add3A, %add3A_418, %dma_wait3A_419, %dma_wait3A_420] : memref<32x80x2x80xi32, #tpu.memory_space<hbm>> -> memref<1x1x2x80xi32, #tpu.memory_space<hbm>>
        %dma_wait3A_422 = tpu.memref_squeeze %dma_wait3A_421 : memref<1x1x2x80xi32, #tpu.memory_space<hbm>> -> memref<2x80xi32, #tpu.memory_space<hbm>>
        %dma_wait3A_423 = arith.constant 0 : i32
        %dma_wait3A_424 = arith.constant 0 : i32
        %dma_wait3A_425 = tpu.memref_slice %arg5[%add3A, %add3A_418, %dma_wait3A_423, %dma_wait3A_424] : memref<32x80x2x80xi32, #tpu.memory_space<hbm>> -> memref<1x1x2x80xi32, #tpu.memory_space<hbm>>
        %dma_wait3A_426 = tpu.memref_squeeze %dma_wait3A_425 : memref<1x1x2x80xi32, #tpu.memory_space<hbm>> -> memref<2x80xi32, #tpu.memory_space<hbm>>
        tpu.wait_dma2 semaphore(%arg20 : memref<!tpu.dma_semaphore, #tpu.memory_space<semaphore_mem>>) src(%dma_wait3A_426 : memref<2x80xi32, #tpu.memory_space<hbm>>) dst(%arg10 : memref<2x80xi32, #tpu.memory_space<vmem>>)
        %dma_start3A_427 = arith.constant 0 : i32
        %dma_start3A_428 = arith.constant 0 : i32
        %dma_start3A_429 = tpu.memref_slice %arg10[%dma_start3A_427, %dma_start3A_428] : memref<2x80xi32, #tpu.memory_space<vmem>> -> memref<1x80xi32, #tpu.memory_space<vmem>>
        %dma_start3A_430 = tpu.memref_squeeze %dma_start3A_429 : memref<1x80xi32, #tpu.memory_space<vmem>> -> memref<80xi32, #tpu.memory_space<vmem>>
        %dma_start3A_431 = arith.constant 0 : i32
        %dma_start3A_432 = arith.constant 0 : i32
        %dma_start3A_433 = tpu.memref_slice %arg2[%dma_start3A_431, %dma_start3A_432] : memref<50000x64xf32, #tpu.memory_space<hbm>> -> memref<50000x64xf32, #tpu.memory_space<hbm>>
        tpu.enqueue_indirect_dma source(%dma_start3A_433 : memref<50000x64xf32, #tpu.memory_space<hbm>>) target(%arg14 : memref<80x64xf32, #tpu.memory_space<vmem>>) offsets(%dma_start3A_430 : memref<80xi32, #tpu.memory_space<vmem>>) semaphore(%arg16 : memref<!tpu.dma_semaphore, #tpu.memory_space<semaphore_mem>>)
      } else {
      }
      %dma_wait3A_396 = arith.constant 1 : i32
      %dma_wait3A_397 = arith.constant 0 : i32
      %dma_wait3A_398 = tpu.memref_slice %arg13[%dma_wait3A_396, %dma_wait3A_397] : memref<2x80xi32, #tpu.memory_space<vmem>> -> memref<1x80xi32, #tpu.memory_space<vmem>>
      %dma_wait3A_399 = tpu.memref_squeeze %dma_wait3A_398 : memref<1x80xi32, #tpu.memory_space<vmem>> -> memref<80xi32, #tpu.memory_space<vmem>>
      %dma_wait3A_400 = arith.constant 0 : i32
      %dma_wait3A_401 = arith.constant 0 : i32
      %dma_wait3A_402 = tpu.memref_slice %arg9[%dma_wait3A_400, %dma_wait3A_401] : memref<30016x64xf32, #tpu.memory_space<vmem_shared>> -> memref<30016x64xf32, #tpu.memory_space<vmem_shared>>
      tpu.wait_indirect_dma semaphore(%arg19 : memref<!tpu.dma_semaphore, #tpu.memory_space<semaphore_mem>>) src(%arg15 : memref<80x64xf32, #tpu.memory_space<vmem>>) dst(%dma_wait3A_402 : memref<30016x64xf32, #tpu.memory_space<vmem_shared>>)
      %add3A_403 = arith.constant 7 : i32
      %add3A_404 = arith.addi %mul3A_259, %add3A_403 : i32
      %lt3A_405 = arith.constant 80 : i32
      %lt3A_406 = arith.cmpi slt, %add3A_404, %lt3A_405 : i32
      %convert_element_type3A_407 = arith.extui %lt3A_406 : i1 to i32
      %cond3A_408 = arith.constant 0 : i32
      %cond3A_409 = arith.cmpi ne, %convert_element_type3A_407, %cond3A_408 : i32
      scf.if %cond3A_409 {
        %add3A_417 = arith.constant 7 : i32
        %add3A_418 = arith.addi %mul3A_259, %add3A_417 : i32
        %dma_start3A_419 = arith.constant 0 : i32
        %dma_start3A_420 = arith.constant 0 : i32
        %dma_start3A_421 = tpu.memref_slice %arg5[%add3A, %add3A_418, %dma_start3A_419, %dma_start3A_420] : memref<32x80x2x80xi32, #tpu.memory_space<hbm>> -> memref<1x1x2x80xi32, #tpu.memory_space<hbm>>
        %dma_start3A_422 = tpu.memref_squeeze %dma_start3A_421 : memref<1x1x2x80xi32, #tpu.memory_space<hbm>> -> memref<2x80xi32, #tpu.memory_space<hbm>>
        %dma_start3A_423 = arith.constant 0 : i32
        %dma_start3A_424 = arith.constant 0 : i32
        %dma_start3A_425 = tpu.memref_slice %arg5[%add3A, %add3A_418, %dma_start3A_423, %dma_start3A_424] : memref<32x80x2x80xi32, #tpu.memory_space<hbm>> -> memref<1x1x2x80xi32, #tpu.memory_space<hbm>>
        %dma_start3A_426 = tpu.memref_squeeze %dma_start3A_425 : memref<1x1x2x80xi32, #tpu.memory_space<hbm>> -> memref<2x80xi32, #tpu.memory_space<hbm>>
        tpu.enqueue_dma source(%dma_start3A_426 : memref<2x80xi32, #tpu.memory_space<hbm>>) target(%arg13 : memref<2x80xi32, #tpu.memory_space<vmem>>) target_semaphore(%arg23 : memref<!tpu.dma_semaphore, #tpu.memory_space<semaphore_mem>>)
      } else {
      }
      %add3A_410 = arith.constant 5 : i32
      %add3A_411 = arith.addi %mul3A_259, %add3A_410 : i32
      %lt3A_412 = arith.constant 80 : i32
      %lt3A_413 = arith.cmpi slt, %add3A_411, %lt3A_412 : i32
      %convert_element_type3A_414 = arith.extui %lt3A_413 : i1 to i32
      %cond3A_415 = arith.constant 0 : i32
      %cond3A_416 = arith.cmpi ne, %convert_element_type3A_414, %cond3A_415 : i32
      scf.if %cond3A_416 {
        %add3A_417 = arith.constant 5 : i32
        %add3A_418 = arith.addi %mul3A_259, %add3A_417 : i32
        %dma_wait3A_419 = arith.constant 0 : i32
        %dma_wait3A_420 = arith.constant 0 : i32
        %dma_wait3A_421 = tpu.memref_slice %arg5[%add3A, %add3A_418, %dma_wait3A_419, %dma_wait3A_420] : memref<32x80x2x80xi32, #tpu.memory_space<hbm>> -> memref<1x1x2x80xi32, #tpu.memory_space<hbm>>
        %dma_wait3A_422 = tpu.memref_squeeze %dma_wait3A_421 : memref<1x1x2x80xi32, #tpu.memory_space<hbm>> -> memref<2x80xi32, #tpu.memory_space<hbm>>
        %dma_wait3A_423 = arith.constant 0 : i32
        %dma_wait3A_424 = arith.constant 0 : i32
        %dma_wait3A_425 = tpu.memref_slice %arg5[%add3A, %add3A_418, %dma_wait3A_423, %dma_wait3A_424] : memref<32x80x2x80xi32, #tpu.memory_space<hbm>> -> memref<1x1x2x80xi32, #tpu.memory_space<hbm>>
        %dma_wait3A_426 = tpu.memref_squeeze %dma_wait3A_425 : memref<1x1x2x80xi32, #tpu.memory_space<hbm>> -> memref<2x80xi32, #tpu.memory_space<hbm>>
        tpu.wait_dma2 semaphore(%arg21 : memref<!tpu.dma_semaphore, #tpu.memory_space<semaphore_mem>>) src(%dma_wait3A_426 : memref<2x80xi32, #tpu.memory_space<hbm>>) dst(%arg11 : memref<2x80xi32, #tpu.memory_space<vmem>>)
        %dma_start3A_427 = arith.constant 0 : i32
        %dma_start3A_428 = arith.constant 0 : i32
        %dma_start3A_429 = tpu.memref_slice %arg11[%dma_start3A_427, %dma_start3A_428] : memref<2x80xi32, #tpu.memory_space<vmem>> -> memref<1x80xi32, #tpu.memory_space<vmem>>
        %dma_start3A_430 = tpu.memref_squeeze %dma_start3A_429 : memref<1x80xi32, #tpu.memory_space<vmem>> -> memref<80xi32, #tpu.memory_space<vmem>>
        %dma_start3A_431 = arith.constant 0 : i32
        %dma_start3A_432 = arith.constant 0 : i32
        %dma_start3A_433 = tpu.memref_slice %arg2[%dma_start3A_431, %dma_start3A_432] : memref<50000x64xf32, #tpu.memory_space<hbm>> -> memref<50000x64xf32, #tpu.memory_space<hbm>>
        tpu.enqueue_indirect_dma source(%dma_start3A_433 : memref<50000x64xf32, #tpu.memory_space<hbm>>) target(%arg15 : memref<80x64xf32, #tpu.memory_space<vmem>>) offsets(%dma_start3A_430 : memref<80xi32, #tpu.memory_space<vmem>>) semaphore(%arg17 : memref<!tpu.dma_semaphore, #tpu.memory_space<semaphore_mem>>)
      } else {
      }
    }
    %scan3A_161 = arith.constant 20 : i32
    %barrier3A_162 = arith.constant 0 : index
    tpu.barrier barrier_id(%barrier3A_162)
    %mul3A_163 = arith.constant 1256 : i32
    %mul3A_164 = arith.muli %arg1, %mul3A_163 : i32
    %min3A_165 = arith.constant 18744 : i32
    %min3A_166 = arith.minsi %mul3A_164, %min3A_165 : i32
    %add3A_167 = arith.constant 30000 : i32
    %add3A_168 = arith.addi %add3A_167, %min3A_166 : i32
    "tpu.region"() ({
      %run_scoped3A = tpu.sem_alloc : memref<!tpu.dma_semaphore, #tpu.memory_space<semaphore_mem>>
      %dma_start3A_257 = arith.constant 0 : i32
      %dma_start3A_258 = tpu.memref_slice %arg7[%arg0, %add3A_168, %dma_start3A_257] : memref<2x50000x64xf32, #tpu.memory_space<hbm>> -> memref<1x1256x64xf32, #tpu.memory_space<hbm>>
      %dma_start3A_259 = tpu.memref_squeeze %dma_start3A_258 : memref<1x1256x64xf32, #tpu.memory_space<hbm>> -> memref<1256x64xf32, #tpu.memory_space<hbm>>
      %dma_start3A_260 = arith.constant 0 : i32
      %dma_start3A_261 = tpu.memref_slice %arg9[%min3A_166, %dma_start3A_260] : memref<30016x64xf32, #tpu.memory_space<vmem_shared>> -> memref<1256x64xf32, #tpu.memory_space<vmem_shared>>
      tpu.enqueue_dma source(%dma_start3A_261 : memref<1256x64xf32, #tpu.memory_space<vmem_shared>>) target(%dma_start3A_259 : memref<1256x64xf32, #tpu.memory_space<hbm>>) target_semaphore(%run_scoped3A : memref<!tpu.dma_semaphore, #tpu.memory_space<semaphore_mem>>)
      %dma_wait3A_262 = arith.constant 0 : i32
      %dma_wait3A_263 = tpu.memref_slice %arg7[%arg0, %add3A_168, %dma_wait3A_262] : memref<2x50000x64xf32, #tpu.memory_space<hbm>> -> memref<1x1256x64xf32, #tpu.memory_space<hbm>>
      %dma_wait3A_264 = tpu.memref_squeeze %dma_wait3A_263 : memref<1x1256x64xf32, #tpu.memory_space<hbm>> -> memref<1256x64xf32, #tpu.memory_space<hbm>>
      %dma_wait3A_265 = arith.constant 0 : i32
      %dma_wait3A_266 = tpu.memref_slice %arg9[%min3A_166, %dma_wait3A_265] : memref<30016x64xf32, #tpu.memory_space<vmem_shared>> -> memref<1256x64xf32, #tpu.memory_space<vmem_shared>>
      tpu.wait_dma2 semaphore(%run_scoped3A : memref<!tpu.dma_semaphore, #tpu.memory_space<semaphore_mem>>) src(%dma_wait3A_266 : memref<1256x64xf32, #tpu.memory_space<vmem_shared>>) dst(%dma_wait3A_264 : memref<1256x64xf32, #tpu.memory_space<hbm>>)
      tpu.yield
    }) : () -> ()
    %barrier3A_169 = arith.constant 0 : index
    tpu.barrier barrier_id(%barrier3A_169)
    %mul3A_170 = arith.constant 1880 : i32
    %mul3A_171 = arith.muli %arg1, %mul3A_170 : i32
    %min3A_172 = arith.constant 28120 : i32
    %min3A_173 = arith.minsi %mul3A_171, %min3A_172 : i32
    "tpu.region"() ({
      %run_scoped3A = tpu.sem_alloc : memref<!tpu.dma_semaphore, #tpu.memory_space<semaphore_mem>>
      %dma_start3A_257 = arith.constant 0 : i32
      %dma_start3A_258 = tpu.memref_slice %arg9[%min3A_173, %dma_start3A_257] : memref<30016x64xf32, #tpu.memory_space<vmem_shared>> -> memref<1880x64xf32, #tpu.memory_space<vmem_shared>>
      %dma_start3A_259 = arith.constant 0 : i32
      %dma_start3A_260 = arith.constant 0 : i32
      %dma_start3A_261 = tpu.memref_slice %arg3[%dma_start3A_259, %dma_start3A_260] : memref<1880x64xf32, #tpu.memory_space<hbm>> -> memref<1880x64xf32, #tpu.memory_space<hbm>>
      tpu.enqueue_dma source(%dma_start3A_261 : memref<1880x64xf32, #tpu.memory_space<hbm>>) target(%dma_start3A_258 : memref<1880x64xf32, #tpu.memory_space<vmem_shared>>) target_semaphore(%run_scoped3A : memref<!tpu.dma_semaphore, #tpu.memory_space<semaphore_mem>>)
      %dma_wait3A_262 = arith.constant 0 : i32
      %dma_wait3A_263 = tpu.memref_slice %arg9[%min3A_173, %dma_wait3A_262] : memref<30016x64xf32, #tpu.memory_space<vmem_shared>> -> memref<1880x64xf32, #tpu.memory_space<vmem_shared>>
      %dma_wait3A_264 = arith.constant 0 : i32
      %dma_wait3A_265 = arith.constant 0 : i32
      %dma_wait3A_266 = tpu.memref_slice %arg3[%dma_wait3A_264, %dma_wait3A_265] : memref<1880x64xf32, #tpu.memory_space<hbm>> -> memref<1880x64xf32, #tpu.memory_space<hbm>>
      tpu.wait_dma2 semaphore(%run_scoped3A : memref<!tpu.dma_semaphore, #tpu.memory_space<semaphore_mem>>) src(%dma_wait3A_266 : memref<1880x64xf32, #tpu.memory_space<hbm>>) dst(%dma_wait3A_263 : memref<1880x64xf32, #tpu.memory_space<vmem_shared>>)
      tpu.yield
    }) : () -> ()
    %dma_start3A_174 = arith.constant 0 : i32
    %dma_start3A_175 = arith.constant 0 : i32
    %dma_start3A_176 = arith.constant 0 : i32
    %dma_start3A_177 = tpu.memref_slice %arg6[%add3A, %dma_start3A_174, %dma_start3A_175, %dma_start3A_176] : memref<32x80x2x80xi32, #tpu.memory_space<hbm>> -> memref<1x1x2x80xi32, #tpu.memory_space<hbm>>
    %dma_start3A_178 = tpu.memref_squeeze %dma_start3A_177 : memref<1x1x2x80xi32, #tpu.memory_space<hbm>> -> memref<2x80xi32, #tpu.memory_space<hbm>>
    %dma_start3A_179 = arith.constant 0 : i32
    %dma_start3A_180 = arith.constant 0 : i32
    %dma_start3A_181 = tpu.memref_slice %arg6[%add3A, %dma_start3A_174, %dma_start3A_179, %dma_start3A_180] : memref<32x80x2x80xi32, #tpu.memory_space<hbm>> -> memref<1x1x2x80xi32, #tpu.memory_space<hbm>>
    %dma_start3A_182 = tpu.memref_squeeze %dma_start3A_181 : memref<1x1x2x80xi32, #tpu.memory_space<hbm>> -> memref<2x80xi32, #tpu.memory_space<hbm>>
    tpu.enqueue_dma source(%dma_start3A_182 : memref<2x80xi32, #tpu.memory_space<hbm>>) target(%arg10 : memref<2x80xi32, #tpu.memory_space<vmem>>) target_semaphore(%arg20 : memref<!tpu.dma_semaphore, #tpu.memory_space<semaphore_mem>>)
    %dma_start3A_183 = arith.constant 1 : i32
    %dma_start3A_184 = arith.constant 0 : i32
    %dma_start3A_185 = arith.constant 0 : i32
    %dma_start3A_186 = tpu.memref_slice %arg6[%add3A, %dma_start3A_183, %dma_start3A_184, %dma_start3A_185] : memref<32x80x2x80xi32, #tpu.memory_space<hbm>> -> memref<1x1x2x80xi32, #tpu.memory_space<hbm>>
    %dma_start3A_187 = tpu.memref_squeeze %dma_start3A_186 : memref<1x1x2x80xi32, #tpu.memory_space<hbm>> -> memref<2x80xi32, #tpu.memory_space<hbm>>
    %dma_start3A_188 = arith.constant 0 : i32
    %dma_start3A_189 = arith.constant 0 : i32
    %dma_start3A_190 = tpu.memref_slice %arg6[%add3A, %dma_start3A_183, %dma_start3A_188, %dma_start3A_189] : memref<32x80x2x80xi32, #tpu.memory_space<hbm>> -> memref<1x1x2x80xi32, #tpu.memory_space<hbm>>
    %dma_start3A_191 = tpu.memref_squeeze %dma_start3A_190 : memref<1x1x2x80xi32, #tpu.memory_space<hbm>> -> memref<2x80xi32, #tpu.memory_space<hbm>>
    tpu.enqueue_dma source(%dma_start3A_191 : memref<2x80xi32, #tpu.memory_space<hbm>>) target(%arg11 : memref<2x80xi32, #tpu.memory_space<vmem>>) target_semaphore(%arg21 : memref<!tpu.dma_semaphore, #tpu.memory_space<semaphore_mem>>)
    %dma_start3A_192 = arith.constant 2 : i32
    %dma_start3A_193 = arith.constant 0 : i32
    %dma_start3A_194 = arith.constant 0 : i32
    %dma_start3A_195 = tpu.memref_slice %arg6[%add3A, %dma_start3A_192, %dma_start3A_193, %dma_start3A_194] : memref<32x80x2x80xi32, #tpu.memory_space<hbm>> -> memref<1x1x2x80xi32, #tpu.memory_space<hbm>>
    %dma_start3A_196 = tpu.memref_squeeze %dma_start3A_195 : memref<1x1x2x80xi32, #tpu.memory_space<hbm>> -> memref<2x80xi32, #tpu.memory_space<hbm>>
    %dma_start3A_197 = arith.constant 0 : i32
    %dma_start3A_198 = arith.constant 0 : i32
    %dma_start3A_199 = tpu.memref_slice %arg6[%add3A, %dma_start3A_192, %dma_start3A_197, %dma_start3A_198] : memref<32x80x2x80xi32, #tpu.memory_space<hbm>> -> memref<1x1x2x80xi32, #tpu.memory_space<hbm>>
    %dma_start3A_200 = tpu.memref_squeeze %dma_start3A_199 : memref<1x1x2x80xi32, #tpu.memory_space<hbm>> -> memref<2x80xi32, #tpu.memory_space<hbm>>
    tpu.enqueue_dma source(%dma_start3A_200 : memref<2x80xi32, #tpu.memory_space<hbm>>) target(%arg12 : memref<2x80xi32, #tpu.memory_space<vmem>>) target_semaphore(%arg22 : memref<!tpu.dma_semaphore, #tpu.memory_space<semaphore_mem>>)
    %dma_start3A_201 = arith.constant 3 : i32
    %dma_start3A_202 = arith.constant 0 : i32
    %dma_start3A_203 = arith.constant 0 : i32
    %dma_start3A_204 = tpu.memref_slice %arg6[%add3A, %dma_start3A_201, %dma_start3A_202, %dma_start3A_203] : memref<32x80x2x80xi32, #tpu.memory_space<hbm>> -> memref<1x1x2x80xi32, #tpu.memory_space<hbm>>
    %dma_start3A_205 = tpu.memref_squeeze %dma_start3A_204 : memref<1x1x2x80xi32, #tpu.memory_space<hbm>> -> memref<2x80xi32, #tpu.memory_space<hbm>>
    %dma_start3A_206 = arith.constant 0 : i32
    %dma_start3A_207 = arith.constant 0 : i32
    %dma_start3A_208 = tpu.memref_slice %arg6[%add3A, %dma_start3A_201, %dma_start3A_206, %dma_start3A_207] : memref<32x80x2x80xi32, #tpu.memory_space<hbm>> -> memref<1x1x2x80xi32, #tpu.memory_space<hbm>>
    %dma_start3A_209 = tpu.memref_squeeze %dma_start3A_208 : memref<1x1x2x80xi32, #tpu.memory_space<hbm>> -> memref<2x80xi32, #tpu.memory_space<hbm>>
    tpu.enqueue_dma source(%dma_start3A_209 : memref<2x80xi32, #tpu.memory_space<hbm>>) target(%arg13 : memref<2x80xi32, #tpu.memory_space<vmem>>) target_semaphore(%arg23 : memref<!tpu.dma_semaphore, #tpu.memory_space<semaphore_mem>>)
    %dma_wait3A_210 = arith.constant 0 : i32
    %dma_wait3A_211 = arith.constant 0 : i32
    %dma_wait3A_212 = arith.constant 0 : i32
    %dma_wait3A_213 = tpu.memref_slice %arg6[%add3A, %dma_wait3A_210, %dma_wait3A_211, %dma_wait3A_212] : memref<32x80x2x80xi32, #tpu.memory_space<hbm>> -> memref<1x1x2x80xi32, #tpu.memory_space<hbm>>
    %dma_wait3A_214 = tpu.memref_squeeze %dma_wait3A_213 : memref<1x1x2x80xi32, #tpu.memory_space<hbm>> -> memref<2x80xi32, #tpu.memory_space<hbm>>
    %dma_wait3A_215 = arith.constant 0 : i32
    %dma_wait3A_216 = arith.constant 0 : i32
    %dma_wait3A_217 = tpu.memref_slice %arg6[%add3A, %dma_wait3A_210, %dma_wait3A_215, %dma_wait3A_216] : memref<32x80x2x80xi32, #tpu.memory_space<hbm>> -> memref<1x1x2x80xi32, #tpu.memory_space<hbm>>
    %dma_wait3A_218 = tpu.memref_squeeze %dma_wait3A_217 : memref<1x1x2x80xi32, #tpu.memory_space<hbm>> -> memref<2x80xi32, #tpu.memory_space<hbm>>
    tpu.wait_dma2 semaphore(%arg20 : memref<!tpu.dma_semaphore, #tpu.memory_space<semaphore_mem>>) src(%dma_wait3A_218 : memref<2x80xi32, #tpu.memory_space<hbm>>) dst(%arg10 : memref<2x80xi32, #tpu.memory_space<vmem>>)
    %dma_wait3A_219 = arith.constant 1 : i32
    %dma_wait3A_220 = arith.constant 0 : i32
    %dma_wait3A_221 = arith.constant 0 : i32
    %dma_wait3A_222 = tpu.memref_slice %arg6[%add3A, %dma_wait3A_219, %dma_wait3A_220, %dma_wait3A_221] : memref<32x80x2x80xi32, #tpu.memory_space<hbm>> -> memref<1x1x2x80xi32, #tpu.memory_space<hbm>>
    %dma_wait3A_223 = tpu.memref_squeeze %dma_wait3A_222 : memref<1x1x2x80xi32, #tpu.memory_space<hbm>> -> memref<2x80xi32, #tpu.memory_space<hbm>>
    %dma_wait3A_224 = arith.constant 0 : i32
    %dma_wait3A_225 = arith.constant 0 : i32
    %dma_wait3A_226 = tpu.memref_slice %arg6[%add3A, %dma_wait3A_219, %dma_wait3A_224, %dma_wait3A_225] : memref<32x80x2x80xi32, #tpu.memory_space<hbm>> -> memref<1x1x2x80xi32, #tpu.memory_space<hbm>>
    %dma_wait3A_227 = tpu.memref_squeeze %dma_wait3A_226 : memref<1x1x2x80xi32, #tpu.memory_space<hbm>> -> memref<2x80xi32, #tpu.memory_space<hbm>>
    tpu.wait_dma2 semaphore(%arg21 : memref<!tpu.dma_semaphore, #tpu.memory_space<semaphore_mem>>) src(%dma_wait3A_227 : memref<2x80xi32, #tpu.memory_space<hbm>>) dst(%arg11 : memref<2x80xi32, #tpu.memory_space<vmem>>)
    %barrier3A_228 = arith.constant 0 : index
    tpu.barrier barrier_id(%barrier3A_228)
    %dma_start3A_229 = arith.constant 0 : i32
    %dma_start3A_230 = arith.constant 0 : i32
    %dma_start3A_231 = tpu.memref_slice %arg10[%dma_start3A_229, %dma_start3A_230] : memref<2x80xi32, #tpu.memory_space<vmem>> -> memref<1x80xi32, #tpu.memory_space<vmem>>
    %dma_start3A_232 = tpu.memref_squeeze %dma_start3A_231 : memref<1x80xi32, #tpu.memory_space<vmem>> -> memref<80xi32, #tpu.memory_space<vmem>>
    %dma_start3A_233 = arith.constant 0 : i32
    %dma_start3A_234 = arith.constant 0 : i32
    %dma_start3A_235 = tpu.memref_slice %arg2[%dma_start3A_233, %dma_start3A_234] : memref<50000x64xf32, #tpu.memory_space<hbm>> -> memref<50000x64xf32, #tpu.memory_space<hbm>>
    tpu.enqueue_indirect_dma source(%dma_start3A_235 : memref<50000x64xf32, #tpu.memory_space<hbm>>) target(%arg14 : memref<80x64xf32, #tpu.memory_space<vmem>>) offsets(%dma_start3A_232 : memref<80xi32, #tpu.memory_space<vmem>>) semaphore(%arg16 : memref<!tpu.dma_semaphore, #tpu.memory_space<semaphore_mem>>)
    %dma_start3A_236 = arith.constant 0 : i32
    %dma_start3A_237 = arith.constant 0 : i32
    %dma_start3A_238 = tpu.memref_slice %arg11[%dma_start3A_236, %dma_start3A_237] : memref<2x80xi32, #tpu.memory_space<vmem>> -> memref<1x80xi32, #tpu.memory_space<vmem>>
    %dma_start3A_239 = tpu.memref_squeeze %dma_start3A_238 : memref<1x80xi32, #tpu.memory_space<vmem>> -> memref<80xi32, #tpu.memory_space<vmem>>
    %dma_start3A_240 = arith.constant 0 : i32
    %dma_start3A_241 = arith.constant 0 : i32
    %dma_start3A_242 = tpu.memref_slice %arg2[%dma_start3A_240, %dma_start3A_241] : memref<50000x64xf32, #tpu.memory_space<hbm>> -> memref<50000x64xf32, #tpu.memory_space<hbm>>
    tpu.enqueue_indirect_dma source(%dma_start3A_242 : memref<50000x64xf32, #tpu.memory_space<hbm>>) target(%arg15 : memref<80x64xf32, #tpu.memory_space<vmem>>) offsets(%dma_start3A_239 : memref<80xi32, #tpu.memory_space<vmem>>) semaphore(%arg17 : memref<!tpu.dma_semaphore, #tpu.memory_space<semaphore_mem>>)
    %scan3A_243 = arith.constant 0 : i32
    %scan3A_244 = arith.constant 0 : i32
    %scan3A_245 = arith.constant 20 : i32
    %scan3A_246 = arith.addi %scan3A_244, %scan3A_245 : i32
    %scan3A_247 = arith.constant 1 : i32
    scf.for %scan3A_257 = %scan3A_244 to %scan3A_246 step %scan3A_247  : i32 {
      %mul3A_258 = arith.constant 4 : i32
      %mul3A_259 = arith.muli %mul3A_258, %scan3A_257 : i32
      %dma_wait3A_260 = arith.constant 0 : i32
      %dma_wait3A_261 = arith.constant 0 : i32
      %dma_wait3A_262 = tpu.memref_slice %arg10[%dma_wait3A_260, %dma_wait3A_261] : memref<2x80xi32, #tpu.memory_space<vmem>> -> memref<1x80xi32, #tpu.memory_space<vmem>>
      %dma_wait3A_263 = tpu.memref_squeeze %dma_wait3A_262 : memref<1x80xi32, #tpu.memory_space<vmem>> -> memref<80xi32, #tpu.memory_space<vmem>>
      %dma_wait3A_264 = arith.constant 0 : i32
      %dma_wait3A_265 = arith.constant 0 : i32
      %dma_wait3A_266 = tpu.memref_slice %arg2[%dma_wait3A_264, %dma_wait3A_265] : memref<50000x64xf32, #tpu.memory_space<hbm>> -> memref<50000x64xf32, #tpu.memory_space<hbm>>
      tpu.wait_indirect_dma semaphore(%arg16 : memref<!tpu.dma_semaphore, #tpu.memory_space<semaphore_mem>>) src(%dma_wait3A_266 : memref<50000x64xf32, #tpu.memory_space<hbm>>) dst(%arg14 : memref<80x64xf32, #tpu.memory_space<vmem>>)
      %dma_start3A_267 = arith.constant 1 : i32
      %dma_start3A_268 = arith.constant 0 : i32
      %dma_start3A_269 = tpu.memref_slice %arg10[%dma_start3A_267, %dma_start3A_268] : memref<2x80xi32, #tpu.memory_space<vmem>> -> memref<1x80xi32, #tpu.memory_space<vmem>>
      %dma_start3A_270 = tpu.memref_squeeze %dma_start3A_269 : memref<1x80xi32, #tpu.memory_space<vmem>> -> memref<80xi32, #tpu.memory_space<vmem>>
      %dma_start3A_271 = arith.constant 0 : i32
      %dma_start3A_272 = arith.constant 0 : i32
      %dma_start3A_273 = tpu.memref_slice %arg9[%dma_start3A_271, %dma_start3A_272] : memref<30016x64xf32, #tpu.memory_space<vmem_shared>> -> memref<30016x64xf32, #tpu.memory_space<vmem_shared>>
      tpu.enqueue_indirect_dma source(%arg14 : memref<80x64xf32, #tpu.memory_space<vmem>>) target(%dma_start3A_273 : memref<30016x64xf32, #tpu.memory_space<vmem_shared>>) offsets(%dma_start3A_270 : memref<80xi32, #tpu.memory_space<vmem>>) semaphore(%arg18 : memref<!tpu.dma_semaphore, #tpu.memory_space<semaphore_mem>>) {add = true}
      %dma_wait3A_274 = arith.constant 0 : i32
      %dma_wait3A_275 = arith.constant 0 : i32
      %dma_wait3A_276 = tpu.memref_slice %arg11[%dma_wait3A_274, %dma_wait3A_275] : memref<2x80xi32, #tpu.memory_space<vmem>> -> memref<1x80xi32, #tpu.memory_space<vmem>>
      %dma_wait3A_277 = tpu.memref_squeeze %dma_wait3A_276 : memref<1x80xi32, #tpu.memory_space<vmem>> -> memref<80xi32, #tpu.memory_space<vmem>>
      %dma_wait3A_278 = arith.constant 0 : i32
      %dma_wait3A_279 = arith.constant 0 : i32
      %dma_wait3A_280 = tpu.memref_slice %arg2[%dma_wait3A_278, %dma_wait3A_279] : memref<50000x64xf32, #tpu.memory_space<hbm>> -> memref<50000x64xf32, #tpu.memory_space<hbm>>
      tpu.wait_indirect_dma semaphore(%arg17 : memref<!tpu.dma_semaphore, #tpu.memory_space<semaphore_mem>>) src(%dma_wait3A_280 : memref<50000x64xf32, #tpu.memory_space<hbm>>) dst(%arg15 : memref<80x64xf32, #tpu.memory_space<vmem>>)
      %dma_start3A_281 = arith.constant 1 : i32
      %dma_start3A_282 = arith.constant 0 : i32
      %dma_start3A_283 = tpu.memref_slice %arg11[%dma_start3A_281, %dma_start3A_282] : memref<2x80xi32, #tpu.memory_space<vmem>> -> memref<1x80xi32, #tpu.memory_space<vmem>>
      %dma_start3A_284 = tpu.memref_squeeze %dma_start3A_283 : memref<1x80xi32, #tpu.memory_space<vmem>> -> memref<80xi32, #tpu.memory_space<vmem>>
      %dma_start3A_285 = arith.constant 0 : i32
      %dma_start3A_286 = arith.constant 0 : i32
      %dma_start3A_287 = tpu.memref_slice %arg9[%dma_start3A_285, %dma_start3A_286] : memref<30016x64xf32, #tpu.memory_space<vmem_shared>> -> memref<30016x64xf32, #tpu.memory_space<vmem_shared>>
      tpu.enqueue_indirect_dma source(%arg15 : memref<80x64xf32, #tpu.memory_space<vmem>>) target(%dma_start3A_287 : memref<30016x64xf32, #tpu.memory_space<vmem_shared>>) offsets(%dma_start3A_284 : memref<80xi32, #tpu.memory_space<vmem>>) semaphore(%arg19 : memref<!tpu.dma_semaphore, #tpu.memory_space<semaphore_mem>>) {add = true}
      %dma_wait3A_288 = arith.constant 1 : i32
      %dma_wait3A_289 = arith.constant 0 : i32
      %dma_wait3A_290 = tpu.memref_slice %arg10[%dma_wait3A_288, %dma_wait3A_289] : memref<2x80xi32, #tpu.memory_space<vmem>> -> memref<1x80xi32, #tpu.memory_space<vmem>>
      %dma_wait3A_291 = tpu.memref_squeeze %dma_wait3A_290 : memref<1x80xi32, #tpu.memory_space<vmem>> -> memref<80xi32, #tpu.memory_space<vmem>>
      %dma_wait3A_292 = arith.constant 0 : i32
      %dma_wait3A_293 = arith.constant 0 : i32
      %dma_wait3A_294 = tpu.memref_slice %arg9[%dma_wait3A_292, %dma_wait3A_293] : memref<30016x64xf32, #tpu.memory_space<vmem_shared>> -> memref<30016x64xf32, #tpu.memory_space<vmem_shared>>
      tpu.wait_indirect_dma semaphore(%arg18 : memref<!tpu.dma_semaphore, #tpu.memory_space<semaphore_mem>>) src(%arg14 : memref<80x64xf32, #tpu.memory_space<vmem>>) dst(%dma_wait3A_294 : memref<30016x64xf32, #tpu.memory_space<vmem_shared>>)
      %add3A_295 = arith.constant 4 : i32
      %add3A_296 = arith.addi %mul3A_259, %add3A_295 : i32
      %lt3A = arith.constant 80 : i32
      %lt3A_297 = arith.cmpi slt, %add3A_296, %lt3A : i32
      %convert_element_type3A = arith.extui %lt3A_297 : i1 to i32
      %cond3A = arith.constant 0 : i32
      %cond3A_298 = arith.cmpi ne, %convert_element_type3A, %cond3A : i32
      scf.if %cond3A_298 {
        %add3A_417 = arith.constant 4 : i32
        %add3A_418 = arith.addi %mul3A_259, %add3A_417 : i32
        %dma_start3A_419 = arith.constant 0 : i32
        %dma_start3A_420 = arith.constant 0 : i32
        %dma_start3A_421 = tpu.memref_slice %arg6[%add3A, %add3A_418, %dma_start3A_419, %dma_start3A_420] : memref<32x80x2x80xi32, #tpu.memory_space<hbm>> -> memref<1x1x2x80xi32, #tpu.memory_space<hbm>>
        %dma_start3A_422 = tpu.memref_squeeze %dma_start3A_421 : memref<1x1x2x80xi32, #tpu.memory_space<hbm>> -> memref<2x80xi32, #tpu.memory_space<hbm>>
        %dma_start3A_423 = arith.constant 0 : i32
        %dma_start3A_424 = arith.constant 0 : i32
        %dma_start3A_425 = tpu.memref_slice %arg6[%add3A, %add3A_418, %dma_start3A_423, %dma_start3A_424] : memref<32x80x2x80xi32, #tpu.memory_space<hbm>> -> memref<1x1x2x80xi32, #tpu.memory_space<hbm>>
        %dma_start3A_426 = tpu.memref_squeeze %dma_start3A_425 : memref<1x1x2x80xi32, #tpu.memory_space<hbm>> -> memref<2x80xi32, #tpu.memory_space<hbm>>
        tpu.enqueue_dma source(%dma_start3A_426 : memref<2x80xi32, #tpu.memory_space<hbm>>) target(%arg10 : memref<2x80xi32, #tpu.memory_space<vmem>>) target_semaphore(%arg20 : memref<!tpu.dma_semaphore, #tpu.memory_space<semaphore_mem>>)
      } else {
      }
      %add3A_299 = arith.constant 2 : i32
      %add3A_300 = arith.addi %mul3A_259, %add3A_299 : i32
      %dma_wait3A_301 = arith.constant 0 : i32
      %dma_wait3A_302 = arith.constant 0 : i32
      %dma_wait3A_303 = tpu.memref_slice %arg6[%add3A, %add3A_300, %dma_wait3A_301, %dma_wait3A_302] : memref<32x80x2x80xi32, #tpu.memory_space<hbm>> -> memref<1x1x2x80xi32, #tpu.memory_space<hbm>>
      %dma_wait3A_304 = tpu.memref_squeeze %dma_wait3A_303 : memref<1x1x2x80xi32, #tpu.memory_space<hbm>> -> memref<2x80xi32, #tpu.memory_space<hbm>>
      %dma_wait3A_305 = arith.constant 0 : i32
      %dma_wait3A_306 = arith.constant 0 : i32
      %dma_wait3A_307 = tpu.memref_slice %arg6[%add3A, %add3A_300, %dma_wait3A_305, %dma_wait3A_306] : memref<32x80x2x80xi32, #tpu.memory_space<hbm>> -> memref<1x1x2x80xi32, #tpu.memory_space<hbm>>
      %dma_wait3A_308 = tpu.memref_squeeze %dma_wait3A_307 : memref<1x1x2x80xi32, #tpu.memory_space<hbm>> -> memref<2x80xi32, #tpu.memory_space<hbm>>
      tpu.wait_dma2 semaphore(%arg22 : memref<!tpu.dma_semaphore, #tpu.memory_space<semaphore_mem>>) src(%dma_wait3A_308 : memref<2x80xi32, #tpu.memory_space<hbm>>) dst(%arg12 : memref<2x80xi32, #tpu.memory_space<vmem>>)
      %dma_start3A_309 = arith.constant 0 : i32
      %dma_start3A_310 = arith.constant 0 : i32
      %dma_start3A_311 = tpu.memref_slice %arg12[%dma_start3A_309, %dma_start3A_310] : memref<2x80xi32, #tpu.memory_space<vmem>> -> memref<1x80xi32, #tpu.memory_space<vmem>>
      %dma_start3A_312 = tpu.memref_squeeze %dma_start3A_311 : memref<1x80xi32, #tpu.memory_space<vmem>> -> memref<80xi32, #tpu.memory_space<vmem>>
      %dma_start3A_313 = arith.constant 0 : i32
      %dma_start3A_314 = arith.constant 0 : i32
      %dma_start3A_315 = tpu.memref_slice %arg2[%dma_start3A_313, %dma_start3A_314] : memref<50000x64xf32, #tpu.memory_space<hbm>> -> memref<50000x64xf32, #tpu.memory_space<hbm>>
      tpu.enqueue_indirect_dma source(%dma_start3A_315 : memref<50000x64xf32, #tpu.memory_space<hbm>>) target(%arg14 : memref<80x64xf32, #tpu.memory_space<vmem>>) offsets(%dma_start3A_312 : memref<80xi32, #tpu.memory_space<vmem>>) semaphore(%arg16 : memref<!tpu.dma_semaphore, #tpu.memory_space<semaphore_mem>>)
      %dma_wait3A_316 = arith.constant 1 : i32
      %dma_wait3A_317 = arith.constant 0 : i32
      %dma_wait3A_318 = tpu.memref_slice %arg11[%dma_wait3A_316, %dma_wait3A_317] : memref<2x80xi32, #tpu.memory_space<vmem>> -> memref<1x80xi32, #tpu.memory_space<vmem>>
      %dma_wait3A_319 = tpu.memref_squeeze %dma_wait3A_318 : memref<1x80xi32, #tpu.memory_space<vmem>> -> memref<80xi32, #tpu.memory_space<vmem>>
      %dma_wait3A_320 = arith.constant 0 : i32
      %dma_wait3A_321 = arith.constant 0 : i32
      %dma_wait3A_322 = tpu.memref_slice %arg9[%dma_wait3A_320, %dma_wait3A_321] : memref<30016x64xf32, #tpu.memory_space<vmem_shared>> -> memref<30016x64xf32, #tpu.memory_space<vmem_shared>>
      tpu.wait_indirect_dma semaphore(%arg19 : memref<!tpu.dma_semaphore, #tpu.memory_space<semaphore_mem>>) src(%arg15 : memref<80x64xf32, #tpu.memory_space<vmem>>) dst(%dma_wait3A_322 : memref<30016x64xf32, #tpu.memory_space<vmem_shared>>)
      %add3A_323 = arith.constant 5 : i32
      %add3A_324 = arith.addi %mul3A_259, %add3A_323 : i32
      %lt3A_325 = arith.constant 80 : i32
      %lt3A_326 = arith.cmpi slt, %add3A_324, %lt3A_325 : i32
      %convert_element_type3A_327 = arith.extui %lt3A_326 : i1 to i32
      %cond3A_328 = arith.constant 0 : i32
      %cond3A_329 = arith.cmpi ne, %convert_element_type3A_327, %cond3A_328 : i32
      scf.if %cond3A_329 {
        %add3A_417 = arith.constant 5 : i32
        %add3A_418 = arith.addi %mul3A_259, %add3A_417 : i32
        %dma_start3A_419 = arith.constant 0 : i32
        %dma_start3A_420 = arith.constant 0 : i32
        %dma_start3A_421 = tpu.memref_slice %arg6[%add3A, %add3A_418, %dma_start3A_419, %dma_start3A_420] : memref<32x80x2x80xi32, #tpu.memory_space<hbm>> -> memref<1x1x2x80xi32, #tpu.memory_space<hbm>>
        %dma_start3A_422 = tpu.memref_squeeze %dma_start3A_421 : memref<1x1x2x80xi32, #tpu.memory_space<hbm>> -> memref<2x80xi32, #tpu.memory_space<hbm>>
        %dma_start3A_423 = arith.constant 0 : i32
        %dma_start3A_424 = arith.constant 0 : i32
        %dma_start3A_425 = tpu.memref_slice %arg6[%add3A, %add3A_418, %dma_start3A_423, %dma_start3A_424] : memref<32x80x2x80xi32, #tpu.memory_space<hbm>> -> memref<1x1x2x80xi32, #tpu.memory_space<hbm>>
        %dma_start3A_426 = tpu.memref_squeeze %dma_start3A_425 : memref<1x1x2x80xi32, #tpu.memory_space<hbm>> -> memref<2x80xi32, #tpu.memory_space<hbm>>
        tpu.enqueue_dma source(%dma_start3A_426 : memref<2x80xi32, #tpu.memory_space<hbm>>) target(%arg11 : memref<2x80xi32, #tpu.memory_space<vmem>>) target_semaphore(%arg21 : memref<!tpu.dma_semaphore, #tpu.memory_space<semaphore_mem>>)
      } else {
      }
      %add3A_330 = arith.constant 3 : i32
      %add3A_331 = arith.addi %mul3A_259, %add3A_330 : i32
      %dma_wait3A_332 = arith.constant 0 : i32
      %dma_wait3A_333 = arith.constant 0 : i32
      %dma_wait3A_334 = tpu.memref_slice %arg6[%add3A, %add3A_331, %dma_wait3A_332, %dma_wait3A_333] : memref<32x80x2x80xi32, #tpu.memory_space<hbm>> -> memref<1x1x2x80xi32, #tpu.memory_space<hbm>>
      %dma_wait3A_335 = tpu.memref_squeeze %dma_wait3A_334 : memref<1x1x2x80xi32, #tpu.memory_space<hbm>> -> memref<2x80xi32, #tpu.memory_space<hbm>>
      %dma_wait3A_336 = arith.constant 0 : i32
      %dma_wait3A_337 = arith.constant 0 : i32
      %dma_wait3A_338 = tpu.memref_slice %arg6[%add3A, %add3A_331, %dma_wait3A_336, %dma_wait3A_337] : memref<32x80x2x80xi32, #tpu.memory_space<hbm>> -> memref<1x1x2x80xi32, #tpu.memory_space<hbm>>
      %dma_wait3A_339 = tpu.memref_squeeze %dma_wait3A_338 : memref<1x1x2x80xi32, #tpu.memory_space<hbm>> -> memref<2x80xi32, #tpu.memory_space<hbm>>
      tpu.wait_dma2 semaphore(%arg23 : memref<!tpu.dma_semaphore, #tpu.memory_space<semaphore_mem>>) src(%dma_wait3A_339 : memref<2x80xi32, #tpu.memory_space<hbm>>) dst(%arg13 : memref<2x80xi32, #tpu.memory_space<vmem>>)
      %dma_start3A_340 = arith.constant 0 : i32
      %dma_start3A_341 = arith.constant 0 : i32
      %dma_start3A_342 = tpu.memref_slice %arg13[%dma_start3A_340, %dma_start3A_341] : memref<2x80xi32, #tpu.memory_space<vmem>> -> memref<1x80xi32, #tpu.memory_space<vmem>>
      %dma_start3A_343 = tpu.memref_squeeze %dma_start3A_342 : memref<1x80xi32, #tpu.memory_space<vmem>> -> memref<80xi32, #tpu.memory_space<vmem>>
      %dma_start3A_344 = arith.constant 0 : i32
      %dma_start3A_345 = arith.constant 0 : i32
      %dma_start3A_346 = tpu.memref_slice %arg2[%dma_start3A_344, %dma_start3A_345] : memref<50000x64xf32, #tpu.memory_space<hbm>> -> memref<50000x64xf32, #tpu.memory_space<hbm>>
      tpu.enqueue_indirect_dma source(%dma_start3A_346 : memref<50000x64xf32, #tpu.memory_space<hbm>>) target(%arg15 : memref<80x64xf32, #tpu.memory_space<vmem>>) offsets(%dma_start3A_343 : memref<80xi32, #tpu.memory_space<vmem>>) semaphore(%arg17 : memref<!tpu.dma_semaphore, #tpu.memory_space<semaphore_mem>>)
      %dma_wait3A_347 = arith.constant 0 : i32
      %dma_wait3A_348 = arith.constant 0 : i32
      %dma_wait3A_349 = tpu.memref_slice %arg12[%dma_wait3A_347, %dma_wait3A_348] : memref<2x80xi32, #tpu.memory_space<vmem>> -> memref<1x80xi32, #tpu.memory_space<vmem>>
      %dma_wait3A_350 = tpu.memref_squeeze %dma_wait3A_349 : memref<1x80xi32, #tpu.memory_space<vmem>> -> memref<80xi32, #tpu.memory_space<vmem>>
      %dma_wait3A_351 = arith.constant 0 : i32
      %dma_wait3A_352 = arith.constant 0 : i32
      %dma_wait3A_353 = tpu.memref_slice %arg2[%dma_wait3A_351, %dma_wait3A_352] : memref<50000x64xf32, #tpu.memory_space<hbm>> -> memref<50000x64xf32, #tpu.memory_space<hbm>>
      tpu.wait_indirect_dma semaphore(%arg16 : memref<!tpu.dma_semaphore, #tpu.memory_space<semaphore_mem>>) src(%dma_wait3A_353 : memref<50000x64xf32, #tpu.memory_space<hbm>>) dst(%arg14 : memref<80x64xf32, #tpu.memory_space<vmem>>)
      %dma_start3A_354 = arith.constant 1 : i32
      %dma_start3A_355 = arith.constant 0 : i32
      %dma_start3A_356 = tpu.memref_slice %arg12[%dma_start3A_354, %dma_start3A_355] : memref<2x80xi32, #tpu.memory_space<vmem>> -> memref<1x80xi32, #tpu.memory_space<vmem>>
      %dma_start3A_357 = tpu.memref_squeeze %dma_start3A_356 : memref<1x80xi32, #tpu.memory_space<vmem>> -> memref<80xi32, #tpu.memory_space<vmem>>
      %dma_start3A_358 = arith.constant 0 : i32
      %dma_start3A_359 = arith.constant 0 : i32
      %dma_start3A_360 = tpu.memref_slice %arg9[%dma_start3A_358, %dma_start3A_359] : memref<30016x64xf32, #tpu.memory_space<vmem_shared>> -> memref<30016x64xf32, #tpu.memory_space<vmem_shared>>
      tpu.enqueue_indirect_dma source(%arg14 : memref<80x64xf32, #tpu.memory_space<vmem>>) target(%dma_start3A_360 : memref<30016x64xf32, #tpu.memory_space<vmem_shared>>) offsets(%dma_start3A_357 : memref<80xi32, #tpu.memory_space<vmem>>) semaphore(%arg18 : memref<!tpu.dma_semaphore, #tpu.memory_space<semaphore_mem>>) {add = true}
      %dma_wait3A_361 = arith.constant 0 : i32
      %dma_wait3A_362 = arith.constant 0 : i32
      %dma_wait3A_363 = tpu.memref_slice %arg13[%dma_wait3A_361, %dma_wait3A_362] : memref<2x80xi32, #tpu.memory_space<vmem>> -> memref<1x80xi32, #tpu.memory_space<vmem>>
      %dma_wait3A_364 = tpu.memref_squeeze %dma_wait3A_363 : memref<1x80xi32, #tpu.memory_space<vmem>> -> memref<80xi32, #tpu.memory_space<vmem>>
      %dma_wait3A_365 = arith.constant 0 : i32
      %dma_wait3A_366 = arith.constant 0 : i32
      %dma_wait3A_367 = tpu.memref_slice %arg2[%dma_wait3A_365, %dma_wait3A_366] : memref<50000x64xf32, #tpu.memory_space<hbm>> -> memref<50000x64xf32, #tpu.memory_space<hbm>>
      tpu.wait_indirect_dma semaphore(%arg17 : memref<!tpu.dma_semaphore, #tpu.memory_space<semaphore_mem>>) src(%dma_wait3A_367 : memref<50000x64xf32, #tpu.memory_space<hbm>>) dst(%arg15 : memref<80x64xf32, #tpu.memory_space<vmem>>)
      %dma_start3A_368 = arith.constant 1 : i32
      %dma_start3A_369 = arith.constant 0 : i32
      %dma_start3A_370 = tpu.memref_slice %arg13[%dma_start3A_368, %dma_start3A_369] : memref<2x80xi32, #tpu.memory_space<vmem>> -> memref<1x80xi32, #tpu.memory_space<vmem>>
      %dma_start3A_371 = tpu.memref_squeeze %dma_start3A_370 : memref<1x80xi32, #tpu.memory_space<vmem>> -> memref<80xi32, #tpu.memory_space<vmem>>
      %dma_start3A_372 = arith.constant 0 : i32
      %dma_start3A_373 = arith.constant 0 : i32
      %dma_start3A_374 = tpu.memref_slice %arg9[%dma_start3A_372, %dma_start3A_373] : memref<30016x64xf32, #tpu.memory_space<vmem_shared>> -> memref<30016x64xf32, #tpu.memory_space<vmem_shared>>
      tpu.enqueue_indirect_dma source(%arg15 : memref<80x64xf32, #tpu.memory_space<vmem>>) target(%dma_start3A_374 : memref<30016x64xf32, #tpu.memory_space<vmem_shared>>) offsets(%dma_start3A_371 : memref<80xi32, #tpu.memory_space<vmem>>) semaphore(%arg19 : memref<!tpu.dma_semaphore, #tpu.memory_space<semaphore_mem>>) {add = true}
      %dma_wait3A_375 = arith.constant 1 : i32
      %dma_wait3A_376 = arith.constant 0 : i32
      %dma_wait3A_377 = tpu.memref_slice %arg12[%dma_wait3A_375, %dma_wait3A_376] : memref<2x80xi32, #tpu.memory_space<vmem>> -> memref<1x80xi32, #tpu.memory_space<vmem>>
      %dma_wait3A_378 = tpu.memref_squeeze %dma_wait3A_377 : memref<1x80xi32, #tpu.memory_space<vmem>> -> memref<80xi32, #tpu.memory_space<vmem>>
      %dma_wait3A_379 = arith.constant 0 : i32
      %dma_wait3A_380 = arith.constant 0 : i32
      %dma_wait3A_381 = tpu.memref_slice %arg9[%dma_wait3A_379, %dma_wait3A_380] : memref<30016x64xf32, #tpu.memory_space<vmem_shared>> -> memref<30016x64xf32, #tpu.memory_space<vmem_shared>>
      tpu.wait_indirect_dma semaphore(%arg18 : memref<!tpu.dma_semaphore, #tpu.memory_space<semaphore_mem>>) src(%arg14 : memref<80x64xf32, #tpu.memory_space<vmem>>) dst(%dma_wait3A_381 : memref<30016x64xf32, #tpu.memory_space<vmem_shared>>)
      %add3A_382 = arith.constant 6 : i32
      %add3A_383 = arith.addi %mul3A_259, %add3A_382 : i32
      %lt3A_384 = arith.constant 80 : i32
      %lt3A_385 = arith.cmpi slt, %add3A_383, %lt3A_384 : i32
      %convert_element_type3A_386 = arith.extui %lt3A_385 : i1 to i32
      %cond3A_387 = arith.constant 0 : i32
      %cond3A_388 = arith.cmpi ne, %convert_element_type3A_386, %cond3A_387 : i32
      scf.if %cond3A_388 {
        %add3A_417 = arith.constant 6 : i32
        %add3A_418 = arith.addi %mul3A_259, %add3A_417 : i32
        %dma_start3A_419 = arith.constant 0 : i32
        %dma_start3A_420 = arith.constant 0 : i32
        %dma_start3A_421 = tpu.memref_slice %arg6[%add3A, %add3A_418, %dma_start3A_419, %dma_start3A_420] : memref<32x80x2x80xi32, #tpu.memory_space<hbm>> -> memref<1x1x2x80xi32, #tpu.memory_space<hbm>>
        %dma_start3A_422 = tpu.memref_squeeze %dma_start3A_421 : memref<1x1x2x80xi32, #tpu.memory_space<hbm>> -> memref<2x80xi32, #tpu.memory_space<hbm>>
        %dma_start3A_423 = arith.constant 0 : i32
        %dma_start3A_424 = arith.constant 0 : i32
        %dma_start3A_425 = tpu.memref_slice %arg6[%add3A, %add3A_418, %dma_start3A_423, %dma_start3A_424] : memref<32x80x2x80xi32, #tpu.memory_space<hbm>> -> memref<1x1x2x80xi32, #tpu.memory_space<hbm>>
        %dma_start3A_426 = tpu.memref_squeeze %dma_start3A_425 : memref<1x1x2x80xi32, #tpu.memory_space<hbm>> -> memref<2x80xi32, #tpu.memory_space<hbm>>
        tpu.enqueue_dma source(%dma_start3A_426 : memref<2x80xi32, #tpu.memory_space<hbm>>) target(%arg12 : memref<2x80xi32, #tpu.memory_space<vmem>>) target_semaphore(%arg22 : memref<!tpu.dma_semaphore, #tpu.memory_space<semaphore_mem>>)
      } else {
      }
      %add3A_389 = arith.constant 4 : i32
      %add3A_390 = arith.addi %mul3A_259, %add3A_389 : i32
      %lt3A_391 = arith.constant 80 : i32
      %lt3A_392 = arith.cmpi slt, %add3A_390, %lt3A_391 : i32
      %convert_element_type3A_393 = arith.extui %lt3A_392 : i1 to i32
      %cond3A_394 = arith.constant 0 : i32
      %cond3A_395 = arith.cmpi ne, %convert_element_type3A_393, %cond3A_394 : i32
      scf.if %cond3A_395 {
        %add3A_417 = arith.constant 4 : i32
        %add3A_418 = arith.addi %mul3A_259, %add3A_417 : i32
        %dma_wait3A_419 = arith.constant 0 : i32
        %dma_wait3A_420 = arith.constant 0 : i32
        %dma_wait3A_421 = tpu.memref_slice %arg6[%add3A, %add3A_418, %dma_wait3A_419, %dma_wait3A_420] : memref<32x80x2x80xi32, #tpu.memory_space<hbm>> -> memref<1x1x2x80xi32, #tpu.memory_space<hbm>>
        %dma_wait3A_422 = tpu.memref_squeeze %dma_wait3A_421 : memref<1x1x2x80xi32, #tpu.memory_space<hbm>> -> memref<2x80xi32, #tpu.memory_space<hbm>>
        %dma_wait3A_423 = arith.constant 0 : i32
        %dma_wait3A_424 = arith.constant 0 : i32
        %dma_wait3A_425 = tpu.memref_slice %arg6[%add3A, %add3A_418, %dma_wait3A_423, %dma_wait3A_424] : memref<32x80x2x80xi32, #tpu.memory_space<hbm>> -> memref<1x1x2x80xi32, #tpu.memory_space<hbm>>
        %dma_wait3A_426 = tpu.memref_squeeze %dma_wait3A_425 : memref<1x1x2x80xi32, #tpu.memory_space<hbm>> -> memref<2x80xi32, #tpu.memory_space<hbm>>
        tpu.wait_dma2 semaphore(%arg20 : memref<!tpu.dma_semaphore, #tpu.memory_space<semaphore_mem>>) src(%dma_wait3A_426 : memref<2x80xi32, #tpu.memory_space<hbm>>) dst(%arg10 : memref<2x80xi32, #tpu.memory_space<vmem>>)
        %dma_start3A_427 = arith.constant 0 : i32
        %dma_start3A_428 = arith.constant 0 : i32
        %dma_start3A_429 = tpu.memref_slice %arg10[%dma_start3A_427, %dma_start3A_428] : memref<2x80xi32, #tpu.memory_space<vmem>> -> memref<1x80xi32, #tpu.memory_space<vmem>>
        %dma_start3A_430 = tpu.memref_squeeze %dma_start3A_429 : memref<1x80xi32, #tpu.memory_space<vmem>> -> memref<80xi32, #tpu.memory_space<vmem>>
        %dma_start3A_431 = arith.constant 0 : i32
        %dma_start3A_432 = arith.constant 0 : i32
        %dma_start3A_433 = tpu.memref_slice %arg2[%dma_start3A_431, %dma_start3A_432] : memref<50000x64xf32, #tpu.memory_space<hbm>> -> memref<50000x64xf32, #tpu.memory_space<hbm>>
        tpu.enqueue_indirect_dma source(%dma_start3A_433 : memref<50000x64xf32, #tpu.memory_space<hbm>>) target(%arg14 : memref<80x64xf32, #tpu.memory_space<vmem>>) offsets(%dma_start3A_430 : memref<80xi32, #tpu.memory_space<vmem>>) semaphore(%arg16 : memref<!tpu.dma_semaphore, #tpu.memory_space<semaphore_mem>>)
      } else {
      }
      %dma_wait3A_396 = arith.constant 1 : i32
      %dma_wait3A_397 = arith.constant 0 : i32
      %dma_wait3A_398 = tpu.memref_slice %arg13[%dma_wait3A_396, %dma_wait3A_397] : memref<2x80xi32, #tpu.memory_space<vmem>> -> memref<1x80xi32, #tpu.memory_space<vmem>>
      %dma_wait3A_399 = tpu.memref_squeeze %dma_wait3A_398 : memref<1x80xi32, #tpu.memory_space<vmem>> -> memref<80xi32, #tpu.memory_space<vmem>>
      %dma_wait3A_400 = arith.constant 0 : i32
      %dma_wait3A_401 = arith.constant 0 : i32
      %dma_wait3A_402 = tpu.memref_slice %arg9[%dma_wait3A_400, %dma_wait3A_401] : memref<30016x64xf32, #tpu.memory_space<vmem_shared>> -> memref<30016x64xf32, #tpu.memory_space<vmem_shared>>
      tpu.wait_indirect_dma semaphore(%arg19 : memref<!tpu.dma_semaphore, #tpu.memory_space<semaphore_mem>>) src(%arg15 : memref<80x64xf32, #tpu.memory_space<vmem>>) dst(%dma_wait3A_402 : memref<30016x64xf32, #tpu.memory_space<vmem_shared>>)
      %add3A_403 = arith.constant 7 : i32
      %add3A_404 = arith.addi %mul3A_259, %add3A_403 : i32
      %lt3A_405 = arith.constant 80 : i32
      %lt3A_406 = arith.cmpi slt, %add3A_404, %lt3A_405 : i32
      %convert_element_type3A_407 = arith.extui %lt3A_406 : i1 to i32
      %cond3A_408 = arith.constant 0 : i32
      %cond3A_409 = arith.cmpi ne, %convert_element_type3A_407, %cond3A_408 : i32
      scf.if %cond3A_409 {
        %add3A_417 = arith.constant 7 : i32
        %add3A_418 = arith.addi %mul3A_259, %add3A_417 : i32
        %dma_start3A_419 = arith.constant 0 : i32
        %dma_start3A_420 = arith.constant 0 : i32
        %dma_start3A_421 = tpu.memref_slice %arg6[%add3A, %add3A_418, %dma_start3A_419, %dma_start3A_420] : memref<32x80x2x80xi32, #tpu.memory_space<hbm>> -> memref<1x1x2x80xi32, #tpu.memory_space<hbm>>
        %dma_start3A_422 = tpu.memref_squeeze %dma_start3A_421 : memref<1x1x2x80xi32, #tpu.memory_space<hbm>> -> memref<2x80xi32, #tpu.memory_space<hbm>>
        %dma_start3A_423 = arith.constant 0 : i32
        %dma_start3A_424 = arith.constant 0 : i32
        %dma_start3A_425 = tpu.memref_slice %arg6[%add3A, %add3A_418, %dma_start3A_423, %dma_start3A_424] : memref<32x80x2x80xi32, #tpu.memory_space<hbm>> -> memref<1x1x2x80xi32, #tpu.memory_space<hbm>>
        %dma_start3A_426 = tpu.memref_squeeze %dma_start3A_425 : memref<1x1x2x80xi32, #tpu.memory_space<hbm>> -> memref<2x80xi32, #tpu.memory_space<hbm>>
        tpu.enqueue_dma source(%dma_start3A_426 : memref<2x80xi32, #tpu.memory_space<hbm>>) target(%arg13 : memref<2x80xi32, #tpu.memory_space<vmem>>) target_semaphore(%arg23 : memref<!tpu.dma_semaphore, #tpu.memory_space<semaphore_mem>>)
      } else {
      }
      %add3A_410 = arith.constant 5 : i32
      %add3A_411 = arith.addi %mul3A_259, %add3A_410 : i32
      %lt3A_412 = arith.constant 80 : i32
      %lt3A_413 = arith.cmpi slt, %add3A_411, %lt3A_412 : i32
      %convert_element_type3A_414 = arith.extui %lt3A_413 : i1 to i32
      %cond3A_415 = arith.constant 0 : i32
      %cond3A_416 = arith.cmpi ne, %convert_element_type3A_414, %cond3A_415 : i32
      scf.if %cond3A_416 {
        %add3A_417 = arith.constant 5 : i32
        %add3A_418 = arith.addi %mul3A_259, %add3A_417 : i32
        %dma_wait3A_419 = arith.constant 0 : i32
        %dma_wait3A_420 = arith.constant 0 : i32
        %dma_wait3A_421 = tpu.memref_slice %arg6[%add3A, %add3A_418, %dma_wait3A_419, %dma_wait3A_420] : memref<32x80x2x80xi32, #tpu.memory_space<hbm>> -> memref<1x1x2x80xi32, #tpu.memory_space<hbm>>
        %dma_wait3A_422 = tpu.memref_squeeze %dma_wait3A_421 : memref<1x1x2x80xi32, #tpu.memory_space<hbm>> -> memref<2x80xi32, #tpu.memory_space<hbm>>
        %dma_wait3A_423 = arith.constant 0 : i32
        %dma_wait3A_424 = arith.constant 0 : i32
        %dma_wait3A_425 = tpu.memref_slice %arg6[%add3A, %add3A_418, %dma_wait3A_423, %dma_wait3A_424] : memref<32x80x2x80xi32, #tpu.memory_space<hbm>> -> memref<1x1x2x80xi32, #tpu.memory_space<hbm>>
        %dma_wait3A_426 = tpu.memref_squeeze %dma_wait3A_425 : memref<1x1x2x80xi32, #tpu.memory_space<hbm>> -> memref<2x80xi32, #tpu.memory_space<hbm>>
        tpu.wait_dma2 semaphore(%arg21 : memref<!tpu.dma_semaphore, #tpu.memory_space<semaphore_mem>>) src(%dma_wait3A_426 : memref<2x80xi32, #tpu.memory_space<hbm>>) dst(%arg11 : memref<2x80xi32, #tpu.memory_space<vmem>>)
        %dma_start3A_427 = arith.constant 0 : i32
        %dma_start3A_428 = arith.constant 0 : i32
        %dma_start3A_429 = tpu.memref_slice %arg11[%dma_start3A_427, %dma_start3A_428] : memref<2x80xi32, #tpu.memory_space<vmem>> -> memref<1x80xi32, #tpu.memory_space<vmem>>
        %dma_start3A_430 = tpu.memref_squeeze %dma_start3A_429 : memref<1x80xi32, #tpu.memory_space<vmem>> -> memref<80xi32, #tpu.memory_space<vmem>>
        %dma_start3A_431 = arith.constant 0 : i32
        %dma_start3A_432 = arith.constant 0 : i32
        %dma_start3A_433 = tpu.memref_slice %arg2[%dma_start3A_431, %dma_start3A_432] : memref<50000x64xf32, #tpu.memory_space<hbm>> -> memref<50000x64xf32, #tpu.memory_space<hbm>>
        tpu.enqueue_indirect_dma source(%dma_start3A_433 : memref<50000x64xf32, #tpu.memory_space<hbm>>) target(%arg15 : memref<80x64xf32, #tpu.memory_space<vmem>>) offsets(%dma_start3A_430 : memref<80xi32, #tpu.memory_space<vmem>>) semaphore(%arg17 : memref<!tpu.dma_semaphore, #tpu.memory_space<semaphore_mem>>)
      } else {
      }
    }
    %scan3A_248 = arith.constant 20 : i32
    %barrier3A_249 = arith.constant 0 : index
    tpu.barrier barrier_id(%barrier3A_249)
    %mul3A_250 = arith.constant 1880 : i32
    %mul3A_251 = arith.muli %arg1, %mul3A_250 : i32
    %min3A_252 = arith.constant 28120 : i32
    %min3A_253 = arith.minsi %mul3A_251, %min3A_252 : i32
    %add3A_254 = arith.constant 0 : i32
    %add3A_255 = arith.addi %add3A_254, %min3A_253 : i32
    "tpu.region"() ({
      %run_scoped3A = tpu.sem_alloc : memref<!tpu.dma_semaphore, #tpu.memory_space<semaphore_mem>>
      %dma_start3A_257 = arith.constant 0 : i32
      %dma_start3A_258 = tpu.memref_slice %arg8[%arg0, %add3A_255, %dma_start3A_257] : memref<2x50000x64xf32, #tpu.memory_space<hbm>> -> memref<1x1880x64xf32, #tpu.memory_space<hbm>>
      %dma_start3A_259 = tpu.memref_squeeze %dma_start3A_258 : memref<1x1880x64xf32, #tpu.memory_space<hbm>> -> memref<1880x64xf32, #tpu.memory_space<hbm>>
      %dma_start3A_260 = arith.constant 0 : i32
      %dma_start3A_261 = tpu.memref_slice %arg9[%min3A_253, %dma_start3A_260] : memref<30016x64xf32, #tpu.memory_space<vmem_shared>> -> memref<1880x64xf32, #tpu.memory_space<vmem_shared>>
      tpu.enqueue_dma source(%dma_start3A_261 : memref<1880x64xf32, #tpu.memory_space<vmem_shared>>) target(%dma_start3A_259 : memref<1880x64xf32, #tpu.memory_space<hbm>>) target_semaphore(%run_scoped3A : memref<!tpu.dma_semaphore, #tpu.memory_space<semaphore_mem>>)
      %dma_wait3A_262 = arith.constant 0 : i32
      %dma_wait3A_263 = tpu.memref_slice %arg8[%arg0, %add3A_255, %dma_wait3A_262] : memref<2x50000x64xf32, #tpu.memory_space<hbm>> -> memref<1x1880x64xf32, #tpu.memory_space<hbm>>
      %dma_wait3A_264 = tpu.memref_squeeze %dma_wait3A_263 : memref<1x1880x64xf32, #tpu.memory_space<hbm>> -> memref<1880x64xf32, #tpu.memory_space<hbm>>
      %dma_wait3A_265 = arith.constant 0 : i32
      %dma_wait3A_266 = tpu.memref_slice %arg9[%min3A_253, %dma_wait3A_265] : memref<30016x64xf32, #tpu.memory_space<vmem_shared>> -> memref<1880x64xf32, #tpu.memory_space<vmem_shared>>
      tpu.wait_dma2 semaphore(%run_scoped3A : memref<!tpu.dma_semaphore, #tpu.memory_space<semaphore_mem>>) src(%dma_wait3A_266 : memref<1880x64xf32, #tpu.memory_space<vmem_shared>>) dst(%dma_wait3A_264 : memref<1880x64xf32, #tpu.memory_space<hbm>>)
      tpu.yield
    }) : () -> ()
    %barrier3A_256 = arith.constant 0 : index
    tpu.barrier barrier_id(%barrier3A_256)
    return
  }
}

#map = affine_map<(d0, d1) -> (0, 0)>
#map1 = affine_map<(d0, d1) -> (0, 0, 0, 0)>
#map2 = affine_map<(d0, d1) -> (0, 0, 0)>
module attributes {stable_mosaic.version = 14 : i64} {
  func.func @k(%arg0: i32, %arg1: i32, %arg2: memref<80x16xf32, #tpu.memory_space<hbm>>, %arg3: memref<1880x16xf32, #tpu.memory_space<hbm>>, %arg4: memref<32x80x2x80xi32, #tpu.memory_space<hbm>>, %arg5: memref<32x80x2x80xi32, #tpu.memory_space<hbm>>, %arg6: memref<32x80x2x80xi32, #tpu.memory_space<hbm>>, %arg7: memref<2x50000x16xf32, #tpu.memory_space<hbm>>, %arg8: memref<2x50000x16xf32, #tpu.memory_space<hbm>>, %arg9: memref<30016x16xf32, #tpu.memory_space<vmem_shared>>, %arg10: memref<80x2x80xi32, #tpu.memory_space<vmem>>, %arg11: memref<80x16xf32, #tpu.memory_space<vmem>>) attributes {dimension_semantics = [#tpu.dimension_semantics<core_parallel>, #tpu.dimension_semantics<subcore_parallel>], iteration_bounds = array<i64: 2, 16>, scalar_prefetch = 0 : i64, scratch_operands = 3 : i64, tpu.core_type = #tpu.core_type<sc_vector_subcore>, window_params = [{transform_indices = #map}, {transform_indices = #map}, {transform_indices = #map1}, {transform_indices = #map1}, {transform_indices = #map1}, {transform_indices = #map2}, {transform_indices = #map2}]} {
    %mul3A = arith.constant 16 : i32
    %mul3A_0 = arith.muli %arg0, %mul3A : i32
    %add3A = arith.addi %mul3A_0, %arg1 : i32
    "tpu.region"() ({
      %run_scoped3A = tpu.sem_alloc : memref<!tpu.dma_semaphore, #tpu.memory_space<semaphore_mem>>
      tpu.enqueue_dma source(%arg2 : memref<80x16xf32, #tpu.memory_space<hbm>>) target(%arg11 : memref<80x16xf32, #tpu.memory_space<vmem>>) target_semaphore(%run_scoped3A : memref<!tpu.dma_semaphore, #tpu.memory_space<semaphore_mem>>)
      tpu.wait_dma2 semaphore(%run_scoped3A : memref<!tpu.dma_semaphore, #tpu.memory_space<semaphore_mem>>) src(%arg2 : memref<80x16xf32, #tpu.memory_space<hbm>>) dst(%arg11 : memref<80x16xf32, #tpu.memory_space<vmem>>)
      tpu.yield
    }) : () -> ()
    %mul3A_1 = arith.constant 1880 : i32
    %mul3A_2 = arith.muli %arg1, %mul3A_1 : i32
    %min3A = arith.constant 28120 : i32
    %min3A_3 = arith.minsi %mul3A_2, %min3A : i32
    "tpu.region"() ({
      %run_scoped3A = tpu.sem_alloc : memref<!tpu.dma_semaphore, #tpu.memory_space<semaphore_mem>>
      %dma_start3A = arith.constant 0 : i32
      %dma_start3A_55 = tpu.memref_slice %arg9[%min3A_3, %dma_start3A] : memref<30016x16xf32, #tpu.memory_space<vmem_shared>> -> memref<1880x16xf32, #tpu.memory_space<vmem_shared>>
      %dma_start3A_56 = arith.constant 0 : i32
      %dma_start3A_57 = arith.constant 0 : i32
      %dma_start3A_58 = tpu.memref_slice %arg3[%dma_start3A_56, %dma_start3A_57] : memref<1880x16xf32, #tpu.memory_space<hbm>> -> memref<1880x16xf32, #tpu.memory_space<hbm>>
      tpu.enqueue_dma source(%dma_start3A_58 : memref<1880x16xf32, #tpu.memory_space<hbm>>) target(%dma_start3A_55 : memref<1880x16xf32, #tpu.memory_space<vmem_shared>>) target_semaphore(%run_scoped3A : memref<!tpu.dma_semaphore, #tpu.memory_space<semaphore_mem>>)
      %dma_wait3A = arith.constant 0 : i32
      %dma_wait3A_59 = tpu.memref_slice %arg9[%min3A_3, %dma_wait3A] : memref<30016x16xf32, #tpu.memory_space<vmem_shared>> -> memref<1880x16xf32, #tpu.memory_space<vmem_shared>>
      %dma_wait3A_60 = arith.constant 0 : i32
      %dma_wait3A_61 = arith.constant 0 : i32
      %dma_wait3A_62 = tpu.memref_slice %arg3[%dma_wait3A_60, %dma_wait3A_61] : memref<1880x16xf32, #tpu.memory_space<hbm>> -> memref<1880x16xf32, #tpu.memory_space<hbm>>
      tpu.wait_dma2 semaphore(%run_scoped3A : memref<!tpu.dma_semaphore, #tpu.memory_space<semaphore_mem>>) src(%dma_wait3A_62 : memref<1880x16xf32, #tpu.memory_space<hbm>>) dst(%dma_wait3A_59 : memref<1880x16xf32, #tpu.memory_space<vmem_shared>>)
      tpu.yield
    }) : () -> ()
    "tpu.region"() ({
      %run_scoped3A = tpu.sem_alloc : memref<!tpu.dma_semaphore, #tpu.memory_space<semaphore_mem>>
      %dma_start3A = arith.constant 0 : i32
      %dma_start3A_55 = arith.constant 0 : i32
      %dma_start3A_56 = arith.constant 0 : i32
      %dma_start3A_57 = tpu.memref_slice %arg4[%add3A, %dma_start3A, %dma_start3A_55, %dma_start3A_56] : memref<32x80x2x80xi32, #tpu.memory_space<hbm>> -> memref<1x80x2x80xi32, #tpu.memory_space<hbm>>
      %dma_start3A_58 = tpu.memref_squeeze %dma_start3A_57 : memref<1x80x2x80xi32, #tpu.memory_space<hbm>> -> memref<80x2x80xi32, #tpu.memory_space<hbm>>
      %dma_start3A_59 = arith.constant 0 : i32
      %dma_start3A_60 = arith.constant 0 : i32
      %dma_start3A_61 = arith.constant 0 : i32
      %dma_start3A_62 = tpu.memref_slice %arg4[%add3A, %dma_start3A_59, %dma_start3A_60, %dma_start3A_61] : memref<32x80x2x80xi32, #tpu.memory_space<hbm>> -> memref<1x80x2x80xi32, #tpu.memory_space<hbm>>
      %dma_start3A_63 = tpu.memref_squeeze %dma_start3A_62 : memref<1x80x2x80xi32, #tpu.memory_space<hbm>> -> memref<80x2x80xi32, #tpu.memory_space<hbm>>
      tpu.enqueue_dma source(%dma_start3A_63 : memref<80x2x80xi32, #tpu.memory_space<hbm>>) target(%arg10 : memref<80x2x80xi32, #tpu.memory_space<vmem>>) target_semaphore(%run_scoped3A : memref<!tpu.dma_semaphore, #tpu.memory_space<semaphore_mem>>)
      %dma_wait3A = arith.constant 0 : i32
      %dma_wait3A_64 = arith.constant 0 : i32
      %dma_wait3A_65 = arith.constant 0 : i32
      %dma_wait3A_66 = tpu.memref_slice %arg4[%add3A, %dma_wait3A, %dma_wait3A_64, %dma_wait3A_65] : memref<32x80x2x80xi32, #tpu.memory_space<hbm>> -> memref<1x80x2x80xi32, #tpu.memory_space<hbm>>
      %dma_wait3A_67 = tpu.memref_squeeze %dma_wait3A_66 : memref<1x80x2x80xi32, #tpu.memory_space<hbm>> -> memref<80x2x80xi32, #tpu.memory_space<hbm>>
      %dma_wait3A_68 = arith.constant 0 : i32
      %dma_wait3A_69 = arith.constant 0 : i32
      %dma_wait3A_70 = arith.constant 0 : i32
      %dma_wait3A_71 = tpu.memref_slice %arg4[%add3A, %dma_wait3A_68, %dma_wait3A_69, %dma_wait3A_70] : memref<32x80x2x80xi32, #tpu.memory_space<hbm>> -> memref<1x80x2x80xi32, #tpu.memory_space<hbm>>
      %dma_wait3A_72 = tpu.memref_squeeze %dma_wait3A_71 : memref<1x80x2x80xi32, #tpu.memory_space<hbm>> -> memref<80x2x80xi32, #tpu.memory_space<hbm>>
      tpu.wait_dma2 semaphore(%run_scoped3A : memref<!tpu.dma_semaphore, #tpu.memory_space<semaphore_mem>>) src(%dma_wait3A_72 : memref<80x2x80xi32, #tpu.memory_space<hbm>>) dst(%arg10 : memref<80x2x80xi32, #tpu.memory_space<vmem>>)
      tpu.yield
    }) : () -> ()
    %barrier3A = arith.constant 0 : index
    tpu.barrier barrier_id(%barrier3A)
    %scan3A = arith.constant 0 : i32
    %scan3A_4 = arith.constant 0 : i32
    %scan3A_5 = arith.constant 80 : i32
    %scan3A_6 = arith.addi %scan3A_4, %scan3A_5 : i32
    %scan3A_7 = arith.constant 1 : i32
    scf.for %scan3A_55 = %scan3A_4 to %scan3A_6 step %scan3A_7  : i32 {
      %run_scoped3A = arith.constant 1 : i32
      "tpu.region"() ({
        %run_scoped3A_56 = tpu.sem_alloc : memref<!tpu.dma_semaphore, #tpu.memory_space<semaphore_mem>>
        %dma_start3A = arith.constant 0 : i32
        %dma_start3A_57 = tpu.memref_slice %arg10[%scan3A_55, %run_scoped3A, %dma_start3A] : memref<80x2x80xi32, #tpu.memory_space<vmem>> -> memref<1x1x80xi32, #tpu.memory_space<vmem>>
        %dma_start3A_58 = tpu.memref_squeeze %dma_start3A_57 : memref<1x1x80xi32, #tpu.memory_space<vmem>> -> memref<80xi32, #tpu.memory_space<vmem>>
        %dma_start3A_59 = arith.constant 0 : i32
        %dma_start3A_60 = arith.constant 0 : i32
        %dma_start3A_61 = tpu.memref_slice %arg9[%dma_start3A_59, %dma_start3A_60] : memref<30016x16xf32, #tpu.memory_space<vmem_shared>> -> memref<30016x16xf32, #tpu.memory_space<vmem_shared>>
        tpu.enqueue_indirect_dma source(%arg11 : memref<80x16xf32, #tpu.memory_space<vmem>>) target(%dma_start3A_61 : memref<30016x16xf32, #tpu.memory_space<vmem_shared>>) offsets(%dma_start3A_58 : memref<80xi32, #tpu.memory_space<vmem>>) semaphore(%run_scoped3A_56 : memref<!tpu.dma_semaphore, #tpu.memory_space<semaphore_mem>>) {add = true}
        %dma_wait3A = arith.constant 0 : i32
        %dma_wait3A_62 = tpu.memref_slice %arg10[%scan3A_55, %run_scoped3A, %dma_wait3A] : memref<80x2x80xi32, #tpu.memory_space<vmem>> -> memref<1x1x80xi32, #tpu.memory_space<vmem>>
        %dma_wait3A_63 = tpu.memref_squeeze %dma_wait3A_62 : memref<1x1x80xi32, #tpu.memory_space<vmem>> -> memref<80xi32, #tpu.memory_space<vmem>>
        %dma_wait3A_64 = arith.constant 0 : i32
        %dma_wait3A_65 = arith.constant 0 : i32
        %dma_wait3A_66 = tpu.memref_slice %arg9[%dma_wait3A_64, %dma_wait3A_65] : memref<30016x16xf32, #tpu.memory_space<vmem_shared>> -> memref<30016x16xf32, #tpu.memory_space<vmem_shared>>
        tpu.wait_indirect_dma semaphore(%run_scoped3A_56 : memref<!tpu.dma_semaphore, #tpu.memory_space<semaphore_mem>>) src(%arg11 : memref<80x16xf32, #tpu.memory_space<vmem>>) dst(%dma_wait3A_66 : memref<30016x16xf32, #tpu.memory_space<vmem_shared>>)
        tpu.yield
      }) : () -> ()
    }
    %scan3A_8 = arith.constant 80 : i32
    %barrier3A_9 = arith.constant 0 : index
    tpu.barrier barrier_id(%barrier3A_9)
    %mul3A_10 = arith.constant 1880 : i32
    %mul3A_11 = arith.muli %arg1, %mul3A_10 : i32
    %min3A_12 = arith.constant 28120 : i32
    %min3A_13 = arith.minsi %mul3A_11, %min3A_12 : i32
    %add3A_14 = arith.constant 0 : i32
    %add3A_15 = arith.addi %add3A_14, %min3A_13 : i32
    "tpu.region"() ({
      %run_scoped3A = tpu.sem_alloc : memref<!tpu.dma_semaphore, #tpu.memory_space<semaphore_mem>>
      %dma_start3A = arith.constant 0 : i32
      %dma_start3A_55 = tpu.memref_slice %arg7[%arg0, %add3A_15, %dma_start3A] : memref<2x50000x16xf32, #tpu.memory_space<hbm>> -> memref<1x1880x16xf32, #tpu.memory_space<hbm>>
      %dma_start3A_56 = tpu.memref_squeeze %dma_start3A_55 : memref<1x1880x16xf32, #tpu.memory_space<hbm>> -> memref<1880x16xf32, #tpu.memory_space<hbm>>
      %dma_start3A_57 = arith.constant 0 : i32
      %dma_start3A_58 = tpu.memref_slice %arg9[%min3A_13, %dma_start3A_57] : memref<30016x16xf32, #tpu.memory_space<vmem_shared>> -> memref<1880x16xf32, #tpu.memory_space<vmem_shared>>
      tpu.enqueue_dma source(%dma_start3A_58 : memref<1880x16xf32, #tpu.memory_space<vmem_shared>>) target(%dma_start3A_56 : memref<1880x16xf32, #tpu.memory_space<hbm>>) target_semaphore(%run_scoped3A : memref<!tpu.dma_semaphore, #tpu.memory_space<semaphore_mem>>)
      %dma_wait3A = arith.constant 0 : i32
      %dma_wait3A_59 = tpu.memref_slice %arg7[%arg0, %add3A_15, %dma_wait3A] : memref<2x50000x16xf32, #tpu.memory_space<hbm>> -> memref<1x1880x16xf32, #tpu.memory_space<hbm>>
      %dma_wait3A_60 = tpu.memref_squeeze %dma_wait3A_59 : memref<1x1880x16xf32, #tpu.memory_space<hbm>> -> memref<1880x16xf32, #tpu.memory_space<hbm>>
      %dma_wait3A_61 = arith.constant 0 : i32
      %dma_wait3A_62 = tpu.memref_slice %arg9[%min3A_13, %dma_wait3A_61] : memref<30016x16xf32, #tpu.memory_space<vmem_shared>> -> memref<1880x16xf32, #tpu.memory_space<vmem_shared>>
      tpu.wait_dma2 semaphore(%run_scoped3A : memref<!tpu.dma_semaphore, #tpu.memory_space<semaphore_mem>>) src(%dma_wait3A_62 : memref<1880x16xf32, #tpu.memory_space<vmem_shared>>) dst(%dma_wait3A_60 : memref<1880x16xf32, #tpu.memory_space<hbm>>)
      tpu.yield
    }) : () -> ()
    %barrier3A_16 = arith.constant 0 : index
    tpu.barrier barrier_id(%barrier3A_16)
    %mul3A_17 = arith.constant 1256 : i32
    %mul3A_18 = arith.muli %arg1, %mul3A_17 : i32
    %min3A_19 = arith.constant 18744 : i32
    %min3A_20 = arith.minsi %mul3A_18, %min3A_19 : i32
    "tpu.region"() ({
      %run_scoped3A = tpu.sem_alloc : memref<!tpu.dma_semaphore, #tpu.memory_space<semaphore_mem>>
      %dma_start3A = arith.constant 0 : i32
      %dma_start3A_55 = tpu.memref_slice %arg9[%min3A_20, %dma_start3A] : memref<30016x16xf32, #tpu.memory_space<vmem_shared>> -> memref<1256x16xf32, #tpu.memory_space<vmem_shared>>
      %dma_start3A_56 = arith.constant 0 : i32
      %dma_start3A_57 = arith.constant 0 : i32
      %dma_start3A_58 = tpu.memref_slice %arg3[%dma_start3A_56, %dma_start3A_57] : memref<1880x16xf32, #tpu.memory_space<hbm>> -> memref<1256x16xf32, #tpu.memory_space<hbm>>
      tpu.enqueue_dma source(%dma_start3A_58 : memref<1256x16xf32, #tpu.memory_space<hbm>>) target(%dma_start3A_55 : memref<1256x16xf32, #tpu.memory_space<vmem_shared>>) target_semaphore(%run_scoped3A : memref<!tpu.dma_semaphore, #tpu.memory_space<semaphore_mem>>)
      %dma_wait3A = arith.constant 0 : i32
      %dma_wait3A_59 = tpu.memref_slice %arg9[%min3A_20, %dma_wait3A] : memref<30016x16xf32, #tpu.memory_space<vmem_shared>> -> memref<1256x16xf32, #tpu.memory_space<vmem_shared>>
      %dma_wait3A_60 = arith.constant 0 : i32
      %dma_wait3A_61 = arith.constant 0 : i32
      %dma_wait3A_62 = tpu.memref_slice %arg3[%dma_wait3A_60, %dma_wait3A_61] : memref<1880x16xf32, #tpu.memory_space<hbm>> -> memref<1256x16xf32, #tpu.memory_space<hbm>>
      tpu.wait_dma2 semaphore(%run_scoped3A : memref<!tpu.dma_semaphore, #tpu.memory_space<semaphore_mem>>) src(%dma_wait3A_62 : memref<1256x16xf32, #tpu.memory_space<hbm>>) dst(%dma_wait3A_59 : memref<1256x16xf32, #tpu.memory_space<vmem_shared>>)
      tpu.yield
    }) : () -> ()
    "tpu.region"() ({
      %run_scoped3A = tpu.sem_alloc : memref<!tpu.dma_semaphore, #tpu.memory_space<semaphore_mem>>
      %dma_start3A = arith.constant 0 : i32
      %dma_start3A_55 = arith.constant 0 : i32
      %dma_start3A_56 = arith.constant 0 : i32
      %dma_start3A_57 = tpu.memref_slice %arg5[%add3A, %dma_start3A, %dma_start3A_55, %dma_start3A_56] : memref<32x80x2x80xi32, #tpu.memory_space<hbm>> -> memref<1x80x2x80xi32, #tpu.memory_space<hbm>>
      %dma_start3A_58 = tpu.memref_squeeze %dma_start3A_57 : memref<1x80x2x80xi32, #tpu.memory_space<hbm>> -> memref<80x2x80xi32, #tpu.memory_space<hbm>>
      %dma_start3A_59 = arith.constant 0 : i32
      %dma_start3A_60 = arith.constant 0 : i32
      %dma_start3A_61 = arith.constant 0 : i32
      %dma_start3A_62 = tpu.memref_slice %arg5[%add3A, %dma_start3A_59, %dma_start3A_60, %dma_start3A_61] : memref<32x80x2x80xi32, #tpu.memory_space<hbm>> -> memref<1x80x2x80xi32, #tpu.memory_space<hbm>>
      %dma_start3A_63 = tpu.memref_squeeze %dma_start3A_62 : memref<1x80x2x80xi32, #tpu.memory_space<hbm>> -> memref<80x2x80xi32, #tpu.memory_space<hbm>>
      tpu.enqueue_dma source(%dma_start3A_63 : memref<80x2x80xi32, #tpu.memory_space<hbm>>) target(%arg10 : memref<80x2x80xi32, #tpu.memory_space<vmem>>) target_semaphore(%run_scoped3A : memref<!tpu.dma_semaphore, #tpu.memory_space<semaphore_mem>>)
      %dma_wait3A = arith.constant 0 : i32
      %dma_wait3A_64 = arith.constant 0 : i32
      %dma_wait3A_65 = arith.constant 0 : i32
      %dma_wait3A_66 = tpu.memref_slice %arg5[%add3A, %dma_wait3A, %dma_wait3A_64, %dma_wait3A_65] : memref<32x80x2x80xi32, #tpu.memory_space<hbm>> -> memref<1x80x2x80xi32, #tpu.memory_space<hbm>>
      %dma_wait3A_67 = tpu.memref_squeeze %dma_wait3A_66 : memref<1x80x2x80xi32, #tpu.memory_space<hbm>> -> memref<80x2x80xi32, #tpu.memory_space<hbm>>
      %dma_wait3A_68 = arith.constant 0 : i32
      %dma_wait3A_69 = arith.constant 0 : i32
      %dma_wait3A_70 = arith.constant 0 : i32
      %dma_wait3A_71 = tpu.memref_slice %arg5[%add3A, %dma_wait3A_68, %dma_wait3A_69, %dma_wait3A_70] : memref<32x80x2x80xi32, #tpu.memory_space<hbm>> -> memref<1x80x2x80xi32, #tpu.memory_space<hbm>>
      %dma_wait3A_72 = tpu.memref_squeeze %dma_wait3A_71 : memref<1x80x2x80xi32, #tpu.memory_space<hbm>> -> memref<80x2x80xi32, #tpu.memory_space<hbm>>
      tpu.wait_dma2 semaphore(%run_scoped3A : memref<!tpu.dma_semaphore, #tpu.memory_space<semaphore_mem>>) src(%dma_wait3A_72 : memref<80x2x80xi32, #tpu.memory_space<hbm>>) dst(%arg10 : memref<80x2x80xi32, #tpu.memory_space<vmem>>)
      tpu.yield
    }) : () -> ()
    %barrier3A_21 = arith.constant 0 : index
    tpu.barrier barrier_id(%barrier3A_21)
    %scan3A_22 = arith.constant 0 : i32
    %scan3A_23 = arith.constant 0 : i32
    %scan3A_24 = arith.constant 80 : i32
    %scan3A_25 = arith.addi %scan3A_23, %scan3A_24 : i32
    %scan3A_26 = arith.constant 1 : i32
    scf.for %scan3A_55 = %scan3A_23 to %scan3A_25 step %scan3A_26  : i32 {
      %run_scoped3A = arith.constant 1 : i32
      "tpu.region"() ({
        %run_scoped3A_56 = tpu.sem_alloc : memref<!tpu.dma_semaphore, #tpu.memory_space<semaphore_mem>>
        %dma_start3A = arith.constant 0 : i32
        %dma_start3A_57 = tpu.memref_slice %arg10[%scan3A_55, %run_scoped3A, %dma_start3A] : memref<80x2x80xi32, #tpu.memory_space<vmem>> -> memref<1x1x80xi32, #tpu.memory_space<vmem>>
        %dma_start3A_58 = tpu.memref_squeeze %dma_start3A_57 : memref<1x1x80xi32, #tpu.memory_space<vmem>> -> memref<80xi32, #tpu.memory_space<vmem>>
        %dma_start3A_59 = arith.constant 0 : i32
        %dma_start3A_60 = arith.constant 0 : i32
        %dma_start3A_61 = tpu.memref_slice %arg9[%dma_start3A_59, %dma_start3A_60] : memref<30016x16xf32, #tpu.memory_space<vmem_shared>> -> memref<30016x16xf32, #tpu.memory_space<vmem_shared>>
        tpu.enqueue_indirect_dma source(%arg11 : memref<80x16xf32, #tpu.memory_space<vmem>>) target(%dma_start3A_61 : memref<30016x16xf32, #tpu.memory_space<vmem_shared>>) offsets(%dma_start3A_58 : memref<80xi32, #tpu.memory_space<vmem>>) semaphore(%run_scoped3A_56 : memref<!tpu.dma_semaphore, #tpu.memory_space<semaphore_mem>>) {add = true}
        %dma_wait3A = arith.constant 0 : i32
        %dma_wait3A_62 = tpu.memref_slice %arg10[%scan3A_55, %run_scoped3A, %dma_wait3A] : memref<80x2x80xi32, #tpu.memory_space<vmem>> -> memref<1x1x80xi32, #tpu.memory_space<vmem>>
        %dma_wait3A_63 = tpu.memref_squeeze %dma_wait3A_62 : memref<1x1x80xi32, #tpu.memory_space<vmem>> -> memref<80xi32, #tpu.memory_space<vmem>>
        %dma_wait3A_64 = arith.constant 0 : i32
        %dma_wait3A_65 = arith.constant 0 : i32
        %dma_wait3A_66 = tpu.memref_slice %arg9[%dma_wait3A_64, %dma_wait3A_65] : memref<30016x16xf32, #tpu.memory_space<vmem_shared>> -> memref<30016x16xf32, #tpu.memory_space<vmem_shared>>
        tpu.wait_indirect_dma semaphore(%run_scoped3A_56 : memref<!tpu.dma_semaphore, #tpu.memory_space<semaphore_mem>>) src(%arg11 : memref<80x16xf32, #tpu.memory_space<vmem>>) dst(%dma_wait3A_66 : memref<30016x16xf32, #tpu.memory_space<vmem_shared>>)
        tpu.yield
      }) : () -> ()
    }
    %scan3A_27 = arith.constant 80 : i32
    %barrier3A_28 = arith.constant 0 : index
    tpu.barrier barrier_id(%barrier3A_28)
    %mul3A_29 = arith.constant 1256 : i32
    %mul3A_30 = arith.muli %arg1, %mul3A_29 : i32
    %min3A_31 = arith.constant 18744 : i32
    %min3A_32 = arith.minsi %mul3A_30, %min3A_31 : i32
    %add3A_33 = arith.constant 30000 : i32
    %add3A_34 = arith.addi %add3A_33, %min3A_32 : i32
    "tpu.region"() ({
      %run_scoped3A = tpu.sem_alloc : memref<!tpu.dma_semaphore, #tpu.memory_space<semaphore_mem>>
      %dma_start3A = arith.constant 0 : i32
      %dma_start3A_55 = tpu.memref_slice %arg7[%arg0, %add3A_34, %dma_start3A] : memref<2x50000x16xf32, #tpu.memory_space<hbm>> -> memref<1x1256x16xf32, #tpu.memory_space<hbm>>
      %dma_start3A_56 = tpu.memref_squeeze %dma_start3A_55 : memref<1x1256x16xf32, #tpu.memory_space<hbm>> -> memref<1256x16xf32, #tpu.memory_space<hbm>>
      %dma_start3A_57 = arith.constant 0 : i32
      %dma_start3A_58 = tpu.memref_slice %arg9[%min3A_32, %dma_start3A_57] : memref<30016x16xf32, #tpu.memory_space<vmem_shared>> -> memref<1256x16xf32, #tpu.memory_space<vmem_shared>>
      tpu.enqueue_dma source(%dma_start3A_58 : memref<1256x16xf32, #tpu.memory_space<vmem_shared>>) target(%dma_start3A_56 : memref<1256x16xf32, #tpu.memory_space<hbm>>) target_semaphore(%run_scoped3A : memref<!tpu.dma_semaphore, #tpu.memory_space<semaphore_mem>>)
      %dma_wait3A = arith.constant 0 : i32
      %dma_wait3A_59 = tpu.memref_slice %arg7[%arg0, %add3A_34, %dma_wait3A] : memref<2x50000x16xf32, #tpu.memory_space<hbm>> -> memref<1x1256x16xf32, #tpu.memory_space<hbm>>
      %dma_wait3A_60 = tpu.memref_squeeze %dma_wait3A_59 : memref<1x1256x16xf32, #tpu.memory_space<hbm>> -> memref<1256x16xf32, #tpu.memory_space<hbm>>
      %dma_wait3A_61 = arith.constant 0 : i32
      %dma_wait3A_62 = tpu.memref_slice %arg9[%min3A_32, %dma_wait3A_61] : memref<30016x16xf32, #tpu.memory_space<vmem_shared>> -> memref<1256x16xf32, #tpu.memory_space<vmem_shared>>
      tpu.wait_dma2 semaphore(%run_scoped3A : memref<!tpu.dma_semaphore, #tpu.memory_space<semaphore_mem>>) src(%dma_wait3A_62 : memref<1256x16xf32, #tpu.memory_space<vmem_shared>>) dst(%dma_wait3A_60 : memref<1256x16xf32, #tpu.memory_space<hbm>>)
      tpu.yield
    }) : () -> ()
    %barrier3A_35 = arith.constant 0 : index
    tpu.barrier barrier_id(%barrier3A_35)
    %mul3A_36 = arith.constant 1880 : i32
    %mul3A_37 = arith.muli %arg1, %mul3A_36 : i32
    %min3A_38 = arith.constant 28120 : i32
    %min3A_39 = arith.minsi %mul3A_37, %min3A_38 : i32
    "tpu.region"() ({
      %run_scoped3A = tpu.sem_alloc : memref<!tpu.dma_semaphore, #tpu.memory_space<semaphore_mem>>
      %dma_start3A = arith.constant 0 : i32
      %dma_start3A_55 = tpu.memref_slice %arg9[%min3A_39, %dma_start3A] : memref<30016x16xf32, #tpu.memory_space<vmem_shared>> -> memref<1880x16xf32, #tpu.memory_space<vmem_shared>>
      %dma_start3A_56 = arith.constant 0 : i32
      %dma_start3A_57 = arith.constant 0 : i32
      %dma_start3A_58 = tpu.memref_slice %arg3[%dma_start3A_56, %dma_start3A_57] : memref<1880x16xf32, #tpu.memory_space<hbm>> -> memref<1880x16xf32, #tpu.memory_space<hbm>>
      tpu.enqueue_dma source(%dma_start3A_58 : memref<1880x16xf32, #tpu.memory_space<hbm>>) target(%dma_start3A_55 : memref<1880x16xf32, #tpu.memory_space<vmem_shared>>) target_semaphore(%run_scoped3A : memref<!tpu.dma_semaphore, #tpu.memory_space<semaphore_mem>>)
      %dma_wait3A = arith.constant 0 : i32
      %dma_wait3A_59 = tpu.memref_slice %arg9[%min3A_39, %dma_wait3A] : memref<30016x16xf32, #tpu.memory_space<vmem_shared>> -> memref<1880x16xf32, #tpu.memory_space<vmem_shared>>
      %dma_wait3A_60 = arith.constant 0 : i32
      %dma_wait3A_61 = arith.constant 0 : i32
      %dma_wait3A_62 = tpu.memref_slice %arg3[%dma_wait3A_60, %dma_wait3A_61] : memref<1880x16xf32, #tpu.memory_space<hbm>> -> memref<1880x16xf32, #tpu.memory_space<hbm>>
      tpu.wait_dma2 semaphore(%run_scoped3A : memref<!tpu.dma_semaphore, #tpu.memory_space<semaphore_mem>>) src(%dma_wait3A_62 : memref<1880x16xf32, #tpu.memory_space<hbm>>) dst(%dma_wait3A_59 : memref<1880x16xf32, #tpu.memory_space<vmem_shared>>)
      tpu.yield
    }) : () -> ()
    "tpu.region"() ({
      %run_scoped3A = tpu.sem_alloc : memref<!tpu.dma_semaphore, #tpu.memory_space<semaphore_mem>>
      %dma_start3A = arith.constant 0 : i32
      %dma_start3A_55 = arith.constant 0 : i32
      %dma_start3A_56 = arith.constant 0 : i32
      %dma_start3A_57 = tpu.memref_slice %arg6[%add3A, %dma_start3A, %dma_start3A_55, %dma_start3A_56] : memref<32x80x2x80xi32, #tpu.memory_space<hbm>> -> memref<1x80x2x80xi32, #tpu.memory_space<hbm>>
      %dma_start3A_58 = tpu.memref_squeeze %dma_start3A_57 : memref<1x80x2x80xi32, #tpu.memory_space<hbm>> -> memref<80x2x80xi32, #tpu.memory_space<hbm>>
      %dma_start3A_59 = arith.constant 0 : i32
      %dma_start3A_60 = arith.constant 0 : i32
      %dma_start3A_61 = arith.constant 0 : i32
      %dma_start3A_62 = tpu.memref_slice %arg6[%add3A, %dma_start3A_59, %dma_start3A_60, %dma_start3A_61] : memref<32x80x2x80xi32, #tpu.memory_space<hbm>> -> memref<1x80x2x80xi32, #tpu.memory_space<hbm>>
      %dma_start3A_63 = tpu.memref_squeeze %dma_start3A_62 : memref<1x80x2x80xi32, #tpu.memory_space<hbm>> -> memref<80x2x80xi32, #tpu.memory_space<hbm>>
      tpu.enqueue_dma source(%dma_start3A_63 : memref<80x2x80xi32, #tpu.memory_space<hbm>>) target(%arg10 : memref<80x2x80xi32, #tpu.memory_space<vmem>>) target_semaphore(%run_scoped3A : memref<!tpu.dma_semaphore, #tpu.memory_space<semaphore_mem>>)
      %dma_wait3A = arith.constant 0 : i32
      %dma_wait3A_64 = arith.constant 0 : i32
      %dma_wait3A_65 = arith.constant 0 : i32
      %dma_wait3A_66 = tpu.memref_slice %arg6[%add3A, %dma_wait3A, %dma_wait3A_64, %dma_wait3A_65] : memref<32x80x2x80xi32, #tpu.memory_space<hbm>> -> memref<1x80x2x80xi32, #tpu.memory_space<hbm>>
      %dma_wait3A_67 = tpu.memref_squeeze %dma_wait3A_66 : memref<1x80x2x80xi32, #tpu.memory_space<hbm>> -> memref<80x2x80xi32, #tpu.memory_space<hbm>>
      %dma_wait3A_68 = arith.constant 0 : i32
      %dma_wait3A_69 = arith.constant 0 : i32
      %dma_wait3A_70 = arith.constant 0 : i32
      %dma_wait3A_71 = tpu.memref_slice %arg6[%add3A, %dma_wait3A_68, %dma_wait3A_69, %dma_wait3A_70] : memref<32x80x2x80xi32, #tpu.memory_space<hbm>> -> memref<1x80x2x80xi32, #tpu.memory_space<hbm>>
      %dma_wait3A_72 = tpu.memref_squeeze %dma_wait3A_71 : memref<1x80x2x80xi32, #tpu.memory_space<hbm>> -> memref<80x2x80xi32, #tpu.memory_space<hbm>>
      tpu.wait_dma2 semaphore(%run_scoped3A : memref<!tpu.dma_semaphore, #tpu.memory_space<semaphore_mem>>) src(%dma_wait3A_72 : memref<80x2x80xi32, #tpu.memory_space<hbm>>) dst(%arg10 : memref<80x2x80xi32, #tpu.memory_space<vmem>>)
      tpu.yield
    }) : () -> ()
    %barrier3A_40 = arith.constant 0 : index
    tpu.barrier barrier_id(%barrier3A_40)
    %scan3A_41 = arith.constant 0 : i32
    %scan3A_42 = arith.constant 0 : i32
    %scan3A_43 = arith.constant 80 : i32
    %scan3A_44 = arith.addi %scan3A_42, %scan3A_43 : i32
    %scan3A_45 = arith.constant 1 : i32
    scf.for %scan3A_55 = %scan3A_42 to %scan3A_44 step %scan3A_45  : i32 {
      %run_scoped3A = arith.constant 1 : i32
      "tpu.region"() ({
        %run_scoped3A_56 = tpu.sem_alloc : memref<!tpu.dma_semaphore, #tpu.memory_space<semaphore_mem>>
        %dma_start3A = arith.constant 0 : i32
        %dma_start3A_57 = tpu.memref_slice %arg10[%scan3A_55, %run_scoped3A, %dma_start3A] : memref<80x2x80xi32, #tpu.memory_space<vmem>> -> memref<1x1x80xi32, #tpu.memory_space<vmem>>
        %dma_start3A_58 = tpu.memref_squeeze %dma_start3A_57 : memref<1x1x80xi32, #tpu.memory_space<vmem>> -> memref<80xi32, #tpu.memory_space<vmem>>
        %dma_start3A_59 = arith.constant 0 : i32
        %dma_start3A_60 = arith.constant 0 : i32
        %dma_start3A_61 = tpu.memref_slice %arg9[%dma_start3A_59, %dma_start3A_60] : memref<30016x16xf32, #tpu.memory_space<vmem_shared>> -> memref<30016x16xf32, #tpu.memory_space<vmem_shared>>
        tpu.enqueue_indirect_dma source(%arg11 : memref<80x16xf32, #tpu.memory_space<vmem>>) target(%dma_start3A_61 : memref<30016x16xf32, #tpu.memory_space<vmem_shared>>) offsets(%dma_start3A_58 : memref<80xi32, #tpu.memory_space<vmem>>) semaphore(%run_scoped3A_56 : memref<!tpu.dma_semaphore, #tpu.memory_space<semaphore_mem>>) {add = true}
        %dma_wait3A = arith.constant 0 : i32
        %dma_wait3A_62 = tpu.memref_slice %arg10[%scan3A_55, %run_scoped3A, %dma_wait3A] : memref<80x2x80xi32, #tpu.memory_space<vmem>> -> memref<1x1x80xi32, #tpu.memory_space<vmem>>
        %dma_wait3A_63 = tpu.memref_squeeze %dma_wait3A_62 : memref<1x1x80xi32, #tpu.memory_space<vmem>> -> memref<80xi32, #tpu.memory_space<vmem>>
        %dma_wait3A_64 = arith.constant 0 : i32
        %dma_wait3A_65 = arith.constant 0 : i32
        %dma_wait3A_66 = tpu.memref_slice %arg9[%dma_wait3A_64, %dma_wait3A_65] : memref<30016x16xf32, #tpu.memory_space<vmem_shared>> -> memref<30016x16xf32, #tpu.memory_space<vmem_shared>>
        tpu.wait_indirect_dma semaphore(%run_scoped3A_56 : memref<!tpu.dma_semaphore, #tpu.memory_space<semaphore_mem>>) src(%arg11 : memref<80x16xf32, #tpu.memory_space<vmem>>) dst(%dma_wait3A_66 : memref<30016x16xf32, #tpu.memory_space<vmem_shared>>)
        tpu.yield
      }) : () -> ()
    }
    %scan3A_46 = arith.constant 80 : i32
    %barrier3A_47 = arith.constant 0 : index
    tpu.barrier barrier_id(%barrier3A_47)
    %mul3A_48 = arith.constant 1880 : i32
    %mul3A_49 = arith.muli %arg1, %mul3A_48 : i32
    %min3A_50 = arith.constant 28120 : i32
    %min3A_51 = arith.minsi %mul3A_49, %min3A_50 : i32
    %add3A_52 = arith.constant 0 : i32
    %add3A_53 = arith.addi %add3A_52, %min3A_51 : i32
    "tpu.region"() ({
      %run_scoped3A = tpu.sem_alloc : memref<!tpu.dma_semaphore, #tpu.memory_space<semaphore_mem>>
      %dma_start3A = arith.constant 0 : i32
      %dma_start3A_55 = tpu.memref_slice %arg8[%arg0, %add3A_53, %dma_start3A] : memref<2x50000x16xf32, #tpu.memory_space<hbm>> -> memref<1x1880x16xf32, #tpu.memory_space<hbm>>
      %dma_start3A_56 = tpu.memref_squeeze %dma_start3A_55 : memref<1x1880x16xf32, #tpu.memory_space<hbm>> -> memref<1880x16xf32, #tpu.memory_space<hbm>>
      %dma_start3A_57 = arith.constant 0 : i32
      %dma_start3A_58 = tpu.memref_slice %arg9[%min3A_51, %dma_start3A_57] : memref<30016x16xf32, #tpu.memory_space<vmem_shared>> -> memref<1880x16xf32, #tpu.memory_space<vmem_shared>>
      tpu.enqueue_dma source(%dma_start3A_58 : memref<1880x16xf32, #tpu.memory_space<vmem_shared>>) target(%dma_start3A_56 : memref<1880x16xf32, #tpu.memory_space<hbm>>) target_semaphore(%run_scoped3A : memref<!tpu.dma_semaphore, #tpu.memory_space<semaphore_mem>>)
      %dma_wait3A = arith.constant 0 : i32
      %dma_wait3A_59 = tpu.memref_slice %arg8[%arg0, %add3A_53, %dma_wait3A] : memref<2x50000x16xf32, #tpu.memory_space<hbm>> -> memref<1x1880x16xf32, #tpu.memory_space<hbm>>
      %dma_wait3A_60 = tpu.memref_squeeze %dma_wait3A_59 : memref<1x1880x16xf32, #tpu.memory_space<hbm>> -> memref<1880x16xf32, #tpu.memory_space<hbm>>
      %dma_wait3A_61 = arith.constant 0 : i32
      %dma_wait3A_62 = tpu.memref_slice %arg9[%min3A_51, %dma_wait3A_61] : memref<30016x16xf32, #tpu.memory_space<vmem_shared>> -> memref<1880x16xf32, #tpu.memory_space<vmem_shared>>
      tpu.wait_dma2 semaphore(%run_scoped3A : memref<!tpu.dma_semaphore, #tpu.memory_space<semaphore_mem>>) src(%dma_wait3A_62 : memref<1880x16xf32, #tpu.memory_space<vmem_shared>>) dst(%dma_wait3A_60 : memref<1880x16xf32, #tpu.memory_space<hbm>>)
      tpu.yield
    }) : () -> ()
    %barrier3A_54 = arith.constant 0 : index
    tpu.barrier barrier_id(%barrier3A_54)
    return
  }
}

#map = affine_map<(d0, d1) -> (0, 0)>
#map1 = affine_map<(d0, d1) -> (0, 0, 0, 0)>
#map2 = affine_map<(d0, d1) -> (0, 0, 0)>
module attributes {stable_mosaic.version = 14 : i64} {
  func.func @k(%arg0: i32, %arg1: i32, %arg2: memref<50000x64xf32, #tpu.memory_space<hbm>>, %arg3: memref<1880x64xf32, #tpu.memory_space<hbm>>, %arg4: memref<32x80x2x80xi32, #tpu.memory_space<hbm>>, %arg5: memref<32x80x2x80xi32, #tpu.memory_space<hbm>>, %arg6: memref<32x80x2x80xi32, #tpu.memory_space<hbm>>, %arg7: memref<2x50000x64xf32, #tpu.memory_space<hbm>>, %arg8: memref<2x50000x64xf32, #tpu.memory_space<hbm>>, %arg9: memref<30016x64xf32, #tpu.memory_space<vmem_shared>>, %arg10: memref<2x80xi32, #tpu.memory_space<vmem>>, %arg11: memref<2x80xi32, #tpu.memory_space<vmem>>, %arg12: memref<2x80xi32, #tpu.memory_space<vmem>>, %arg13: memref<2x80xi32, #tpu.memory_space<vmem>>, %arg14: memref<80x64xf32, #tpu.memory_space<vmem>>, %arg15: memref<80x64xf32, #tpu.memory_space<vmem>>, %arg16: memref<!tpu.dma_semaphore, #tpu.memory_space<semaphore_mem>>, %arg17: memref<!tpu.dma_semaphore, #tpu.memory_space<semaphore_mem>>, %arg18: memref<!tpu.dma_semaphore, #tpu.memory_space<semaphore_mem>>, %arg19: memref<!tpu.dma_semaphore, #tpu.memory_space<semaphore_mem>>, %arg20: memref<!tpu.dma_semaphore, #tpu.memory_space<semaphore_mem>>, %arg21: memref<!tpu.dma_semaphore, #tpu.memory_space<semaphore_mem>>, %arg22: memref<!tpu.dma_semaphore, #tpu.memory_space<semaphore_mem>>, %arg23: memref<!tpu.dma_semaphore, #tpu.memory_space<semaphore_mem>>) attributes {dimension_semantics = [#tpu.dimension_semantics<core_parallel>, #tpu.dimension_semantics<subcore_parallel>], iteration_bounds = array<i64: 2, 16>, scalar_prefetch = 0 : i64, scratch_operands = 15 : i64, tpu.core_type = #tpu.core_type<sc_vector_subcore>, window_params = [{transform_indices = #map}, {transform_indices = #map}, {transform_indices = #map1}, {transform_indices = #map1}, {transform_indices = #map1}, {transform_indices = #map2}, {transform_indices = #map2}]} {
    %mul3A = arith.constant 16 : i32
    %mul3A_0 = arith.muli %arg0, %mul3A : i32
    %add3A = arith.addi %mul3A_0, %arg1 : i32
    %mul3A_1 = arith.constant 1880 : i32
    %mul3A_2 = arith.muli %arg1, %mul3A_1 : i32
    %min3A = arith.constant 28120 : i32
    %min3A_3 = arith.minsi %mul3A_2, %min3A : i32
    "tpu.region"() ({
      %run_scoped3A = tpu.sem_alloc : memref<!tpu.dma_semaphore, #tpu.memory_space<semaphore_mem>>
      %dma_start3A_257 = arith.constant 0 : i32
      %dma_start3A_258 = tpu.memref_slice %arg9[%min3A_3, %dma_start3A_257] : memref<30016x64xf32, #tpu.memory_space<vmem_shared>> -> memref<1880x64xf32, #tpu.memory_space<vmem_shared>>
      %dma_start3A_259 = arith.constant 0 : i32
      %dma_start3A_260 = arith.constant 0 : i32
      %dma_start3A_261 = tpu.memref_slice %arg3[%dma_start3A_259, %dma_start3A_260] : memref<1880x64xf32, #tpu.memory_space<hbm>> -> memref<1880x64xf32, #tpu.memory_space<hbm>>
      tpu.enqueue_dma source(%dma_start3A_261 : memref<1880x64xf32, #tpu.memory_space<hbm>>) target(%dma_start3A_258 : memref<1880x64xf32, #tpu.memory_space<vmem_shared>>) target_semaphore(%run_scoped3A : memref<!tpu.dma_semaphore, #tpu.memory_space<semaphore_mem>>)
      %dma_wait3A_262 = arith.constant 0 : i32
      %dma_wait3A_263 = tpu.memref_slice %arg9[%min3A_3, %dma_wait3A_262] : memref<30016x64xf32, #tpu.memory_space<vmem_shared>> -> memref<1880x64xf32, #tpu.memory_space<vmem_shared>>
      %dma_wait3A_264 = arith.constant 0 : i32
      %dma_wait3A_265 = arith.constant 0 : i32
      %dma_wait3A_266 = tpu.memref_slice %arg3[%dma_wait3A_264, %dma_wait3A_265] : memref<1880x64xf32, #tpu.memory_space<hbm>> -> memref<1880x64xf32, #tpu.memory_space<hbm>>
      tpu.wait_dma2 semaphore(%run_scoped3A : memref<!tpu.dma_semaphore, #tpu.memory_space<semaphore_mem>>) src(%dma_wait3A_266 : memref<1880x64xf32, #tpu.memory_space<hbm>>) dst(%dma_wait3A_263 : memref<1880x64xf32, #tpu.memory_space<vmem_shared>>)
      tpu.yield
    }) : () -> ()
    %dma_start3A = arith.constant 0 : i32
    %dma_start3A_4 = arith.constant 0 : i32
    %dma_start3A_5 = arith.constant 0 : i32
    %dma_start3A_6 = tpu.memref_slice %arg4[%add3A, %dma_start3A, %dma_start3A_4, %dma_start3A_5] : memref<32x80x2x80xi32, #tpu.memory_space<hbm>> -> memref<1x1x2x80xi32, #tpu.memory_space<hbm>>
    %dma_start3A_7 = tpu.memref_squeeze %dma_start3A_6 : memref<1x1x2x80xi32, #tpu.memory_space<hbm>> -> memref<2x80xi32, #tpu.memory_space<hbm>>
    %dma_start3A_8 = arith.constant 0 : i32
    %dma_start3A_9 = arith.constant 0 : i32
    %dma_start3A_10 = tpu.memref_slice %arg4[%add3A, %dma_start3A, %dma_start3A_8, %dma_start3A_9] : memref<32x80x2x80xi32, #tpu.memory_space<hbm>> -> memref<1x1x2x80xi32, #tpu.memory_space<hbm>>
    %dma_start3A_11 = tpu.memref_squeeze %dma_start3A_10 : memref<1x1x2x80xi32, #tpu.memory_space<hbm>> -> memref<2x80xi32, #tpu.memory_space<hbm>>
    tpu.enqueue_dma source(%dma_start3A_11 : memref<2x80xi32, #tpu.memory_space<hbm>>) target(%arg10 : memref<2x80xi32, #tpu.memory_space<vmem>>) target_semaphore(%arg20 : memref<!tpu.dma_semaphore, #tpu.memory_space<semaphore_mem>>)
    %dma_start3A_12 = arith.constant 1 : i32
    %dma_start3A_13 = arith.constant 0 : i32
    %dma_start3A_14 = arith.constant 0 : i32
    %dma_start3A_15 = tpu.memref_slice %arg4[%add3A, %dma_start3A_12, %dma_start3A_13, %dma_start3A_14] : memref<32x80x2x80xi32, #tpu.memory_space<hbm>> -> memref<1x1x2x80xi32, #tpu.memory_space<hbm>>
    %dma_start3A_16 = tpu.memref_squeeze %dma_start3A_15 : memref<1x1x2x80xi32, #tpu.memory_space<hbm>> -> memref<2x80xi32, #tpu.memory_space<hbm>>
    %dma_start3A_17 = arith.constant 0 : i32
    %dma_start3A_18 = arith.constant 0 : i32
    %dma_start3A_19 = tpu.memref_slice %arg4[%add3A, %dma_start3A_12, %dma_start3A_17, %dma_start3A_18] : memref<32x80x2x80xi32, #tpu.memory_space<hbm>> -> memref<1x1x2x80xi32, #tpu.memory_space<hbm>>
    %dma_start3A_20 = tpu.memref_squeeze %dma_start3A_19 : memref<1x1x2x80xi32, #tpu.memory_space<hbm>> -> memref<2x80xi32, #tpu.memory_space<hbm>>
    tpu.enqueue_dma source(%dma_start3A_20 : memref<2x80xi32, #tpu.memory_space<hbm>>) target(%arg11 : memref<2x80xi32, #tpu.memory_space<vmem>>) target_semaphore(%arg21 : memref<!tpu.dma_semaphore, #tpu.memory_space<semaphore_mem>>)
    %dma_start3A_21 = arith.constant 2 : i32
    %dma_start3A_22 = arith.constant 0 : i32
    %dma_start3A_23 = arith.constant 0 : i32
    %dma_start3A_24 = tpu.memref_slice %arg4[%add3A, %dma_start3A_21, %dma_start3A_22, %dma_start3A_23] : memref<32x80x2x80xi32, #tpu.memory_space<hbm>> -> memref<1x1x2x80xi32, #tpu.memory_space<hbm>>
    %dma_start3A_25 = tpu.memref_squeeze %dma_start3A_24 : memref<1x1x2x80xi32, #tpu.memory_space<hbm>> -> memref<2x80xi32, #tpu.memory_space<hbm>>
    %dma_start3A_26 = arith.constant 0 : i32
    %dma_start3A_27 = arith.constant 0 : i32
    %dma_start3A_28 = tpu.memref_slice %arg4[%add3A, %dma_start3A_21, %dma_start3A_26, %dma_start3A_27] : memref<32x80x2x80xi32, #tpu.memory_space<hbm>> -> memref<1x1x2x80xi32, #tpu.memory_space<hbm>>
    %dma_start3A_29 = tpu.memref_squeeze %dma_start3A_28 : memref<1x1x2x80xi32, #tpu.memory_space<hbm>> -> memref<2x80xi32, #tpu.memory_space<hbm>>
    tpu.enqueue_dma source(%dma_start3A_29 : memref<2x80xi32, #tpu.memory_space<hbm>>) target(%arg12 : memref<2x80xi32, #tpu.memory_space<vmem>>) target_semaphore(%arg22 : memref<!tpu.dma_semaphore, #tpu.memory_space<semaphore_mem>>)
    %dma_start3A_30 = arith.constant 3 : i32
    %dma_start3A_31 = arith.constant 0 : i32
    %dma_start3A_32 = arith.constant 0 : i32
    %dma_start3A_33 = tpu.memref_slice %arg4[%add3A, %dma_start3A_30, %dma_start3A_31, %dma_start3A_32] : memref<32x80x2x80xi32, #tpu.memory_space<hbm>> -> memref<1x1x2x80xi32, #tpu.memory_space<hbm>>
    %dma_start3A_34 = tpu.memref_squeeze %dma_start3A_33 : memref<1x1x2x80xi32, #tpu.memory_space<hbm>> -> memref<2x80xi32, #tpu.memory_space<hbm>>
    %dma_start3A_35 = arith.constant 0 : i32
    %dma_start3A_36 = arith.constant 0 : i32
    %dma_start3A_37 = tpu.memref_slice %arg4[%add3A, %dma_start3A_30, %dma_start3A_35, %dma_start3A_36] : memref<32x80x2x80xi32, #tpu.memory_space<hbm>> -> memref<1x1x2x80xi32, #tpu.memory_space<hbm>>
    %dma_start3A_38 = tpu.memref_squeeze %dma_start3A_37 : memref<1x1x2x80xi32, #tpu.memory_space<hbm>> -> memref<2x80xi32, #tpu.memory_space<hbm>>
    tpu.enqueue_dma source(%dma_start3A_38 : memref<2x80xi32, #tpu.memory_space<hbm>>) target(%arg13 : memref<2x80xi32, #tpu.memory_space<vmem>>) target_semaphore(%arg23 : memref<!tpu.dma_semaphore, #tpu.memory_space<semaphore_mem>>)
    %dma_wait3A = arith.constant 0 : i32
    %dma_wait3A_39 = arith.constant 0 : i32
    %dma_wait3A_40 = arith.constant 0 : i32
    %dma_wait3A_41 = tpu.memref_slice %arg4[%add3A, %dma_wait3A, %dma_wait3A_39, %dma_wait3A_40] : memref<32x80x2x80xi32, #tpu.memory_space<hbm>> -> memref<1x1x2x80xi32, #tpu.memory_space<hbm>>
    %dma_wait3A_42 = tpu.memref_squeeze %dma_wait3A_41 : memref<1x1x2x80xi32, #tpu.memory_space<hbm>> -> memref<2x80xi32, #tpu.memory_space<hbm>>
    %dma_wait3A_43 = arith.constant 0 : i32
    %dma_wait3A_44 = arith.constant 0 : i32
    %dma_wait3A_45 = tpu.memref_slice %arg4[%add3A, %dma_wait3A, %dma_wait3A_43, %dma_wait3A_44] : memref<32x80x2x80xi32, #tpu.memory_space<hbm>> -> memref<1x1x2x80xi32, #tpu.memory_space<hbm>>
    %dma_wait3A_46 = tpu.memref_squeeze %dma_wait3A_45 : memref<1x1x2x80xi32, #tpu.memory_space<hbm>> -> memref<2x80xi32, #tpu.memory_space<hbm>>
    tpu.wait_dma2 semaphore(%arg20 : memref<!tpu.dma_semaphore, #tpu.memory_space<semaphore_mem>>) src(%dma_wait3A_46 : memref<2x80xi32, #tpu.memory_space<hbm>>) dst(%arg10 : memref<2x80xi32, #tpu.memory_space<vmem>>)
    %dma_wait3A_47 = arith.constant 1 : i32
    %dma_wait3A_48 = arith.constant 0 : i32
    %dma_wait3A_49 = arith.constant 0 : i32
    %dma_wait3A_50 = tpu.memref_slice %arg4[%add3A, %dma_wait3A_47, %dma_wait3A_48, %dma_wait3A_49] : memref<32x80x2x80xi32, #tpu.memory_space<hbm>> -> memref<1x1x2x80xi32, #tpu.memory_space<hbm>>
    %dma_wait3A_51 = tpu.memref_squeeze %dma_wait3A_50 : memref<1x1x2x80xi32, #tpu.memory_space<hbm>> -> memref<2x80xi32, #tpu.memory_space<hbm>>
    %dma_wait3A_52 = arith.constant 0 : i32
    %dma_wait3A_53 = arith.constant 0 : i32
    %dma_wait3A_54 = tpu.memref_slice %arg4[%add3A, %dma_wait3A_47, %dma_wait3A_52, %dma_wait3A_53] : memref<32x80x2x80xi32, #tpu.memory_space<hbm>> -> memref<1x1x2x80xi32, #tpu.memory_space<hbm>>
    %dma_wait3A_55 = tpu.memref_squeeze %dma_wait3A_54 : memref<1x1x2x80xi32, #tpu.memory_space<hbm>> -> memref<2x80xi32, #tpu.memory_space<hbm>>
    tpu.wait_dma2 semaphore(%arg21 : memref<!tpu.dma_semaphore, #tpu.memory_space<semaphore_mem>>) src(%dma_wait3A_55 : memref<2x80xi32, #tpu.memory_space<hbm>>) dst(%arg11 : memref<2x80xi32, #tpu.memory_space<vmem>>)
    %barrier3A = arith.constant 0 : index
    tpu.barrier barrier_id(%barrier3A)
    %dma_start3A_56 = arith.constant 0 : i32
    %dma_start3A_57 = arith.constant 0 : i32
    %dma_start3A_58 = tpu.memref_slice %arg10[%dma_start3A_56, %dma_start3A_57] : memref<2x80xi32, #tpu.memory_space<vmem>> -> memref<1x80xi32, #tpu.memory_space<vmem>>
    %dma_start3A_59 = tpu.memref_squeeze %dma_start3A_58 : memref<1x80xi32, #tpu.memory_space<vmem>> -> memref<80xi32, #tpu.memory_space<vmem>>
    %dma_start3A_60 = arith.constant 0 : i32
    %dma_start3A_61 = arith.constant 0 : i32
    %dma_start3A_62 = tpu.memref_slice %arg2[%dma_start3A_60, %dma_start3A_61] : memref<50000x64xf32, #tpu.memory_space<hbm>> -> memref<50000x64xf32, #tpu.memory_space<hbm>>
    tpu.enqueue_indirect_dma source(%dma_start3A_62 : memref<50000x64xf32, #tpu.memory_space<hbm>>) target(%arg14 : memref<80x64xf32, #tpu.memory_space<vmem>>) offsets(%dma_start3A_59 : memref<80xi32, #tpu.memory_space<vmem>>) semaphore(%arg16 : memref<!tpu.dma_semaphore, #tpu.memory_space<semaphore_mem>>)
    %dma_start3A_63 = arith.constant 0 : i32
    %dma_start3A_64 = arith.constant 0 : i32
    %dma_start3A_65 = tpu.memref_slice %arg11[%dma_start3A_63, %dma_start3A_64] : memref<2x80xi32, #tpu.memory_space<vmem>> -> memref<1x80xi32, #tpu.memory_space<vmem>>
    %dma_start3A_66 = tpu.memref_squeeze %dma_start3A_65 : memref<1x80xi32, #tpu.memory_space<vmem>> -> memref<80xi32, #tpu.memory_space<vmem>>
    %dma_start3A_67 = arith.constant 0 : i32
    %dma_start3A_68 = arith.constant 0 : i32
    %dma_start3A_69 = tpu.memref_slice %arg2[%dma_start3A_67, %dma_start3A_68] : memref<50000x64xf32, #tpu.memory_space<hbm>> -> memref<50000x64xf32, #tpu.memory_space<hbm>>
    tpu.enqueue_indirect_dma source(%dma_start3A_69 : memref<50000x64xf32, #tpu.memory_space<hbm>>) target(%arg15 : memref<80x64xf32, #tpu.memory_space<vmem>>) offsets(%dma_start3A_66 : memref<80xi32, #tpu.memory_space<vmem>>) semaphore(%arg17 : memref<!tpu.dma_semaphore, #tpu.memory_space<semaphore_mem>>)
    %scan3A = arith.constant 0 : i32
    %scan3A_70 = arith.constant 0 : i32
    %scan3A_71 = arith.constant 20 : i32
    %scan3A_72 = arith.addi %scan3A_70, %scan3A_71 : i32
    %scan3A_73 = arith.constant 1 : i32
    scf.for %scan3A_257 = %scan3A_70 to %scan3A_72 step %scan3A_73  : i32 {
      %mul3A_258 = arith.constant 4 : i32
      %mul3A_259 = arith.muli %mul3A_258, %scan3A_257 : i32
      %dma_wait3A_260 = arith.constant 0 : i32
      %dma_wait3A_261 = arith.constant 0 : i32
      %dma_wait3A_262 = tpu.memref_slice %arg10[%dma_wait3A_260, %dma_wait3A_261] : memref<2x80xi32, #tpu.memory_space<vmem>> -> memref<1x80xi32, #tpu.memory_space<vmem>>
      %dma_wait3A_263 = tpu.memref_squeeze %dma_wait3A_262 : memref<1x80xi32, #tpu.memory_space<vmem>> -> memref<80xi32, #tpu.memory_space<vmem>>
      %dma_wait3A_264 = arith.constant 0 : i32
      %dma_wait3A_265 = arith.constant 0 : i32
      %dma_wait3A_266 = tpu.memref_slice %arg2[%dma_wait3A_264, %dma_wait3A_265] : memref<50000x64xf32, #tpu.memory_space<hbm>> -> memref<50000x64xf32, #tpu.memory_space<hbm>>
      tpu.wait_indirect_dma semaphore(%arg16 : memref<!tpu.dma_semaphore, #tpu.memory_space<semaphore_mem>>) src(%dma_wait3A_266 : memref<50000x64xf32, #tpu.memory_space<hbm>>) dst(%arg14 : memref<80x64xf32, #tpu.memory_space<vmem>>)
      %dma_start3A_267 = arith.constant 1 : i32
      %dma_start3A_268 = arith.constant 0 : i32
      %dma_start3A_269 = tpu.memref_slice %arg10[%dma_start3A_267, %dma_start3A_268] : memref<2x80xi32, #tpu.memory_space<vmem>> -> memref<1x80xi32, #tpu.memory_space<vmem>>
      %dma_start3A_270 = tpu.memref_squeeze %dma_start3A_269 : memref<1x80xi32, #tpu.memory_space<vmem>> -> memref<80xi32, #tpu.memory_space<vmem>>
      %dma_start3A_271 = arith.constant 0 : i32
      %dma_start3A_272 = arith.constant 0 : i32
      %dma_start3A_273 = tpu.memref_slice %arg9[%dma_start3A_271, %dma_start3A_272] : memref<30016x64xf32, #tpu.memory_space<vmem_shared>> -> memref<30016x64xf32, #tpu.memory_space<vmem_shared>>
      tpu.enqueue_indirect_dma source(%arg14 : memref<80x64xf32, #tpu.memory_space<vmem>>) target(%dma_start3A_273 : memref<30016x64xf32, #tpu.memory_space<vmem_shared>>) offsets(%dma_start3A_270 : memref<80xi32, #tpu.memory_space<vmem>>) semaphore(%arg18 : memref<!tpu.dma_semaphore, #tpu.memory_space<semaphore_mem>>) {add = true}
      %dma_wait3A_274 = arith.constant 0 : i32
      %dma_wait3A_275 = arith.constant 0 : i32
      %dma_wait3A_276 = tpu.memref_slice %arg11[%dma_wait3A_274, %dma_wait3A_275] : memref<2x80xi32, #tpu.memory_space<vmem>> -> memref<1x80xi32, #tpu.memory_space<vmem>>
      %dma_wait3A_277 = tpu.memref_squeeze %dma_wait3A_276 : memref<1x80xi32, #tpu.memory_space<vmem>> -> memref<80xi32, #tpu.memory_space<vmem>>
      %dma_wait3A_278 = arith.constant 0 : i32
      %dma_wait3A_279 = arith.constant 0 : i32
      %dma_wait3A_280 = tpu.memref_slice %arg2[%dma_wait3A_278, %dma_wait3A_279] : memref<50000x64xf32, #tpu.memory_space<hbm>> -> memref<50000x64xf32, #tpu.memory_space<hbm>>
      tpu.wait_indirect_dma semaphore(%arg17 : memref<!tpu.dma_semaphore, #tpu.memory_space<semaphore_mem>>) src(%dma_wait3A_280 : memref<50000x64xf32, #tpu.memory_space<hbm>>) dst(%arg15 : memref<80x64xf32, #tpu.memory_space<vmem>>)
      %dma_start3A_281 = arith.constant 1 : i32
      %dma_start3A_282 = arith.constant 0 : i32
      %dma_start3A_283 = tpu.memref_slice %arg11[%dma_start3A_281, %dma_start3A_282] : memref<2x80xi32, #tpu.memory_space<vmem>> -> memref<1x80xi32, #tpu.memory_space<vmem>>
      %dma_start3A_284 = tpu.memref_squeeze %dma_start3A_283 : memref<1x80xi32, #tpu.memory_space<vmem>> -> memref<80xi32, #tpu.memory_space<vmem>>
      %dma_start3A_285 = arith.constant 0 : i32
      %dma_start3A_286 = arith.constant 0 : i32
      %dma_start3A_287 = tpu.memref_slice %arg9[%dma_start3A_285, %dma_start3A_286] : memref<30016x64xf32, #tpu.memory_space<vmem_shared>> -> memref<30016x64xf32, #tpu.memory_space<vmem_shared>>
      tpu.enqueue_indirect_dma source(%arg15 : memref<80x64xf32, #tpu.memory_space<vmem>>) target(%dma_start3A_287 : memref<30016x64xf32, #tpu.memory_space<vmem_shared>>) offsets(%dma_start3A_284 : memref<80xi32, #tpu.memory_space<vmem>>) semaphore(%arg19 : memref<!tpu.dma_semaphore, #tpu.memory_space<semaphore_mem>>) {add = true}
      %dma_wait3A_288 = arith.constant 1 : i32
      %dma_wait3A_289 = arith.constant 0 : i32
      %dma_wait3A_290 = tpu.memref_slice %arg10[%dma_wait3A_288, %dma_wait3A_289] : memref<2x80xi32, #tpu.memory_space<vmem>> -> memref<1x80xi32, #tpu.memory_space<vmem>>
      %dma_wait3A_291 = tpu.memref_squeeze %dma_wait3A_290 : memref<1x80xi32, #tpu.memory_space<vmem>> -> memref<80xi32, #tpu.memory_space<vmem>>
      %dma_wait3A_292 = arith.constant 0 : i32
      %dma_wait3A_293 = arith.constant 0 : i32
      %dma_wait3A_294 = tpu.memref_slice %arg9[%dma_wait3A_292, %dma_wait3A_293] : memref<30016x64xf32, #tpu.memory_space<vmem_shared>> -> memref<30016x64xf32, #tpu.memory_space<vmem_shared>>
      tpu.wait_indirect_dma semaphore(%arg18 : memref<!tpu.dma_semaphore, #tpu.memory_space<semaphore_mem>>) src(%arg14 : memref<80x64xf32, #tpu.memory_space<vmem>>) dst(%dma_wait3A_294 : memref<30016x64xf32, #tpu.memory_space<vmem_shared>>)
      %add3A_295 = arith.constant 4 : i32
      %add3A_296 = arith.addi %mul3A_259, %add3A_295 : i32
      %lt3A = arith.constant 80 : i32
      %lt3A_297 = arith.cmpi slt, %add3A_296, %lt3A : i32
      %convert_element_type3A = arith.extui %lt3A_297 : i1 to i32
      %cond3A = arith.constant 0 : i32
      %cond3A_298 = arith.cmpi ne, %convert_element_type3A, %cond3A : i32
      scf.if %cond3A_298 {
        %add3A_417 = arith.constant 4 : i32
        %add3A_418 = arith.addi %mul3A_259, %add3A_417 : i32
        %dma_start3A_419 = arith.constant 0 : i32
        %dma_start3A_420 = arith.constant 0 : i32
        %dma_start3A_421 = tpu.memref_slice %arg4[%add3A, %add3A_418, %dma_start3A_419, %dma_start3A_420] : memref<32x80x2x80xi32, #tpu.memory_space<hbm>> -> memref<1x1x2x80xi32, #tpu.memory_space<hbm>>
        %dma_start3A_422 = tpu.memref_squeeze %dma_start3A_421 : memref<1x1x2x80xi32, #tpu.memory_space<hbm>> -> memref<2x80xi32, #tpu.memory_space<hbm>>
        %dma_start3A_423 = arith.constant 0 : i32
        %dma_start3A_424 = arith.constant 0 : i32
        %dma_start3A_425 = tpu.memref_slice %arg4[%add3A, %add3A_418, %dma_start3A_423, %dma_start3A_424] : memref<32x80x2x80xi32, #tpu.memory_space<hbm>> -> memref<1x1x2x80xi32, #tpu.memory_space<hbm>>
        %dma_start3A_426 = tpu.memref_squeeze %dma_start3A_425 : memref<1x1x2x80xi32, #tpu.memory_space<hbm>> -> memref<2x80xi32, #tpu.memory_space<hbm>>
        tpu.enqueue_dma source(%dma_start3A_426 : memref<2x80xi32, #tpu.memory_space<hbm>>) target(%arg10 : memref<2x80xi32, #tpu.memory_space<vmem>>) target_semaphore(%arg20 : memref<!tpu.dma_semaphore, #tpu.memory_space<semaphore_mem>>)
      } else {
      }
      %add3A_299 = arith.constant 2 : i32
      %add3A_300 = arith.addi %mul3A_259, %add3A_299 : i32
      %dma_wait3A_301 = arith.constant 0 : i32
      %dma_wait3A_302 = arith.constant 0 : i32
      %dma_wait3A_303 = tpu.memref_slice %arg4[%add3A, %add3A_300, %dma_wait3A_301, %dma_wait3A_302] : memref<32x80x2x80xi32, #tpu.memory_space<hbm>> -> memref<1x1x2x80xi32, #tpu.memory_space<hbm>>
      %dma_wait3A_304 = tpu.memref_squeeze %dma_wait3A_303 : memref<1x1x2x80xi32, #tpu.memory_space<hbm>> -> memref<2x80xi32, #tpu.memory_space<hbm>>
      %dma_wait3A_305 = arith.constant 0 : i32
      %dma_wait3A_306 = arith.constant 0 : i32
      %dma_wait3A_307 = tpu.memref_slice %arg4[%add3A, %add3A_300, %dma_wait3A_305, %dma_wait3A_306] : memref<32x80x2x80xi32, #tpu.memory_space<hbm>> -> memref<1x1x2x80xi32, #tpu.memory_space<hbm>>
      %dma_wait3A_308 = tpu.memref_squeeze %dma_wait3A_307 : memref<1x1x2x80xi32, #tpu.memory_space<hbm>> -> memref<2x80xi32, #tpu.memory_space<hbm>>
      tpu.wait_dma2 semaphore(%arg22 : memref<!tpu.dma_semaphore, #tpu.memory_space<semaphore_mem>>) src(%dma_wait3A_308 : memref<2x80xi32, #tpu.memory_space<hbm>>) dst(%arg12 : memref<2x80xi32, #tpu.memory_space<vmem>>)
      %dma_start3A_309 = arith.constant 0 : i32
      %dma_start3A_310 = arith.constant 0 : i32
      %dma_start3A_311 = tpu.memref_slice %arg12[%dma_start3A_309, %dma_start3A_310] : memref<2x80xi32, #tpu.memory_space<vmem>> -> memref<1x80xi32, #tpu.memory_space<vmem>>
      %dma_start3A_312 = tpu.memref_squeeze %dma_start3A_311 : memref<1x80xi32, #tpu.memory_space<vmem>> -> memref<80xi32, #tpu.memory_space<vmem>>
      %dma_start3A_313 = arith.constant 0 : i32
      %dma_start3A_314 = arith.constant 0 : i32
      %dma_start3A_315 = tpu.memref_slice %arg2[%dma_start3A_313, %dma_start3A_314] : memref<50000x64xf32, #tpu.memory_space<hbm>> -> memref<50000x64xf32, #tpu.memory_space<hbm>>
      tpu.enqueue_indirect_dma source(%dma_start3A_315 : memref<50000x64xf32, #tpu.memory_space<hbm>>) target(%arg14 : memref<80x64xf32, #tpu.memory_space<vmem>>) offsets(%dma_start3A_312 : memref<80xi32, #tpu.memory_space<vmem>>) semaphore(%arg16 : memref<!tpu.dma_semaphore, #tpu.memory_space<semaphore_mem>>)
      %dma_wait3A_316 = arith.constant 1 : i32
      %dma_wait3A_317 = arith.constant 0 : i32
      %dma_wait3A_318 = tpu.memref_slice %arg11[%dma_wait3A_316, %dma_wait3A_317] : memref<2x80xi32, #tpu.memory_space<vmem>> -> memref<1x80xi32, #tpu.memory_space<vmem>>
      %dma_wait3A_319 = tpu.memref_squeeze %dma_wait3A_318 : memref<1x80xi32, #tpu.memory_space<vmem>> -> memref<80xi32, #tpu.memory_space<vmem>>
      %dma_wait3A_320 = arith.constant 0 : i32
      %dma_wait3A_321 = arith.constant 0 : i32
      %dma_wait3A_322 = tpu.memref_slice %arg9[%dma_wait3A_320, %dma_wait3A_321] : memref<30016x64xf32, #tpu.memory_space<vmem_shared>> -> memref<30016x64xf32, #tpu.memory_space<vmem_shared>>
      tpu.wait_indirect_dma semaphore(%arg19 : memref<!tpu.dma_semaphore, #tpu.memory_space<semaphore_mem>>) src(%arg15 : memref<80x64xf32, #tpu.memory_space<vmem>>) dst(%dma_wait3A_322 : memref<30016x64xf32, #tpu.memory_space<vmem_shared>>)
      %add3A_323 = arith.constant 5 : i32
      %add3A_324 = arith.addi %mul3A_259, %add3A_323 : i32
      %lt3A_325 = arith.constant 80 : i32
      %lt3A_326 = arith.cmpi slt, %add3A_324, %lt3A_325 : i32
      %convert_element_type3A_327 = arith.extui %lt3A_326 : i1 to i32
      %cond3A_328 = arith.constant 0 : i32
      %cond3A_329 = arith.cmpi ne, %convert_element_type3A_327, %cond3A_328 : i32
      scf.if %cond3A_329 {
        %add3A_417 = arith.constant 5 : i32
        %add3A_418 = arith.addi %mul3A_259, %add3A_417 : i32
        %dma_start3A_419 = arith.constant 0 : i32
        %dma_start3A_420 = arith.constant 0 : i32
        %dma_start3A_421 = tpu.memref_slice %arg4[%add3A, %add3A_418, %dma_start3A_419, %dma_start3A_420] : memref<32x80x2x80xi32, #tpu.memory_space<hbm>> -> memref<1x1x2x80xi32, #tpu.memory_space<hbm>>
        %dma_start3A_422 = tpu.memref_squeeze %dma_start3A_421 : memref<1x1x2x80xi32, #tpu.memory_space<hbm>> -> memref<2x80xi32, #tpu.memory_space<hbm>>
        %dma_start3A_423 = arith.constant 0 : i32
        %dma_start3A_424 = arith.constant 0 : i32
        %dma_start3A_425 = tpu.memref_slice %arg4[%add3A, %add3A_418, %dma_start3A_423, %dma_start3A_424] : memref<32x80x2x80xi32, #tpu.memory_space<hbm>> -> memref<1x1x2x80xi32, #tpu.memory_space<hbm>>
        %dma_start3A_426 = tpu.memref_squeeze %dma_start3A_425 : memref<1x1x2x80xi32, #tpu.memory_space<hbm>> -> memref<2x80xi32, #tpu.memory_space<hbm>>
        tpu.enqueue_dma source(%dma_start3A_426 : memref<2x80xi32, #tpu.memory_space<hbm>>) target(%arg11 : memref<2x80xi32, #tpu.memory_space<vmem>>) target_semaphore(%arg21 : memref<!tpu.dma_semaphore, #tpu.memory_space<semaphore_mem>>)
      } else {
      }
      %add3A_330 = arith.constant 3 : i32
      %add3A_331 = arith.addi %mul3A_259, %add3A_330 : i32
      %dma_wait3A_332 = arith.constant 0 : i32
      %dma_wait3A_333 = arith.constant 0 : i32
      %dma_wait3A_334 = tpu.memref_slice %arg4[%add3A, %add3A_331, %dma_wait3A_332, %dma_wait3A_333] : memref<32x80x2x80xi32, #tpu.memory_space<hbm>> -> memref<1x1x2x80xi32, #tpu.memory_space<hbm>>
      %dma_wait3A_335 = tpu.memref_squeeze %dma_wait3A_334 : memref<1x1x2x80xi32, #tpu.memory_space<hbm>> -> memref<2x80xi32, #tpu.memory_space<hbm>>
      %dma_wait3A_336 = arith.constant 0 : i32
      %dma_wait3A_337 = arith.constant 0 : i32
      %dma_wait3A_338 = tpu.memref_slice %arg4[%add3A, %add3A_331, %dma_wait3A_336, %dma_wait3A_337] : memref<32x80x2x80xi32, #tpu.memory_space<hbm>> -> memref<1x1x2x80xi32, #tpu.memory_space<hbm>>
      %dma_wait3A_339 = tpu.memref_squeeze %dma_wait3A_338 : memref<1x1x2x80xi32, #tpu.memory_space<hbm>> -> memref<2x80xi32, #tpu.memory_space<hbm>>
      tpu.wait_dma2 semaphore(%arg23 : memref<!tpu.dma_semaphore, #tpu.memory_space<semaphore_mem>>) src(%dma_wait3A_339 : memref<2x80xi32, #tpu.memory_space<hbm>>) dst(%arg13 : memref<2x80xi32, #tpu.memory_space<vmem>>)
      %dma_start3A_340 = arith.constant 0 : i32
      %dma_start3A_341 = arith.constant 0 : i32
      %dma_start3A_342 = tpu.memref_slice %arg13[%dma_start3A_340, %dma_start3A_341] : memref<2x80xi32, #tpu.memory_space<vmem>> -> memref<1x80xi32, #tpu.memory_space<vmem>>
      %dma_start3A_343 = tpu.memref_squeeze %dma_start3A_342 : memref<1x80xi32, #tpu.memory_space<vmem>> -> memref<80xi32, #tpu.memory_space<vmem>>
      %dma_start3A_344 = arith.constant 0 : i32
      %dma_start3A_345 = arith.constant 0 : i32
      %dma_start3A_346 = tpu.memref_slice %arg2[%dma_start3A_344, %dma_start3A_345] : memref<50000x64xf32, #tpu.memory_space<hbm>> -> memref<50000x64xf32, #tpu.memory_space<hbm>>
      tpu.enqueue_indirect_dma source(%dma_start3A_346 : memref<50000x64xf32, #tpu.memory_space<hbm>>) target(%arg15 : memref<80x64xf32, #tpu.memory_space<vmem>>) offsets(%dma_start3A_343 : memref<80xi32, #tpu.memory_space<vmem>>) semaphore(%arg17 : memref<!tpu.dma_semaphore, #tpu.memory_space<semaphore_mem>>)
      %dma_wait3A_347 = arith.constant 0 : i32
      %dma_wait3A_348 = arith.constant 0 : i32
      %dma_wait3A_349 = tpu.memref_slice %arg12[%dma_wait3A_347, %dma_wait3A_348] : memref<2x80xi32, #tpu.memory_space<vmem>> -> memref<1x80xi32, #tpu.memory_space<vmem>>
      %dma_wait3A_350 = tpu.memref_squeeze %dma_wait3A_349 : memref<1x80xi32, #tpu.memory_space<vmem>> -> memref<80xi32, #tpu.memory_space<vmem>>
      %dma_wait3A_351 = arith.constant 0 : i32
      %dma_wait3A_352 = arith.constant 0 : i32
      %dma_wait3A_353 = tpu.memref_slice %arg2[%dma_wait3A_351, %dma_wait3A_352] : memref<50000x64xf32, #tpu.memory_space<hbm>> -> memref<50000x64xf32, #tpu.memory_space<hbm>>
      tpu.wait_indirect_dma semaphore(%arg16 : memref<!tpu.dma_semaphore, #tpu.memory_space<semaphore_mem>>) src(%dma_wait3A_353 : memref<50000x64xf32, #tpu.memory_space<hbm>>) dst(%arg14 : memref<80x64xf32, #tpu.memory_space<vmem>>)
      %dma_start3A_354 = arith.constant 1 : i32
      %dma_start3A_355 = arith.constant 0 : i32
      %dma_start3A_356 = tpu.memref_slice %arg12[%dma_start3A_354, %dma_start3A_355] : memref<2x80xi32, #tpu.memory_space<vmem>> -> memref<1x80xi32, #tpu.memory_space<vmem>>
      %dma_start3A_357 = tpu.memref_squeeze %dma_start3A_356 : memref<1x80xi32, #tpu.memory_space<vmem>> -> memref<80xi32, #tpu.memory_space<vmem>>
      %dma_start3A_358 = arith.constant 0 : i32
      %dma_start3A_359 = arith.constant 0 : i32
      %dma_start3A_360 = tpu.memref_slice %arg9[%dma_start3A_358, %dma_start3A_359] : memref<30016x64xf32, #tpu.memory_space<vmem_shared>> -> memref<30016x64xf32, #tpu.memory_space<vmem_shared>>
      tpu.enqueue_indirect_dma source(%arg14 : memref<80x64xf32, #tpu.memory_space<vmem>>) target(%dma_start3A_360 : memref<30016x64xf32, #tpu.memory_space<vmem_shared>>) offsets(%dma_start3A_357 : memref<80xi32, #tpu.memory_space<vmem>>) semaphore(%arg18 : memref<!tpu.dma_semaphore, #tpu.memory_space<semaphore_mem>>) {add = true}
      %dma_wait3A_361 = arith.constant 0 : i32
      %dma_wait3A_362 = arith.constant 0 : i32
      %dma_wait3A_363 = tpu.memref_slice %arg13[%dma_wait3A_361, %dma_wait3A_362] : memref<2x80xi32, #tpu.memory_space<vmem>> -> memref<1x80xi32, #tpu.memory_space<vmem>>
      %dma_wait3A_364 = tpu.memref_squeeze %dma_wait3A_363 : memref<1x80xi32, #tpu.memory_space<vmem>> -> memref<80xi32, #tpu.memory_space<vmem>>
      %dma_wait3A_365 = arith.constant 0 : i32
      %dma_wait3A_366 = arith.constant 0 : i32
      %dma_wait3A_367 = tpu.memref_slice %arg2[%dma_wait3A_365, %dma_wait3A_366] : memref<50000x64xf32, #tpu.memory_space<hbm>> -> memref<50000x64xf32, #tpu.memory_space<hbm>>
      tpu.wait_indirect_dma semaphore(%arg17 : memref<!tpu.dma_semaphore, #tpu.memory_space<semaphore_mem>>) src(%dma_wait3A_367 : memref<50000x64xf32, #tpu.memory_space<hbm>>) dst(%arg15 : memref<80x64xf32, #tpu.memory_space<vmem>>)
      %dma_start3A_368 = arith.constant 1 : i32
      %dma_start3A_369 = arith.constant 0 : i32
      %dma_start3A_370 = tpu.memref_slice %arg13[%dma_start3A_368, %dma_start3A_369] : memref<2x80xi32, #tpu.memory_space<vmem>> -> memref<1x80xi32, #tpu.memory_space<vmem>>
      %dma_start3A_371 = tpu.memref_squeeze %dma_start3A_370 : memref<1x80xi32, #tpu.memory_space<vmem>> -> memref<80xi32, #tpu.memory_space<vmem>>
      %dma_start3A_372 = arith.constant 0 : i32
      %dma_start3A_373 = arith.constant 0 : i32
      %dma_start3A_374 = tpu.memref_slice %arg9[%dma_start3A_372, %dma_start3A_373] : memref<30016x64xf32, #tpu.memory_space<vmem_shared>> -> memref<30016x64xf32, #tpu.memory_space<vmem_shared>>
      tpu.enqueue_indirect_dma source(%arg15 : memref<80x64xf32, #tpu.memory_space<vmem>>) target(%dma_start3A_374 : memref<30016x64xf32, #tpu.memory_space<vmem_shared>>) offsets(%dma_start3A_371 : memref<80xi32, #tpu.memory_space<vmem>>) semaphore(%arg19 : memref<!tpu.dma_semaphore, #tpu.memory_space<semaphore_mem>>) {add = true}
      %dma_wait3A_375 = arith.constant 1 : i32
      %dma_wait3A_376 = arith.constant 0 : i32
      %dma_wait3A_377 = tpu.memref_slice %arg12[%dma_wait3A_375, %dma_wait3A_376] : memref<2x80xi32, #tpu.memory_space<vmem>> -> memref<1x80xi32, #tpu.memory_space<vmem>>
      %dma_wait3A_378 = tpu.memref_squeeze %dma_wait3A_377 : memref<1x80xi32, #tpu.memory_space<vmem>> -> memref<80xi32, #tpu.memory_space<vmem>>
      %dma_wait3A_379 = arith.constant 0 : i32
      %dma_wait3A_380 = arith.constant 0 : i32
      %dma_wait3A_381 = tpu.memref_slice %arg9[%dma_wait3A_379, %dma_wait3A_380] : memref<30016x64xf32, #tpu.memory_space<vmem_shared>> -> memref<30016x64xf32, #tpu.memory_space<vmem_shared>>
      tpu.wait_indirect_dma semaphore(%arg18 : memref<!tpu.dma_semaphore, #tpu.memory_space<semaphore_mem>>) src(%arg14 : memref<80x64xf32, #tpu.memory_space<vmem>>) dst(%dma_wait3A_381 : memref<30016x64xf32, #tpu.memory_space<vmem_shared>>)
      %add3A_382 = arith.constant 6 : i32
      %add3A_383 = arith.addi %mul3A_259, %add3A_382 : i32
      %lt3A_384 = arith.constant 80 : i32
      %lt3A_385 = arith.cmpi slt, %add3A_383, %lt3A_384 : i32
      %convert_element_type3A_386 = arith.extui %lt3A_385 : i1 to i32
      %cond3A_387 = arith.constant 0 : i32
      %cond3A_388 = arith.cmpi ne, %convert_element_type3A_386, %cond3A_387 : i32
      scf.if %cond3A_388 {
        %add3A_417 = arith.constant 6 : i32
        %add3A_418 = arith.addi %mul3A_259, %add3A_417 : i32
        %dma_start3A_419 = arith.constant 0 : i32
        %dma_start3A_420 = arith.constant 0 : i32
        %dma_start3A_421 = tpu.memref_slice %arg4[%add3A, %add3A_418, %dma_start3A_419, %dma_start3A_420] : memref<32x80x2x80xi32, #tpu.memory_space<hbm>> -> memref<1x1x2x80xi32, #tpu.memory_space<hbm>>
        %dma_start3A_422 = tpu.memref_squeeze %dma_start3A_421 : memref<1x1x2x80xi32, #tpu.memory_space<hbm>> -> memref<2x80xi32, #tpu.memory_space<hbm>>
        %dma_start3A_423 = arith.constant 0 : i32
        %dma_start3A_424 = arith.constant 0 : i32
        %dma_start3A_425 = tpu.memref_slice %arg4[%add3A, %add3A_418, %dma_start3A_423, %dma_start3A_424] : memref<32x80x2x80xi32, #tpu.memory_space<hbm>> -> memref<1x1x2x80xi32, #tpu.memory_space<hbm>>
        %dma_start3A_426 = tpu.memref_squeeze %dma_start3A_425 : memref<1x1x2x80xi32, #tpu.memory_space<hbm>> -> memref<2x80xi32, #tpu.memory_space<hbm>>
        tpu.enqueue_dma source(%dma_start3A_426 : memref<2x80xi32, #tpu.memory_space<hbm>>) target(%arg12 : memref<2x80xi32, #tpu.memory_space<vmem>>) target_semaphore(%arg22 : memref<!tpu.dma_semaphore, #tpu.memory_space<semaphore_mem>>)
      } else {
      }
      %add3A_389 = arith.constant 4 : i32
      %add3A_390 = arith.addi %mul3A_259, %add3A_389 : i32
      %lt3A_391 = arith.constant 80 : i32
      %lt3A_392 = arith.cmpi slt, %add3A_390, %lt3A_391 : i32
      %convert_element_type3A_393 = arith.extui %lt3A_392 : i1 to i32
      %cond3A_394 = arith.constant 0 : i32
      %cond3A_395 = arith.cmpi ne, %convert_element_type3A_393, %cond3A_394 : i32
      scf.if %cond3A_395 {
        %add3A_417 = arith.constant 4 : i32
        %add3A_418 = arith.addi %mul3A_259, %add3A_417 : i32
        %dma_wait3A_419 = arith.constant 0 : i32
        %dma_wait3A_420 = arith.constant 0 : i32
        %dma_wait3A_421 = tpu.memref_slice %arg4[%add3A, %add3A_418, %dma_wait3A_419, %dma_wait3A_420] : memref<32x80x2x80xi32, #tpu.memory_space<hbm>> -> memref<1x1x2x80xi32, #tpu.memory_space<hbm>>
        %dma_wait3A_422 = tpu.memref_squeeze %dma_wait3A_421 : memref<1x1x2x80xi32, #tpu.memory_space<hbm>> -> memref<2x80xi32, #tpu.memory_space<hbm>>
        %dma_wait3A_423 = arith.constant 0 : i32
        %dma_wait3A_424 = arith.constant 0 : i32
        %dma_wait3A_425 = tpu.memref_slice %arg4[%add3A, %add3A_418, %dma_wait3A_423, %dma_wait3A_424] : memref<32x80x2x80xi32, #tpu.memory_space<hbm>> -> memref<1x1x2x80xi32, #tpu.memory_space<hbm>>
        %dma_wait3A_426 = tpu.memref_squeeze %dma_wait3A_425 : memref<1x1x2x80xi32, #tpu.memory_space<hbm>> -> memref<2x80xi32, #tpu.memory_space<hbm>>
        tpu.wait_dma2 semaphore(%arg20 : memref<!tpu.dma_semaphore, #tpu.memory_space<semaphore_mem>>) src(%dma_wait3A_426 : memref<2x80xi32, #tpu.memory_space<hbm>>) dst(%arg10 : memref<2x80xi32, #tpu.memory_space<vmem>>)
        %dma_start3A_427 = arith.constant 0 : i32
        %dma_start3A_428 = arith.constant 0 : i32
        %dma_start3A_429 = tpu.memref_slice %arg10[%dma_start3A_427, %dma_start3A_428] : memref<2x80xi32, #tpu.memory_space<vmem>> -> memref<1x80xi32, #tpu.memory_space<vmem>>
        %dma_start3A_430 = tpu.memref_squeeze %dma_start3A_429 : memref<1x80xi32, #tpu.memory_space<vmem>> -> memref<80xi32, #tpu.memory_space<vmem>>
        %dma_start3A_431 = arith.constant 0 : i32
        %dma_start3A_432 = arith.constant 0 : i32
        %dma_start3A_433 = tpu.memref_slice %arg2[%dma_start3A_431, %dma_start3A_432] : memref<50000x64xf32, #tpu.memory_space<hbm>> -> memref<50000x64xf32, #tpu.memory_space<hbm>>
        tpu.enqueue_indirect_dma source(%dma_start3A_433 : memref<50000x64xf32, #tpu.memory_space<hbm>>) target(%arg14 : memref<80x64xf32, #tpu.memory_space<vmem>>) offsets(%dma_start3A_430 : memref<80xi32, #tpu.memory_space<vmem>>) semaphore(%arg16 : memref<!tpu.dma_semaphore, #tpu.memory_space<semaphore_mem>>)
      } else {
      }
      %dma_wait3A_396 = arith.constant 1 : i32
      %dma_wait3A_397 = arith.constant 0 : i32
      %dma_wait3A_398 = tpu.memref_slice %arg13[%dma_wait3A_396, %dma_wait3A_397] : memref<2x80xi32, #tpu.memory_space<vmem>> -> memref<1x80xi32, #tpu.memory_space<vmem>>
      %dma_wait3A_399 = tpu.memref_squeeze %dma_wait3A_398 : memref<1x80xi32, #tpu.memory_space<vmem>> -> memref<80xi32, #tpu.memory_space<vmem>>
      %dma_wait3A_400 = arith.constant 0 : i32
      %dma_wait3A_401 = arith.constant 0 : i32
      %dma_wait3A_402 = tpu.memref_slice %arg9[%dma_wait3A_400, %dma_wait3A_401] : memref<30016x64xf32, #tpu.memory_space<vmem_shared>> -> memref<30016x64xf32, #tpu.memory_space<vmem_shared>>
      tpu.wait_indirect_dma semaphore(%arg19 : memref<!tpu.dma_semaphore, #tpu.memory_space<semaphore_mem>>) src(%arg15 : memref<80x64xf32, #tpu.memory_space<vmem>>) dst(%dma_wait3A_402 : memref<30016x64xf32, #tpu.memory_space<vmem_shared>>)
      %add3A_403 = arith.constant 7 : i32
      %add3A_404 = arith.addi %mul3A_259, %add3A_403 : i32
      %lt3A_405 = arith.constant 80 : i32
      %lt3A_406 = arith.cmpi slt, %add3A_404, %lt3A_405 : i32
      %convert_element_type3A_407 = arith.extui %lt3A_406 : i1 to i32
      %cond3A_408 = arith.constant 0 : i32
      %cond3A_409 = arith.cmpi ne, %convert_element_type3A_407, %cond3A_408 : i32
      scf.if %cond3A_409 {
        %add3A_417 = arith.constant 7 : i32
        %add3A_418 = arith.addi %mul3A_259, %add3A_417 : i32
        %dma_start3A_419 = arith.constant 0 : i32
        %dma_start3A_420 = arith.constant 0 : i32
        %dma_start3A_421 = tpu.memref_slice %arg4[%add3A, %add3A_418, %dma_start3A_419, %dma_start3A_420] : memref<32x80x2x80xi32, #tpu.memory_space<hbm>> -> memref<1x1x2x80xi32, #tpu.memory_space<hbm>>
        %dma_start3A_422 = tpu.memref_squeeze %dma_start3A_421 : memref<1x1x2x80xi32, #tpu.memory_space<hbm>> -> memref<2x80xi32, #tpu.memory_space<hbm>>
        %dma_start3A_423 = arith.constant 0 : i32
        %dma_start3A_424 = arith.constant 0 : i32
        %dma_start3A_425 = tpu.memref_slice %arg4[%add3A, %add3A_418, %dma_start3A_423, %dma_start3A_424] : memref<32x80x2x80xi32, #tpu.memory_space<hbm>> -> memref<1x1x2x80xi32, #tpu.memory_space<hbm>>
        %dma_start3A_426 = tpu.memref_squeeze %dma_start3A_425 : memref<1x1x2x80xi32, #tpu.memory_space<hbm>> -> memref<2x80xi32, #tpu.memory_space<hbm>>
        tpu.enqueue_dma source(%dma_start3A_426 : memref<2x80xi32, #tpu.memory_space<hbm>>) target(%arg13 : memref<2x80xi32, #tpu.memory_space<vmem>>) target_semaphore(%arg23 : memref<!tpu.dma_semaphore, #tpu.memory_space<semaphore_mem>>)
      } else {
      }
      %add3A_410 = arith.constant 5 : i32
      %add3A_411 = arith.addi %mul3A_259, %add3A_410 : i32
      %lt3A_412 = arith.constant 80 : i32
      %lt3A_413 = arith.cmpi slt, %add3A_411, %lt3A_412 : i32
      %convert_element_type3A_414 = arith.extui %lt3A_413 : i1 to i32
      %cond3A_415 = arith.constant 0 : i32
      %cond3A_416 = arith.cmpi ne, %convert_element_type3A_414, %cond3A_415 : i32
      scf.if %cond3A_416 {
        %add3A_417 = arith.constant 5 : i32
        %add3A_418 = arith.addi %mul3A_259, %add3A_417 : i32
        %dma_wait3A_419 = arith.constant 0 : i32
        %dma_wait3A_420 = arith.constant 0 : i32
        %dma_wait3A_421 = tpu.memref_slice %arg4[%add3A, %add3A_418, %dma_wait3A_419, %dma_wait3A_420] : memref<32x80x2x80xi32, #tpu.memory_space<hbm>> -> memref<1x1x2x80xi32, #tpu.memory_space<hbm>>
        %dma_wait3A_422 = tpu.memref_squeeze %dma_wait3A_421 : memref<1x1x2x80xi32, #tpu.memory_space<hbm>> -> memref<2x80xi32, #tpu.memory_space<hbm>>
        %dma_wait3A_423 = arith.constant 0 : i32
        %dma_wait3A_424 = arith.constant 0 : i32
        %dma_wait3A_425 = tpu.memref_slice %arg4[%add3A, %add3A_418, %dma_wait3A_423, %dma_wait3A_424] : memref<32x80x2x80xi32, #tpu.memory_space<hbm>> -> memref<1x1x2x80xi32, #tpu.memory_space<hbm>>
        %dma_wait3A_426 = tpu.memref_squeeze %dma_wait3A_425 : memref<1x1x2x80xi32, #tpu.memory_space<hbm>> -> memref<2x80xi32, #tpu.memory_space<hbm>>
        tpu.wait_dma2 semaphore(%arg21 : memref<!tpu.dma_semaphore, #tpu.memory_space<semaphore_mem>>) src(%dma_wait3A_426 : memref<2x80xi32, #tpu.memory_space<hbm>>) dst(%arg11 : memref<2x80xi32, #tpu.memory_space<vmem>>)
        %dma_start3A_427 = arith.constant 0 : i32
        %dma_start3A_428 = arith.constant 0 : i32
        %dma_start3A_429 = tpu.memref_slice %arg11[%dma_start3A_427, %dma_start3A_428] : memref<2x80xi32, #tpu.memory_space<vmem>> -> memref<1x80xi32, #tpu.memory_space<vmem>>
        %dma_start3A_430 = tpu.memref_squeeze %dma_start3A_429 : memref<1x80xi32, #tpu.memory_space<vmem>> -> memref<80xi32, #tpu.memory_space<vmem>>
        %dma_start3A_431 = arith.constant 0 : i32
        %dma_start3A_432 = arith.constant 0 : i32
        %dma_start3A_433 = tpu.memref_slice %arg2[%dma_start3A_431, %dma_start3A_432] : memref<50000x64xf32, #tpu.memory_space<hbm>> -> memref<50000x64xf32, #tpu.memory_space<hbm>>
        tpu.enqueue_indirect_dma source(%dma_start3A_433 : memref<50000x64xf32, #tpu.memory_space<hbm>>) target(%arg15 : memref<80x64xf32, #tpu.memory_space<vmem>>) offsets(%dma_start3A_430 : memref<80xi32, #tpu.memory_space<vmem>>) semaphore(%arg17 : memref<!tpu.dma_semaphore, #tpu.memory_space<semaphore_mem>>)
      } else {
      }
    }
    %scan3A_74 = arith.constant 20 : i32
    %barrier3A_75 = arith.constant 0 : index
    tpu.barrier barrier_id(%barrier3A_75)
    %mul3A_76 = arith.constant 1880 : i32
    %mul3A_77 = arith.muli %arg1, %mul3A_76 : i32
    %min3A_78 = arith.constant 28120 : i32
    %min3A_79 = arith.minsi %mul3A_77, %min3A_78 : i32
    %add3A_80 = arith.constant 0 : i32
    %add3A_81 = arith.addi %add3A_80, %min3A_79 : i32
    "tpu.region"() ({
      %run_scoped3A = tpu.sem_alloc : memref<!tpu.dma_semaphore, #tpu.memory_space<semaphore_mem>>
      %dma_start3A_257 = arith.constant 0 : i32
      %dma_start3A_258 = tpu.memref_slice %arg7[%arg0, %add3A_81, %dma_start3A_257] : memref<2x50000x64xf32, #tpu.memory_space<hbm>> -> memref<1x1880x64xf32, #tpu.memory_space<hbm>>
      %dma_start3A_259 = tpu.memref_squeeze %dma_start3A_258 : memref<1x1880x64xf32, #tpu.memory_space<hbm>> -> memref<1880x64xf32, #tpu.memory_space<hbm>>
      %dma_start3A_260 = arith.constant 0 : i32
      %dma_start3A_261 = tpu.memref_slice %arg9[%min3A_79, %dma_start3A_260] : memref<30016x64xf32, #tpu.memory_space<vmem_shared>> -> memref<1880x64xf32, #tpu.memory_space<vmem_shared>>
      tpu.enqueue_dma source(%dma_start3A_261 : memref<1880x64xf32, #tpu.memory_space<vmem_shared>>) target(%dma_start3A_259 : memref<1880x64xf32, #tpu.memory_space<hbm>>) target_semaphore(%run_scoped3A : memref<!tpu.dma_semaphore, #tpu.memory_space<semaphore_mem>>)
      %dma_wait3A_262 = arith.constant 0 : i32
      %dma_wait3A_263 = tpu.memref_slice %arg7[%arg0, %add3A_81, %dma_wait3A_262] : memref<2x50000x64xf32, #tpu.memory_space<hbm>> -> memref<1x1880x64xf32, #tpu.memory_space<hbm>>
      %dma_wait3A_264 = tpu.memref_squeeze %dma_wait3A_263 : memref<1x1880x64xf32, #tpu.memory_space<hbm>> -> memref<1880x64xf32, #tpu.memory_space<hbm>>
      %dma_wait3A_265 = arith.constant 0 : i32
      %dma_wait3A_266 = tpu.memref_slice %arg9[%min3A_79, %dma_wait3A_265] : memref<30016x64xf32, #tpu.memory_space<vmem_shared>> -> memref<1880x64xf32, #tpu.memory_space<vmem_shared>>
      tpu.wait_dma2 semaphore(%run_scoped3A : memref<!tpu.dma_semaphore, #tpu.memory_space<semaphore_mem>>) src(%dma_wait3A_266 : memref<1880x64xf32, #tpu.memory_space<vmem_shared>>) dst(%dma_wait3A_264 : memref<1880x64xf32, #tpu.memory_space<hbm>>)
      tpu.yield
    }) : () -> ()
    %barrier3A_82 = arith.constant 0 : index
    tpu.barrier barrier_id(%barrier3A_82)
    %mul3A_83 = arith.constant 1256 : i32
    %mul3A_84 = arith.muli %arg1, %mul3A_83 : i32
    %min3A_85 = arith.constant 18744 : i32
    %min3A_86 = arith.minsi %mul3A_84, %min3A_85 : i32
    "tpu.region"() ({
      %run_scoped3A = tpu.sem_alloc : memref<!tpu.dma_semaphore, #tpu.memory_space<semaphore_mem>>
      %dma_start3A_257 = arith.constant 0 : i32
      %dma_start3A_258 = tpu.memref_slice %arg9[%min3A_86, %dma_start3A_257] : memref<30016x64xf32, #tpu.memory_space<vmem_shared>> -> memref<1256x64xf32, #tpu.memory_space<vmem_shared>>
      %dma_start3A_259 = arith.constant 0 : i32
      %dma_start3A_260 = arith.constant 0 : i32
      %dma_start3A_261 = tpu.memref_slice %arg3[%dma_start3A_259, %dma_start3A_260] : memref<1880x64xf32, #tpu.memory_space<hbm>> -> memref<1256x64xf32, #tpu.memory_space<hbm>>
      tpu.enqueue_dma source(%dma_start3A_261 : memref<1256x64xf32, #tpu.memory_space<hbm>>) target(%dma_start3A_258 : memref<1256x64xf32, #tpu.memory_space<vmem_shared>>) target_semaphore(%run_scoped3A : memref<!tpu.dma_semaphore, #tpu.memory_space<semaphore_mem>>)
      %dma_wait3A_262 = arith.constant 0 : i32
      %dma_wait3A_263 = tpu.memref_slice %arg9[%min3A_86, %dma_wait3A_262] : memref<30016x64xf32, #tpu.memory_space<vmem_shared>> -> memref<1256x64xf32, #tpu.memory_space<vmem_shared>>
      %dma_wait3A_264 = arith.constant 0 : i32
      %dma_wait3A_265 = arith.constant 0 : i32
      %dma_wait3A_266 = tpu.memref_slice %arg3[%dma_wait3A_264, %dma_wait3A_265] : memref<1880x64xf32, #tpu.memory_space<hbm>> -> memref<1256x64xf32, #tpu.memory_space<hbm>>
      tpu.wait_dma2 semaphore(%run_scoped3A : memref<!tpu.dma_semaphore, #tpu.memory_space<semaphore_mem>>) src(%dma_wait3A_266 : memref<1256x64xf32, #tpu.memory_space<hbm>>) dst(%dma_wait3A_263 : memref<1256x64xf32, #tpu.memory_space<vmem_shared>>)
      tpu.yield
    }) : () -> ()
    %dma_start3A_87 = arith.constant 0 : i32
    %dma_start3A_88 = arith.constant 0 : i32
    %dma_start3A_89 = arith.constant 0 : i32
    %dma_start3A_90 = tpu.memref_slice %arg5[%add3A, %dma_start3A_87, %dma_start3A_88, %dma_start3A_89] : memref<32x80x2x80xi32, #tpu.memory_space<hbm>> -> memref<1x1x2x80xi32, #tpu.memory_space<hbm>>
    %dma_start3A_91 = tpu.memref_squeeze %dma_start3A_90 : memref<1x1x2x80xi32, #tpu.memory_space<hbm>> -> memref<2x80xi32, #tpu.memory_space<hbm>>
    %dma_start3A_92 = arith.constant 0 : i32
    %dma_start3A_93 = arith.constant 0 : i32
    %dma_start3A_94 = tpu.memref_slice %arg5[%add3A, %dma_start3A_87, %dma_start3A_92, %dma_start3A_93] : memref<32x80x2x80xi32, #tpu.memory_space<hbm>> -> memref<1x1x2x80xi32, #tpu.memory_space<hbm>>
    %dma_start3A_95 = tpu.memref_squeeze %dma_start3A_94 : memref<1x1x2x80xi32, #tpu.memory_space<hbm>> -> memref<2x80xi32, #tpu.memory_space<hbm>>
    tpu.enqueue_dma source(%dma_start3A_95 : memref<2x80xi32, #tpu.memory_space<hbm>>) target(%arg10 : memref<2x80xi32, #tpu.memory_space<vmem>>) target_semaphore(%arg20 : memref<!tpu.dma_semaphore, #tpu.memory_space<semaphore_mem>>)
    %dma_start3A_96 = arith.constant 1 : i32
    %dma_start3A_97 = arith.constant 0 : i32
    %dma_start3A_98 = arith.constant 0 : i32
    %dma_start3A_99 = tpu.memref_slice %arg5[%add3A, %dma_start3A_96, %dma_start3A_97, %dma_start3A_98] : memref<32x80x2x80xi32, #tpu.memory_space<hbm>> -> memref<1x1x2x80xi32, #tpu.memory_space<hbm>>
    %dma_start3A_100 = tpu.memref_squeeze %dma_start3A_99 : memref<1x1x2x80xi32, #tpu.memory_space<hbm>> -> memref<2x80xi32, #tpu.memory_space<hbm>>
    %dma_start3A_101 = arith.constant 0 : i32
    %dma_start3A_102 = arith.constant 0 : i32
    %dma_start3A_103 = tpu.memref_slice %arg5[%add3A, %dma_start3A_96, %dma_start3A_101, %dma_start3A_102] : memref<32x80x2x80xi32, #tpu.memory_space<hbm>> -> memref<1x1x2x80xi32, #tpu.memory_space<hbm>>
    %dma_start3A_104 = tpu.memref_squeeze %dma_start3A_103 : memref<1x1x2x80xi32, #tpu.memory_space<hbm>> -> memref<2x80xi32, #tpu.memory_space<hbm>>
    tpu.enqueue_dma source(%dma_start3A_104 : memref<2x80xi32, #tpu.memory_space<hbm>>) target(%arg11 : memref<2x80xi32, #tpu.memory_space<vmem>>) target_semaphore(%arg21 : memref<!tpu.dma_semaphore, #tpu.memory_space<semaphore_mem>>)
    %dma_start3A_105 = arith.constant 2 : i32
    %dma_start3A_106 = arith.constant 0 : i32
    %dma_start3A_107 = arith.constant 0 : i32
    %dma_start3A_108 = tpu.memref_slice %arg5[%add3A, %dma_start3A_105, %dma_start3A_106, %dma_start3A_107] : memref<32x80x2x80xi32, #tpu.memory_space<hbm>> -> memref<1x1x2x80xi32, #tpu.memory_space<hbm>>
    %dma_start3A_109 = tpu.memref_squeeze %dma_start3A_108 : memref<1x1x2x80xi32, #tpu.memory_space<hbm>> -> memref<2x80xi32, #tpu.memory_space<hbm>>
    %dma_start3A_110 = arith.constant 0 : i32
    %dma_start3A_111 = arith.constant 0 : i32
    %dma_start3A_112 = tpu.memref_slice %arg5[%add3A, %dma_start3A_105, %dma_start3A_110, %dma_start3A_111] : memref<32x80x2x80xi32, #tpu.memory_space<hbm>> -> memref<1x1x2x80xi32, #tpu.memory_space<hbm>>
    %dma_start3A_113 = tpu.memref_squeeze %dma_start3A_112 : memref<1x1x2x80xi32, #tpu.memory_space<hbm>> -> memref<2x80xi32, #tpu.memory_space<hbm>>
    tpu.enqueue_dma source(%dma_start3A_113 : memref<2x80xi32, #tpu.memory_space<hbm>>) target(%arg12 : memref<2x80xi32, #tpu.memory_space<vmem>>) target_semaphore(%arg22 : memref<!tpu.dma_semaphore, #tpu.memory_space<semaphore_mem>>)
    %dma_start3A_114 = arith.constant 3 : i32
    %dma_start3A_115 = arith.constant 0 : i32
    %dma_start3A_116 = arith.constant 0 : i32
    %dma_start3A_117 = tpu.memref_slice %arg5[%add3A, %dma_start3A_114, %dma_start3A_115, %dma_start3A_116] : memref<32x80x2x80xi32, #tpu.memory_space<hbm>> -> memref<1x1x2x80xi32, #tpu.memory_space<hbm>>
    %dma_start3A_118 = tpu.memref_squeeze %dma_start3A_117 : memref<1x1x2x80xi32, #tpu.memory_space<hbm>> -> memref<2x80xi32, #tpu.memory_space<hbm>>
    %dma_start3A_119 = arith.constant 0 : i32
    %dma_start3A_120 = arith.constant 0 : i32
    %dma_start3A_121 = tpu.memref_slice %arg5[%add3A, %dma_start3A_114, %dma_start3A_119, %dma_start3A_120] : memref<32x80x2x80xi32, #tpu.memory_space<hbm>> -> memref<1x1x2x80xi32, #tpu.memory_space<hbm>>
    %dma_start3A_122 = tpu.memref_squeeze %dma_start3A_121 : memref<1x1x2x80xi32, #tpu.memory_space<hbm>> -> memref<2x80xi32, #tpu.memory_space<hbm>>
    tpu.enqueue_dma source(%dma_start3A_122 : memref<2x80xi32, #tpu.memory_space<hbm>>) target(%arg13 : memref<2x80xi32, #tpu.memory_space<vmem>>) target_semaphore(%arg23 : memref<!tpu.dma_semaphore, #tpu.memory_space<semaphore_mem>>)
    %dma_wait3A_123 = arith.constant 0 : i32
    %dma_wait3A_124 = arith.constant 0 : i32
    %dma_wait3A_125 = arith.constant 0 : i32
    %dma_wait3A_126 = tpu.memref_slice %arg5[%add3A, %dma_wait3A_123, %dma_wait3A_124, %dma_wait3A_125] : memref<32x80x2x80xi32, #tpu.memory_space<hbm>> -> memref<1x1x2x80xi32, #tpu.memory_space<hbm>>
    %dma_wait3A_127 = tpu.memref_squeeze %dma_wait3A_126 : memref<1x1x2x80xi32, #tpu.memory_space<hbm>> -> memref<2x80xi32, #tpu.memory_space<hbm>>
    %dma_wait3A_128 = arith.constant 0 : i32
    %dma_wait3A_129 = arith.constant 0 : i32
    %dma_wait3A_130 = tpu.memref_slice %arg5[%add3A, %dma_wait3A_123, %dma_wait3A_128, %dma_wait3A_129] : memref<32x80x2x80xi32, #tpu.memory_space<hbm>> -> memref<1x1x2x80xi32, #tpu.memory_space<hbm>>
    %dma_wait3A_131 = tpu.memref_squeeze %dma_wait3A_130 : memref<1x1x2x80xi32, #tpu.memory_space<hbm>> -> memref<2x80xi32, #tpu.memory_space<hbm>>
    tpu.wait_dma2 semaphore(%arg20 : memref<!tpu.dma_semaphore, #tpu.memory_space<semaphore_mem>>) src(%dma_wait3A_131 : memref<2x80xi32, #tpu.memory_space<hbm>>) dst(%arg10 : memref<2x80xi32, #tpu.memory_space<vmem>>)
    %dma_wait3A_132 = arith.constant 1 : i32
    %dma_wait3A_133 = arith.constant 0 : i32
    %dma_wait3A_134 = arith.constant 0 : i32
    %dma_wait3A_135 = tpu.memref_slice %arg5[%add3A, %dma_wait3A_132, %dma_wait3A_133, %dma_wait3A_134] : memref<32x80x2x80xi32, #tpu.memory_space<hbm>> -> memref<1x1x2x80xi32, #tpu.memory_space<hbm>>
    %dma_wait3A_136 = tpu.memref_squeeze %dma_wait3A_135 : memref<1x1x2x80xi32, #tpu.memory_space<hbm>> -> memref<2x80xi32, #tpu.memory_space<hbm>>
    %dma_wait3A_137 = arith.constant 0 : i32
    %dma_wait3A_138 = arith.constant 0 : i32
    %dma_wait3A_139 = tpu.memref_slice %arg5[%add3A, %dma_wait3A_132, %dma_wait3A_137, %dma_wait3A_138] : memref<32x80x2x80xi32, #tpu.memory_space<hbm>> -> memref<1x1x2x80xi32, #tpu.memory_space<hbm>>
    %dma_wait3A_140 = tpu.memref_squeeze %dma_wait3A_139 : memref<1x1x2x80xi32, #tpu.memory_space<hbm>> -> memref<2x80xi32, #tpu.memory_space<hbm>>
    tpu.wait_dma2 semaphore(%arg21 : memref<!tpu.dma_semaphore, #tpu.memory_space<semaphore_mem>>) src(%dma_wait3A_140 : memref<2x80xi32, #tpu.memory_space<hbm>>) dst(%arg11 : memref<2x80xi32, #tpu.memory_space<vmem>>)
    %barrier3A_141 = arith.constant 0 : index
    tpu.barrier barrier_id(%barrier3A_141)
    %dma_start3A_142 = arith.constant 0 : i32
    %dma_start3A_143 = arith.constant 0 : i32
    %dma_start3A_144 = tpu.memref_slice %arg10[%dma_start3A_142, %dma_start3A_143] : memref<2x80xi32, #tpu.memory_space<vmem>> -> memref<1x80xi32, #tpu.memory_space<vmem>>
    %dma_start3A_145 = tpu.memref_squeeze %dma_start3A_144 : memref<1x80xi32, #tpu.memory_space<vmem>> -> memref<80xi32, #tpu.memory_space<vmem>>
    %dma_start3A_146 = arith.constant 0 : i32
    %dma_start3A_147 = arith.constant 0 : i32
    %dma_start3A_148 = tpu.memref_slice %arg2[%dma_start3A_146, %dma_start3A_147] : memref<50000x64xf32, #tpu.memory_space<hbm>> -> memref<50000x64xf32, #tpu.memory_space<hbm>>
    tpu.enqueue_indirect_dma source(%dma_start3A_148 : memref<50000x64xf32, #tpu.memory_space<hbm>>) target(%arg14 : memref<80x64xf32, #tpu.memory_space<vmem>>) offsets(%dma_start3A_145 : memref<80xi32, #tpu.memory_space<vmem>>) semaphore(%arg16 : memref<!tpu.dma_semaphore, #tpu.memory_space<semaphore_mem>>)
    %dma_start3A_149 = arith.constant 0 : i32
    %dma_start3A_150 = arith.constant 0 : i32
    %dma_start3A_151 = tpu.memref_slice %arg11[%dma_start3A_149, %dma_start3A_150] : memref<2x80xi32, #tpu.memory_space<vmem>> -> memref<1x80xi32, #tpu.memory_space<vmem>>
    %dma_start3A_152 = tpu.memref_squeeze %dma_start3A_151 : memref<1x80xi32, #tpu.memory_space<vmem>> -> memref<80xi32, #tpu.memory_space<vmem>>
    %dma_start3A_153 = arith.constant 0 : i32
    %dma_start3A_154 = arith.constant 0 : i32
    %dma_start3A_155 = tpu.memref_slice %arg2[%dma_start3A_153, %dma_start3A_154] : memref<50000x64xf32, #tpu.memory_space<hbm>> -> memref<50000x64xf32, #tpu.memory_space<hbm>>
    tpu.enqueue_indirect_dma source(%dma_start3A_155 : memref<50000x64xf32, #tpu.memory_space<hbm>>) target(%arg15 : memref<80x64xf32, #tpu.memory_space<vmem>>) offsets(%dma_start3A_152 : memref<80xi32, #tpu.memory_space<vmem>>) semaphore(%arg17 : memref<!tpu.dma_semaphore, #tpu.memory_space<semaphore_mem>>)
    %scan3A_156 = arith.constant 0 : i32
    %scan3A_157 = arith.constant 0 : i32
    %scan3A_158 = arith.constant 20 : i32
    %scan3A_159 = arith.addi %scan3A_157, %scan3A_158 : i32
    %scan3A_160 = arith.constant 1 : i32
    scf.for %scan3A_257 = %scan3A_157 to %scan3A_159 step %scan3A_160  : i32 {
      %mul3A_258 = arith.constant 4 : i32
      %mul3A_259 = arith.muli %mul3A_258, %scan3A_257 : i32
      %dma_wait3A_260 = arith.constant 0 : i32
      %dma_wait3A_261 = arith.constant 0 : i32
      %dma_wait3A_262 = tpu.memref_slice %arg10[%dma_wait3A_260, %dma_wait3A_261] : memref<2x80xi32, #tpu.memory_space<vmem>> -> memref<1x80xi32, #tpu.memory_space<vmem>>
      %dma_wait3A_263 = tpu.memref_squeeze %dma_wait3A_262 : memref<1x80xi32, #tpu.memory_space<vmem>> -> memref<80xi32, #tpu.memory_space<vmem>>
      %dma_wait3A_264 = arith.constant 0 : i32
      %dma_wait3A_265 = arith.constant 0 : i32
      %dma_wait3A_266 = tpu.memref_slice %arg2[%dma_wait3A_264, %dma_wait3A_265] : memref<50000x64xf32, #tpu.memory_space<hbm>> -> memref<50000x64xf32, #tpu.memory_space<hbm>>
      tpu.wait_indirect_dma semaphore(%arg16 : memref<!tpu.dma_semaphore, #tpu.memory_space<semaphore_mem>>) src(%dma_wait3A_266 : memref<50000x64xf32, #tpu.memory_space<hbm>>) dst(%arg14 : memref<80x64xf32, #tpu.memory_space<vmem>>)
      %dma_start3A_267 = arith.constant 1 : i32
      %dma_start3A_268 = arith.constant 0 : i32
      %dma_start3A_269 = tpu.memref_slice %arg10[%dma_start3A_267, %dma_start3A_268] : memref<2x80xi32, #tpu.memory_space<vmem>> -> memref<1x80xi32, #tpu.memory_space<vmem>>
      %dma_start3A_270 = tpu.memref_squeeze %dma_start3A_269 : memref<1x80xi32, #tpu.memory_space<vmem>> -> memref<80xi32, #tpu.memory_space<vmem>>
      %dma_start3A_271 = arith.constant 0 : i32
      %dma_start3A_272 = arith.constant 0 : i32
      %dma_start3A_273 = tpu.memref_slice %arg9[%dma_start3A_271, %dma_start3A_272] : memref<30016x64xf32, #tpu.memory_space<vmem_shared>> -> memref<30016x64xf32, #tpu.memory_space<vmem_shared>>
      tpu.enqueue_indirect_dma source(%arg14 : memref<80x64xf32, #tpu.memory_space<vmem>>) target(%dma_start3A_273 : memref<30016x64xf32, #tpu.memory_space<vmem_shared>>) offsets(%dma_start3A_270 : memref<80xi32, #tpu.memory_space<vmem>>) semaphore(%arg18 : memref<!tpu.dma_semaphore, #tpu.memory_space<semaphore_mem>>) {add = true}
      %dma_wait3A_274 = arith.constant 0 : i32
      %dma_wait3A_275 = arith.constant 0 : i32
      %dma_wait3A_276 = tpu.memref_slice %arg11[%dma_wait3A_274, %dma_wait3A_275] : memref<2x80xi32, #tpu.memory_space<vmem>> -> memref<1x80xi32, #tpu.memory_space<vmem>>
      %dma_wait3A_277 = tpu.memref_squeeze %dma_wait3A_276 : memref<1x80xi32, #tpu.memory_space<vmem>> -> memref<80xi32, #tpu.memory_space<vmem>>
      %dma_wait3A_278 = arith.constant 0 : i32
      %dma_wait3A_279 = arith.constant 0 : i32
      %dma_wait3A_280 = tpu.memref_slice %arg2[%dma_wait3A_278, %dma_wait3A_279] : memref<50000x64xf32, #tpu.memory_space<hbm>> -> memref<50000x64xf32, #tpu.memory_space<hbm>>
      tpu.wait_indirect_dma semaphore(%arg17 : memref<!tpu.dma_semaphore, #tpu.memory_space<semaphore_mem>>) src(%dma_wait3A_280 : memref<50000x64xf32, #tpu.memory_space<hbm>>) dst(%arg15 : memref<80x64xf32, #tpu.memory_space<vmem>>)
      %dma_start3A_281 = arith.constant 1 : i32
      %dma_start3A_282 = arith.constant 0 : i32
      %dma_start3A_283 = tpu.memref_slice %arg11[%dma_start3A_281, %dma_start3A_282] : memref<2x80xi32, #tpu.memory_space<vmem>> -> memref<1x80xi32, #tpu.memory_space<vmem>>
      %dma_start3A_284 = tpu.memref_squeeze %dma_start3A_283 : memref<1x80xi32, #tpu.memory_space<vmem>> -> memref<80xi32, #tpu.memory_space<vmem>>
      %dma_start3A_285 = arith.constant 0 : i32
      %dma_start3A_286 = arith.constant 0 : i32
      %dma_start3A_287 = tpu.memref_slice %arg9[%dma_start3A_285, %dma_start3A_286] : memref<30016x64xf32, #tpu.memory_space<vmem_shared>> -> memref<30016x64xf32, #tpu.memory_space<vmem_shared>>
      tpu.enqueue_indirect_dma source(%arg15 : memref<80x64xf32, #tpu.memory_space<vmem>>) target(%dma_start3A_287 : memref<30016x64xf32, #tpu.memory_space<vmem_shared>>) offsets(%dma_start3A_284 : memref<80xi32, #tpu.memory_space<vmem>>) semaphore(%arg19 : memref<!tpu.dma_semaphore, #tpu.memory_space<semaphore_mem>>) {add = true}
      %dma_wait3A_288 = arith.constant 1 : i32
      %dma_wait3A_289 = arith.constant 0 : i32
      %dma_wait3A_290 = tpu.memref_slice %arg10[%dma_wait3A_288, %dma_wait3A_289] : memref<2x80xi32, #tpu.memory_space<vmem>> -> memref<1x80xi32, #tpu.memory_space<vmem>>
      %dma_wait3A_291 = tpu.memref_squeeze %dma_wait3A_290 : memref<1x80xi32, #tpu.memory_space<vmem>> -> memref<80xi32, #tpu.memory_space<vmem>>
      %dma_wait3A_292 = arith.constant 0 : i32
      %dma_wait3A_293 = arith.constant 0 : i32
      %dma_wait3A_294 = tpu.memref_slice %arg9[%dma_wait3A_292, %dma_wait3A_293] : memref<30016x64xf32, #tpu.memory_space<vmem_shared>> -> memref<30016x64xf32, #tpu.memory_space<vmem_shared>>
      tpu.wait_indirect_dma semaphore(%arg18 : memref<!tpu.dma_semaphore, #tpu.memory_space<semaphore_mem>>) src(%arg14 : memref<80x64xf32, #tpu.memory_space<vmem>>) dst(%dma_wait3A_294 : memref<30016x64xf32, #tpu.memory_space<vmem_shared>>)
      %add3A_295 = arith.constant 4 : i32
      %add3A_296 = arith.addi %mul3A_259, %add3A_295 : i32
      %lt3A = arith.constant 80 : i32
      %lt3A_297 = arith.cmpi slt, %add3A_296, %lt3A : i32
      %convert_element_type3A = arith.extui %lt3A_297 : i1 to i32
      %cond3A = arith.constant 0 : i32
      %cond3A_298 = arith.cmpi ne, %convert_element_type3A, %cond3A : i32
      scf.if %cond3A_298 {
        %add3A_417 = arith.constant 4 : i32
        %add3A_418 = arith.addi %mul3A_259, %add3A_417 : i32
        %dma_start3A_419 = arith.constant 0 : i32
        %dma_start3A_420 = arith.constant 0 : i32
        %dma_start3A_421 = tpu.memref_slice %arg5[%add3A, %add3A_418, %dma_start3A_419, %dma_start3A_420] : memref<32x80x2x80xi32, #tpu.memory_space<hbm>> -> memref<1x1x2x80xi32, #tpu.memory_space<hbm>>
        %dma_start3A_422 = tpu.memref_squeeze %dma_start3A_421 : memref<1x1x2x80xi32, #tpu.memory_space<hbm>> -> memref<2x80xi32, #tpu.memory_space<hbm>>
        %dma_start3A_423 = arith.constant 0 : i32
        %dma_start3A_424 = arith.constant 0 : i32
        %dma_start3A_425 = tpu.memref_slice %arg5[%add3A, %add3A_418, %dma_start3A_423, %dma_start3A_424] : memref<32x80x2x80xi32, #tpu.memory_space<hbm>> -> memref<1x1x2x80xi32, #tpu.memory_space<hbm>>
        %dma_start3A_426 = tpu.memref_squeeze %dma_start3A_425 : memref<1x1x2x80xi32, #tpu.memory_space<hbm>> -> memref<2x80xi32, #tpu.memory_space<hbm>>
        tpu.enqueue_dma source(%dma_start3A_426 : memref<2x80xi32, #tpu.memory_space<hbm>>) target(%arg10 : memref<2x80xi32, #tpu.memory_space<vmem>>) target_semaphore(%arg20 : memref<!tpu.dma_semaphore, #tpu.memory_space<semaphore_mem>>)
      } else {
      }
      %add3A_299 = arith.constant 2 : i32
      %add3A_300 = arith.addi %mul3A_259, %add3A_299 : i32
      %dma_wait3A_301 = arith.constant 0 : i32
      %dma_wait3A_302 = arith.constant 0 : i32
      %dma_wait3A_303 = tpu.memref_slice %arg5[%add3A, %add3A_300, %dma_wait3A_301, %dma_wait3A_302] : memref<32x80x2x80xi32, #tpu.memory_space<hbm>> -> memref<1x1x2x80xi32, #tpu.memory_space<hbm>>
      %dma_wait3A_304 = tpu.memref_squeeze %dma_wait3A_303 : memref<1x1x2x80xi32, #tpu.memory_space<hbm>> -> memref<2x80xi32, #tpu.memory_space<hbm>>
      %dma_wait3A_305 = arith.constant 0 : i32
      %dma_wait3A_306 = arith.constant 0 : i32
      %dma_wait3A_307 = tpu.memref_slice %arg5[%add3A, %add3A_300, %dma_wait3A_305, %dma_wait3A_306] : memref<32x80x2x80xi32, #tpu.memory_space<hbm>> -> memref<1x1x2x80xi32, #tpu.memory_space<hbm>>
      %dma_wait3A_308 = tpu.memref_squeeze %dma_wait3A_307 : memref<1x1x2x80xi32, #tpu.memory_space<hbm>> -> memref<2x80xi32, #tpu.memory_space<hbm>>
      tpu.wait_dma2 semaphore(%arg22 : memref<!tpu.dma_semaphore, #tpu.memory_space<semaphore_mem>>) src(%dma_wait3A_308 : memref<2x80xi32, #tpu.memory_space<hbm>>) dst(%arg12 : memref<2x80xi32, #tpu.memory_space<vmem>>)
      %dma_start3A_309 = arith.constant 0 : i32
      %dma_start3A_310 = arith.constant 0 : i32
      %dma_start3A_311 = tpu.memref_slice %arg12[%dma_start3A_309, %dma_start3A_310] : memref<2x80xi32, #tpu.memory_space<vmem>> -> memref<1x80xi32, #tpu.memory_space<vmem>>
      %dma_start3A_312 = tpu.memref_squeeze %dma_start3A_311 : memref<1x80xi32, #tpu.memory_space<vmem>> -> memref<80xi32, #tpu.memory_space<vmem>>
      %dma_start3A_313 = arith.constant 0 : i32
      %dma_start3A_314 = arith.constant 0 : i32
      %dma_start3A_315 = tpu.memref_slice %arg2[%dma_start3A_313, %dma_start3A_314] : memref<50000x64xf32, #tpu.memory_space<hbm>> -> memref<50000x64xf32, #tpu.memory_space<hbm>>
      tpu.enqueue_indirect_dma source(%dma_start3A_315 : memref<50000x64xf32, #tpu.memory_space<hbm>>) target(%arg14 : memref<80x64xf32, #tpu.memory_space<vmem>>) offsets(%dma_start3A_312 : memref<80xi32, #tpu.memory_space<vmem>>) semaphore(%arg16 : memref<!tpu.dma_semaphore, #tpu.memory_space<semaphore_mem>>)
      %dma_wait3A_316 = arith.constant 1 : i32
      %dma_wait3A_317 = arith.constant 0 : i32
      %dma_wait3A_318 = tpu.memref_slice %arg11[%dma_wait3A_316, %dma_wait3A_317] : memref<2x80xi32, #tpu.memory_space<vmem>> -> memref<1x80xi32, #tpu.memory_space<vmem>>
      %dma_wait3A_319 = tpu.memref_squeeze %dma_wait3A_318 : memref<1x80xi32, #tpu.memory_space<vmem>> -> memref<80xi32, #tpu.memory_space<vmem>>
      %dma_wait3A_320 = arith.constant 0 : i32
      %dma_wait3A_321 = arith.constant 0 : i32
      %dma_wait3A_322 = tpu.memref_slice %arg9[%dma_wait3A_320, %dma_wait3A_321] : memref<30016x64xf32, #tpu.memory_space<vmem_shared>> -> memref<30016x64xf32, #tpu.memory_space<vmem_shared>>
      tpu.wait_indirect_dma semaphore(%arg19 : memref<!tpu.dma_semaphore, #tpu.memory_space<semaphore_mem>>) src(%arg15 : memref<80x64xf32, #tpu.memory_space<vmem>>) dst(%dma_wait3A_322 : memref<30016x64xf32, #tpu.memory_space<vmem_shared>>)
      %add3A_323 = arith.constant 5 : i32
      %add3A_324 = arith.addi %mul3A_259, %add3A_323 : i32
      %lt3A_325 = arith.constant 80 : i32
      %lt3A_326 = arith.cmpi slt, %add3A_324, %lt3A_325 : i32
      %convert_element_type3A_327 = arith.extui %lt3A_326 : i1 to i32
      %cond3A_328 = arith.constant 0 : i32
      %cond3A_329 = arith.cmpi ne, %convert_element_type3A_327, %cond3A_328 : i32
      scf.if %cond3A_329 {
        %add3A_417 = arith.constant 5 : i32
        %add3A_418 = arith.addi %mul3A_259, %add3A_417 : i32
        %dma_start3A_419 = arith.constant 0 : i32
        %dma_start3A_420 = arith.constant 0 : i32
        %dma_start3A_421 = tpu.memref_slice %arg5[%add3A, %add3A_418, %dma_start3A_419, %dma_start3A_420] : memref<32x80x2x80xi32, #tpu.memory_space<hbm>> -> memref<1x1x2x80xi32, #tpu.memory_space<hbm>>
        %dma_start3A_422 = tpu.memref_squeeze %dma_start3A_421 : memref<1x1x2x80xi32, #tpu.memory_space<hbm>> -> memref<2x80xi32, #tpu.memory_space<hbm>>
        %dma_start3A_423 = arith.constant 0 : i32
        %dma_start3A_424 = arith.constant 0 : i32
        %dma_start3A_425 = tpu.memref_slice %arg5[%add3A, %add3A_418, %dma_start3A_423, %dma_start3A_424] : memref<32x80x2x80xi32, #tpu.memory_space<hbm>> -> memref<1x1x2x80xi32, #tpu.memory_space<hbm>>
        %dma_start3A_426 = tpu.memref_squeeze %dma_start3A_425 : memref<1x1x2x80xi32, #tpu.memory_space<hbm>> -> memref<2x80xi32, #tpu.memory_space<hbm>>
        tpu.enqueue_dma source(%dma_start3A_426 : memref<2x80xi32, #tpu.memory_space<hbm>>) target(%arg11 : memref<2x80xi32, #tpu.memory_space<vmem>>) target_semaphore(%arg21 : memref<!tpu.dma_semaphore, #tpu.memory_space<semaphore_mem>>)
      } else {
      }
      %add3A_330 = arith.constant 3 : i32
      %add3A_331 = arith.addi %mul3A_259, %add3A_330 : i32
      %dma_wait3A_332 = arith.constant 0 : i32
      %dma_wait3A_333 = arith.constant 0 : i32
      %dma_wait3A_334 = tpu.memref_slice %arg5[%add3A, %add3A_331, %dma_wait3A_332, %dma_wait3A_333] : memref<32x80x2x80xi32, #tpu.memory_space<hbm>> -> memref<1x1x2x80xi32, #tpu.memory_space<hbm>>
      %dma_wait3A_335 = tpu.memref_squeeze %dma_wait3A_334 : memref<1x1x2x80xi32, #tpu.memory_space<hbm>> -> memref<2x80xi32, #tpu.memory_space<hbm>>
      %dma_wait3A_336 = arith.constant 0 : i32
      %dma_wait3A_337 = arith.constant 0 : i32
      %dma_wait3A_338 = tpu.memref_slice %arg5[%add3A, %add3A_331, %dma_wait3A_336, %dma_wait3A_337] : memref<32x80x2x80xi32, #tpu.memory_space<hbm>> -> memref<1x1x2x80xi32, #tpu.memory_space<hbm>>
      %dma_wait3A_339 = tpu.memref_squeeze %dma_wait3A_338 : memref<1x1x2x80xi32, #tpu.memory_space<hbm>> -> memref<2x80xi32, #tpu.memory_space<hbm>>
      tpu.wait_dma2 semaphore(%arg23 : memref<!tpu.dma_semaphore, #tpu.memory_space<semaphore_mem>>) src(%dma_wait3A_339 : memref<2x80xi32, #tpu.memory_space<hbm>>) dst(%arg13 : memref<2x80xi32, #tpu.memory_space<vmem>>)
      %dma_start3A_340 = arith.constant 0 : i32
      %dma_start3A_341 = arith.constant 0 : i32
      %dma_start3A_342 = tpu.memref_slice %arg13[%dma_start3A_340, %dma_start3A_341] : memref<2x80xi32, #tpu.memory_space<vmem>> -> memref<1x80xi32, #tpu.memory_space<vmem>>
      %dma_start3A_343 = tpu.memref_squeeze %dma_start3A_342 : memref<1x80xi32, #tpu.memory_space<vmem>> -> memref<80xi32, #tpu.memory_space<vmem>>
      %dma_start3A_344 = arith.constant 0 : i32
      %dma_start3A_345 = arith.constant 0 : i32
      %dma_start3A_346 = tpu.memref_slice %arg2[%dma_start3A_344, %dma_start3A_345] : memref<50000x64xf32, #tpu.memory_space<hbm>> -> memref<50000x64xf32, #tpu.memory_space<hbm>>
      tpu.enqueue_indirect_dma source(%dma_start3A_346 : memref<50000x64xf32, #tpu.memory_space<hbm>>) target(%arg15 : memref<80x64xf32, #tpu.memory_space<vmem>>) offsets(%dma_start3A_343 : memref<80xi32, #tpu.memory_space<vmem>>) semaphore(%arg17 : memref<!tpu.dma_semaphore, #tpu.memory_space<semaphore_mem>>)
      %dma_wait3A_347 = arith.constant 0 : i32
      %dma_wait3A_348 = arith.constant 0 : i32
      %dma_wait3A_349 = tpu.memref_slice %arg12[%dma_wait3A_347, %dma_wait3A_348] : memref<2x80xi32, #tpu.memory_space<vmem>> -> memref<1x80xi32, #tpu.memory_space<vmem>>
      %dma_wait3A_350 = tpu.memref_squeeze %dma_wait3A_349 : memref<1x80xi32, #tpu.memory_space<vmem>> -> memref<80xi32, #tpu.memory_space<vmem>>
      %dma_wait3A_351 = arith.constant 0 : i32
      %dma_wait3A_352 = arith.constant 0 : i32
      %dma_wait3A_353 = tpu.memref_slice %arg2[%dma_wait3A_351, %dma_wait3A_352] : memref<50000x64xf32, #tpu.memory_space<hbm>> -> memref<50000x64xf32, #tpu.memory_space<hbm>>
      tpu.wait_indirect_dma semaphore(%arg16 : memref<!tpu.dma_semaphore, #tpu.memory_space<semaphore_mem>>) src(%dma_wait3A_353 : memref<50000x64xf32, #tpu.memory_space<hbm>>) dst(%arg14 : memref<80x64xf32, #tpu.memory_space<vmem>>)
      %dma_start3A_354 = arith.constant 1 : i32
      %dma_start3A_355 = arith.constant 0 : i32
      %dma_start3A_356 = tpu.memref_slice %arg12[%dma_start3A_354, %dma_start3A_355] : memref<2x80xi32, #tpu.memory_space<vmem>> -> memref<1x80xi32, #tpu.memory_space<vmem>>
      %dma_start3A_357 = tpu.memref_squeeze %dma_start3A_356 : memref<1x80xi32, #tpu.memory_space<vmem>> -> memref<80xi32, #tpu.memory_space<vmem>>
      %dma_start3A_358 = arith.constant 0 : i32
      %dma_start3A_359 = arith.constant 0 : i32
      %dma_start3A_360 = tpu.memref_slice %arg9[%dma_start3A_358, %dma_start3A_359] : memref<30016x64xf32, #tpu.memory_space<vmem_shared>> -> memref<30016x64xf32, #tpu.memory_space<vmem_shared>>
      tpu.enqueue_indirect_dma source(%arg14 : memref<80x64xf32, #tpu.memory_space<vmem>>) target(%dma_start3A_360 : memref<30016x64xf32, #tpu.memory_space<vmem_shared>>) offsets(%dma_start3A_357 : memref<80xi32, #tpu.memory_space<vmem>>) semaphore(%arg18 : memref<!tpu.dma_semaphore, #tpu.memory_space<semaphore_mem>>) {add = true}
      %dma_wait3A_361 = arith.constant 0 : i32
      %dma_wait3A_362 = arith.constant 0 : i32
      %dma_wait3A_363 = tpu.memref_slice %arg13[%dma_wait3A_361, %dma_wait3A_362] : memref<2x80xi32, #tpu.memory_space<vmem>> -> memref<1x80xi32, #tpu.memory_space<vmem>>
      %dma_wait3A_364 = tpu.memref_squeeze %dma_wait3A_363 : memref<1x80xi32, #tpu.memory_space<vmem>> -> memref<80xi32, #tpu.memory_space<vmem>>
      %dma_wait3A_365 = arith.constant 0 : i32
      %dma_wait3A_366 = arith.constant 0 : i32
      %dma_wait3A_367 = tpu.memref_slice %arg2[%dma_wait3A_365, %dma_wait3A_366] : memref<50000x64xf32, #tpu.memory_space<hbm>> -> memref<50000x64xf32, #tpu.memory_space<hbm>>
      tpu.wait_indirect_dma semaphore(%arg17 : memref<!tpu.dma_semaphore, #tpu.memory_space<semaphore_mem>>) src(%dma_wait3A_367 : memref<50000x64xf32, #tpu.memory_space<hbm>>) dst(%arg15 : memref<80x64xf32, #tpu.memory_space<vmem>>)
      %dma_start3A_368 = arith.constant 1 : i32
      %dma_start3A_369 = arith.constant 0 : i32
      %dma_start3A_370 = tpu.memref_slice %arg13[%dma_start3A_368, %dma_start3A_369] : memref<2x80xi32, #tpu.memory_space<vmem>> -> memref<1x80xi32, #tpu.memory_space<vmem>>
      %dma_start3A_371 = tpu.memref_squeeze %dma_start3A_370 : memref<1x80xi32, #tpu.memory_space<vmem>> -> memref<80xi32, #tpu.memory_space<vmem>>
      %dma_start3A_372 = arith.constant 0 : i32
      %dma_start3A_373 = arith.constant 0 : i32
      %dma_start3A_374 = tpu.memref_slice %arg9[%dma_start3A_372, %dma_start3A_373] : memref<30016x64xf32, #tpu.memory_space<vmem_shared>> -> memref<30016x64xf32, #tpu.memory_space<vmem_shared>>
      tpu.enqueue_indirect_dma source(%arg15 : memref<80x64xf32, #tpu.memory_space<vmem>>) target(%dma_start3A_374 : memref<30016x64xf32, #tpu.memory_space<vmem_shared>>) offsets(%dma_start3A_371 : memref<80xi32, #tpu.memory_space<vmem>>) semaphore(%arg19 : memref<!tpu.dma_semaphore, #tpu.memory_space<semaphore_mem>>) {add = true}
      %dma_wait3A_375 = arith.constant 1 : i32
      %dma_wait3A_376 = arith.constant 0 : i32
      %dma_wait3A_377 = tpu.memref_slice %arg12[%dma_wait3A_375, %dma_wait3A_376] : memref<2x80xi32, #tpu.memory_space<vmem>> -> memref<1x80xi32, #tpu.memory_space<vmem>>
      %dma_wait3A_378 = tpu.memref_squeeze %dma_wait3A_377 : memref<1x80xi32, #tpu.memory_space<vmem>> -> memref<80xi32, #tpu.memory_space<vmem>>
      %dma_wait3A_379 = arith.constant 0 : i32
      %dma_wait3A_380 = arith.constant 0 : i32
      %dma_wait3A_381 = tpu.memref_slice %arg9[%dma_wait3A_379, %dma_wait3A_380] : memref<30016x64xf32, #tpu.memory_space<vmem_shared>> -> memref<30016x64xf32, #tpu.memory_space<vmem_shared>>
      tpu.wait_indirect_dma semaphore(%arg18 : memref<!tpu.dma_semaphore, #tpu.memory_space<semaphore_mem>>) src(%arg14 : memref<80x64xf32, #tpu.memory_space<vmem>>) dst(%dma_wait3A_381 : memref<30016x64xf32, #tpu.memory_space<vmem_shared>>)
      %add3A_382 = arith.constant 6 : i32
      %add3A_383 = arith.addi %mul3A_259, %add3A_382 : i32
      %lt3A_384 = arith.constant 80 : i32
      %lt3A_385 = arith.cmpi slt, %add3A_383, %lt3A_384 : i32
      %convert_element_type3A_386 = arith.extui %lt3A_385 : i1 to i32
      %cond3A_387 = arith.constant 0 : i32
      %cond3A_388 = arith.cmpi ne, %convert_element_type3A_386, %cond3A_387 : i32
      scf.if %cond3A_388 {
        %add3A_417 = arith.constant 6 : i32
        %add3A_418 = arith.addi %mul3A_259, %add3A_417 : i32
        %dma_start3A_419 = arith.constant 0 : i32
        %dma_start3A_420 = arith.constant 0 : i32
        %dma_start3A_421 = tpu.memref_slice %arg5[%add3A, %add3A_418, %dma_start3A_419, %dma_start3A_420] : memref<32x80x2x80xi32, #tpu.memory_space<hbm>> -> memref<1x1x2x80xi32, #tpu.memory_space<hbm>>
        %dma_start3A_422 = tpu.memref_squeeze %dma_start3A_421 : memref<1x1x2x80xi32, #tpu.memory_space<hbm>> -> memref<2x80xi32, #tpu.memory_space<hbm>>
        %dma_start3A_423 = arith.constant 0 : i32
        %dma_start3A_424 = arith.constant 0 : i32
        %dma_start3A_425 = tpu.memref_slice %arg5[%add3A, %add3A_418, %dma_start3A_423, %dma_start3A_424] : memref<32x80x2x80xi32, #tpu.memory_space<hbm>> -> memref<1x1x2x80xi32, #tpu.memory_space<hbm>>
        %dma_start3A_426 = tpu.memref_squeeze %dma_start3A_425 : memref<1x1x2x80xi32, #tpu.memory_space<hbm>> -> memref<2x80xi32, #tpu.memory_space<hbm>>
        tpu.enqueue_dma source(%dma_start3A_426 : memref<2x80xi32, #tpu.memory_space<hbm>>) target(%arg12 : memref<2x80xi32, #tpu.memory_space<vmem>>) target_semaphore(%arg22 : memref<!tpu.dma_semaphore, #tpu.memory_space<semaphore_mem>>)
      } else {
      }
      %add3A_389 = arith.constant 4 : i32
      %add3A_390 = arith.addi %mul3A_259, %add3A_389 : i32
      %lt3A_391 = arith.constant 80 : i32
      %lt3A_392 = arith.cmpi slt, %add3A_390, %lt3A_391 : i32
      %convert_element_type3A_393 = arith.extui %lt3A_392 : i1 to i32
      %cond3A_394 = arith.constant 0 : i32
      %cond3A_395 = arith.cmpi ne, %convert_element_type3A_393, %cond3A_394 : i32
      scf.if %cond3A_395 {
        %add3A_417 = arith.constant 4 : i32
        %add3A_418 = arith.addi %mul3A_259, %add3A_417 : i32
        %dma_wait3A_419 = arith.constant 0 : i32
        %dma_wait3A_420 = arith.constant 0 : i32
        %dma_wait3A_421 = tpu.memref_slice %arg5[%add3A, %add3A_418, %dma_wait3A_419, %dma_wait3A_420] : memref<32x80x2x80xi32, #tpu.memory_space<hbm>> -> memref<1x1x2x80xi32, #tpu.memory_space<hbm>>
        %dma_wait3A_422 = tpu.memref_squeeze %dma_wait3A_421 : memref<1x1x2x80xi32, #tpu.memory_space<hbm>> -> memref<2x80xi32, #tpu.memory_space<hbm>>
        %dma_wait3A_423 = arith.constant 0 : i32
        %dma_wait3A_424 = arith.constant 0 : i32
        %dma_wait3A_425 = tpu.memref_slice %arg5[%add3A, %add3A_418, %dma_wait3A_423, %dma_wait3A_424] : memref<32x80x2x80xi32, #tpu.memory_space<hbm>> -> memref<1x1x2x80xi32, #tpu.memory_space<hbm>>
        %dma_wait3A_426 = tpu.memref_squeeze %dma_wait3A_425 : memref<1x1x2x80xi32, #tpu.memory_space<hbm>> -> memref<2x80xi32, #tpu.memory_space<hbm>>
        tpu.wait_dma2 semaphore(%arg20 : memref<!tpu.dma_semaphore, #tpu.memory_space<semaphore_mem>>) src(%dma_wait3A_426 : memref<2x80xi32, #tpu.memory_space<hbm>>) dst(%arg10 : memref<2x80xi32, #tpu.memory_space<vmem>>)
        %dma_start3A_427 = arith.constant 0 : i32
        %dma_start3A_428 = arith.constant 0 : i32
        %dma_start3A_429 = tpu.memref_slice %arg10[%dma_start3A_427, %dma_start3A_428] : memref<2x80xi32, #tpu.memory_space<vmem>> -> memref<1x80xi32, #tpu.memory_space<vmem>>
        %dma_start3A_430 = tpu.memref_squeeze %dma_start3A_429 : memref<1x80xi32, #tpu.memory_space<vmem>> -> memref<80xi32, #tpu.memory_space<vmem>>
        %dma_start3A_431 = arith.constant 0 : i32
        %dma_start3A_432 = arith.constant 0 : i32
        %dma_start3A_433 = tpu.memref_slice %arg2[%dma_start3A_431, %dma_start3A_432] : memref<50000x64xf32, #tpu.memory_space<hbm>> -> memref<50000x64xf32, #tpu.memory_space<hbm>>
        tpu.enqueue_indirect_dma source(%dma_start3A_433 : memref<50000x64xf32, #tpu.memory_space<hbm>>) target(%arg14 : memref<80x64xf32, #tpu.memory_space<vmem>>) offsets(%dma_start3A_430 : memref<80xi32, #tpu.memory_space<vmem>>) semaphore(%arg16 : memref<!tpu.dma_semaphore, #tpu.memory_space<semaphore_mem>>)
      } else {
      }
      %dma_wait3A_396 = arith.constant 1 : i32
      %dma_wait3A_397 = arith.constant 0 : i32
      %dma_wait3A_398 = tpu.memref_slice %arg13[%dma_wait3A_396, %dma_wait3A_397] : memref<2x80xi32, #tpu.memory_space<vmem>> -> memref<1x80xi32, #tpu.memory_space<vmem>>
      %dma_wait3A_399 = tpu.memref_squeeze %dma_wait3A_398 : memref<1x80xi32, #tpu.memory_space<vmem>> -> memref<80xi32, #tpu.memory_space<vmem>>
      %dma_wait3A_400 = arith.constant 0 : i32
      %dma_wait3A_401 = arith.constant 0 : i32
      %dma_wait3A_402 = tpu.memref_slice %arg9[%dma_wait3A_400, %dma_wait3A_401] : memref<30016x64xf32, #tpu.memory_space<vmem_shared>> -> memref<30016x64xf32, #tpu.memory_space<vmem_shared>>
      tpu.wait_indirect_dma semaphore(%arg19 : memref<!tpu.dma_semaphore, #tpu.memory_space<semaphore_mem>>) src(%arg15 : memref<80x64xf32, #tpu.memory_space<vmem>>) dst(%dma_wait3A_402 : memref<30016x64xf32, #tpu.memory_space<vmem_shared>>)
      %add3A_403 = arith.constant 7 : i32
      %add3A_404 = arith.addi %mul3A_259, %add3A_403 : i32
      %lt3A_405 = arith.constant 80 : i32
      %lt3A_406 = arith.cmpi slt, %add3A_404, %lt3A_405 : i32
      %convert_element_type3A_407 = arith.extui %lt3A_406 : i1 to i32
      %cond3A_408 = arith.constant 0 : i32
      %cond3A_409 = arith.cmpi ne, %convert_element_type3A_407, %cond3A_408 : i32
      scf.if %cond3A_409 {
        %add3A_417 = arith.constant 7 : i32
        %add3A_418 = arith.addi %mul3A_259, %add3A_417 : i32
        %dma_start3A_419 = arith.constant 0 : i32
        %dma_start3A_420 = arith.constant 0 : i32
        %dma_start3A_421 = tpu.memref_slice %arg5[%add3A, %add3A_418, %dma_start3A_419, %dma_start3A_420] : memref<32x80x2x80xi32, #tpu.memory_space<hbm>> -> memref<1x1x2x80xi32, #tpu.memory_space<hbm>>
        %dma_start3A_422 = tpu.memref_squeeze %dma_start3A_421 : memref<1x1x2x80xi32, #tpu.memory_space<hbm>> -> memref<2x80xi32, #tpu.memory_space<hbm>>
        %dma_start3A_423 = arith.constant 0 : i32
        %dma_start3A_424 = arith.constant 0 : i32
        %dma_start3A_425 = tpu.memref_slice %arg5[%add3A, %add3A_418, %dma_start3A_423, %dma_start3A_424] : memref<32x80x2x80xi32, #tpu.memory_space<hbm>> -> memref<1x1x2x80xi32, #tpu.memory_space<hbm>>
        %dma_start3A_426 = tpu.memref_squeeze %dma_start3A_425 : memref<1x1x2x80xi32, #tpu.memory_space<hbm>> -> memref<2x80xi32, #tpu.memory_space<hbm>>
        tpu.enqueue_dma source(%dma_start3A_426 : memref<2x80xi32, #tpu.memory_space<hbm>>) target(%arg13 : memref<2x80xi32, #tpu.memory_space<vmem>>) target_semaphore(%arg23 : memref<!tpu.dma_semaphore, #tpu.memory_space<semaphore_mem>>)
      } else {
      }
      %add3A_410 = arith.constant 5 : i32
      %add3A_411 = arith.addi %mul3A_259, %add3A_410 : i32
      %lt3A_412 = arith.constant 80 : i32
      %lt3A_413 = arith.cmpi slt, %add3A_411, %lt3A_412 : i32
      %convert_element_type3A_414 = arith.extui %lt3A_413 : i1 to i32
      %cond3A_415 = arith.constant 0 : i32
      %cond3A_416 = arith.cmpi ne, %convert_element_type3A_414, %cond3A_415 : i32
      scf.if %cond3A_416 {
        %add3A_417 = arith.constant 5 : i32
        %add3A_418 = arith.addi %mul3A_259, %add3A_417 : i32
        %dma_wait3A_419 = arith.constant 0 : i32
        %dma_wait3A_420 = arith.constant 0 : i32
        %dma_wait3A_421 = tpu.memref_slice %arg5[%add3A, %add3A_418, %dma_wait3A_419, %dma_wait3A_420] : memref<32x80x2x80xi32, #tpu.memory_space<hbm>> -> memref<1x1x2x80xi32, #tpu.memory_space<hbm>>
        %dma_wait3A_422 = tpu.memref_squeeze %dma_wait3A_421 : memref<1x1x2x80xi32, #tpu.memory_space<hbm>> -> memref<2x80xi32, #tpu.memory_space<hbm>>
        %dma_wait3A_423 = arith.constant 0 : i32
        %dma_wait3A_424 = arith.constant 0 : i32
        %dma_wait3A_425 = tpu.memref_slice %arg5[%add3A, %add3A_418, %dma_wait3A_423, %dma_wait3A_424] : memref<32x80x2x80xi32, #tpu.memory_space<hbm>> -> memref<1x1x2x80xi32, #tpu.memory_space<hbm>>
        %dma_wait3A_426 = tpu.memref_squeeze %dma_wait3A_425 : memref<1x1x2x80xi32, #tpu.memory_space<hbm>> -> memref<2x80xi32, #tpu.memory_space<hbm>>
        tpu.wait_dma2 semaphore(%arg21 : memref<!tpu.dma_semaphore, #tpu.memory_space<semaphore_mem>>) src(%dma_wait3A_426 : memref<2x80xi32, #tpu.memory_space<hbm>>) dst(%arg11 : memref<2x80xi32, #tpu.memory_space<vmem>>)
        %dma_start3A_427 = arith.constant 0 : i32
        %dma_start3A_428 = arith.constant 0 : i32
        %dma_start3A_429 = tpu.memref_slice %arg11[%dma_start3A_427, %dma_start3A_428] : memref<2x80xi32, #tpu.memory_space<vmem>> -> memref<1x80xi32, #tpu.memory_space<vmem>>
        %dma_start3A_430 = tpu.memref_squeeze %dma_start3A_429 : memref<1x80xi32, #tpu.memory_space<vmem>> -> memref<80xi32, #tpu.memory_space<vmem>>
        %dma_start3A_431 = arith.constant 0 : i32
        %dma_start3A_432 = arith.constant 0 : i32
        %dma_start3A_433 = tpu.memref_slice %arg2[%dma_start3A_431, %dma_start3A_432] : memref<50000x64xf32, #tpu.memory_space<hbm>> -> memref<50000x64xf32, #tpu.memory_space<hbm>>
        tpu.enqueue_indirect_dma source(%dma_start3A_433 : memref<50000x64xf32, #tpu.memory_space<hbm>>) target(%arg15 : memref<80x64xf32, #tpu.memory_space<vmem>>) offsets(%dma_start3A_430 : memref<80xi32, #tpu.memory_space<vmem>>) semaphore(%arg17 : memref<!tpu.dma_semaphore, #tpu.memory_space<semaphore_mem>>)
      } else {
      }
    }
    %scan3A_161 = arith.constant 20 : i32
    %barrier3A_162 = arith.constant 0 : index
    tpu.barrier barrier_id(%barrier3A_162)
    %mul3A_163 = arith.constant 1256 : i32
    %mul3A_164 = arith.muli %arg1, %mul3A_163 : i32
    %min3A_165 = arith.constant 18744 : i32
    %min3A_166 = arith.minsi %mul3A_164, %min3A_165 : i32
    %add3A_167 = arith.constant 30000 : i32
    %add3A_168 = arith.addi %add3A_167, %min3A_166 : i32
    "tpu.region"() ({
      %run_scoped3A = tpu.sem_alloc : memref<!tpu.dma_semaphore, #tpu.memory_space<semaphore_mem>>
      %dma_start3A_257 = arith.constant 0 : i32
      %dma_start3A_258 = tpu.memref_slice %arg7[%arg0, %add3A_168, %dma_start3A_257] : memref<2x50000x64xf32, #tpu.memory_space<hbm>> -> memref<1x1256x64xf32, #tpu.memory_space<hbm>>
      %dma_start3A_259 = tpu.memref_squeeze %dma_start3A_258 : memref<1x1256x64xf32, #tpu.memory_space<hbm>> -> memref<1256x64xf32, #tpu.memory_space<hbm>>
      %dma_start3A_260 = arith.constant 0 : i32
      %dma_start3A_261 = tpu.memref_slice %arg9[%min3A_166, %dma_start3A_260] : memref<30016x64xf32, #tpu.memory_space<vmem_shared>> -> memref<1256x64xf32, #tpu.memory_space<vmem_shared>>
      tpu.enqueue_dma source(%dma_start3A_261 : memref<1256x64xf32, #tpu.memory_space<vmem_shared>>) target(%dma_start3A_259 : memref<1256x64xf32, #tpu.memory_space<hbm>>) target_semaphore(%run_scoped3A : memref<!tpu.dma_semaphore, #tpu.memory_space<semaphore_mem>>)
      %dma_wait3A_262 = arith.constant 0 : i32
      %dma_wait3A_263 = tpu.memref_slice %arg7[%arg0, %add3A_168, %dma_wait3A_262] : memref<2x50000x64xf32, #tpu.memory_space<hbm>> -> memref<1x1256x64xf32, #tpu.memory_space<hbm>>
      %dma_wait3A_264 = tpu.memref_squeeze %dma_wait3A_263 : memref<1x1256x64xf32, #tpu.memory_space<hbm>> -> memref<1256x64xf32, #tpu.memory_space<hbm>>
      %dma_wait3A_265 = arith.constant 0 : i32
      %dma_wait3A_266 = tpu.memref_slice %arg9[%min3A_166, %dma_wait3A_265] : memref<30016x64xf32, #tpu.memory_space<vmem_shared>> -> memref<1256x64xf32, #tpu.memory_space<vmem_shared>>
      tpu.wait_dma2 semaphore(%run_scoped3A : memref<!tpu.dma_semaphore, #tpu.memory_space<semaphore_mem>>) src(%dma_wait3A_266 : memref<1256x64xf32, #tpu.memory_space<vmem_shared>>) dst(%dma_wait3A_264 : memref<1256x64xf32, #tpu.memory_space<hbm>>)
      tpu.yield
    }) : () -> ()
    %barrier3A_169 = arith.constant 0 : index
    tpu.barrier barrier_id(%barrier3A_169)
    %mul3A_170 = arith.constant 1880 : i32
    %mul3A_171 = arith.muli %arg1, %mul3A_170 : i32
    %min3A_172 = arith.constant 28120 : i32
    %min3A_173 = arith.minsi %mul3A_171, %min3A_172 : i32
    "tpu.region"() ({
      %run_scoped3A = tpu.sem_alloc : memref<!tpu.dma_semaphore, #tpu.memory_space<semaphore_mem>>
      %dma_start3A_257 = arith.constant 0 : i32
      %dma_start3A_258 = tpu.memref_slice %arg9[%min3A_173, %dma_start3A_257] : memref<30016x64xf32, #tpu.memory_space<vmem_shared>> -> memref<1880x64xf32, #tpu.memory_space<vmem_shared>>
      %dma_start3A_259 = arith.constant 0 : i32
      %dma_start3A_260 = arith.constant 0 : i32
      %dma_start3A_261 = tpu.memref_slice %arg3[%dma_start3A_259, %dma_start3A_260] : memref<1880x64xf32, #tpu.memory_space<hbm>> -> memref<1880x64xf32, #tpu.memory_space<hbm>>
      tpu.enqueue_dma source(%dma_start3A_261 : memref<1880x64xf32, #tpu.memory_space<hbm>>) target(%dma_start3A_258 : memref<1880x64xf32, #tpu.memory_space<vmem_shared>>) target_semaphore(%run_scoped3A : memref<!tpu.dma_semaphore, #tpu.memory_space<semaphore_mem>>)
      %dma_wait3A_262 = arith.constant 0 : i32
      %dma_wait3A_263 = tpu.memref_slice %arg9[%min3A_173, %dma_wait3A_262] : memref<30016x64xf32, #tpu.memory_space<vmem_shared>> -> memref<1880x64xf32, #tpu.memory_space<vmem_shared>>
      %dma_wait3A_264 = arith.constant 0 : i32
      %dma_wait3A_265 = arith.constant 0 : i32
      %dma_wait3A_266 = tpu.memref_slice %arg3[%dma_wait3A_264, %dma_wait3A_265] : memref<1880x64xf32, #tpu.memory_space<hbm>> -> memref<1880x64xf32, #tpu.memory_space<hbm>>
      tpu.wait_dma2 semaphore(%run_scoped3A : memref<!tpu.dma_semaphore, #tpu.memory_space<semaphore_mem>>) src(%dma_wait3A_266 : memref<1880x64xf32, #tpu.memory_space<hbm>>) dst(%dma_wait3A_263 : memref<1880x64xf32, #tpu.memory_space<vmem_shared>>)
      tpu.yield
    }) : () -> ()
    %dma_start3A_174 = arith.constant 0 : i32
    %dma_start3A_175 = arith.constant 0 : i32
    %dma_start3A_176 = arith.constant 0 : i32
    %dma_start3A_177 = tpu.memref_slice %arg6[%add3A, %dma_start3A_174, %dma_start3A_175, %dma_start3A_176] : memref<32x80x2x80xi32, #tpu.memory_space<hbm>> -> memref<1x1x2x80xi32, #tpu.memory_space<hbm>>
    %dma_start3A_178 = tpu.memref_squeeze %dma_start3A_177 : memref<1x1x2x80xi32, #tpu.memory_space<hbm>> -> memref<2x80xi32, #tpu.memory_space<hbm>>
    %dma_start3A_179 = arith.constant 0 : i32
    %dma_start3A_180 = arith.constant 0 : i32
    %dma_start3A_181 = tpu.memref_slice %arg6[%add3A, %dma_start3A_174, %dma_start3A_179, %dma_start3A_180] : memref<32x80x2x80xi32, #tpu.memory_space<hbm>> -> memref<1x1x2x80xi32, #tpu.memory_space<hbm>>
    %dma_start3A_182 = tpu.memref_squeeze %dma_start3A_181 : memref<1x1x2x80xi32, #tpu.memory_space<hbm>> -> memref<2x80xi32, #tpu.memory_space<hbm>>
    tpu.enqueue_dma source(%dma_start3A_182 : memref<2x80xi32, #tpu.memory_space<hbm>>) target(%arg10 : memref<2x80xi32, #tpu.memory_space<vmem>>) target_semaphore(%arg20 : memref<!tpu.dma_semaphore, #tpu.memory_space<semaphore_mem>>)
    %dma_start3A_183 = arith.constant 1 : i32
    %dma_start3A_184 = arith.constant 0 : i32
    %dma_start3A_185 = arith.constant 0 : i32
    %dma_start3A_186 = tpu.memref_slice %arg6[%add3A, %dma_start3A_183, %dma_start3A_184, %dma_start3A_185] : memref<32x80x2x80xi32, #tpu.memory_space<hbm>> -> memref<1x1x2x80xi32, #tpu.memory_space<hbm>>
    %dma_start3A_187 = tpu.memref_squeeze %dma_start3A_186 : memref<1x1x2x80xi32, #tpu.memory_space<hbm>> -> memref<2x80xi32, #tpu.memory_space<hbm>>
    %dma_start3A_188 = arith.constant 0 : i32
    %dma_start3A_189 = arith.constant 0 : i32
    %dma_start3A_190 = tpu.memref_slice %arg6[%add3A, %dma_start3A_183, %dma_start3A_188, %dma_start3A_189] : memref<32x80x2x80xi32, #tpu.memory_space<hbm>> -> memref<1x1x2x80xi32, #tpu.memory_space<hbm>>
    %dma_start3A_191 = tpu.memref_squeeze %dma_start3A_190 : memref<1x1x2x80xi32, #tpu.memory_space<hbm>> -> memref<2x80xi32, #tpu.memory_space<hbm>>
    tpu.enqueue_dma source(%dma_start3A_191 : memref<2x80xi32, #tpu.memory_space<hbm>>) target(%arg11 : memref<2x80xi32, #tpu.memory_space<vmem>>) target_semaphore(%arg21 : memref<!tpu.dma_semaphore, #tpu.memory_space<semaphore_mem>>)
    %dma_start3A_192 = arith.constant 2 : i32
    %dma_start3A_193 = arith.constant 0 : i32
    %dma_start3A_194 = arith.constant 0 : i32
    %dma_start3A_195 = tpu.memref_slice %arg6[%add3A, %dma_start3A_192, %dma_start3A_193, %dma_start3A_194] : memref<32x80x2x80xi32, #tpu.memory_space<hbm>> -> memref<1x1x2x80xi32, #tpu.memory_space<hbm>>
    %dma_start3A_196 = tpu.memref_squeeze %dma_start3A_195 : memref<1x1x2x80xi32, #tpu.memory_space<hbm>> -> memref<2x80xi32, #tpu.memory_space<hbm>>
    %dma_start3A_197 = arith.constant 0 : i32
    %dma_start3A_198 = arith.constant 0 : i32
    %dma_start3A_199 = tpu.memref_slice %arg6[%add3A, %dma_start3A_192, %dma_start3A_197, %dma_start3A_198] : memref<32x80x2x80xi32, #tpu.memory_space<hbm>> -> memref<1x1x2x80xi32, #tpu.memory_space<hbm>>
    %dma_start3A_200 = tpu.memref_squeeze %dma_start3A_199 : memref<1x1x2x80xi32, #tpu.memory_space<hbm>> -> memref<2x80xi32, #tpu.memory_space<hbm>>
    tpu.enqueue_dma source(%dma_start3A_200 : memref<2x80xi32, #tpu.memory_space<hbm>>) target(%arg12 : memref<2x80xi32, #tpu.memory_space<vmem>>) target_semaphore(%arg22 : memref<!tpu.dma_semaphore, #tpu.memory_space<semaphore_mem>>)
    %dma_start3A_201 = arith.constant 3 : i32
    %dma_start3A_202 = arith.constant 0 : i32
    %dma_start3A_203 = arith.constant 0 : i32
    %dma_start3A_204 = tpu.memref_slice %arg6[%add3A, %dma_start3A_201, %dma_start3A_202, %dma_start3A_203] : memref<32x80x2x80xi32, #tpu.memory_space<hbm>> -> memref<1x1x2x80xi32, #tpu.memory_space<hbm>>
    %dma_start3A_205 = tpu.memref_squeeze %dma_start3A_204 : memref<1x1x2x80xi32, #tpu.memory_space<hbm>> -> memref<2x80xi32, #tpu.memory_space<hbm>>
    %dma_start3A_206 = arith.constant 0 : i32
    %dma_start3A_207 = arith.constant 0 : i32
    %dma_start3A_208 = tpu.memref_slice %arg6[%add3A, %dma_start3A_201, %dma_start3A_206, %dma_start3A_207] : memref<32x80x2x80xi32, #tpu.memory_space<hbm>> -> memref<1x1x2x80xi32, #tpu.memory_space<hbm>>
    %dma_start3A_209 = tpu.memref_squeeze %dma_start3A_208 : memref<1x1x2x80xi32, #tpu.memory_space<hbm>> -> memref<2x80xi32, #tpu.memory_space<hbm>>
    tpu.enqueue_dma source(%dma_start3A_209 : memref<2x80xi32, #tpu.memory_space<hbm>>) target(%arg13 : memref<2x80xi32, #tpu.memory_space<vmem>>) target_semaphore(%arg23 : memref<!tpu.dma_semaphore, #tpu.memory_space<semaphore_mem>>)
    %dma_wait3A_210 = arith.constant 0 : i32
    %dma_wait3A_211 = arith.constant 0 : i32
    %dma_wait3A_212 = arith.constant 0 : i32
    %dma_wait3A_213 = tpu.memref_slice %arg6[%add3A, %dma_wait3A_210, %dma_wait3A_211, %dma_wait3A_212] : memref<32x80x2x80xi32, #tpu.memory_space<hbm>> -> memref<1x1x2x80xi32, #tpu.memory_space<hbm>>
    %dma_wait3A_214 = tpu.memref_squeeze %dma_wait3A_213 : memref<1x1x2x80xi32, #tpu.memory_space<hbm>> -> memref<2x80xi32, #tpu.memory_space<hbm>>
    %dma_wait3A_215 = arith.constant 0 : i32
    %dma_wait3A_216 = arith.constant 0 : i32
    %dma_wait3A_217 = tpu.memref_slice %arg6[%add3A, %dma_wait3A_210, %dma_wait3A_215, %dma_wait3A_216] : memref<32x80x2x80xi32, #tpu.memory_space<hbm>> -> memref<1x1x2x80xi32, #tpu.memory_space<hbm>>
    %dma_wait3A_218 = tpu.memref_squeeze %dma_wait3A_217 : memref<1x1x2x80xi32, #tpu.memory_space<hbm>> -> memref<2x80xi32, #tpu.memory_space<hbm>>
    tpu.wait_dma2 semaphore(%arg20 : memref<!tpu.dma_semaphore, #tpu.memory_space<semaphore_mem>>) src(%dma_wait3A_218 : memref<2x80xi32, #tpu.memory_space<hbm>>) dst(%arg10 : memref<2x80xi32, #tpu.memory_space<vmem>>)
    %dma_wait3A_219 = arith.constant 1 : i32
    %dma_wait3A_220 = arith.constant 0 : i32
    %dma_wait3A_221 = arith.constant 0 : i32
    %dma_wait3A_222 = tpu.memref_slice %arg6[%add3A, %dma_wait3A_219, %dma_wait3A_220, %dma_wait3A_221] : memref<32x80x2x80xi32, #tpu.memory_space<hbm>> -> memref<1x1x2x80xi32, #tpu.memory_space<hbm>>
    %dma_wait3A_223 = tpu.memref_squeeze %dma_wait3A_222 : memref<1x1x2x80xi32, #tpu.memory_space<hbm>> -> memref<2x80xi32, #tpu.memory_space<hbm>>
    %dma_wait3A_224 = arith.constant 0 : i32
    %dma_wait3A_225 = arith.constant 0 : i32
    %dma_wait3A_226 = tpu.memref_slice %arg6[%add3A, %dma_wait3A_219, %dma_wait3A_224, %dma_wait3A_225] : memref<32x80x2x80xi32, #tpu.memory_space<hbm>> -> memref<1x1x2x80xi32, #tpu.memory_space<hbm>>
    %dma_wait3A_227 = tpu.memref_squeeze %dma_wait3A_226 : memref<1x1x2x80xi32, #tpu.memory_space<hbm>> -> memref<2x80xi32, #tpu.memory_space<hbm>>
    tpu.wait_dma2 semaphore(%arg21 : memref<!tpu.dma_semaphore, #tpu.memory_space<semaphore_mem>>) src(%dma_wait3A_227 : memref<2x80xi32, #tpu.memory_space<hbm>>) dst(%arg11 : memref<2x80xi32, #tpu.memory_space<vmem>>)
    %barrier3A_228 = arith.constant 0 : index
    tpu.barrier barrier_id(%barrier3A_228)
    %dma_start3A_229 = arith.constant 0 : i32
    %dma_start3A_230 = arith.constant 0 : i32
    %dma_start3A_231 = tpu.memref_slice %arg10[%dma_start3A_229, %dma_start3A_230] : memref<2x80xi32, #tpu.memory_space<vmem>> -> memref<1x80xi32, #tpu.memory_space<vmem>>
    %dma_start3A_232 = tpu.memref_squeeze %dma_start3A_231 : memref<1x80xi32, #tpu.memory_space<vmem>> -> memref<80xi32, #tpu.memory_space<vmem>>
    %dma_start3A_233 = arith.constant 0 : i32
    %dma_start3A_234 = arith.constant 0 : i32
    %dma_start3A_235 = tpu.memref_slice %arg2[%dma_start3A_233, %dma_start3A_234] : memref<50000x64xf32, #tpu.memory_space<hbm>> -> memref<50000x64xf32, #tpu.memory_space<hbm>>
    tpu.enqueue_indirect_dma source(%dma_start3A_235 : memref<50000x64xf32, #tpu.memory_space<hbm>>) target(%arg14 : memref<80x64xf32, #tpu.memory_space<vmem>>) offsets(%dma_start3A_232 : memref<80xi32, #tpu.memory_space<vmem>>) semaphore(%arg16 : memref<!tpu.dma_semaphore, #tpu.memory_space<semaphore_mem>>)
    %dma_start3A_236 = arith.constant 0 : i32
    %dma_start3A_237 = arith.constant 0 : i32
    %dma_start3A_238 = tpu.memref_slice %arg11[%dma_start3A_236, %dma_start3A_237] : memref<2x80xi32, #tpu.memory_space<vmem>> -> memref<1x80xi32, #tpu.memory_space<vmem>>
    %dma_start3A_239 = tpu.memref_squeeze %dma_start3A_238 : memref<1x80xi32, #tpu.memory_space<vmem>> -> memref<80xi32, #tpu.memory_space<vmem>>
    %dma_start3A_240 = arith.constant 0 : i32
    %dma_start3A_241 = arith.constant 0 : i32
    %dma_start3A_242 = tpu.memref_slice %arg2[%dma_start3A_240, %dma_start3A_241] : memref<50000x64xf32, #tpu.memory_space<hbm>> -> memref<50000x64xf32, #tpu.memory_space<hbm>>
    tpu.enqueue_indirect_dma source(%dma_start3A_242 : memref<50000x64xf32, #tpu.memory_space<hbm>>) target(%arg15 : memref<80x64xf32, #tpu.memory_space<vmem>>) offsets(%dma_start3A_239 : memref<80xi32, #tpu.memory_space<vmem>>) semaphore(%arg17 : memref<!tpu.dma_semaphore, #tpu.memory_space<semaphore_mem>>)
    %scan3A_243 = arith.constant 0 : i32
    %scan3A_244 = arith.constant 0 : i32
    %scan3A_245 = arith.constant 20 : i32
    %scan3A_246 = arith.addi %scan3A_244, %scan3A_245 : i32
    %scan3A_247 = arith.constant 1 : i32
    scf.for %scan3A_257 = %scan3A_244 to %scan3A_246 step %scan3A_247  : i32 {
      %mul3A_258 = arith.constant 4 : i32
      %mul3A_259 = arith.muli %mul3A_258, %scan3A_257 : i32
      %dma_wait3A_260 = arith.constant 0 : i32
      %dma_wait3A_261 = arith.constant 0 : i32
      %dma_wait3A_262 = tpu.memref_slice %arg10[%dma_wait3A_260, %dma_wait3A_261] : memref<2x80xi32, #tpu.memory_space<vmem>> -> memref<1x80xi32, #tpu.memory_space<vmem>>
      %dma_wait3A_263 = tpu.memref_squeeze %dma_wait3A_262 : memref<1x80xi32, #tpu.memory_space<vmem>> -> memref<80xi32, #tpu.memory_space<vmem>>
      %dma_wait3A_264 = arith.constant 0 : i32
      %dma_wait3A_265 = arith.constant 0 : i32
      %dma_wait3A_266 = tpu.memref_slice %arg2[%dma_wait3A_264, %dma_wait3A_265] : memref<50000x64xf32, #tpu.memory_space<hbm>> -> memref<50000x64xf32, #tpu.memory_space<hbm>>
      tpu.wait_indirect_dma semaphore(%arg16 : memref<!tpu.dma_semaphore, #tpu.memory_space<semaphore_mem>>) src(%dma_wait3A_266 : memref<50000x64xf32, #tpu.memory_space<hbm>>) dst(%arg14 : memref<80x64xf32, #tpu.memory_space<vmem>>)
      %dma_start3A_267 = arith.constant 1 : i32
      %dma_start3A_268 = arith.constant 0 : i32
      %dma_start3A_269 = tpu.memref_slice %arg10[%dma_start3A_267, %dma_start3A_268] : memref<2x80xi32, #tpu.memory_space<vmem>> -> memref<1x80xi32, #tpu.memory_space<vmem>>
      %dma_start3A_270 = tpu.memref_squeeze %dma_start3A_269 : memref<1x80xi32, #tpu.memory_space<vmem>> -> memref<80xi32, #tpu.memory_space<vmem>>
      %dma_start3A_271 = arith.constant 0 : i32
      %dma_start3A_272 = arith.constant 0 : i32
      %dma_start3A_273 = tpu.memref_slice %arg9[%dma_start3A_271, %dma_start3A_272] : memref<30016x64xf32, #tpu.memory_space<vmem_shared>> -> memref<30016x64xf32, #tpu.memory_space<vmem_shared>>
      tpu.enqueue_indirect_dma source(%arg14 : memref<80x64xf32, #tpu.memory_space<vmem>>) target(%dma_start3A_273 : memref<30016x64xf32, #tpu.memory_space<vmem_shared>>) offsets(%dma_start3A_270 : memref<80xi32, #tpu.memory_space<vmem>>) semaphore(%arg18 : memref<!tpu.dma_semaphore, #tpu.memory_space<semaphore_mem>>) {add = true}
      %dma_wait3A_274 = arith.constant 0 : i32
      %dma_wait3A_275 = arith.constant 0 : i32
      %dma_wait3A_276 = tpu.memref_slice %arg11[%dma_wait3A_274, %dma_wait3A_275] : memref<2x80xi32, #tpu.memory_space<vmem>> -> memref<1x80xi32, #tpu.memory_space<vmem>>
      %dma_wait3A_277 = tpu.memref_squeeze %dma_wait3A_276 : memref<1x80xi32, #tpu.memory_space<vmem>> -> memref<80xi32, #tpu.memory_space<vmem>>
      %dma_wait3A_278 = arith.constant 0 : i32
      %dma_wait3A_279 = arith.constant 0 : i32
      %dma_wait3A_280 = tpu.memref_slice %arg2[%dma_wait3A_278, %dma_wait3A_279] : memref<50000x64xf32, #tpu.memory_space<hbm>> -> memref<50000x64xf32, #tpu.memory_space<hbm>>
      tpu.wait_indirect_dma semaphore(%arg17 : memref<!tpu.dma_semaphore, #tpu.memory_space<semaphore_mem>>) src(%dma_wait3A_280 : memref<50000x64xf32, #tpu.memory_space<hbm>>) dst(%arg15 : memref<80x64xf32, #tpu.memory_space<vmem>>)
      %dma_start3A_281 = arith.constant 1 : i32
      %dma_start3A_282 = arith.constant 0 : i32
      %dma_start3A_283 = tpu.memref_slice %arg11[%dma_start3A_281, %dma_start3A_282] : memref<2x80xi32, #tpu.memory_space<vmem>> -> memref<1x80xi32, #tpu.memory_space<vmem>>
      %dma_start3A_284 = tpu.memref_squeeze %dma_start3A_283 : memref<1x80xi32, #tpu.memory_space<vmem>> -> memref<80xi32, #tpu.memory_space<vmem>>
      %dma_start3A_285 = arith.constant 0 : i32
      %dma_start3A_286 = arith.constant 0 : i32
      %dma_start3A_287 = tpu.memref_slice %arg9[%dma_start3A_285, %dma_start3A_286] : memref<30016x64xf32, #tpu.memory_space<vmem_shared>> -> memref<30016x64xf32, #tpu.memory_space<vmem_shared>>
      tpu.enqueue_indirect_dma source(%arg15 : memref<80x64xf32, #tpu.memory_space<vmem>>) target(%dma_start3A_287 : memref<30016x64xf32, #tpu.memory_space<vmem_shared>>) offsets(%dma_start3A_284 : memref<80xi32, #tpu.memory_space<vmem>>) semaphore(%arg19 : memref<!tpu.dma_semaphore, #tpu.memory_space<semaphore_mem>>) {add = true}
      %dma_wait3A_288 = arith.constant 1 : i32
      %dma_wait3A_289 = arith.constant 0 : i32
      %dma_wait3A_290 = tpu.memref_slice %arg10[%dma_wait3A_288, %dma_wait3A_289] : memref<2x80xi32, #tpu.memory_space<vmem>> -> memref<1x80xi32, #tpu.memory_space<vmem>>
      %dma_wait3A_291 = tpu.memref_squeeze %dma_wait3A_290 : memref<1x80xi32, #tpu.memory_space<vmem>> -> memref<80xi32, #tpu.memory_space<vmem>>
      %dma_wait3A_292 = arith.constant 0 : i32
      %dma_wait3A_293 = arith.constant 0 : i32
      %dma_wait3A_294 = tpu.memref_slice %arg9[%dma_wait3A_292, %dma_wait3A_293] : memref<30016x64xf32, #tpu.memory_space<vmem_shared>> -> memref<30016x64xf32, #tpu.memory_space<vmem_shared>>
      tpu.wait_indirect_dma semaphore(%arg18 : memref<!tpu.dma_semaphore, #tpu.memory_space<semaphore_mem>>) src(%arg14 : memref<80x64xf32, #tpu.memory_space<vmem>>) dst(%dma_wait3A_294 : memref<30016x64xf32, #tpu.memory_space<vmem_shared>>)
      %add3A_295 = arith.constant 4 : i32
      %add3A_296 = arith.addi %mul3A_259, %add3A_295 : i32
      %lt3A = arith.constant 80 : i32
      %lt3A_297 = arith.cmpi slt, %add3A_296, %lt3A : i32
      %convert_element_type3A = arith.extui %lt3A_297 : i1 to i32
      %cond3A = arith.constant 0 : i32
      %cond3A_298 = arith.cmpi ne, %convert_element_type3A, %cond3A : i32
      scf.if %cond3A_298 {
        %add3A_417 = arith.constant 4 : i32
        %add3A_418 = arith.addi %mul3A_259, %add3A_417 : i32
        %dma_start3A_419 = arith.constant 0 : i32
        %dma_start3A_420 = arith.constant 0 : i32
        %dma_start3A_421 = tpu.memref_slice %arg6[%add3A, %add3A_418, %dma_start3A_419, %dma_start3A_420] : memref<32x80x2x80xi32, #tpu.memory_space<hbm>> -> memref<1x1x2x80xi32, #tpu.memory_space<hbm>>
        %dma_start3A_422 = tpu.memref_squeeze %dma_start3A_421 : memref<1x1x2x80xi32, #tpu.memory_space<hbm>> -> memref<2x80xi32, #tpu.memory_space<hbm>>
        %dma_start3A_423 = arith.constant 0 : i32
        %dma_start3A_424 = arith.constant 0 : i32
        %dma_start3A_425 = tpu.memref_slice %arg6[%add3A, %add3A_418, %dma_start3A_423, %dma_start3A_424] : memref<32x80x2x80xi32, #tpu.memory_space<hbm>> -> memref<1x1x2x80xi32, #tpu.memory_space<hbm>>
        %dma_start3A_426 = tpu.memref_squeeze %dma_start3A_425 : memref<1x1x2x80xi32, #tpu.memory_space<hbm>> -> memref<2x80xi32, #tpu.memory_space<hbm>>
        tpu.enqueue_dma source(%dma_start3A_426 : memref<2x80xi32, #tpu.memory_space<hbm>>) target(%arg10 : memref<2x80xi32, #tpu.memory_space<vmem>>) target_semaphore(%arg20 : memref<!tpu.dma_semaphore, #tpu.memory_space<semaphore_mem>>)
      } else {
      }
      %add3A_299 = arith.constant 2 : i32
      %add3A_300 = arith.addi %mul3A_259, %add3A_299 : i32
      %dma_wait3A_301 = arith.constant 0 : i32
      %dma_wait3A_302 = arith.constant 0 : i32
      %dma_wait3A_303 = tpu.memref_slice %arg6[%add3A, %add3A_300, %dma_wait3A_301, %dma_wait3A_302] : memref<32x80x2x80xi32, #tpu.memory_space<hbm>> -> memref<1x1x2x80xi32, #tpu.memory_space<hbm>>
      %dma_wait3A_304 = tpu.memref_squeeze %dma_wait3A_303 : memref<1x1x2x80xi32, #tpu.memory_space<hbm>> -> memref<2x80xi32, #tpu.memory_space<hbm>>
      %dma_wait3A_305 = arith.constant 0 : i32
      %dma_wait3A_306 = arith.constant 0 : i32
      %dma_wait3A_307 = tpu.memref_slice %arg6[%add3A, %add3A_300, %dma_wait3A_305, %dma_wait3A_306] : memref<32x80x2x80xi32, #tpu.memory_space<hbm>> -> memref<1x1x2x80xi32, #tpu.memory_space<hbm>>
      %dma_wait3A_308 = tpu.memref_squeeze %dma_wait3A_307 : memref<1x1x2x80xi32, #tpu.memory_space<hbm>> -> memref<2x80xi32, #tpu.memory_space<hbm>>
      tpu.wait_dma2 semaphore(%arg22 : memref<!tpu.dma_semaphore, #tpu.memory_space<semaphore_mem>>) src(%dma_wait3A_308 : memref<2x80xi32, #tpu.memory_space<hbm>>) dst(%arg12 : memref<2x80xi32, #tpu.memory_space<vmem>>)
      %dma_start3A_309 = arith.constant 0 : i32
      %dma_start3A_310 = arith.constant 0 : i32
      %dma_start3A_311 = tpu.memref_slice %arg12[%dma_start3A_309, %dma_start3A_310] : memref<2x80xi32, #tpu.memory_space<vmem>> -> memref<1x80xi32, #tpu.memory_space<vmem>>
      %dma_start3A_312 = tpu.memref_squeeze %dma_start3A_311 : memref<1x80xi32, #tpu.memory_space<vmem>> -> memref<80xi32, #tpu.memory_space<vmem>>
      %dma_start3A_313 = arith.constant 0 : i32
      %dma_start3A_314 = arith.constant 0 : i32
      %dma_start3A_315 = tpu.memref_slice %arg2[%dma_start3A_313, %dma_start3A_314] : memref<50000x64xf32, #tpu.memory_space<hbm>> -> memref<50000x64xf32, #tpu.memory_space<hbm>>
      tpu.enqueue_indirect_dma source(%dma_start3A_315 : memref<50000x64xf32, #tpu.memory_space<hbm>>) target(%arg14 : memref<80x64xf32, #tpu.memory_space<vmem>>) offsets(%dma_start3A_312 : memref<80xi32, #tpu.memory_space<vmem>>) semaphore(%arg16 : memref<!tpu.dma_semaphore, #tpu.memory_space<semaphore_mem>>)
      %dma_wait3A_316 = arith.constant 1 : i32
      %dma_wait3A_317 = arith.constant 0 : i32
      %dma_wait3A_318 = tpu.memref_slice %arg11[%dma_wait3A_316, %dma_wait3A_317] : memref<2x80xi32, #tpu.memory_space<vmem>> -> memref<1x80xi32, #tpu.memory_space<vmem>>
      %dma_wait3A_319 = tpu.memref_squeeze %dma_wait3A_318 : memref<1x80xi32, #tpu.memory_space<vmem>> -> memref<80xi32, #tpu.memory_space<vmem>>
      %dma_wait3A_320 = arith.constant 0 : i32
      %dma_wait3A_321 = arith.constant 0 : i32
      %dma_wait3A_322 = tpu.memref_slice %arg9[%dma_wait3A_320, %dma_wait3A_321] : memref<30016x64xf32, #tpu.memory_space<vmem_shared>> -> memref<30016x64xf32, #tpu.memory_space<vmem_shared>>
      tpu.wait_indirect_dma semaphore(%arg19 : memref<!tpu.dma_semaphore, #tpu.memory_space<semaphore_mem>>) src(%arg15 : memref<80x64xf32, #tpu.memory_space<vmem>>) dst(%dma_wait3A_322 : memref<30016x64xf32, #tpu.memory_space<vmem_shared>>)
      %add3A_323 = arith.constant 5 : i32
      %add3A_324 = arith.addi %mul3A_259, %add3A_323 : i32
      %lt3A_325 = arith.constant 80 : i32
      %lt3A_326 = arith.cmpi slt, %add3A_324, %lt3A_325 : i32
      %convert_element_type3A_327 = arith.extui %lt3A_326 : i1 to i32
      %cond3A_328 = arith.constant 0 : i32
      %cond3A_329 = arith.cmpi ne, %convert_element_type3A_327, %cond3A_328 : i32
      scf.if %cond3A_329 {
        %add3A_417 = arith.constant 5 : i32
        %add3A_418 = arith.addi %mul3A_259, %add3A_417 : i32
        %dma_start3A_419 = arith.constant 0 : i32
        %dma_start3A_420 = arith.constant 0 : i32
        %dma_start3A_421 = tpu.memref_slice %arg6[%add3A, %add3A_418, %dma_start3A_419, %dma_start3A_420] : memref<32x80x2x80xi32, #tpu.memory_space<hbm>> -> memref<1x1x2x80xi32, #tpu.memory_space<hbm>>
        %dma_start3A_422 = tpu.memref_squeeze %dma_start3A_421 : memref<1x1x2x80xi32, #tpu.memory_space<hbm>> -> memref<2x80xi32, #tpu.memory_space<hbm>>
        %dma_start3A_423 = arith.constant 0 : i32
        %dma_start3A_424 = arith.constant 0 : i32
        %dma_start3A_425 = tpu.memref_slice %arg6[%add3A, %add3A_418, %dma_start3A_423, %dma_start3A_424] : memref<32x80x2x80xi32, #tpu.memory_space<hbm>> -> memref<1x1x2x80xi32, #tpu.memory_space<hbm>>
        %dma_start3A_426 = tpu.memref_squeeze %dma_start3A_425 : memref<1x1x2x80xi32, #tpu.memory_space<hbm>> -> memref<2x80xi32, #tpu.memory_space<hbm>>
        tpu.enqueue_dma source(%dma_start3A_426 : memref<2x80xi32, #tpu.memory_space<hbm>>) target(%arg11 : memref<2x80xi32, #tpu.memory_space<vmem>>) target_semaphore(%arg21 : memref<!tpu.dma_semaphore, #tpu.memory_space<semaphore_mem>>)
      } else {
      }
      %add3A_330 = arith.constant 3 : i32
      %add3A_331 = arith.addi %mul3A_259, %add3A_330 : i32
      %dma_wait3A_332 = arith.constant 0 : i32
      %dma_wait3A_333 = arith.constant 0 : i32
      %dma_wait3A_334 = tpu.memref_slice %arg6[%add3A, %add3A_331, %dma_wait3A_332, %dma_wait3A_333] : memref<32x80x2x80xi32, #tpu.memory_space<hbm>> -> memref<1x1x2x80xi32, #tpu.memory_space<hbm>>
      %dma_wait3A_335 = tpu.memref_squeeze %dma_wait3A_334 : memref<1x1x2x80xi32, #tpu.memory_space<hbm>> -> memref<2x80xi32, #tpu.memory_space<hbm>>
      %dma_wait3A_336 = arith.constant 0 : i32
      %dma_wait3A_337 = arith.constant 0 : i32
      %dma_wait3A_338 = tpu.memref_slice %arg6[%add3A, %add3A_331, %dma_wait3A_336, %dma_wait3A_337] : memref<32x80x2x80xi32, #tpu.memory_space<hbm>> -> memref<1x1x2x80xi32, #tpu.memory_space<hbm>>
      %dma_wait3A_339 = tpu.memref_squeeze %dma_wait3A_338 : memref<1x1x2x80xi32, #tpu.memory_space<hbm>> -> memref<2x80xi32, #tpu.memory_space<hbm>>
      tpu.wait_dma2 semaphore(%arg23 : memref<!tpu.dma_semaphore, #tpu.memory_space<semaphore_mem>>) src(%dma_wait3A_339 : memref<2x80xi32, #tpu.memory_space<hbm>>) dst(%arg13 : memref<2x80xi32, #tpu.memory_space<vmem>>)
      %dma_start3A_340 = arith.constant 0 : i32
      %dma_start3A_341 = arith.constant 0 : i32
      %dma_start3A_342 = tpu.memref_slice %arg13[%dma_start3A_340, %dma_start3A_341] : memref<2x80xi32, #tpu.memory_space<vmem>> -> memref<1x80xi32, #tpu.memory_space<vmem>>
      %dma_start3A_343 = tpu.memref_squeeze %dma_start3A_342 : memref<1x80xi32, #tpu.memory_space<vmem>> -> memref<80xi32, #tpu.memory_space<vmem>>
      %dma_start3A_344 = arith.constant 0 : i32
      %dma_start3A_345 = arith.constant 0 : i32
      %dma_start3A_346 = tpu.memref_slice %arg2[%dma_start3A_344, %dma_start3A_345] : memref<50000x64xf32, #tpu.memory_space<hbm>> -> memref<50000x64xf32, #tpu.memory_space<hbm>>
      tpu.enqueue_indirect_dma source(%dma_start3A_346 : memref<50000x64xf32, #tpu.memory_space<hbm>>) target(%arg15 : memref<80x64xf32, #tpu.memory_space<vmem>>) offsets(%dma_start3A_343 : memref<80xi32, #tpu.memory_space<vmem>>) semaphore(%arg17 : memref<!tpu.dma_semaphore, #tpu.memory_space<semaphore_mem>>)
      %dma_wait3A_347 = arith.constant 0 : i32
      %dma_wait3A_348 = arith.constant 0 : i32
      %dma_wait3A_349 = tpu.memref_slice %arg12[%dma_wait3A_347, %dma_wait3A_348] : memref<2x80xi32, #tpu.memory_space<vmem>> -> memref<1x80xi32, #tpu.memory_space<vmem>>
      %dma_wait3A_350 = tpu.memref_squeeze %dma_wait3A_349 : memref<1x80xi32, #tpu.memory_space<vmem>> -> memref<80xi32, #tpu.memory_space<vmem>>
      %dma_wait3A_351 = arith.constant 0 : i32
      %dma_wait3A_352 = arith.constant 0 : i32
      %dma_wait3A_353 = tpu.memref_slice %arg2[%dma_wait3A_351, %dma_wait3A_352] : memref<50000x64xf32, #tpu.memory_space<hbm>> -> memref<50000x64xf32, #tpu.memory_space<hbm>>
      tpu.wait_indirect_dma semaphore(%arg16 : memref<!tpu.dma_semaphore, #tpu.memory_space<semaphore_mem>>) src(%dma_wait3A_353 : memref<50000x64xf32, #tpu.memory_space<hbm>>) dst(%arg14 : memref<80x64xf32, #tpu.memory_space<vmem>>)
      %dma_start3A_354 = arith.constant 1 : i32
      %dma_start3A_355 = arith.constant 0 : i32
      %dma_start3A_356 = tpu.memref_slice %arg12[%dma_start3A_354, %dma_start3A_355] : memref<2x80xi32, #tpu.memory_space<vmem>> -> memref<1x80xi32, #tpu.memory_space<vmem>>
      %dma_start3A_357 = tpu.memref_squeeze %dma_start3A_356 : memref<1x80xi32, #tpu.memory_space<vmem>> -> memref<80xi32, #tpu.memory_space<vmem>>
      %dma_start3A_358 = arith.constant 0 : i32
      %dma_start3A_359 = arith.constant 0 : i32
      %dma_start3A_360 = tpu.memref_slice %arg9[%dma_start3A_358, %dma_start3A_359] : memref<30016x64xf32, #tpu.memory_space<vmem_shared>> -> memref<30016x64xf32, #tpu.memory_space<vmem_shared>>
      tpu.enqueue_indirect_dma source(%arg14 : memref<80x64xf32, #tpu.memory_space<vmem>>) target(%dma_start3A_360 : memref<30016x64xf32, #tpu.memory_space<vmem_shared>>) offsets(%dma_start3A_357 : memref<80xi32, #tpu.memory_space<vmem>>) semaphore(%arg18 : memref<!tpu.dma_semaphore, #tpu.memory_space<semaphore_mem>>) {add = true}
      %dma_wait3A_361 = arith.constant 0 : i32
      %dma_wait3A_362 = arith.constant 0 : i32
      %dma_wait3A_363 = tpu.memref_slice %arg13[%dma_wait3A_361, %dma_wait3A_362] : memref<2x80xi32, #tpu.memory_space<vmem>> -> memref<1x80xi32, #tpu.memory_space<vmem>>
      %dma_wait3A_364 = tpu.memref_squeeze %dma_wait3A_363 : memref<1x80xi32, #tpu.memory_space<vmem>> -> memref<80xi32, #tpu.memory_space<vmem>>
      %dma_wait3A_365 = arith.constant 0 : i32
      %dma_wait3A_366 = arith.constant 0 : i32
      %dma_wait3A_367 = tpu.memref_slice %arg2[%dma_wait3A_365, %dma_wait3A_366] : memref<50000x64xf32, #tpu.memory_space<hbm>> -> memref<50000x64xf32, #tpu.memory_space<hbm>>
      tpu.wait_indirect_dma semaphore(%arg17 : memref<!tpu.dma_semaphore, #tpu.memory_space<semaphore_mem>>) src(%dma_wait3A_367 : memref<50000x64xf32, #tpu.memory_space<hbm>>) dst(%arg15 : memref<80x64xf32, #tpu.memory_space<vmem>>)
      %dma_start3A_368 = arith.constant 1 : i32
      %dma_start3A_369 = arith.constant 0 : i32
      %dma_start3A_370 = tpu.memref_slice %arg13[%dma_start3A_368, %dma_start3A_369] : memref<2x80xi32, #tpu.memory_space<vmem>> -> memref<1x80xi32, #tpu.memory_space<vmem>>
      %dma_start3A_371 = tpu.memref_squeeze %dma_start3A_370 : memref<1x80xi32, #tpu.memory_space<vmem>> -> memref<80xi32, #tpu.memory_space<vmem>>
      %dma_start3A_372 = arith.constant 0 : i32
      %dma_start3A_373 = arith.constant 0 : i32
      %dma_start3A_374 = tpu.memref_slice %arg9[%dma_start3A_372, %dma_start3A_373] : memref<30016x64xf32, #tpu.memory_space<vmem_shared>> -> memref<30016x64xf32, #tpu.memory_space<vmem_shared>>
      tpu.enqueue_indirect_dma source(%arg15 : memref<80x64xf32, #tpu.memory_space<vmem>>) target(%dma_start3A_374 : memref<30016x64xf32, #tpu.memory_space<vmem_shared>>) offsets(%dma_start3A_371 : memref<80xi32, #tpu.memory_space<vmem>>) semaphore(%arg19 : memref<!tpu.dma_semaphore, #tpu.memory_space<semaphore_mem>>) {add = true}
      %dma_wait3A_375 = arith.constant 1 : i32
      %dma_wait3A_376 = arith.constant 0 : i32
      %dma_wait3A_377 = tpu.memref_slice %arg12[%dma_wait3A_375, %dma_wait3A_376] : memref<2x80xi32, #tpu.memory_space<vmem>> -> memref<1x80xi32, #tpu.memory_space<vmem>>
      %dma_wait3A_378 = tpu.memref_squeeze %dma_wait3A_377 : memref<1x80xi32, #tpu.memory_space<vmem>> -> memref<80xi32, #tpu.memory_space<vmem>>
      %dma_wait3A_379 = arith.constant 0 : i32
      %dma_wait3A_380 = arith.constant 0 : i32
      %dma_wait3A_381 = tpu.memref_slice %arg9[%dma_wait3A_379, %dma_wait3A_380] : memref<30016x64xf32, #tpu.memory_space<vmem_shared>> -> memref<30016x64xf32, #tpu.memory_space<vmem_shared>>
      tpu.wait_indirect_dma semaphore(%arg18 : memref<!tpu.dma_semaphore, #tpu.memory_space<semaphore_mem>>) src(%arg14 : memref<80x64xf32, #tpu.memory_space<vmem>>) dst(%dma_wait3A_381 : memref<30016x64xf32, #tpu.memory_space<vmem_shared>>)
      %add3A_382 = arith.constant 6 : i32
      %add3A_383 = arith.addi %mul3A_259, %add3A_382 : i32
      %lt3A_384 = arith.constant 80 : i32
      %lt3A_385 = arith.cmpi slt, %add3A_383, %lt3A_384 : i32
      %convert_element_type3A_386 = arith.extui %lt3A_385 : i1 to i32
      %cond3A_387 = arith.constant 0 : i32
      %cond3A_388 = arith.cmpi ne, %convert_element_type3A_386, %cond3A_387 : i32
      scf.if %cond3A_388 {
        %add3A_417 = arith.constant 6 : i32
        %add3A_418 = arith.addi %mul3A_259, %add3A_417 : i32
        %dma_start3A_419 = arith.constant 0 : i32
        %dma_start3A_420 = arith.constant 0 : i32
        %dma_start3A_421 = tpu.memref_slice %arg6[%add3A, %add3A_418, %dma_start3A_419, %dma_start3A_420] : memref<32x80x2x80xi32, #tpu.memory_space<hbm>> -> memref<1x1x2x80xi32, #tpu.memory_space<hbm>>
        %dma_start3A_422 = tpu.memref_squeeze %dma_start3A_421 : memref<1x1x2x80xi32, #tpu.memory_space<hbm>> -> memref<2x80xi32, #tpu.memory_space<hbm>>
        %dma_start3A_423 = arith.constant 0 : i32
        %dma_start3A_424 = arith.constant 0 : i32
        %dma_start3A_425 = tpu.memref_slice %arg6[%add3A, %add3A_418, %dma_start3A_423, %dma_start3A_424] : memref<32x80x2x80xi32, #tpu.memory_space<hbm>> -> memref<1x1x2x80xi32, #tpu.memory_space<hbm>>
        %dma_start3A_426 = tpu.memref_squeeze %dma_start3A_425 : memref<1x1x2x80xi32, #tpu.memory_space<hbm>> -> memref<2x80xi32, #tpu.memory_space<hbm>>
        tpu.enqueue_dma source(%dma_start3A_426 : memref<2x80xi32, #tpu.memory_space<hbm>>) target(%arg12 : memref<2x80xi32, #tpu.memory_space<vmem>>) target_semaphore(%arg22 : memref<!tpu.dma_semaphore, #tpu.memory_space<semaphore_mem>>)
      } else {
      }
      %add3A_389 = arith.constant 4 : i32
      %add3A_390 = arith.addi %mul3A_259, %add3A_389 : i32
      %lt3A_391 = arith.constant 80 : i32
      %lt3A_392 = arith.cmpi slt, %add3A_390, %lt3A_391 : i32
      %convert_element_type3A_393 = arith.extui %lt3A_392 : i1 to i32
      %cond3A_394 = arith.constant 0 : i32
      %cond3A_395 = arith.cmpi ne, %convert_element_type3A_393, %cond3A_394 : i32
      scf.if %cond3A_395 {
        %add3A_417 = arith.constant 4 : i32
        %add3A_418 = arith.addi %mul3A_259, %add3A_417 : i32
        %dma_wait3A_419 = arith.constant 0 : i32
        %dma_wait3A_420 = arith.constant 0 : i32
        %dma_wait3A_421 = tpu.memref_slice %arg6[%add3A, %add3A_418, %dma_wait3A_419, %dma_wait3A_420] : memref<32x80x2x80xi32, #tpu.memory_space<hbm>> -> memref<1x1x2x80xi32, #tpu.memory_space<hbm>>
        %dma_wait3A_422 = tpu.memref_squeeze %dma_wait3A_421 : memref<1x1x2x80xi32, #tpu.memory_space<hbm>> -> memref<2x80xi32, #tpu.memory_space<hbm>>
        %dma_wait3A_423 = arith.constant 0 : i32
        %dma_wait3A_424 = arith.constant 0 : i32
        %dma_wait3A_425 = tpu.memref_slice %arg6[%add3A, %add3A_418, %dma_wait3A_423, %dma_wait3A_424] : memref<32x80x2x80xi32, #tpu.memory_space<hbm>> -> memref<1x1x2x80xi32, #tpu.memory_space<hbm>>
        %dma_wait3A_426 = tpu.memref_squeeze %dma_wait3A_425 : memref<1x1x2x80xi32, #tpu.memory_space<hbm>> -> memref<2x80xi32, #tpu.memory_space<hbm>>
        tpu.wait_dma2 semaphore(%arg20 : memref<!tpu.dma_semaphore, #tpu.memory_space<semaphore_mem>>) src(%dma_wait3A_426 : memref<2x80xi32, #tpu.memory_space<hbm>>) dst(%arg10 : memref<2x80xi32, #tpu.memory_space<vmem>>)
        %dma_start3A_427 = arith.constant 0 : i32
        %dma_start3A_428 = arith.constant 0 : i32
        %dma_start3A_429 = tpu.memref_slice %arg10[%dma_start3A_427, %dma_start3A_428] : memref<2x80xi32, #tpu.memory_space<vmem>> -> memref<1x80xi32, #tpu.memory_space<vmem>>
        %dma_start3A_430 = tpu.memref_squeeze %dma_start3A_429 : memref<1x80xi32, #tpu.memory_space<vmem>> -> memref<80xi32, #tpu.memory_space<vmem>>
        %dma_start3A_431 = arith.constant 0 : i32
        %dma_start3A_432 = arith.constant 0 : i32
        %dma_start3A_433 = tpu.memref_slice %arg2[%dma_start3A_431, %dma_start3A_432] : memref<50000x64xf32, #tpu.memory_space<hbm>> -> memref<50000x64xf32, #tpu.memory_space<hbm>>
        tpu.enqueue_indirect_dma source(%dma_start3A_433 : memref<50000x64xf32, #tpu.memory_space<hbm>>) target(%arg14 : memref<80x64xf32, #tpu.memory_space<vmem>>) offsets(%dma_start3A_430 : memref<80xi32, #tpu.memory_space<vmem>>) semaphore(%arg16 : memref<!tpu.dma_semaphore, #tpu.memory_space<semaphore_mem>>)
      } else {
      }
      %dma_wait3A_396 = arith.constant 1 : i32
      %dma_wait3A_397 = arith.constant 0 : i32
      %dma_wait3A_398 = tpu.memref_slice %arg13[%dma_wait3A_396, %dma_wait3A_397] : memref<2x80xi32, #tpu.memory_space<vmem>> -> memref<1x80xi32, #tpu.memory_space<vmem>>
      %dma_wait3A_399 = tpu.memref_squeeze %dma_wait3A_398 : memref<1x80xi32, #tpu.memory_space<vmem>> -> memref<80xi32, #tpu.memory_space<vmem>>
      %dma_wait3A_400 = arith.constant 0 : i32
      %dma_wait3A_401 = arith.constant 0 : i32
      %dma_wait3A_402 = tpu.memref_slice %arg9[%dma_wait3A_400, %dma_wait3A_401] : memref<30016x64xf32, #tpu.memory_space<vmem_shared>> -> memref<30016x64xf32, #tpu.memory_space<vmem_shared>>
      tpu.wait_indirect_dma semaphore(%arg19 : memref<!tpu.dma_semaphore, #tpu.memory_space<semaphore_mem>>) src(%arg15 : memref<80x64xf32, #tpu.memory_space<vmem>>) dst(%dma_wait3A_402 : memref<30016x64xf32, #tpu.memory_space<vmem_shared>>)
      %add3A_403 = arith.constant 7 : i32
      %add3A_404 = arith.addi %mul3A_259, %add3A_403 : i32
      %lt3A_405 = arith.constant 80 : i32
      %lt3A_406 = arith.cmpi slt, %add3A_404, %lt3A_405 : i32
      %convert_element_type3A_407 = arith.extui %lt3A_406 : i1 to i32
      %cond3A_408 = arith.constant 0 : i32
      %cond3A_409 = arith.cmpi ne, %convert_element_type3A_407, %cond3A_408 : i32
      scf.if %cond3A_409 {
        %add3A_417 = arith.constant 7 : i32
        %add3A_418 = arith.addi %mul3A_259, %add3A_417 : i32
        %dma_start3A_419 = arith.constant 0 : i32
        %dma_start3A_420 = arith.constant 0 : i32
        %dma_start3A_421 = tpu.memref_slice %arg6[%add3A, %add3A_418, %dma_start3A_419, %dma_start3A_420] : memref<32x80x2x80xi32, #tpu.memory_space<hbm>> -> memref<1x1x2x80xi32, #tpu.memory_space<hbm>>
        %dma_start3A_422 = tpu.memref_squeeze %dma_start3A_421 : memref<1x1x2x80xi32, #tpu.memory_space<hbm>> -> memref<2x80xi32, #tpu.memory_space<hbm>>
        %dma_start3A_423 = arith.constant 0 : i32
        %dma_start3A_424 = arith.constant 0 : i32
        %dma_start3A_425 = tpu.memref_slice %arg6[%add3A, %add3A_418, %dma_start3A_423, %dma_start3A_424] : memref<32x80x2x80xi32, #tpu.memory_space<hbm>> -> memref<1x1x2x80xi32, #tpu.memory_space<hbm>>
        %dma_start3A_426 = tpu.memref_squeeze %dma_start3A_425 : memref<1x1x2x80xi32, #tpu.memory_space<hbm>> -> memref<2x80xi32, #tpu.memory_space<hbm>>
        tpu.enqueue_dma source(%dma_start3A_426 : memref<2x80xi32, #tpu.memory_space<hbm>>) target(%arg13 : memref<2x80xi32, #tpu.memory_space<vmem>>) target_semaphore(%arg23 : memref<!tpu.dma_semaphore, #tpu.memory_space<semaphore_mem>>)
      } else {
      }
      %add3A_410 = arith.constant 5 : i32
      %add3A_411 = arith.addi %mul3A_259, %add3A_410 : i32
      %lt3A_412 = arith.constant 80 : i32
      %lt3A_413 = arith.cmpi slt, %add3A_411, %lt3A_412 : i32
      %convert_element_type3A_414 = arith.extui %lt3A_413 : i1 to i32
      %cond3A_415 = arith.constant 0 : i32
      %cond3A_416 = arith.cmpi ne, %convert_element_type3A_414, %cond3A_415 : i32
      scf.if %cond3A_416 {
        %add3A_417 = arith.constant 5 : i32
        %add3A_418 = arith.addi %mul3A_259, %add3A_417 : i32
        %dma_wait3A_419 = arith.constant 0 : i32
        %dma_wait3A_420 = arith.constant 0 : i32
        %dma_wait3A_421 = tpu.memref_slice %arg6[%add3A, %add3A_418, %dma_wait3A_419, %dma_wait3A_420] : memref<32x80x2x80xi32, #tpu.memory_space<hbm>> -> memref<1x1x2x80xi32, #tpu.memory_space<hbm>>
        %dma_wait3A_422 = tpu.memref_squeeze %dma_wait3A_421 : memref<1x1x2x80xi32, #tpu.memory_space<hbm>> -> memref<2x80xi32, #tpu.memory_space<hbm>>
        %dma_wait3A_423 = arith.constant 0 : i32
        %dma_wait3A_424 = arith.constant 0 : i32
        %dma_wait3A_425 = tpu.memref_slice %arg6[%add3A, %add3A_418, %dma_wait3A_423, %dma_wait3A_424] : memref<32x80x2x80xi32, #tpu.memory_space<hbm>> -> memref<1x1x2x80xi32, #tpu.memory_space<hbm>>
        %dma_wait3A_426 = tpu.memref_squeeze %dma_wait3A_425 : memref<1x1x2x80xi32, #tpu.memory_space<hbm>> -> memref<2x80xi32, #tpu.memory_space<hbm>>
        tpu.wait_dma2 semaphore(%arg21 : memref<!tpu.dma_semaphore, #tpu.memory_space<semaphore_mem>>) src(%dma_wait3A_426 : memref<2x80xi32, #tpu.memory_space<hbm>>) dst(%arg11 : memref<2x80xi32, #tpu.memory_space<vmem>>)
        %dma_start3A_427 = arith.constant 0 : i32
        %dma_start3A_428 = arith.constant 0 : i32
        %dma_start3A_429 = tpu.memref_slice %arg11[%dma_start3A_427, %dma_start3A_428] : memref<2x80xi32, #tpu.memory_space<vmem>> -> memref<1x80xi32, #tpu.memory_space<vmem>>
        %dma_start3A_430 = tpu.memref_squeeze %dma_start3A_429 : memref<1x80xi32, #tpu.memory_space<vmem>> -> memref<80xi32, #tpu.memory_space<vmem>>
        %dma_start3A_431 = arith.constant 0 : i32
        %dma_start3A_432 = arith.constant 0 : i32
        %dma_start3A_433 = tpu.memref_slice %arg2[%dma_start3A_431, %dma_start3A_432] : memref<50000x64xf32, #tpu.memory_space<hbm>> -> memref<50000x64xf32, #tpu.memory_space<hbm>>
        tpu.enqueue_indirect_dma source(%dma_start3A_433 : memref<50000x64xf32, #tpu.memory_space<hbm>>) target(%arg15 : memref<80x64xf32, #tpu.memory_space<vmem>>) offsets(%dma_start3A_430 : memref<80xi32, #tpu.memory_space<vmem>>) semaphore(%arg17 : memref<!tpu.dma_semaphore, #tpu.memory_space<semaphore_mem>>)
      } else {
      }
    }
    %scan3A_248 = arith.constant 20 : i32
    %barrier3A_249 = arith.constant 0 : index
    tpu.barrier barrier_id(%barrier3A_249)
    %mul3A_250 = arith.constant 1880 : i32
    %mul3A_251 = arith.muli %arg1, %mul3A_250 : i32
    %min3A_252 = arith.constant 28120 : i32
    %min3A_253 = arith.minsi %mul3A_251, %min3A_252 : i32
    %add3A_254 = arith.constant 0 : i32
    %add3A_255 = arith.addi %add3A_254, %min3A_253 : i32
    "tpu.region"() ({
      %run_scoped3A = tpu.sem_alloc : memref<!tpu.dma_semaphore, #tpu.memory_space<semaphore_mem>>
      %dma_start3A_257 = arith.constant 0 : i32
      %dma_start3A_258 = tpu.memref_slice %arg8[%arg0, %add3A_255, %dma_start3A_257] : memref<2x50000x64xf32, #tpu.memory_space<hbm>> -> memref<1x1880x64xf32, #tpu.memory_space<hbm>>
      %dma_start3A_259 = tpu.memref_squeeze %dma_start3A_258 : memref<1x1880x64xf32, #tpu.memory_space<hbm>> -> memref<1880x64xf32, #tpu.memory_space<hbm>>
      %dma_start3A_260 = arith.constant 0 : i32
      %dma_start3A_261 = tpu.memref_slice %arg9[%min3A_253, %dma_start3A_260] : memref<30016x64xf32, #tpu.memory_space<vmem_shared>> -> memref<1880x64xf32, #tpu.memory_space<vmem_shared>>
      tpu.enqueue_dma source(%dma_start3A_261 : memref<1880x64xf32, #tpu.memory_space<vmem_shared>>) target(%dma_start3A_259 : memref<1880x64xf32, #tpu.memory_space<hbm>>) target_semaphore(%run_scoped3A : memref<!tpu.dma_semaphore, #tpu.memory_space<semaphore_mem>>)
      %dma_wait3A_262 = arith.constant 0 : i32
      %dma_wait3A_263 = tpu.memref_slice %arg8[%arg0, %add3A_255, %dma_wait3A_262] : memref<2x50000x64xf32, #tpu.memory_space<hbm>> -> memref<1x1880x64xf32, #tpu.memory_space<hbm>>
      %dma_wait3A_264 = tpu.memref_squeeze %dma_wait3A_263 : memref<1x1880x64xf32, #tpu.memory_space<hbm>> -> memref<1880x64xf32, #tpu.memory_space<hbm>>
      %dma_wait3A_265 = arith.constant 0 : i32
      %dma_wait3A_266 = tpu.memref_slice %arg9[%min3A_253, %dma_wait3A_265] : memref<30016x64xf32, #tpu.memory_space<vmem_shared>> -> memref<1880x64xf32, #tpu.memory_space<vmem_shared>>
      tpu.wait_dma2 semaphore(%run_scoped3A : memref<!tpu.dma_semaphore, #tpu.memory_space<semaphore_mem>>) src(%dma_wait3A_266 : memref<1880x64xf32, #tpu.memory_space<vmem_shared>>) dst(%dma_wait3A_264 : memref<1880x64xf32, #tpu.memory_space<hbm>>)
      tpu.yield
    }) : () -> ()
    %barrier3A_256 = arith.constant 0 : index
    tpu.barrier barrier_id(%barrier3A_256)
    return
  }
}

module attributes {stable_mosaic.version = 14 : i64} {
  func.func @_inproj_body(%arg0: i32, %arg1: memref<1000x128xf32, #tpu.memory_space<vmem>>, %arg2: memref<1000x128xf32, #tpu.memory_space<vmem>>, %arg3: memref<128x64xf32, #tpu.memory_space<vmem>>, %arg4: memref<128x64xf32, #tpu.memory_space<vmem>>, %arg5: memref<1x64xf32, #tpu.memory_space<vmem>>, %arg6: memref<1x64xf32, #tpu.memory_space<vmem>>, %arg7: memref<1000x64xf32, #tpu.memory_space<vmem>>) attributes {dimension_semantics = [#tpu.dimension_semantics<arbitrary>], iteration_bounds = array<i64: 50>, scalar_prefetch = 0 : i64, scratch_operands = 0 : i64, tpu.core_type = #tpu.core_type<tc>, window_params = [{transform_indices = @transform_0, window_bounds = array<i64: 1000, 128>}, {transform_indices = @transform_1, window_bounds = array<i64: 1000, 128>}, {pipeline_mode = #tpu.pipeline_mode<synchronous>, transform_indices = @transform_2, window_bounds = array<i64: 128, 64>}, {pipeline_mode = #tpu.pipeline_mode<synchronous>, transform_indices = @transform_3, window_bounds = array<i64: 128, 64>}, {pipeline_mode = #tpu.pipeline_mode<synchronous>, transform_indices = @transform_4, window_bounds = array<i64: 1, 64>}, {pipeline_mode = #tpu.pipeline_mode<synchronous>, transform_indices = @transform_5, window_bounds = array<i64: 1, 64>}, {transform_indices = @transform_6, window_bounds = array<i64: 1000, 64>}]} {
    %lt3A = arith.constant 30 : i32
    %lt3A_0 = arith.cmpi slt, %arg0, %lt3A : i32
    %get3A = arith.constant 0 : index
    %get3A_1 = arith.constant 0 : index
    %get3A_2 = vector.load %arg1[%get3A, %get3A_1] : memref<1000x128xf32, #tpu.memory_space<vmem>>, vector<1000x128xf32>
    %get3A_3 = arith.constant 0 : index
    %get3A_4 = arith.constant 0 : index
    %get3A_5 = vector.load %arg2[%get3A_3, %get3A_4] : memref<1000x128xf32, #tpu.memory_space<vmem>>, vector<1000x128xf32>
    %select_n3A = arith.select %lt3A_0, %get3A_2, %get3A_5 : vector<1000x128xf32>
    %get3A_6 = arith.constant 0 : index
    %get3A_7 = arith.constant 0 : index
    %get3A_8 = vector.load %arg3[%get3A_6, %get3A_7] : memref<128x64xf32, #tpu.memory_space<vmem>>, vector<128x64xf32>
    %get3A_9 = arith.constant 0 : index
    %get3A_10 = arith.constant 0 : index
    %get3A_11 = vector.load %arg4[%get3A_9, %get3A_10] : memref<128x64xf32, #tpu.memory_space<vmem>>, vector<128x64xf32>
    %select_n3A_12 = arith.select %lt3A_0, %get3A_8, %get3A_11 : vector<128x64xf32>
    %get3A_13 = arith.constant 0 : index
    %get3A_14 = arith.constant 0 : index
    %get3A_15 = vector.load %arg5[%get3A_13, %get3A_14] : memref<1x64xf32, #tpu.memory_space<vmem>>, vector<1x64xf32>
    %get3A_16 = arith.constant 0 : index
    %get3A_17 = arith.constant 0 : index
    %get3A_18 = vector.load %arg6[%get3A_16, %get3A_17] : memref<1x64xf32, #tpu.memory_space<vmem>>, vector<1x64xf32>
    %select_n3A_19 = arith.select %lt3A_0, %get3A_15, %get3A_18 : vector<1x64xf32>
    %dot_general3A = arith.constant dense<0.000000e+00> : vector<1000x64xf32>
    %dot_general3A_20 = tpu.matmul %select_n3A, %select_n3A_12, %dot_general3A {dimension_numbers = #tpu.dot_dimension_numbers<[1], [0], [0], [1], [0, 0, 1, 1], [], []>, transpose_lhs_hint = false} : vector<1000x128xf32>, vector<128x64xf32>, vector<1000x64xf32> -> vector<1000x64xf32>
    %add3A = vector.broadcast %select_n3A_19 : vector<1x64xf32> to vector<1000x64xf32>
    %add3A_21 = arith.addf %dot_general3A_20, %add3A : vector<1000x64xf32>
    %max3A = arith.constant 0.000000e+00 : f32
    %max3A_22 = vector.broadcast %max3A : f32 to vector<1000x64xf32>
    %max3A_23 = arith.maximumf %add3A_21, %max3A_22 : vector<1000x64xf32>
    %swap3A = arith.constant 0 : index
    %swap3A_24 = arith.constant 0 : index
    %swap3A_25 = vector.load %arg7[%swap3A, %swap3A_24] : memref<1000x64xf32, #tpu.memory_space<vmem>>, vector<1000x64xf32>
    tpu.vector_store %arg7[%swap3A, %swap3A_24], %max3A_23 {strides = array<i32>} : memref<1000x64xf32, #tpu.memory_space<vmem>>, vector<1000x64xf32>,
    return
  }
  func.func @transform_0(%arg0: i32) -> (i32, i32) {
    %min3A = arith.constant 29 : i32
    %min3A_0 = arith.minsi %arg0, %min3A : i32
    %c0_i32 = arith.constant 0 : i32
    %c0_i32_1 = arith.constant 0 : i32
    return %min3A_0, %c0_i32 : i32, i32
  }
  func.func @transform_1(%arg0: i32) -> (i32, i32) {
    %sub3A = arith.constant 30 : i32
    %sub3A_0 = arith.subi %arg0, %sub3A : i32
    %jit3A = arith.constant 0 : i32
    %jit3A_1 = arith.constant 19 : i32
    %max3A = arith.maxsi %jit3A, %sub3A_0 : i32
    %min3A = arith.minsi %jit3A_1, %max3A : i32
    %c0_i32 = arith.constant 0 : i32
    %c0_i32_2 = arith.constant 0 : i32
    return %min3A, %c0_i32 : i32, i32
  }
  func.func @transform_2(%arg0: i32) -> (i32, i32) {
    %c0_i32 = arith.constant 0 : i32
    %c0_i32_0 = arith.constant 0 : i32
    %c0_i32_1 = arith.constant 0 : i32
    return %c0_i32, %c0_i32_0 : i32, i32
  }
  func.func @transform_3(%arg0: i32) -> (i32, i32) {
    %c0_i32 = arith.constant 0 : i32
    %c0_i32_0 = arith.constant 0 : i32
    %c0_i32_1 = arith.constant 0 : i32
    return %c0_i32, %c0_i32_0 : i32, i32
  }
  func.func @transform_4(%arg0: i32) -> (i32, i32) {
    %c0_i32 = arith.constant 0 : i32
    %c0_i32_0 = arith.constant 0 : i32
    %c0_i32_1 = arith.constant 0 : i32
    return %c0_i32, %c0_i32_0 : i32, i32
  }
  func.func @transform_5(%arg0: i32) -> (i32, i32) {
    %c0_i32 = arith.constant 0 : i32
    %c0_i32_0 = arith.constant 0 : i32
    %c0_i32_1 = arith.constant 0 : i32
    return %c0_i32, %c0_i32_0 : i32, i32
  }
  func.func @transform_6(%arg0: i32) -> (i32, i32) {
    %c0_i32 = arith.constant 0 : i32
    %c0_i32_0 = arith.constant 0 : i32
    return %arg0, %c0_i32 : i32, i32
  }
}

module attributes {stable_mosaic.version = 14 : i64} {
  func.func @_layer_body(%arg0: i32, %arg1: memref<1000x64xf32, #tpu.memory_space<vmem>>, %arg2: memref<2x1000x64xf32, #tpu.memory_space<vmem>>, %arg3: memref<2x1000x16xf32, #tpu.memory_space<vmem>>, %arg4: memref<2x1000x64xf32, #tpu.memory_space<vmem>>, %arg5: memref<2x1000x16xf32, #tpu.memory_space<vmem>>, %arg6: memref<64x64xf32, #tpu.memory_space<vmem>>, %arg7: memref<64x64xf32, #tpu.memory_space<vmem>>, %arg8: memref<64x64xf32, #tpu.memory_space<vmem>>, %arg9: memref<64x64xf32, #tpu.memory_space<vmem>>, %arg10: memref<1x64xf32, #tpu.memory_space<vmem>>, %arg11: memref<1000x64xf32, #tpu.memory_space<vmem>>) attributes {dimension_semantics = [#tpu.dimension_semantics<arbitrary>], iteration_bounds = array<i64: 50>, scalar_prefetch = 0 : i64, scratch_operands = 0 : i64, tpu.core_type = #tpu.core_type<tc>, window_params = [{transform_indices = @transform_0, window_bounds = array<i64: 1000, 64>}, {transform_indices = @transform_1, window_bounds = array<i64: 2, 1000, 64>}, {transform_indices = @transform_2, window_bounds = array<i64: 2, 1000, 16>}, {transform_indices = @transform_3, window_bounds = array<i64: 2, 1000, 64>}, {transform_indices = @transform_4, window_bounds = array<i64: 2, 1000, 16>}, {pipeline_mode = #tpu.pipeline_mode<synchronous>, transform_indices = @transform_5, window_bounds = array<i64: 64, 64>}, {pipeline_mode = #tpu.pipeline_mode<synchronous>, transform_indices = @transform_6, window_bounds = array<i64: 64, 64>}, {pipeline_mode = #tpu.pipeline_mode<synchronous>, transform_indices = @transform_7, window_bounds = array<i64: 64, 64>}, {pipeline_mode = #tpu.pipeline_mode<synchronous>, transform_indices = @transform_8, window_bounds = array<i64: 64, 64>}, {pipeline_mode = #tpu.pipeline_mode<synchronous>, transform_indices = @transform_9, window_bounds = array<i64: 1, 64>}, {transform_indices = @transform_10, window_bounds = array<i64: 1000, 64>}]} {
    %lt3A = arith.constant 30 : i32
    %lt3A_0 = arith.cmpi slt, %arg0, %lt3A : i32
    %get3A = arith.constant 0 : index
    %get3A_1 = arith.constant 0 : index
    %get3A_2 = vector.load %arg1[%get3A, %get3A_1] : memref<1000x64xf32, #tpu.memory_space<vmem>>, vector<1000x64xf32>
    %get3A_3 = arith.constant 0 : index
    %get3A_4 = arith.constant 0 : index
    %get3A_5 = vector.load %arg6[%get3A_3, %get3A_4] : memref<64x64xf32, #tpu.memory_space<vmem>>, vector<64x64xf32>
    %dot_general3A = arith.constant dense<0.000000e+00> : vector<1000x64xf32>
    %dot_general3A_6 = tpu.matmul %get3A_2, %get3A_5, %dot_general3A {dimension_numbers = #tpu.dot_dimension_numbers<[1], [0], [0], [1], [0, 0, 1, 1], [], []>, transpose_lhs_hint = false} : vector<1000x64xf32>, vector<64x64xf32>, vector<1000x64xf32> -> vector<1000x64xf32>
    %get3A_7 = arith.constant 0 : index
    %get3A_8 = arith.constant 0 : index
    %get3A_9 = vector.load %arg10[%get3A_7, %get3A_8] : memref<1x64xf32, #tpu.memory_space<vmem>>, vector<1x64xf32>
    %add3A = vector.broadcast %get3A_9 : vector<1x64xf32> to vector<1000x64xf32>
    %add3A_10 = arith.addf %dot_general3A_6, %add3A : vector<1000x64xf32>
    %get3A_11 = arith.constant 0 : index
    %get3A_12 = arith.constant 0 : index
    %get3A_13 = arith.constant 0 : index
    %get3A_14 = vector.load %arg2[%get3A_11, %get3A_12, %get3A_13] : memref<2x1000x64xf32, #tpu.memory_space<vmem>>, vector<2x1000x64xf32>
    %get3A_15 = arith.constant 0 : index
    %get3A_16 = arith.constant 0 : index
    %get3A_17 = arith.constant 0 : index
    %get3A_18 = vector.load %arg3[%get3A_15, %get3A_16, %get3A_17] : memref<2x1000x16xf32, #tpu.memory_space<vmem>>, vector<2x1000x16xf32>
    %slice3A = vector.extract_strided_slice %get3A_14 {offsets = [0, 0, 0], sizes = [1, 1000, 64], strides = [1, 1, 1]} : vector<2x1000x64xf32> to vector<1x1000x64xf32>
    %squeeze3A = vector.shape_cast %slice3A : vector<1x1000x64xf32> to vector<1000x64xf32>
    %slice3A_19 = vector.extract_strided_slice %get3A_14 {offsets = [1, 0, 0], sizes = [1, 1000, 64], strides = [1, 1, 1]} : vector<2x1000x64xf32> to vector<1x1000x64xf32>
    %squeeze3A_20 = vector.shape_cast %slice3A_19 : vector<1x1000x64xf32> to vector<1000x64xf32>
    %add3A_21 = arith.addf %squeeze3A, %squeeze3A_20 : vector<1000x64xf32>
    %slice3A_22 = vector.extract_strided_slice %get3A_18 {offsets = [0, 0, 0], sizes = [1, 1000, 1], strides = [1, 1, 1]} : vector<2x1000x16xf32> to vector<1x1000x1xf32>
    %squeeze3A_23 = vector.shape_cast %slice3A_22 : vector<1x1000x1xf32> to vector<1000x1xf32>
    %slice3A_24 = vector.extract_strided_slice %get3A_18 {offsets = [1, 0, 0], sizes = [1, 1000, 1], strides = [1, 1, 1]} : vector<2x1000x16xf32> to vector<1x1000x1xf32>
    %squeeze3A_25 = vector.shape_cast %slice3A_24 : vector<1x1000x1xf32> to vector<1000x1xf32>
    %add3A_26 = arith.addf %squeeze3A_23, %squeeze3A_25 : vector<1000x1xf32>
    %max3A = arith.constant 1.000000e+00 : f32
    %max3A_27 = vector.broadcast %max3A : f32 to vector<1000x1xf32>
    %max3A_28 = arith.maximumf %add3A_26, %max3A_27 : vector<1000x1xf32>
    %div3A = vector.broadcast %max3A_28 : vector<1000x1xf32> to vector<1000x64xf32>
    %div3A_29 = arith.divf %add3A_21, %div3A : vector<1000x64xf32>
    %get3A_30 = arith.constant 0 : index
    %get3A_31 = arith.constant 0 : index
    %get3A_32 = vector.load %arg7[%get3A_30, %get3A_31] : memref<64x64xf32, #tpu.memory_space<vmem>>, vector<64x64xf32>
    %get3A_33 = arith.constant 0 : index
    %get3A_34 = arith.constant 0 : index
    %get3A_35 = vector.load %arg8[%get3A_33, %get3A_34] : memref<64x64xf32, #tpu.memory_space<vmem>>, vector<64x64xf32>
    %select_n3A = arith.select %lt3A_0, %get3A_32, %get3A_35 : vector<64x64xf32>
    %dot_general3A_36 = arith.constant dense<0.000000e+00> : vector<1000x64xf32>
    %dot_general3A_37 = tpu.matmul %div3A_29, %select_n3A, %dot_general3A_36 {dimension_numbers = #tpu.dot_dimension_numbers<[1], [0], [0], [1], [0, 0, 1, 1], [], []>, transpose_lhs_hint = false} : vector<1000x64xf32>, vector<64x64xf32>, vector<1000x64xf32> -> vector<1000x64xf32>
    %add3A_38 = arith.addf %add3A_10, %dot_general3A_37 : vector<1000x64xf32>
    %get3A_39 = arith.constant 0 : index
    %get3A_40 = arith.constant 0 : index
    %get3A_41 = arith.constant 0 : index
    %get3A_42 = vector.load %arg4[%get3A_39, %get3A_40, %get3A_41] : memref<2x1000x64xf32, #tpu.memory_space<vmem>>, vector<2x1000x64xf32>
    %get3A_43 = arith.constant 0 : index
    %get3A_44 = arith.constant 0 : index
    %get3A_45 = arith.constant 0 : index
    %get3A_46 = vector.load %arg5[%get3A_43, %get3A_44, %get3A_45] : memref<2x1000x16xf32, #tpu.memory_space<vmem>>, vector<2x1000x16xf32>
    %slice3A_47 = vector.extract_strided_slice %get3A_42 {offsets = [0, 0, 0], sizes = [1, 1000, 64], strides = [1, 1, 1]} : vector<2x1000x64xf32> to vector<1x1000x64xf32>
    %squeeze3A_48 = vector.shape_cast %slice3A_47 : vector<1x1000x64xf32> to vector<1000x64xf32>
    %slice3A_49 = vector.extract_strided_slice %get3A_42 {offsets = [1, 0, 0], sizes = [1, 1000, 64], strides = [1, 1, 1]} : vector<2x1000x64xf32> to vector<1x1000x64xf32>
    %squeeze3A_50 = vector.shape_cast %slice3A_49 : vector<1x1000x64xf32> to vector<1000x64xf32>
    %add3A_51 = arith.addf %squeeze3A_48, %squeeze3A_50 : vector<1000x64xf32>
    %slice3A_52 = vector.extract_strided_slice %get3A_46 {offsets = [0, 0, 0], sizes = [1, 1000, 1], strides = [1, 1, 1]} : vector<2x1000x16xf32> to vector<1x1000x1xf32>
    %squeeze3A_53 = vector.shape_cast %slice3A_52 : vector<1x1000x1xf32> to vector<1000x1xf32>
    %slice3A_54 = vector.extract_strided_slice %get3A_46 {offsets = [1, 0, 0], sizes = [1, 1000, 1], strides = [1, 1, 1]} : vector<2x1000x16xf32> to vector<1x1000x1xf32>
    %squeeze3A_55 = vector.shape_cast %slice3A_54 : vector<1x1000x1xf32> to vector<1000x1xf32>
    %add3A_56 = arith.addf %squeeze3A_53, %squeeze3A_55 : vector<1000x1xf32>
    %max3A_57 = arith.constant 1.000000e+00 : f32
    %max3A_58 = vector.broadcast %max3A_57 : f32 to vector<1000x1xf32>
    %max3A_59 = arith.maximumf %add3A_56, %max3A_58 : vector<1000x1xf32>
    %div3A_60 = vector.broadcast %max3A_59 : vector<1000x1xf32> to vector<1000x64xf32>
    %div3A_61 = arith.divf %add3A_51, %div3A_60 : vector<1000x64xf32>
    %get3A_62 = arith.constant 0 : index
    %get3A_63 = arith.constant 0 : index
    %get3A_64 = vector.load %arg9[%get3A_62, %get3A_63] : memref<64x64xf32, #tpu.memory_space<vmem>>, vector<64x64xf32>
    %dot_general3A_65 = arith.constant dense<0.000000e+00> : vector<1000x64xf32>
    %dot_general3A_66 = tpu.matmul %div3A_61, %get3A_64, %dot_general3A_65 {dimension_numbers = #tpu.dot_dimension_numbers<[1], [0], [0], [1], [0, 0, 1, 1], [], []>, transpose_lhs_hint = false} : vector<1000x64xf32>, vector<64x64xf32>, vector<1000x64xf32> -> vector<1000x64xf32>
    %broadcast_in_dim3A = arith.constant 0.000000e+00 : f32
    %broadcast_in_dim3A_67 = vector.broadcast %broadcast_in_dim3A : f32 to vector<1000x64xf32>
    %select_n3A_68 = arith.select %lt3A_0, %dot_general3A_66, %broadcast_in_dim3A_67 : vector<1000x64xf32>
    %add3A_69 = arith.addf %add3A_38, %select_n3A_68 : vector<1000x64xf32>
    %max3A_70 = arith.constant 0.000000e+00 : f32
    %max3A_71 = vector.broadcast %max3A_70 : f32 to vector<1000x64xf32>
    %max3A_72 = arith.maximumf %add3A_69, %max3A_71 : vector<1000x64xf32>
    %swap3A = arith.constant 0 : index
    %swap3A_73 = arith.constant 0 : index
    %swap3A_74 = vector.load %arg11[%swap3A, %swap3A_73] : memref<1000x64xf32, #tpu.memory_space<vmem>>, vector<1000x64xf32>
    tpu.vector_store %arg11[%swap3A, %swap3A_73], %max3A_72 {strides = array<i32>} : memref<1000x64xf32, #tpu.memory_space<vmem>>, vector<1000x64xf32>,
    return
  }
  func.func @transform_0(%arg0: i32) -> (i32, i32) {
    %c0_i32 = arith.constant 0 : i32
    %c0_i32_0 = arith.constant 0 : i32
    return %arg0, %c0_i32 : i32, i32
  }
  func.func @transform_1(%arg0: i32) -> (i32, i32, i32) {
    %c0_i32 = arith.constant 0 : i32
    %c0_i32_0 = arith.constant 0 : i32
    %c0_i32_1 = arith.constant 0 : i32
    return %c0_i32, %arg0, %c0_i32_0 : i32, i32, i32
  }
  func.func @transform_2(%arg0: i32) -> (i32, i32, i32) {
    %c0_i32 = arith.constant 0 : i32
    %c0_i32_0 = arith.constant 0 : i32
    %c0_i32_1 = arith.constant 0 : i32
    return %c0_i32, %arg0, %c0_i32_0 : i32, i32, i32
  }
  func.func @transform_3(%arg0: i32) -> (i32, i32, i32) {
    %c0_i32 = arith.constant 0 : i32
    %c0_i32_0 = arith.constant 0 : i32
    %c0_i32_1 = arith.constant 0 : i32
    return %c0_i32, %arg0, %c0_i32_0 : i32, i32, i32
  }
  func.func @transform_4(%arg0: i32) -> (i32, i32, i32) {
    %c0_i32 = arith.constant 0 : i32
    %c0_i32_0 = arith.constant 0 : i32
    %c0_i32_1 = arith.constant 0 : i32
    return %c0_i32, %arg0, %c0_i32_0 : i32, i32, i32
  }
  func.func @transform_5(%arg0: i32) -> (i32, i32) {
    %c0_i32 = arith.constant 0 : i32
    %c0_i32_0 = arith.constant 0 : i32
    %c0_i32_1 = arith.constant 0 : i32
    return %c0_i32, %c0_i32_0 : i32, i32
  }
  func.func @transform_6(%arg0: i32) -> (i32, i32) {
    %c0_i32 = arith.constant 0 : i32
    %c0_i32_0 = arith.constant 0 : i32
    %c0_i32_1 = arith.constant 0 : i32
    return %c0_i32, %c0_i32_0 : i32, i32
  }
  func.func @transform_7(%arg0: i32) -> (i32, i32) {
    %c0_i32 = arith.constant 0 : i32
    %c0_i32_0 = arith.constant 0 : i32
    %c0_i32_1 = arith.constant 0 : i32
    return %c0_i32, %c0_i32_0 : i32, i32
  }
  func.func @transform_8(%arg0: i32) -> (i32, i32) {
    %c0_i32 = arith.constant 0 : i32
    %c0_i32_0 = arith.constant 0 : i32
    %c0_i32_1 = arith.constant 0 : i32
    return %c0_i32, %c0_i32_0 : i32, i32
  }
  func.func @transform_9(%arg0: i32) -> (i32, i32) {
    %c0_i32 = arith.constant 0 : i32
    %c0_i32_0 = arith.constant 0 : i32
    %c0_i32_1 = arith.constant 0 : i32
    return %c0_i32, %c0_i32_0 : i32, i32
  }
  func.func @transform_10(%arg0: i32) -> (i32, i32) {
    %c0_i32 = arith.constant 0 : i32
    %c0_i32_0 = arith.constant 0 : i32
    return %arg0, %c0_i32 : i32, i32
  }
}

module attributes {stable_mosaic.version = 14 : i64} {
  func.func @_layer_out_body(%arg0: i32, %arg1: memref<1000x64xf32, #tpu.memory_space<vmem>>, %arg2: memref<2x1000x64xf32, #tpu.memory_space<vmem>>, %arg3: memref<2x1000x16xf32, #tpu.memory_space<vmem>>, %arg4: memref<2x1000x64xf32, #tpu.memory_space<vmem>>, %arg5: memref<2x1000x16xf32, #tpu.memory_space<vmem>>, %arg6: memref<64x64xf32, #tpu.memory_space<vmem>>, %arg7: memref<64x64xf32, #tpu.memory_space<vmem>>, %arg8: memref<64x64xf32, #tpu.memory_space<vmem>>, %arg9: memref<64x64xf32, #tpu.memory_space<vmem>>, %arg10: memref<1x64xf32, #tpu.memory_space<vmem>>, %arg11: memref<64x64xf32, #tpu.memory_space<vmem>>, %arg12: memref<1x64xf32, #tpu.memory_space<vmem>>, %arg13: memref<64x64xf32, #tpu.memory_space<vmem>>, %arg14: memref<1x64xf32, #tpu.memory_space<vmem>>, %arg15: memref<1000x64xf32, #tpu.memory_space<vmem>>, %arg16: memref<1000x64xf32, #tpu.memory_space<vmem>>) attributes {dimension_semantics = [#tpu.dimension_semantics<arbitrary>], iteration_bounds = array<i64: 50>, scalar_prefetch = 0 : i64, scratch_operands = 0 : i64, tpu.core_type = #tpu.core_type<tc>, window_params = [{transform_indices = @transform_0, window_bounds = array<i64: 1000, 64>}, {transform_indices = @transform_1, window_bounds = array<i64: 2, 1000, 64>}, {transform_indices = @transform_2, window_bounds = array<i64: 2, 1000, 16>}, {transform_indices = @transform_3, window_bounds = array<i64: 2, 1000, 64>}, {transform_indices = @transform_4, window_bounds = array<i64: 2, 1000, 16>}, {pipeline_mode = #tpu.pipeline_mode<synchronous>, transform_indices = @transform_5, window_bounds = array<i64: 64, 64>}, {pipeline_mode = #tpu.pipeline_mode<synchronous>, transform_indices = @transform_6, window_bounds = array<i64: 64, 64>}, {pipeline_mode = #tpu.pipeline_mode<synchronous>, transform_indices = @transform_7, window_bounds = array<i64: 64, 64>}, {pipeline_mode = #tpu.pipeline_mode<synchronous>, transform_indices = @transform_8, window_bounds = array<i64: 64, 64>}, {pipeline_mode = #tpu.pipeline_mode<synchronous>, transform_indices = @transform_9, window_bounds = array<i64: 1, 64>}, {pipeline_mode = #tpu.pipeline_mode<synchronous>, transform_indices = @transform_10, window_bounds = array<i64: 64, 64>}, {pipeline_mode = #tpu.pipeline_mode<synchronous>, transform_indices = @transform_11, window_bounds = array<i64: 1, 64>}, {pipeline_mode = #tpu.pipeline_mode<synchronous>, transform_indices = @transform_12, window_bounds = array<i64: 64, 64>}, {pipeline_mode = #tpu.pipeline_mode<synchronous>, transform_indices = @transform_13, window_bounds = array<i64: 1, 64>}, {transform_indices = @transform_14, window_bounds = array<i64: 1000, 64>}, {transform_indices = @transform_15, window_bounds = array<i64: 1000, 64>}]} {
    %lt3A = arith.constant 30 : i32
    %lt3A_0 = arith.cmpi slt, %arg0, %lt3A : i32
    %get3A = arith.constant 0 : index
    %get3A_1 = arith.constant 0 : index
    %get3A_2 = vector.load %arg1[%get3A, %get3A_1] : memref<1000x64xf32, #tpu.memory_space<vmem>>, vector<1000x64xf32>
    %get3A_3 = arith.constant 0 : index
    %get3A_4 = arith.constant 0 : index
    %get3A_5 = vector.load %arg6[%get3A_3, %get3A_4] : memref<64x64xf32, #tpu.memory_space<vmem>>, vector<64x64xf32>
    %dot_general3A = arith.constant dense<0.000000e+00> : vector<1000x64xf32>
    %dot_general3A_6 = tpu.matmul %get3A_2, %get3A_5, %dot_general3A {dimension_numbers = #tpu.dot_dimension_numbers<[1], [0], [0], [1], [0, 0, 1, 1], [], []>, transpose_lhs_hint = false} : vector<1000x64xf32>, vector<64x64xf32>, vector<1000x64xf32> -> vector<1000x64xf32>
    %get3A_7 = arith.constant 0 : index
    %get3A_8 = arith.constant 0 : index
    %get3A_9 = vector.load %arg10[%get3A_7, %get3A_8] : memref<1x64xf32, #tpu.memory_space<vmem>>, vector<1x64xf32>
    %add3A = vector.broadcast %get3A_9 : vector<1x64xf32> to vector<1000x64xf32>
    %add3A_10 = arith.addf %dot_general3A_6, %add3A : vector<1000x64xf32>
    %get3A_11 = arith.constant 0 : index
    %get3A_12 = arith.constant 0 : index
    %get3A_13 = arith.constant 0 : index
    %get3A_14 = vector.load %arg2[%get3A_11, %get3A_12, %get3A_13] : memref<2x1000x64xf32, #tpu.memory_space<vmem>>, vector<2x1000x64xf32>
    %get3A_15 = arith.constant 0 : index
    %get3A_16 = arith.constant 0 : index
    %get3A_17 = arith.constant 0 : index
    %get3A_18 = vector.load %arg3[%get3A_15, %get3A_16, %get3A_17] : memref<2x1000x16xf32, #tpu.memory_space<vmem>>, vector<2x1000x16xf32>
    %slice3A = vector.extract_strided_slice %get3A_14 {offsets = [0, 0, 0], sizes = [1, 1000, 64], strides = [1, 1, 1]} : vector<2x1000x64xf32> to vector<1x1000x64xf32>
    %squeeze3A = vector.shape_cast %slice3A : vector<1x1000x64xf32> to vector<1000x64xf32>
    %slice3A_19 = vector.extract_strided_slice %get3A_14 {offsets = [1, 0, 0], sizes = [1, 1000, 64], strides = [1, 1, 1]} : vector<2x1000x64xf32> to vector<1x1000x64xf32>
    %squeeze3A_20 = vector.shape_cast %slice3A_19 : vector<1x1000x64xf32> to vector<1000x64xf32>
    %add3A_21 = arith.addf %squeeze3A, %squeeze3A_20 : vector<1000x64xf32>
    %slice3A_22 = vector.extract_strided_slice %get3A_18 {offsets = [0, 0, 0], sizes = [1, 1000, 1], strides = [1, 1, 1]} : vector<2x1000x16xf32> to vector<1x1000x1xf32>
    %squeeze3A_23 = vector.shape_cast %slice3A_22 : vector<1x1000x1xf32> to vector<1000x1xf32>
    %slice3A_24 = vector.extract_strided_slice %get3A_18 {offsets = [1, 0, 0], sizes = [1, 1000, 1], strides = [1, 1, 1]} : vector<2x1000x16xf32> to vector<1x1000x1xf32>
    %squeeze3A_25 = vector.shape_cast %slice3A_24 : vector<1x1000x1xf32> to vector<1000x1xf32>
    %add3A_26 = arith.addf %squeeze3A_23, %squeeze3A_25 : vector<1000x1xf32>
    %max3A = arith.constant 1.000000e+00 : f32
    %max3A_27 = vector.broadcast %max3A : f32 to vector<1000x1xf32>
    %max3A_28 = arith.maximumf %add3A_26, %max3A_27 : vector<1000x1xf32>
    %div3A = vector.broadcast %max3A_28 : vector<1000x1xf32> to vector<1000x64xf32>
    %div3A_29 = arith.divf %add3A_21, %div3A : vector<1000x64xf32>
    %get3A_30 = arith.constant 0 : index
    %get3A_31 = arith.constant 0 : index
    %get3A_32 = vector.load %arg7[%get3A_30, %get3A_31] : memref<64x64xf32, #tpu.memory_space<vmem>>, vector<64x64xf32>
    %get3A_33 = arith.constant 0 : index
    %get3A_34 = arith.constant 0 : index
    %get3A_35 = vector.load %arg8[%get3A_33, %get3A_34] : memref<64x64xf32, #tpu.memory_space<vmem>>, vector<64x64xf32>
    %select_n3A = arith.select %lt3A_0, %get3A_32, %get3A_35 : vector<64x64xf32>
    %dot_general3A_36 = arith.constant dense<0.000000e+00> : vector<1000x64xf32>
    %dot_general3A_37 = tpu.matmul %div3A_29, %select_n3A, %dot_general3A_36 {dimension_numbers = #tpu.dot_dimension_numbers<[1], [0], [0], [1], [0, 0, 1, 1], [], []>, transpose_lhs_hint = false} : vector<1000x64xf32>, vector<64x64xf32>, vector<1000x64xf32> -> vector<1000x64xf32>
    %add3A_38 = arith.addf %add3A_10, %dot_general3A_37 : vector<1000x64xf32>
    %get3A_39 = arith.constant 0 : index
    %get3A_40 = arith.constant 0 : index
    %get3A_41 = arith.constant 0 : index
    %get3A_42 = vector.load %arg4[%get3A_39, %get3A_40, %get3A_41] : memref<2x1000x64xf32, #tpu.memory_space<vmem>>, vector<2x1000x64xf32>
    %get3A_43 = arith.constant 0 : index
    %get3A_44 = arith.constant 0 : index
    %get3A_45 = arith.constant 0 : index
    %get3A_46 = vector.load %arg5[%get3A_43, %get3A_44, %get3A_45] : memref<2x1000x16xf32, #tpu.memory_space<vmem>>, vector<2x1000x16xf32>
    %slice3A_47 = vector.extract_strided_slice %get3A_42 {offsets = [0, 0, 0], sizes = [1, 1000, 64], strides = [1, 1, 1]} : vector<2x1000x64xf32> to vector<1x1000x64xf32>
    %squeeze3A_48 = vector.shape_cast %slice3A_47 : vector<1x1000x64xf32> to vector<1000x64xf32>
    %slice3A_49 = vector.extract_strided_slice %get3A_42 {offsets = [1, 0, 0], sizes = [1, 1000, 64], strides = [1, 1, 1]} : vector<2x1000x64xf32> to vector<1x1000x64xf32>
    %squeeze3A_50 = vector.shape_cast %slice3A_49 : vector<1x1000x64xf32> to vector<1000x64xf32>
    %add3A_51 = arith.addf %squeeze3A_48, %squeeze3A_50 : vector<1000x64xf32>
    %slice3A_52 = vector.extract_strided_slice %get3A_46 {offsets = [0, 0, 0], sizes = [1, 1000, 1], strides = [1, 1, 1]} : vector<2x1000x16xf32> to vector<1x1000x1xf32>
    %squeeze3A_53 = vector.shape_cast %slice3A_52 : vector<1x1000x1xf32> to vector<1000x1xf32>
    %slice3A_54 = vector.extract_strided_slice %get3A_46 {offsets = [1, 0, 0], sizes = [1, 1000, 1], strides = [1, 1, 1]} : vector<2x1000x16xf32> to vector<1x1000x1xf32>
    %squeeze3A_55 = vector.shape_cast %slice3A_54 : vector<1x1000x1xf32> to vector<1000x1xf32>
    %add3A_56 = arith.addf %squeeze3A_53, %squeeze3A_55 : vector<1000x1xf32>
    %max3A_57 = arith.constant 1.000000e+00 : f32
    %max3A_58 = vector.broadcast %max3A_57 : f32 to vector<1000x1xf32>
    %max3A_59 = arith.maximumf %add3A_56, %max3A_58 : vector<1000x1xf32>
    %div3A_60 = vector.broadcast %max3A_59 : vector<1000x1xf32> to vector<1000x64xf32>
    %div3A_61 = arith.divf %add3A_51, %div3A_60 : vector<1000x64xf32>
    %get3A_62 = arith.constant 0 : index
    %get3A_63 = arith.constant 0 : index
    %get3A_64 = vector.load %arg9[%get3A_62, %get3A_63] : memref<64x64xf32, #tpu.memory_space<vmem>>, vector<64x64xf32>
    %dot_general3A_65 = arith.constant dense<0.000000e+00> : vector<1000x64xf32>
    %dot_general3A_66 = tpu.matmul %div3A_61, %get3A_64, %dot_general3A_65 {dimension_numbers = #tpu.dot_dimension_numbers<[1], [0], [0], [1], [0, 0, 1, 1], [], []>, transpose_lhs_hint = false} : vector<1000x64xf32>, vector<64x64xf32>, vector<1000x64xf32> -> vector<1000x64xf32>
    %broadcast_in_dim3A = arith.constant 0.000000e+00 : f32
    %broadcast_in_dim3A_67 = vector.broadcast %broadcast_in_dim3A : f32 to vector<1000x64xf32>
    %select_n3A_68 = arith.select %lt3A_0, %dot_general3A_66, %broadcast_in_dim3A_67 : vector<1000x64xf32>
    %add3A_69 = arith.addf %add3A_38, %select_n3A_68 : vector<1000x64xf32>
    %max3A_70 = arith.constant 0.000000e+00 : f32
    %max3A_71 = vector.broadcast %max3A_70 : f32 to vector<1000x64xf32>
    %max3A_72 = arith.maximumf %add3A_69, %max3A_71 : vector<1000x64xf32>
    %get3A_73 = arith.constant 0 : index
    %get3A_74 = arith.constant 0 : index
    %get3A_75 = vector.load %arg11[%get3A_73, %get3A_74] : memref<64x64xf32, #tpu.memory_space<vmem>>, vector<64x64xf32>
    %dot_general3A_76 = arith.constant dense<0.000000e+00> : vector<1000x64xf32>
    %dot_general3A_77 = tpu.matmul %max3A_72, %get3A_75, %dot_general3A_76 {dimension_numbers = #tpu.dot_dimension_numbers<[1], [0], [0], [1], [0, 0, 1, 1], [], []>, transpose_lhs_hint = false} : vector<1000x64xf32>, vector<64x64xf32>, vector<1000x64xf32> -> vector<1000x64xf32>
    %get3A_78 = arith.constant 0 : index
    %get3A_79 = arith.constant 0 : index
    %get3A_80 = vector.load %arg12[%get3A_78, %get3A_79] : memref<1x64xf32, #tpu.memory_space<vmem>>, vector<1x64xf32>
    %add3A_81 = vector.broadcast %get3A_80 : vector<1x64xf32> to vector<1000x64xf32>
    %add3A_82 = arith.addf %dot_general3A_77, %add3A_81 : vector<1000x64xf32>
    %swap3A = arith.constant 0 : index
    %swap3A_83 = arith.constant 0 : index
    %swap3A_84 = vector.load %arg15[%swap3A, %swap3A_83] : memref<1000x64xf32, #tpu.memory_space<vmem>>, vector<1000x64xf32>
    tpu.vector_store %arg15[%swap3A, %swap3A_83], %add3A_82 {strides = array<i32>} : memref<1000x64xf32, #tpu.memory_space<vmem>>, vector<1000x64xf32>,
    %get3A_85 = arith.constant 0 : index
    %get3A_86 = arith.constant 0 : index
    %get3A_87 = vector.load %arg13[%get3A_85, %get3A_86] : memref<64x64xf32, #tpu.memory_space<vmem>>, vector<64x64xf32>
    %dot_general3A_88 = arith.constant dense<0.000000e+00> : vector<1000x64xf32>
    %dot_general3A_89 = tpu.matmul %max3A_72, %get3A_87, %dot_general3A_88 {dimension_numbers = #tpu.dot_dimension_numbers<[1], [0], [0], [1], [0, 0, 1, 1], [], []>, transpose_lhs_hint = false} : vector<1000x64xf32>, vector<64x64xf32>, vector<1000x64xf32> -> vector<1000x64xf32>
    %get3A_90 = arith.constant 0 : index
    %get3A_91 = arith.constant 0 : index
    %get3A_92 = vector.load %arg14[%get3A_90, %get3A_91] : memref<1x64xf32, #tpu.memory_space<vmem>>, vector<1x64xf32>
    %add3A_93 = vector.broadcast %get3A_92 : vector<1x64xf32> to vector<1000x64xf32>
    %add3A_94 = arith.addf %dot_general3A_89, %add3A_93 : vector<1000x64xf32>
    %swap3A_95 = arith.constant 0 : index
    %swap3A_96 = arith.constant 0 : index
    %swap3A_97 = vector.load %arg16[%swap3A_95, %swap3A_96] : memref<1000x64xf32, #tpu.memory_space<vmem>>, vector<1000x64xf32>
    tpu.vector_store %arg16[%swap3A_95, %swap3A_96], %add3A_94 {strides = array<i32>} : memref<1000x64xf32, #tpu.memory_space<vmem>>, vector<1000x64xf32>,
    return
  }
  func.func @transform_0(%arg0: i32) -> (i32, i32) {
    %c0_i32 = arith.constant 0 : i32
    %c0_i32_0 = arith.constant 0 : i32
    return %arg0, %c0_i32 : i32, i32
  }
  func.func @transform_1(%arg0: i32) -> (i32, i32, i32) {
    %c0_i32 = arith.constant 0 : i32
    %c0_i32_0 = arith.constant 0 : i32
    %c0_i32_1 = arith.constant 0 : i32
    return %c0_i32, %arg0, %c0_i32_0 : i32, i32, i32
  }
  func.func @transform_2(%arg0: i32) -> (i32, i32, i32) {
    %c0_i32 = arith.constant 0 : i32
    %c0_i32_0 = arith.constant 0 : i32
    %c0_i32_1 = arith.constant 0 : i32
    return %c0_i32, %arg0, %c0_i32_0 : i32, i32, i32
  }
  func.func @transform_3(%arg0: i32) -> (i32, i32, i32) {
    %c0_i32 = arith.constant 0 : i32
    %c0_i32_0 = arith.constant 0 : i32
    %c0_i32_1 = arith.constant 0 : i32
    return %c0_i32, %arg0, %c0_i32_0 : i32, i32, i32
  }
  func.func @transform_4(%arg0: i32) -> (i32, i32, i32) {
    %c0_i32 = arith.constant 0 : i32
    %c0_i32_0 = arith.constant 0 : i32
    %c0_i32_1 = arith.constant 0 : i32
    return %c0_i32, %arg0, %c0_i32_0 : i32, i32, i32
  }
  func.func @transform_5(%arg0: i32) -> (i32, i32) {
    %c0_i32 = arith.constant 0 : i32
    %c0_i32_0 = arith.constant 0 : i32
    %c0_i32_1 = arith.constant 0 : i32
    return %c0_i32, %c0_i32_0 : i32, i32
  }
  func.func @transform_6(%arg0: i32) -> (i32, i32) {
    %c0_i32 = arith.constant 0 : i32
    %c0_i32_0 = arith.constant 0 : i32
    %c0_i32_1 = arith.constant 0 : i32
    return %c0_i32, %c0_i32_0 : i32, i32
  }
  func.func @transform_7(%arg0: i32) -> (i32, i32) {
    %c0_i32 = arith.constant 0 : i32
    %c0_i32_0 = arith.constant 0 : i32
    %c0_i32_1 = arith.constant 0 : i32
    return %c0_i32, %c0_i32_0 : i32, i32
  }
  func.func @transform_8(%arg0: i32) -> (i32, i32) {
    %c0_i32 = arith.constant 0 : i32
    %c0_i32_0 = arith.constant 0 : i32
    %c0_i32_1 = arith.constant 0 : i32
    return %c0_i32, %c0_i32_0 : i32, i32
  }
  func.func @transform_9(%arg0: i32) -> (i32, i32) {
    %c0_i32 = arith.constant 0 : i32
    %c0_i32_0 = arith.constant 0 : i32
    %c0_i32_1 = arith.constant 0 : i32
    return %c0_i32, %c0_i32_0 : i32, i32
  }
  func.func @transform_10(%arg0: i32) -> (i32, i32) {
    %c0_i32 = arith.constant 0 : i32
    %c0_i32_0 = arith.constant 0 : i32
    %c0_i32_1 = arith.constant 0 : i32
    return %c0_i32, %c0_i32_0 : i32, i32
  }
  func.func @transform_11(%arg0: i32) -> (i32, i32) {
    %c0_i32 = arith.constant 0 : i32
    %c0_i32_0 = arith.constant 0 : i32
    %c0_i32_1 = arith.constant 0 : i32
    return %c0_i32, %c0_i32_0 : i32, i32
  }
  func.func @transform_12(%arg0: i32) -> (i32, i32) {
    %c0_i32 = arith.constant 0 : i32
    %c0_i32_0 = arith.constant 0 : i32
    %c0_i32_1 = arith.constant 0 : i32
    return %c0_i32, %c0_i32_0 : i32, i32
  }
  func.func @transform_13(%arg0: i32) -> (i32, i32) {
    %c0_i32 = arith.constant 0 : i32
    %c0_i32_0 = arith.constant 0 : i32
    %c0_i32_1 = arith.constant 0 : i32
    return %c0_i32, %c0_i32_0 : i32, i32
  }
  func.func @transform_14(%arg0: i32) -> (i32, i32) {
    %min3A = arith.constant 30 : i32
    %min3A_0 = arith.minsi %arg0, %min3A : i32
    %c0_i32 = arith.constant 0 : i32
    %c0_i32_1 = arith.constant 0 : i32
    return %min3A_0, %c0_i32 : i32, i32
  }
  func.func @transform_15(%arg0: i32) -> (i32, i32) {
    %lt3A = arith.constant 30 : i32
    %lt3A_0 = arith.cmpi slt, %arg0, %lt3A : i32
    %sub3A = arith.constant 30 : i32
    %sub3A_1 = arith.subi %arg0, %sub3A : i32
    %jit3A = arith.constant 20 : i32
    %select_n3A = arith.select %lt3A_0, %jit3A, %sub3A_1 : i32
    %c0_i32 = arith.constant 0 : i32
    %c0_i32_2 = arith.constant 0 : i32
    return %select_n3A, %c0_i32 : i32, i32
  }
}

</mosaic_0001>

<sc_bundles>
// kernel: kernel.11.cloned.1.call-start
scs
__scs_entry_jumppad:
0x0: {  	(pc) =	sbr.rel $0x88, $3  }
0x1: {  	(tag) =	ssettag $0x0;
	lr =	simm.s32 $0x1  }
0x2: {  	[smem:$0x3F8A] =	sst lr;
	_ =	strace $0xD0000000  }
0x3: {  	_ = 	snop  }
0x4: {  	_ = 	snop  }
0x5: {  	_ = 	snop  }
0x6: {  	_ = 	snop  }
0x7: {  	_ = 	snop  }
__scs_overlays_trampoline_lowered:
0x8: {  	[smem:$0x3F99] =	sst s0  }
0x9: {  	[smem:$0x3F9A] =	sst s1  }
0xa: {  	[smem:$0x3F9B] =	sst s2  }
0xb: {  	[smem:$0x3F9C] =	sst s3  }
0xc: {  	[smem:$0x3F9D] =	sst s4  }
0xd: {  	[smem:$0x3F9E] =	sst s5  }
0xe: {  	[smem:$0x3F9F] =	sst s6  }
0xf: {  	[smem:$0x3FA0] =	sst s7  }
0x10: {  	[smem:$0x3FA1] =	sst s8  }
0x11: {  	[smem:$0x3FA2] =	sst s9;
	s0 =	simm.s32 @!p0 $0x0  }
0x12: {  	s1 =	sld [smem:$0x3F88];
	s0 =	simm.s32 @p0 $0x1  }
0x13: {  	[smem:$0x3FA3] =	sst s0;
	s0 =	simm.s32 @!p1 $0x0  }
0x14: {  	s2 =	sld [smem:$0x3F87];
	s0 =	simm.s32 @p1 $0x1  }
0x15: {  	[smem:$0x3FA4] =	sst s0;
	s0 =	simm.s32 @!p2 $0x0  }
0x16: {  	s3 =	sld [smem:$0x3FDB];
	s0 =	simm.s32 @p2 $0x1  }
0x17: {  	s4 =	simm.s32 $0x1BF5;
	[smem:$0x3FA6] =	sst s0  }
0x18: {  	s0 =	sld [smem:$0x3F89];
	_ =	swait.ge [sflag:s4], $0x0  }
0x19: {  	s7 =	sld [smem:$0x3F8A]  }
0x1a: {  	s8 =	sadd.s32 $0xFFFFE003, lr  }
0x1b: {  	s9 =	sadd.s32 $0xFFFFFEF7, lr;
	s5 =	simm.s32 $0xFFFFFFFF;
	p2 =	slt.u32 s8, $0xFFFFF086  }
0x1c: {  	p1 =	slt.u32 s9, $0xF7A;
	s5 =	simm.s32 @!p2 $0x0  }
0x1d: {  	s5 =	simm.s32 @p1 $0x1;
	p0 =	seq.s32 s7, s2  }
0x1e: {  	s7 =	smul.u32 @!p0 $0xF7A, s2;
	p2 =	seq.s32 @!p0 s5, $0x0  }
0x1f: {  	s9 =	smul.u32 $0xF7A, s1;
	s8 =	simm.s32 @!p0 $0x1BF5;
	p2 =	por !p2, p0  }
0x20: {  	[sflag:s8] =	ssyncset.s32 @!p0 $0xFFFFF086;
	s6 =	sadd.s32 @!p0 s3, s7;
	s7 =	simm.s32 @!p0 $0x108  }
0x21: {  	s3 =	sadd.s32 s3, s9;
	s6 =	sadd.s32 @!p0 $0x88, s6;
	s7 =	simm.s32 @p2 $0x1082  }
0x22: {  	[simem:s7], [sflag:s8] =	dma.local @!p0 [hbm:s6], $0xF7A  }
0x23: {  	s9 =	sor.u32 $0xD0000000, s2;
	s6 =	simm.s32 $0x108;
	_ =	swait.ge @!p0 [sflag:s8], $0x0  }
0x24: {  	s3 =	sadd.s32 $0x88, s3;
	s6 =	simm.s32 @!p1 $0x1082;
	[sflag:s4] =	ssyncset.s32 $0xFFFFF086  }
0x25: {  	[simem:s6], [sflag:s4] =	dma.local [hbm:s3], $0xF7A  }
0x26: {  	[smem:$0x3F8A] =	sst s1;
	(tag) =	ssettag s2;
	_ =	strace s9  }
0x27: {  	s1 =	sld [smem:$0x3F9A]  }
0x28: {  	s2 =	sld [smem:$0x3F9B]  }
0x29: {  	s4 =	sld [smem:$0x3F9D]  }
0x2a: {  	p0 =	seq.s32 s5, $0x0;
	s5 =	sld [smem:$0x3F9E]  }
0x2b: {  	s6 =	sld [smem:$0x3F9F]  }
0x2c: {  	s7 =	sld [smem:$0x3FA0]  }
0x2d: {  	s3 =	simm.s32 $0x108;
	s8 =	sld [smem:$0x3FA1]  }
0x2e: {  	s3 =	simm.s32 @!p0 $0x1082;
	s9 =	sld [smem:$0x3FA2]  }
0x2f: {  	lr =	sadd.s32 s0, s3;
	s0 =	sld [smem:$0x3F99]  }
0x30: {  	s3 =	sld [smem:$0x3F9C]  }
0x31: {  	[smem:$0x3FA5] =	sst s10  }
0x32: {  	s10 =	sld [smem:$0x3FA3];
	_ =	sdelay $0x3  }
0x33: {  	p0 =	seq.s32 s10, $0x1;
	s10 =	sld [smem:$0x3FA5];
	_ =	sdelay $0x3  }
0x34: {  	[smem:$0x3FA5] =	sst s10  }
0x35: {  	s10 =	sld [smem:$0x3FA4];
	_ =	sdelay $0x3  }
0x36: {  	p1 =	seq.s32 s10, $0x1;
	s10 =	sld [smem:$0x3FA5];
	_ =	sdelay $0x3  }
0x37: {  	[smem:$0x3FA5] =	sst s10  }
0x38: {  	s10 =	sld [smem:$0x3FA6]  }
0x39: {  	_ = 	snop;
	(pc) =	sbr.ind lr, $3  }
0x3a: {  	_ = 	snop  }
0x3b: {  	_ = 	snop  }
0x3c: {  	p2 =	seq.s32 s10, $0x1;
	s10 =	sld [smem:$0x3FA5]  }
0x3d: {  	_ =	shalt  }
0x3e: {  	_ =	shalt  }
0x3f: {  	_ =	shalt  }
0x40: {  	_ =	shalt  }
0x41: {  	_ =	shalt  }
0x42: {  	_ =	shalt  }
0x43: {  	_ =	shalt  }
0x44: {  	_ =	shalt  }
0x45: {  	_ =	shalt  }
0x46: {  	_ =	shalt  }
0x47: {  	_ =	shalt  }
0x48: {  	_ =	shalt  }
0x49: {  	_ =	shalt  }
0x4a: {  	_ =	shalt  }
0x4b: {  	_ =	shalt  }
0x4c: {  	_ =	shalt  }
0x4d: {  	_ =	shalt  }
0x4e: {  	_ =	shalt  }
0x4f: {  	_ =	shalt  }
0x50: {  	_ =	shalt  }
0x51: {  	_ =	shalt  }
0x52: {  	_ =	shalt  }
0x53: {  	_ =	shalt  }
0x54: {  	_ =	shalt  }
0x55: {  	_ =	shalt  }
0x56: {  	_ =	shalt  }
0x57: {  	_ =	shalt  }
0x58: {  	_ =	shalt  }
0x59: {  	_ =	shalt  }
0x5a: {  	_ =	shalt  }
0x5b: {  	_ =	shalt  }
0x5c: {  	_ =	shalt  }
0x5d: {  	_ =	shalt  }
0x5e: {  	_ =	shalt  }
0x5f: {  	_ =	shalt  }
0x60: {  	_ =	shalt  }
0x61: {  	_ =	shalt  }
0x62: {  	_ =	shalt  }
0x63: {  	_ =	shalt  }
0x64: {  	_ =	shalt  }
0x65: {  	_ =	shalt  }
0x66: {  	_ =	shalt  }
0x67: {  	_ =	shalt  }
0x68: {  	_ =	shalt  }
0x69: {  	_ =	shalt  }
0x6a: {  	_ =	shalt  }
0x6b: {  	_ =	shalt  }
0x6c: {  	_ =	shalt  }
0x6d: {  	_ =	shalt  }
0x6e: {  	_ =	shalt  }
0x6f: {  	_ =	shalt  }
0x70: {  	_ =	shalt  }
0x71: {  	_ =	shalt  }
0x72: {  	_ =	shalt  }
0x73: {  	_ =	shalt  }
0x74: {  	_ =	shalt  }
0x75: {  	_ =	shalt  }
0x76: {  	_ =	shalt  }
0x77: {  	_ =	shalt  }
0x78: {  	_ =	shalt  }
0x79: {  	_ =	shalt  }
0x7a: {  	_ =	shalt  }
0x7b: {  	_ =	shalt  }
0x7c: {  	_ =	shalt  }
0x7d: {  	_ =	shalt  }
0x7e: {  	_ =	shalt  }
0x7f: {  	_ =	shalt  }
0x80: {  	_ =	shalt  }
0x81: {  	_ =	shalt  }
0x82: {  	_ =	shalt  }
0x83: {  	_ =	shalt  }
0x84: {  	_ =	shalt  }
0x85: {  	_ =	shalt  }
0x86: {  	_ =	shalt  }
0x87: {  	_ =	shalt  }
.Lfunc_end0:
.L_simem_size_0:
called_computation.1_lowered:
.L_overlay_start_0:
0x88: {  	s2 =	sld [smem:$0x3FD9]  }
0x89: {  	s3 =	sld [smem:$0x3FFE];
	_ =	sdelay $0x1  }
0x8a: {  	s1 =	srdreg.scid  }
0x8b: {  	s0 =	sand.u32 $0x1, s1  }
0x8c: {  	s15 =	sshll.u32 s0, $0xA;
	s2 =	sadd.s32 s3, s2  }
0x8d: {  	s2 =	sadd.s32 s2, s15  }
0x8e: {  	[smem:$0x3FB1] =	sst s2  }
0x8f: {  	_ = 	snop  }
0x90: {  	s2 =	sld [smem:$0x3FD0];
	_ =	sdelay $0x2  }
0x91: {  	s16 =	simm.s32 $0xB;
	s4 =	simm.s32 $0x10  }
0x92: {  	[smem:s4], [sflag:s16] =	dma.local [hbm:s2], $0x1  }
0x93: {  	_ =	swait.eq [sflag:s16], $0x1  }
0x94: {  	[sflag:s16] =	ssyncset.done $0x0  }
0x95: {  	[sflag:s16] =	ssyncadd.s32 $0xFFFFFFFF  }
0x96: {  	s17 =	sld [smem:$0x11];
	(tm) =	ssettm $0x1  }
0x97: {  	s18 =	sld [smem:$0x3FFB];
	_ =	sdelay $0x3  }
0x98: {  	_ =	strace s18  }
0x99: {  	s2 =	sld [smem:$0x3FFC];
	_ =	sdelay $0x3  }
0x9a: {  	_ =	strace s2  }
0x9b: {  	s2 =	sld [smem:$0x3FFD];
	_ =	sdelay $0x3  }
0x9c: {  	_ =	strace s2  }
0x9d: {  	_ =	strace $0x8FFFFFFF  }
0x9e: {  	s19 =	sld [smem:$0x3FDB];
	_ =	sdelay $0x1  }
0x9f: {  	s20 =	simm.s32 $_scs_section_size  }
0xa0: {  	s5 =	simm.s32 $_size__tile_overlayer_lowered;
	s6 =	simm.s32 $_tile_overlayer_lowered  }
0xa1: {  	s7 =	simm.s32 $0x1BFF;
	s21 =	sshll.u32 s6, $0x1;
	s4 =	sadd.s32 s20, s19  }
0xa2: {  	s22 =	simm.s32 $0x0;
	s5 =	sshll.u32 s5, $0x1;
	s6 =	sadd.s32 s21, s4  }
0xa3: {  	[timem:s22], [sflag:s7] =	dma.local [hbm:s6], s5  }
0xa4: {  	_ =	swait.ge [sflag:s7], s5  }
0xa5: {  	s5 =	ssub.s32 $0x0, s5;
	[sflag:s7] =	ssyncset.done $0x0  }
0xa6: {  	[sflag:s7] =	ssyncadd.s32 s5;
	_ =	sdelay $0x1  }
0xa7: {  	s23 =	simm.s32 $0x1B8B  }
0xa8: {  	_ =	swait.ge [sflag:s23], $0x1  }
0xa9: {  	[sflag:s23] =	ssyncset.done $0x0  }
0xaa: {  	[sflag:s23] =	ssyncadd.s32 $0xFFFFFFFF  }
0xab: {  	s5 =	sld [smem:$0x0]  }
0xac: {  	s6 =	sand.u32 $0xFFFFFFFE, s1  }
0xad: {  	p0 =	sne.s32 s1, s6  }
0xae: {  	s6 =	sshll.u32 @p0 s6, $0xE  }
0xaf: {  	s6 =	sadd.s32 @p0 $0x11B8D, s6;
	s7 =	sshll.u32 @p0 s5, $0x11  }
0xb0: {  	s6 =	sor.u32 @p0 s7, s6  }
0xb1: {  	[sflag:s6] =	ssyncadd.remote.s32 @p0 $0x1;
	_ =	sdelay $0x1  }
0xb2: {  	s6 =	simm.s32 @p0 $0x1B8D  }
0xb3: {  	_ =	swait.eq @p0 [sflag:s6], $0x1  }
0xb4: {  	[sflag:s6] =	ssyncadd.s32 @p0 $0xFFFFFFFF  }
0xb5: {  	s7 =	sshll.u32 @!p0 s1, $0xE  }
0xb6: {  	s7 =	sor.u32 @!p0 $0x4000, s7;
	s6 =	simm.s32 @!p0 $0x1B8D  }
0xb7: {  	s5 =	sshll.u32 @!p0 s5, $0x11;
	s7 =	sadd.s32 @!p0 $0x11B8D, s7;
	_ =	swait.eq @!p0 [sflag:s6], $0x1  }
0xb8: {  	s5 =	sor.u32 @!p0 s5, s7;
	[sflag:s6] =	ssyncadd.s32 @!p0 $0xFFFFFFFF  }
0xb9: {  	s25 =	simm.s32 $0x1B8E;
	s24 =	sld [smem:$0x3FFE];
	[sflag:s5] =	ssyncadd.remote.s32 @!p0 $0x1  }
0xba: {  	s26 =	simm.s32 $execute0_lowered;
	[smem:$0x3FD2] =	sst s25  }
0xbb: {  	s6 =	sshll.u32 s26, $0x1;
	_ =	strace $0x80000049;
	[dreg:$0x1] =	wrdreg $0xFFFFFFFF  }
0xbc: {  	s28 =	simm.s32 $_size_execute0_lowered;
	s4 =	sadd.s32 s4, s6;
	[dreg:$0x0] =	wrdreg $0x0  }
0xbd: {  	s6 =	sshll.u32 s28, $0x1;
	[dreg:$0x2] =	wrdreg s4  }
0xbe: {  	[dreg:$0x3] =	wrdreg s6  }
0xbf: {  	[dreg:$0x4] =	wrdreg $0xC0  }
0xc0: {  	_ =	task [dreg:s22], $0x5FFFF  }
0xc1: {  	[dreg:$0x1] =	wrdreg $0xFFFFFFFF  }
0xc2: {  	[dreg:$0x0] =	wrdreg $0x60  }
0xc3: {  	[dreg:$0x2] =	wrdreg s24  }
0xc4: {  	[dreg:$0x3] =	wrdreg s17  }
0xc5: {  	[dreg:$0x4] =	wrdreg $0x0  }
0xc6: {  	[dreg:$0x5] =	wrdreg $0xA  }
0xc7: {  	_ =	task.clear_ibuf [dreg:s22], $0x6FFFF;
	_ =	strace $0x90000049  }
0xc8: {  	s29 =	simm.s32 $0xA;
	_ =	strace $0x8000004B  }
0xc9: {  	_ =	swait.ge [sflag:s29], $0x1  }
0xca: {  	[sflag:s29] =	ssyncadd.s32 $0xFFFFFFFF  }
0xcb: {  	_ =	strace $0x9000004B  }
0xcc: {  	_ =	sfence  }
0xcd: {  	s30 =	sld [smem:$0x0];
	_ =	sdelay $0x2  }
0xce: {  	s31 =	sshll.u32 s1, $0xD;
	s1 =	sshrl.u32 s1, $0x2  }
0xcf: {  	s4 =	sand.u32 $0x4000, s31;
	s1 =	sadd.s32 s1, s30  }
0xd0: {  	s0 =	sor.u32 s4, s0;
	s1 =	sshll.u32 s1, $0x11  }
0xd1: {  	s0 =	sor.u32 s1, s0  }
0xd2: {  	s0 =	sadd.s32 $0x8F2B, s0  }
0xd3: {  	[sflag:s0] =	ssyncadd.remote.s32 $0x1  }
0xd4: {  	_ =	sfence.sel $0xFFFF  }
0xd5: {  	[dreg:$0x0] =	wrdreg $0xFFFFFFFF;
	(pc) =	sbr.abs _section_cstart, $3  }
0xd6: {  	[dreg:$0x1] =	wrdreg $0xFFFFFFFF  }
0xd7: {  	_ =	task.clear_ibuf [dreg:s22], $0x2FFFF;
	_ =	strace $0x9FFFFFFF  }
0xd8: {  	(tm) =	ssettm $0x7FFFFFFF  }
0xd9: {  	_ =	shalt  }
tec
execute0_lowered:
.L_overlay_start_1:
0x0: {  	(tag) =	ssettag $0x1  }
0x1: {  	s0 =	rddreg [dreg:$0x0]  }
0x2: {  	s14 =	rddreg [dreg:$0x1]  }
0x3: {  	s3 =	rddreg [dreg:$0x2];
	s4 =	simm.s32 $0x0  }
0x4: {  	s15 =	stileid.u32;
	s1 =	srdreg.scid;
	s28 =	simm.s32 $0x2  }
0x5: {  	s29 =	simm.s32 $0x3;
	[smem:$0x7FF] =	sst s4;
	s2 =	smul.u32 $0x758, s15  }
0x6: {  	s5 =	sadd.s32 $0x112000, s0;
	s6 =	sadd.s32 $0x173C00, s0;
	s1 =	sand.u32 $0x1, s1  }
0x7: {  	s16 =	sadd.s32 $0x10200, s0;
	s17 =	sadd.s32 $0x3A00, s0;
	s12 =	smul.u32 $0x4E8, s15  }
0x8: {  	s11 =	sadd.s32 $0x23AE00, s0;
	s19 =	sshll.u32 s15, $0x6;
	s25 =	smul.u32 $0x3200, s15  }
0x9: {  	_ =	strace $0x8000004A;
	[dreg:$0x4] =	wrdreg s6;
	s18 =	smul.u32 $0x30D400, s1  }
0xa: {  	s7 =	sshll.u32 s1, $0x4;
	s9 =	ssub.s32 $0x2, s1;
	s30 =	sor.u32 $0x1C09, s19  }
0xb: {  	s1 =	smul.u32 $0x32000, s1;
	s2 =	smin.u32 s2, $0x6DD8;
	s7 =	sor.u32 s15, s7  }
0xc: {  	s10 =	sshrl.u32 s9, $0x1;
	s12 =	smin.u32 s12, $0x4938;
	[dreg:$0x6] =	wrdreg s30  }
0xd: {  	s2 =	sshll.u32 s2, $0x6;
	s7 =	smul.u32 $0x3200, s7;
	s9 =	ssub.s32 s9, s10  }
0xe: {  	s12 =	sshll.u32 s12, $0x6;
	s1 =	sadd.s32 s25, s1;
	s8 =	sadd.s32 s18, s2  }
0xf: {  	s2 =	sadd.s32 s2, s3;
	s6 =	sadd.s32 s12, s18;
	s12 =	sadd.s32 s12, s3  }
0x10: {  	s15 =	smax.u32 s9, $0x1;
	s18 =	sadd.s32 $0x460, s1;
	[dreg:$0x5] =	wrdreg s2  }
0x11: {  	s8 =	sshrl.u32 s8, $0x3;
	s7 =	sshrl.u32 s7, $0x3;
	[dreg:$0xb] =	wrdreg s12  }
0x12: {  	[dreg:$0x17] =	wrdreg s15;
	s0 =	sadd.s32 s8, s0;
	s20 =	sadd.s32 s14, s7  }
0x13: {  	s21 =	sor.u32 $0x14, s7;
	s8 =	sadd.s32 s11, s8;
	[dreg:$0x7] =	wrdreg s20  }
0x14: {  	s22 =	sor.u32 $0x28, s7;
	s26 =	sadd.s32 s16, s7;
	[dreg:$0xa] =	wrdreg s8  }
0x15: {  	s24 =	sor.u32 $0x3C, s7;
	s7 =	sadd.s32 s17, s7;
	[dreg:$0xc] =	wrdreg s26  }
0x16: {  	s19 =	sadd.s32 $0x3C0, s1;
	s13 =	sadd.s32 s14, s21;
	[dreg:$0xf] =	wrdreg s7  }
0x17: {  	s6 =	sshrl.u32 s6, $0x3;
	s23 =	sadd.s32 s14, s22;
	[dreg:$0x8] =	wrdreg s13  }
0x18: {  	s6 =	sadd.s32 s11, s6;
	s31 =	sadd.s32 s16, s21;
	[dreg:$0x9] =	wrdreg s23  }
0x19: {  	s15 =	simm.s32 $0x1D690;
	s6 =	sadd.s32 $0x3A980, s6;
	[dreg:$0xd] =	wrdreg s31  }
0x1a: {  	s2 =	sadd.s32 s17, s21;
	s8 =	sadd.s32 s16, s22;
	[dreg:$0xe] =	wrdreg s6  }
0x1b: {  	s10 =	sadd.s32 s17, s22;
	s11 =	sadd.s32 s14, s24;
	[dreg:$0x10] =	wrdreg s2  }
0x1c: {  	s12 =	sadd.s32 s16, s24;
	s0 =	sadd.s32 $0x177800, s0;
	[dreg:$0x11] =	wrdreg s8  }
0x1d: {  	s20 =	sadd.s32 $0x320, s1;
	s21 =	sshrl.u32 s19, $0x3;
	[dreg:$0x12] =	wrdreg s10  }
0x1e: {  	s1 =	sadd.s32 $0x280, s1;
	s19 =	simm.s32 $0x1D6E0;
	[dreg:$0x13] =	wrdreg s11  }
0x1f: {  	s7 =	simm.s32 $0x4;
	[dreg:$0x14] =	wrdreg s12;
	s13 =	sadd.s32 s17, s24  }
0x20: {  	[dreg:$0x16] =	wrdreg s0;
	s0 =	sshrl.u32 s18, $0x3;
	s6 =	sshrl.u32 s20, $0x3  }
0x21: {  	[dreg:$0x18] =	wrdreg s1;
	s24 =	sadd.s32 s21, s14;
	s25 =	sadd.s32 s21, s16  }
0x22: {  	s26 =	sadd.s32 s21, s17;
	s11 =	smov.u32 s16;
	s12 =	smov.u32 s17  }
0x23: {  	s2 =	simm.s32 $0x9;
	s18 =	simm.s32 $0x1D640;
	s20 =	simm.s32 $0x5  }
0x24: {  	s21 =	simm.s32 $0x6;
	s10 =	simm.s32 $0x8;
	[dreg:$0x15] =	wrdreg s13  }
0x25: {  	s1 =	simm.s32 $0x1D730;
	s8 =	simm.s32 $0x0;
	[dreg:$0x1c] =	wrdreg s24  }
0x26: {  	s22 =	sadd.s32 s0, s14;
	s23 =	sadd.s32 s0, s16;
	[dreg:$0x1d] =	wrdreg s25  }
0x27: {  	s0 =	sadd.s32 s0, s17;
	[dreg:$0x1e] =	wrdreg s26;
	s31 =	sadd.s32 s6, s14  }
.Ltmp0:
0x28: {  	s13 =	sadd.s32 s6, s16;
	s14 =	sadd.s32 s6, s17;
	(pc) =	sbr.rel .LBB2_1-.Ltmp0, $4  }
0x29: {  	s16 =	simm.s32 $0x1D500;
	s17 =	simm.s32 $0x1D5A0;
	[dreg:$0x19] =	wrdreg s22  }
0x2a: {  	s24 =	simm.s32 $0x1EB80;
	s25 =	simm.s32 $0x1;
	[dreg:$0x1a] =	wrdreg s23  }
0x2b: {  	s26 =	simm.s32 $0x1D550;
	s6 =	simm.s32 $0x1D5F0;
	[dreg:$0x1b] =	wrdreg s0  }
0x2c: {  	[dreg:$0x1f] =	wrdreg s31;
	s22 =	simm.s32 $0x50;
	s23 =	simm.s32 $0x1D780  }
.LBB2_10:
0x2d: {  	_ =	swait.ge [sflag:s7], $0x1400  }
0x2e: {  	[sflag:s7] =	ssyncset.done $0x0  }
0x2f: {  	[sflag:s7] =	ssyncadd.s32 $0xFFFFEC00  }
0x30: {  	[bflag:$0x0] =	sbarrier.arrive $0xFFFF  }
0x31: {  	s2 =	sld [smem:$0x7FD]  }
0x32: {  	s30 =	rddreg [dreg:$0x6]  }
0x33: {  	s0 =	rddreg [dreg:$0x16]  }
0x34: {  	[hbm:s0], [sflag:s30] =	dma.local [spmem:s2], $0x3AC0  }
0x35: {  	s2 =	simm.s32 $0x9  }
0x36: {  	_ =	swait.ge [sflag:s2], $0x3AC0  }
0x37: {  	s8 =	sld [smem:$0x7FC];
	_ =	sdelay $0x2  }
0x38: {  	s31 =	rddreg [dreg:$0x17];
	s8 =	sadd.s32 $0x1, s8  }
0x39: {  	p0 =	sne.s32 s8, s31  }
.Ltmp1:
0x3a: {  	_ = 	snop;
	(pc) =	sbr.rel @!p0 .LBB2_11-.Ltmp1, $3  }
0x3b: {  	[sflag:s2] =	ssyncset.done $0x0  }
0x3c: {  	[sflag:s2] =	ssyncadd.s32 $0xFFFFC540  }
0x3d: {  	[bflag:$0x0] =	sbarrier.arrive $0xFFFF;
	_ =	sdelay $0x1  }
.LBB2_1:
0x3e: {  	[smem:$0x7FC] =	sst s8  }
0x3f: {  	s0 =	rddreg [dreg:$0x5]  }
0x40: {  	s31 =	rddreg [dreg:$0x4];
	s9 =	sshrl.u32 s0, $0x3  }
0x41: {  	[smem:$0x7FD] =	sst s9  }
0x42: {  	[spmem:s9], [sflag:s30] =	dma.local [hbm:s31], $0x3AC0  }
0x43: {  	_ =	swait.ge [sflag:s2], $0x3AC0  }
0x44: {  	[sflag:s2] =	ssyncset.done $0x0  }
0x45: {  	[sflag:s2] =	ssyncadd.s32 $0xFFFFC540;
	s2 =	rddreg [dreg:$0x7]  }
0x46: {  	[tilespmem:s16], [sflag:$0x5] =	stream.linear.gather [hbm4b:s2+s4], $0xA0, $0x38;
	[tilespmem:$0x1FF80] =	vst v63  }
0x47: {  	s8 =	rddreg [dreg:$0x8]  }
0x48: {  	[tilespmem:s17], [sflag:$0x6] =	stream.linear.gather [hbm4b:s8+s4], $0xA0, $0x38;
	[tilespmem:$0x1FF80] =	vst v63  }
0x49: {  	s9 =	rddreg [dreg:$0x9]  }
0x4a: {  	[tilespmem:s18], [sflag:$0x7] =	stream.linear.gather [hbm4b:s9+s4], $0xA0, $0x38;
	[tilespmem:$0x1FF80] =	vst v63  }
0x4b: {  	s31 =	rddreg [dreg:$0x13]  }
0x4c: {  	[tilespmem:s19], [sflag:$0x8] =	stream.linear.gather [hbm4b:s31+s4], $0xA0, $0x38;
	[tilespmem:$0x1FF80] =	vst v63  }
0x4d: {  	_ =	swait.ge [sflag:s20], $0xA0  }
0x4e: {  	[sflag:s20] =	ssyncset.done $0x0  }
0x4f: {  	[sflag:s20] =	ssyncadd.s32 $0xFFFFFF60  }
0x50: {  	_ =	swait.ge [sflag:s21], $0xA0  }
0x51: {  	[sflag:s21] =	ssyncset.done $0x0  }
0x52: {  	[sflag:s21] =	ssyncadd.s32 $0xFFFFFF60  }
0x53: {  	[bflag:$0x0] =	sbarrier.arrive $0xFFFF  }
0x54: {  	[tilespmem:s23], [sflag:$0x1] =	stream.indirect.gather [hbm4b:s5+s22], $0x40, s16, s22, $0xb8;
	[tilespmem:$0x1FF80] =	vst v63  }
0x55: {  	s30 =	simm.s32 $0x0;
	s8 =	rddreg [dreg:$0x18]  }
0x56: {  	[tilespmem:s24], [sflag:$0x2] =	stream.indirect.gather [hbm4b:s5+s22], $0x40, s17, s22, $0xb8;
	[tilespmem:$0x1FF80] =	vst v63  }
.LBB2_2:
0x57: {  	_ =	swait.ge [sflag:s25], $0x1400  }
0x58: {  	[sflag:s25] =	ssyncset.done $0x0  }
0x59: {  	[sflag:s25] =	ssyncadd.s32 $0xFFFFEC00  }
0x5a: {  	[spmem:s3] =	stream.indirect.scatter.add.f32 [tilespmem:s23], [sflag:$0x3], $0x40, s26, s22, $0xb8;
	[tilespmem:$0x1FF80] =	vst v63  }
0x5b: {  	_ =	swait.ge [sflag:s28], $0x1400  }
0x5c: {  	[sflag:s28] =	ssyncset.done $0x0  }
0x5d: {  	[sflag:s28] =	ssyncadd.s32 $0xFFFFEC00  }
0x5e: {  	[spmem:s3] =	stream.indirect.scatter.add.f32 [tilespmem:s24], [sflag:$0x4], $0x40, s6, s22, $0xb8;
	[tilespmem:$0x1FF80] =	vst v63  }
0x5f: {  	_ =	swait.ge [sflag:s29], $0x1400  }
0x60: {  	p0 =	seq.s32 s30, $0x5F0;
	[sflag:s29] =	ssyncset.done $0x0  }
0x61: {  	s31 =	simm.s32 @p0 $0x7;
	[sflag:s29] =	ssyncadd.s32 $0xFFFFEC00  }
0x62: {  	_ =	swait.ge @p0 [sflag:s31], $0xA0  }
0x63: {  	s0 =	simm.s32 @p0 $0x1D640;
	[sflag:s31] =	ssyncset.done @p0 $0x0  }
0x64: {  	s2 =	simm.s32 @p0 $0x1D780;
	[sflag:s31] =	ssyncadd.s32 @p0 $0xFFFFFF60;
	s31 =	simm.s32 @p0 $0x50  }
0x65: {  	[tilespmem:s2], [sflag:$0x1] =	stream.indirect.gather @p0 [hbm4b:s5+s31], $0x40, s0, s31, $0xb8;
	[tilespmem:$0x1FF80] =	vst v63  }
0x66: {  	s0 =	simm.s32 @p0 $0x4  }
0x67: {  	_ =	swait.ge @p0 [sflag:s0], $0x1400  }
0x68: {  	[sflag:s0] =	ssyncset.done @p0 $0x0  }
0x69: {  	[sflag:s0] =	ssyncadd.s32 @p0 $0xFFFFEC00  }
0x6a: {  	s0 =	sshrl.u32 @!p0 s8, $0x3;
	s2 =	rddreg [dreg:$0x1]  }
0x6b: {  	s31 =	simm.s32 @!p0 $0x1D500;
	s0 =	sadd.s32 @!p0 s2, s0;
	s2 =	simm.s32 @!p0 $0x0  }
0x6c: {  	[tilespmem:s31], [sflag:$0x5] =	stream.linear.gather @!p0 [hbm4b:s0+s2], $0xA0, $0x38;
	[tilespmem:$0x1FF80] =	vst v63  }
0x6d: {  	s0 =	simm.s32 @!p0 $0x7  }
0x6e: {  	_ =	swait.ge @!p0 [sflag:s0], $0xA0  }
0x6f: {  	s9 =	simm.s32 @!p0 $0x1D780;
	[sflag:s0] =	ssyncset.done @!p0 $0x0  }
0x70: {  	s31 =	simm.s32 @!p0 $0x1D640;
	[sflag:s0] =	ssyncadd.s32 @!p0 $0xFFFFFF60;
	s0 =	simm.s32 @!p0 $0x50  }
0x71: {  	[tilespmem:s9], [sflag:$0x1] =	stream.indirect.gather @!p0 [hbm4b:s5+s0], $0x40, s31, s0, $0xb8;
	[tilespmem:$0x1FF80] =	vst v63  }
0x72: {  	s0 =	simm.s32 @!p0 $0x4  }
0x73: {  	_ =	swait.ge @!p0 [sflag:s0], $0x1400  }
0x74: {  	[sflag:s0] =	ssyncset.done @!p0 $0x0  }
0x75: {  	[sflag:s0] =	ssyncadd.s32 @!p0 $0xFFFFEC00;
	s0 =	rddreg [dreg:$0x1f]  }
0x76: {  	s9 =	simm.s32 @!p0 $0x1D5A0;
	s0 =	sadd.s32 @!p0 s30, s0  }
0x77: {  	[tilespmem:s9], [sflag:$0x6] =	stream.linear.gather @!p0 [hbm4b:s0+s2], $0xA0, $0x38;
	[tilespmem:$0x1FF80] =	vst v63  }
0x78: {  	_ =	swait.ge [sflag:s10], $0xA0  }
0x79: {  	[sflag:s10] =	ssyncset.done $0x0  }
0x7a: {  	[sflag:s10] =	ssyncadd.s32 $0xFFFFFF60  }
0x7b: {  	[tilespmem:s24], [sflag:$0x2] =	stream.indirect.gather [hbm4b:s5+s22], $0x40, s19, s22, $0xb8;
	[tilespmem:$0x1FF80] =	vst v63  }
0x7c: {  	_ =	swait.ge [sflag:s25], $0x1400  }
0x7d: {  	[sflag:s25] =	ssyncset.done $0x0  }
0x7e: {  	[sflag:s25] =	ssyncadd.s32 $0xFFFFEC00  }
0x7f: {  	[spmem:s3] =	stream.indirect.scatter.add.f32 [tilespmem:s23], [sflag:$0x3], $0x40, s15, s22, $0xb8;
	[tilespmem:$0x1FF80] =	vst v63  }
0x80: {  	_ =	swait.ge [sflag:s28], $0x1400  }
0x81: {  	[sflag:s28] =	ssyncset.done $0x0  }
.Ltmp2:
0x82: {  	[sflag:s28] =	ssyncadd.s32 $0xFFFFEC00;
	(pc) =	sbr.rel @p0 .LBB2_4-.Ltmp2, $4  }
0x83: {  	[spmem:s3] =	stream.indirect.scatter.add.f32 [tilespmem:s24], [sflag:$0x4], $0x40, s1, s22, $0xb8;
	[tilespmem:$0x1FF80] =	vst v63  }
0x84: {  	_ =	swait.ge [sflag:s29], $0x1400  }
0x85: {  	[sflag:s29] =	ssyncset.done $0x0  }
0x86: {  	[sflag:s29] =	ssyncadd.s32 $0xFFFFEC00  }
0x87: {  	s0 =	rddreg [dreg:$0x1c]  }
0x88: {  	s0 =	sadd.s32 s30, s0  }
0x89: {  	[tilespmem:s18], [sflag:$0x7] =	stream.linear.gather [hbm4b:s0+s4], $0xA0, $0x38;
	[tilespmem:$0x1FF80] =	vst v63  }
0x8a: {  	_ =	swait.ge [sflag:s20], $0xA0  }
0x8b: {  	[sflag:s20] =	ssyncset.done $0x0  }
0x8c: {  	[sflag:s20] =	ssyncadd.s32 $0xFFFFFF60  }
0x8d: {  	[tilespmem:s23], [sflag:$0x1] =	stream.indirect.gather [hbm4b:s5+s22], $0x40, s16, s22, $0xb8;
	[tilespmem:$0x1FF80] =	vst v63  }
0x8e: {  	_ =	swait.ge [sflag:s7], $0x1400  }
0x8f: {  	[sflag:s7] =	ssyncset.done $0x0;
	s31 =	rddreg [dreg:$0x19]  }
0x90: {  	[sflag:s7] =	ssyncadd.s32 $0xFFFFEC00;
	s0 =	sadd.s32 s30, s31  }
0x91: {  	[tilespmem:s19], [sflag:$0x8] =	stream.linear.gather [hbm4b:s0+s4], $0xA0, $0x38;
	[tilespmem:$0x1FF80] =	vst v63  }
.Ltmp3:
0x92: {  	_ = 	snop;
	(pc) =	sbr.rel .LBB2_2-.Ltmp3, $4  }
0x93: {  	_ =	swait.ge [sflag:s21], $0xA0  }
0x94: {  	[sflag:s21] =	ssyncset.done $0x0  }
0x95: {  	s8 =	sadd.s32 $0x280, s8;
	s30 =	sadd.s32 $0x50, s30;
	[sflag:s21] =	ssyncadd.s32 $0xFFFFFF60  }
0x96: {  	[tilespmem:s24], [sflag:$0x2] =	stream.indirect.gather [hbm4b:s5+s22], $0x40, s17, s22, $0xb8;
	[tilespmem:$0x1FF80] =	vst v63  }
.LBB2_4:
0x97: {  	_ =	swait.ge [sflag:s7], $0x1400  }
0x98: {  	[sflag:s7] =	ssyncset.done $0x0  }
0x99: {  	[sflag:s7] =	ssyncadd.s32 $0xFFFFEC00  }
0x9a: {  	[bflag:$0x0] =	sbarrier.arrive $0xFFFF  }
0x9b: {  	s8 =	sld [smem:$0x7FD]  }
0x9c: {  	s2 =	rddreg [dreg:$0x6]  }
0x9d: {  	s0 =	rddreg [dreg:$0xa]  }
0x9e: {  	[hbm:s0], [sflag:s2] =	dma.local [spmem:s8], $0x3AC0  }
0x9f: {  	s8 =	simm.s32 $0x9  }
0xa0: {  	_ =	swait.ge [sflag:s8], $0x3AC0  }
0xa1: {  	[sflag:s8] =	ssyncset.done $0x0  }
0xa2: {  	[sflag:s8] =	ssyncadd.s32 $0xFFFFC540  }
0xa3: {  	[bflag:$0x0] =	sbarrier.arrive $0xFFFF  }
0xa4: {  	s9 =	rddreg [dreg:$0xb]  }
0xa5: {  	s31 =	rddreg [dreg:$0x4];
	s9 =	sshrl.u32 s9, $0x3  }
0xa6: {  	[smem:$0x7FB] =	sst s9  }
0xa7: {  	[spmem:s9], [sflag:s2] =	dma.local [hbm:s31], $0x2740  }
0xa8: {  	_ =	swait.ge [sflag:s8], $0x2740  }
0xa9: {  	[sflag:s8] =	ssyncset.done $0x0  }
0xaa: {  	s31 =	rddreg [dreg:$0xc];
	[sflag:s8] =	ssyncadd.s32 $0xFFFFD8C0;
	s8 =	simm.s32 $0x0  }
0xab: {  	[tilespmem:s16], [sflag:$0x5] =	stream.linear.gather [hbm4b:s31+s8], $0xA0, $0x38;
	[tilespmem:$0x1FF80] =	vst v63  }
0xac: {  	s2 =	rddreg [dreg:$0xd]  }
0xad: {  	[tilespmem:s17], [sflag:$0x6] =	stream.linear.gather [hbm4b:s2+s8], $0xA0, $0x38;
	[tilespmem:$0x1FF80] =	vst v63  }
0xae: {  	s9 =	rddreg [dreg:$0x11]  }
0xaf: {  	[tilespmem:s18], [sflag:$0x7] =	stream.linear.gather [hbm4b:s9+s8], $0xA0, $0x38;
	[tilespmem:$0x1FF80] =	vst v63  }
0xb0: {  	s31 =	rddreg [dreg:$0x14]  }
0xb1: {  	[tilespmem:s19], [sflag:$0x8] =	stream.linear.gather [hbm4b:s31+s8], $0xA0, $0x38;
	[tilespmem:$0x1FF80] =	vst v63  }
0xb2: {  	_ =	swait.ge [sflag:s20], $0xA0  }
0xb3: {  	[sflag:s20] =	ssyncset.done $0x0  }
0xb4: {  	[sflag:s20] =	ssyncadd.s32 $0xFFFFFF60  }
0xb5: {  	_ =	swait.ge [sflag:s21], $0xA0  }
0xb6: {  	[sflag:s21] =	ssyncset.done $0x0  }
0xb7: {  	[sflag:s21] =	ssyncadd.s32 $0xFFFFFF60  }
0xb8: {  	[bflag:$0x0] =	sbarrier.arrive $0xFFFF  }
0xb9: {  	[tilespmem:s23], [sflag:$0x1] =	stream.indirect.gather [hbm4b:s5+s22], $0x40, s16, s22, $0xb8;
	[tilespmem:$0x1FF80] =	vst v63  }
0xba: {  	s30 =	rddreg [dreg:$0x18]  }
0xbb: {  	[tilespmem:s24], [sflag:$0x2] =	stream.indirect.gather [hbm4b:s5+s22], $0x40, s17, s22, $0xb8;
	[tilespmem:$0x1FF80] =	vst v63  }
.LBB2_5:
0xbc: {  	_ =	swait.ge [sflag:s25], $0x1400  }
0xbd: {  	[sflag:s25] =	ssyncset.done $0x0  }
0xbe: {  	[sflag:s25] =	ssyncadd.s32 $0xFFFFEC00  }
0xbf: {  	[spmem:s3] =	stream.indirect.scatter.add.f32 [tilespmem:s23], [sflag:$0x3], $0x40, s26, s22, $0xb8;
	[tilespmem:$0x1FF80] =	vst v63  }
0xc0: {  	_ =	swait.ge [sflag:s28], $0x1400  }
0xc1: {  	[sflag:s28] =	ssyncset.done $0x0  }
0xc2: {  	[sflag:s28] =	ssyncadd.s32 $0xFFFFEC00  }
0xc3: {  	[spmem:s3] =	stream.indirect.scatter.add.f32 [tilespmem:s24], [sflag:$0x4], $0x40, s6, s22, $0xb8;
	[tilespmem:$0x1FF80] =	vst v63  }
0xc4: {  	_ =	swait.ge [sflag:s29], $0x1400  }
0xc5: {  	p0 =	seq.s32 s8, $0x5F0;
	[sflag:s29] =	ssyncset.done $0x0  }
0xc6: {  	s0 =	simm.s32 @p0 $0x7;
	[sflag:s29] =	ssyncadd.s32 $0xFFFFEC00  }
0xc7: {  	_ =	swait.ge @p0 [sflag:s0], $0xA0  }
0xc8: {  	s2 =	simm.s32 @p0 $0x1D640;
	[sflag:s0] =	ssyncset.done @p0 $0x0  }
0xc9: {  	s9 =	simm.s32 @p0 $0x1D780;
	[sflag:s0] =	ssyncadd.s32 @p0 $0xFFFFFF60;
	s0 =	simm.s32 @p0 $0x50  }
0xca: {  	[tilespmem:s9], [sflag:$0x1] =	stream.indirect.gather @p0 [hbm4b:s5+s0], $0x40, s2, s0, $0xb8;
	[tilespmem:$0x1FF80] =	vst v63  }
0xcb: {  	s0 =	simm.s32 @p0 $0x4  }
0xcc: {  	_ =	swait.ge @p0 [sflag:s0], $0x1400  }
0xcd: {  	[sflag:s0] =	ssyncset.done @p0 $0x0  }
0xce: {  	[sflag:s0] =	ssyncadd.s32 @p0 $0xFFFFEC00;
	s0 =	sshrl.u32 @!p0 s30, $0x3  }
0xcf: {  	s2 =	simm.s32 @!p0 $0x0;
	s9 =	simm.s32 @!p0 $0x1D500;
	s0 =	sadd.s32 @!p0 s11, s0  }
0xd0: {  	[tilespmem:s9], [sflag:$0x5] =	stream.linear.gather @!p0 [hbm4b:s0+s2], $0xA0, $0x38;
	[tilespmem:$0x1FF80] =	vst v63  }
0xd1: {  	s0 =	simm.s32 @!p0 $0x7  }
0xd2: {  	_ =	swait.ge @!p0 [sflag:s0], $0xA0  }
0xd3: {  	s31 =	simm.s32 @!p0 $0x1D780;
	[sflag:s0] =	ssyncset.done @!p0 $0x0  }
0xd4: {  	s9 =	simm.s32 @!p0 $0x1D640;
	[sflag:s0] =	ssyncadd.s32 @!p0 $0xFFFFFF60;
	s0 =	simm.s32 @!p0 $0x50  }
0xd5: {  	[tilespmem:s31], [sflag:$0x1] =	stream.indirect.gather @!p0 [hbm4b:s5+s0], $0x40, s9, s0, $0xb8;
	[tilespmem:$0x1FF80] =	vst v63  }
0xd6: {  	s0 =	simm.s32 @!p0 $0x4  }
0xd7: {  	_ =	swait.ge @!p0 [sflag:s0], $0x1400  }
0xd8: {  	[sflag:s0] =	ssyncset.done @!p0 $0x0  }
0xd9: {  	s9 =	simm.s32 @!p0 $0x1D5A0;
	[sflag:s0] =	ssyncadd.s32 @!p0 $0xFFFFEC00;
	s0 =	sadd.s32 @!p0 s8, s13  }
0xda: {  	[tilespmem:s9], [sflag:$0x6] =	stream.linear.gather @!p0 [hbm4b:s0+s2], $0xA0, $0x38;
	[tilespmem:$0x1FF80] =	vst v63  }
0xdb: {  	_ =	swait.ge [sflag:s10], $0xA0  }
0xdc: {  	[sflag:s10] =	ssyncset.done $0x0  }
0xdd: {  	[sflag:s10] =	ssyncadd.s32 $0xFFFFFF60  }
0xde: {  	[tilespmem:s24], [sflag:$0x2] =	stream.indirect.gather [hbm4b:s5+s22], $0x40, s19, s22, $0xb8;
	[tilespmem:$0x1FF80] =	vst v63  }
0xdf: {  	_ =	swait.ge [sflag:s25], $0x1400  }
0xe0: {  	[sflag:s25] =	ssyncset.done $0x0  }
0xe1: {  	[sflag:s25] =	ssyncadd.s32 $0xFFFFEC00  }
0xe2: {  	[spmem:s3] =	stream.indirect.scatter.add.f32 [tilespmem:s23], [sflag:$0x3], $0x40, s15, s22, $0xb8;
	[tilespmem:$0x1FF80] =	vst v63  }
0xe3: {  	_ =	swait.ge [sflag:s28], $0x1400  }
0xe4: {  	[sflag:s28] =	ssyncset.done $0x0  }
.Ltmp4:
0xe5: {  	[sflag:s28] =	ssyncadd.s32 $0xFFFFEC00;
	(pc) =	sbr.rel @p0 .LBB2_7-.Ltmp4, $4  }
0xe6: {  	[spmem:s3] =	stream.indirect.scatter.add.f32 [tilespmem:s24], [sflag:$0x4], $0x40, s1, s22, $0xb8;
	[tilespmem:$0x1FF80] =	vst v63  }
0xe7: {  	_ =	swait.ge [sflag:s29], $0x1400  }
0xe8: {  	[sflag:s29] =	ssyncset.done $0x0  }
0xe9: {  	[sflag:s29] =	ssyncadd.s32 $0xFFFFEC00  }
0xea: {  	s0 =	rddreg [dreg:$0x1d]  }
0xeb: {  	s0 =	sadd.s32 s8, s0  }
0xec: {  	[tilespmem:s18], [sflag:$0x7] =	stream.linear.gather [hbm4b:s0+s4], $0xA0, $0x38;
	[tilespmem:$0x1FF80] =	vst v63  }
0xed: {  	_ =	swait.ge [sflag:s20], $0xA0  }
0xee: {  	[sflag:s20] =	ssyncset.done $0x0  }
0xef: {  	[sflag:s20] =	ssyncadd.s32 $0xFFFFFF60  }
0xf0: {  	[tilespmem:s23], [sflag:$0x1] =	stream.indirect.gather [hbm4b:s5+s22], $0x40, s16, s22, $0xb8;
	[tilespmem:$0x1FF80] =	vst v63  }
0xf1: {  	_ =	swait.ge [sflag:s7], $0x1400  }
0xf2: {  	[sflag:s7] =	ssyncset.done $0x0;
	s31 =	rddreg [dreg:$0x1a]  }
0xf3: {  	[sflag:s7] =	ssyncadd.s32 $0xFFFFEC00;
	s0 =	sadd.s32 s8, s31  }
0xf4: {  	[tilespmem:s19], [sflag:$0x8] =	stream.linear.gather [hbm4b:s0+s4], $0xA0, $0x38;
	[tilespmem:$0x1FF80] =	vst v63  }
.Ltmp5:
0xf5: {  	_ = 	snop;
	(pc) =	sbr.rel .LBB2_5-.Ltmp5, $4  }
0xf6: {  	_ =	swait.ge [sflag:s21], $0xA0  }
0xf7: {  	[sflag:s21] =	ssyncset.done $0x0  }
0xf8: {  	s30 =	sadd.s32 $0x280, s30;
	s8 =	sadd.s32 $0x50, s8;
	[sflag:s21] =	ssyncadd.s32 $0xFFFFFF60  }
0xf9: {  	[tilespmem:s24], [sflag:$0x2] =	stream.indirect.gather [hbm4b:s5+s22], $0x40, s17, s22, $0xb8;
	[tilespmem:$0x1FF80] =	vst v63  }
.LBB2_7:
0xfa: {  	_ =	swait.ge [sflag:s7], $0x1400  }
0xfb: {  	[sflag:s7] =	ssyncset.done $0x0  }
0xfc: {  	[sflag:s7] =	ssyncadd.s32 $0xFFFFEC00  }
0xfd: {  	[bflag:$0x0] =	sbarrier.arrive $0xFFFF  }
0xfe: {  	s8 =	sld [smem:$0x7FB]  }
0xff: {  	s2 =	rddreg [dreg:$0x6]  }
0x100: {  	s0 =	rddreg [dreg:$0xe]  }
0x101: {  	[hbm:s0], [sflag:s2] =	dma.local [spmem:s8], $0x2740  }
0x102: {  	s8 =	simm.s32 $0x9  }
0x103: {  	_ =	swait.ge [sflag:s8], $0x2740  }
0x104: {  	[sflag:s8] =	ssyncset.done $0x0  }
0x105: {  	[sflag:s8] =	ssyncadd.s32 $0xFFFFD8C0  }
0x106: {  	[bflag:$0x0] =	sbarrier.arrive $0xFFFF  }
0x107: {  	s9 =	sld [smem:$0x7FD];
	_ =	sdelay $0x1  }
0x108: {  	s31 =	rddreg [dreg:$0x4]  }
0x109: {  	[spmem:s9], [sflag:s2] =	dma.local [hbm:s31], $0x3AC0  }
0x10a: {  	_ =	swait.ge [sflag:s8], $0x3AC0  }
0x10b: {  	[sflag:s8] =	ssyncset.done $0x0  }
0x10c: {  	s31 =	rddreg [dreg:$0xf];
	[sflag:s8] =	ssyncadd.s32 $0xFFFFC540;
	s8 =	simm.s32 $0x0  }
0x10d: {  	[tilespmem:s16], [sflag:$0x5] =	stream.linear.gather [hbm4b:s31+s8], $0xA0, $0x38;
	[tilespmem:$0x1FF80] =	vst v63  }
0x10e: {  	s2 =	rddreg [dreg:$0x10]  }
0x10f: {  	[tilespmem:s17], [sflag:$0x6] =	stream.linear.gather [hbm4b:s2+s8], $0xA0, $0x38;
	[tilespmem:$0x1FF80] =	vst v63  }
0x110: {  	s9 =	rddreg [dreg:$0x12]  }
0x111: {  	[tilespmem:s18], [sflag:$0x7] =	stream.linear.gather [hbm4b:s9+s8], $0xA0, $0x38;
	[tilespmem:$0x1FF80] =	vst v63  }
0x112: {  	s31 =	rddreg [dreg:$0x15]  }
0x113: {  	[tilespmem:s19], [sflag:$0x8] =	stream.linear.gather [hbm4b:s31+s8], $0xA0, $0x38;
	[tilespmem:$0x1FF80] =	vst v63  }
0x114: {  	_ =	swait.ge [sflag:s20], $0xA0  }
0x115: {  	[sflag:s20] =	ssyncset.done $0x0  }
0x116: {  	[sflag:s20] =	ssyncadd.s32 $0xFFFFFF60  }
0x117: {  	_ =	swait.ge [sflag:s21], $0xA0  }
0x118: {  	[sflag:s21] =	ssyncset.done $0x0  }
0x119: {  	[sflag:s21] =	ssyncadd.s32 $0xFFFFFF60  }
0x11a: {  	[bflag:$0x0] =	sbarrier.arrive $0xFFFF  }
0x11b: {  	[tilespmem:s23], [sflag:$0x1] =	stream.indirect.gather [hbm4b:s5+s22], $0x40, s16, s22, $0xb8;
	[tilespmem:$0x1FF80] =	vst v63  }
0x11c: {  	s30 =	rddreg [dreg:$0x18]  }
0x11d: {  	[tilespmem:s24], [sflag:$0x2] =	stream.indirect.gather [hbm4b:s5+s22], $0x40, s17, s22, $0xb8;
	[tilespmem:$0x1FF80] =	vst v63  }
.LBB2_8:
0x11e: {  	_ =	swait.ge [sflag:s25], $0x1400  }
0x11f: {  	[sflag:s25] =	ssyncset.done $0x0  }
0x120: {  	[sflag:s25] =	ssyncadd.s32 $0xFFFFEC00  }
0x121: {  	[spmem:s3] =	stream.indirect.scatter.add.f32 [tilespmem:s23], [sflag:$0x3], $0x40, s26, s22, $0xb8;
	[tilespmem:$0x1FF80] =	vst v63  }
0x122: {  	_ =	swait.ge [sflag:s28], $0x1400  }
0x123: {  	[sflag:s28] =	ssyncset.done $0x0  }
0x124: {  	[sflag:s28] =	ssyncadd.s32 $0xFFFFEC00  }
0x125: {  	[spmem:s3] =	stream.indirect.scatter.add.f32 [tilespmem:s24], [sflag:$0x4], $0x40, s6, s22, $0xb8;
	[tilespmem:$0x1FF80] =	vst v63  }
0x126: {  	_ =	swait.ge [sflag:s29], $0x1400  }
0x127: {  	p0 =	seq.s32 s8, $0x5F0;
	[sflag:s29] =	ssyncset.done $0x0  }
0x128: {  	s0 =	simm.s32 @p0 $0x7;
	[sflag:s29] =	ssyncadd.s32 $0xFFFFEC00  }
0x129: {  	_ =	swait.ge @p0 [sflag:s0], $0xA0  }
0x12a: {  	s2 =	simm.s32 @p0 $0x1D640;
	[sflag:s0] =	ssyncset.done @p0 $0x0  }
0x12b: {  	s9 =	simm.s32 @p0 $0x1D780;
	[sflag:s0] =	ssyncadd.s32 @p0 $0xFFFFFF60;
	s0 =	simm.s32 @p0 $0x50  }
0x12c: {  	[tilespmem:s9], [sflag:$0x1] =	stream.indirect.gather @p0 [hbm4b:s5+s0], $0x40, s2, s0, $0xb8;
	[tilespmem:$0x1FF80] =	vst v63  }
0x12d: {  	s0 =	simm.s32 @p0 $0x4  }
0x12e: {  	_ =	swait.ge @p0 [sflag:s0], $0x1400  }
0x12f: {  	[sflag:s0] =	ssyncset.done @p0 $0x0  }
0x130: {  	[sflag:s0] =	ssyncadd.s32 @p0 $0xFFFFEC00;
	s0 =	sshrl.u32 @!p0 s30, $0x3  }
0x131: {  	s2 =	simm.s32 @!p0 $0x0;
	s9 =	simm.s32 @!p0 $0x1D500;
	s0 =	sadd.s32 @!p0 s12, s0  }
0x132: {  	[tilespmem:s9], [sflag:$0x5] =	stream.linear.gather @!p0 [hbm4b:s0+s2], $0xA0, $0x38;
	[tilespmem:$0x1FF80] =	vst v63  }
0x133: {  	s0 =	simm.s32 @!p0 $0x7  }
0x134: {  	_ =	swait.ge @!p0 [sflag:s0], $0xA0  }
0x135: {  	s31 =	simm.s32 @!p0 $0x1D780;
	[sflag:s0] =	ssyncset.done @!p0 $0x0  }
0x136: {  	s9 =	simm.s32 @!p0 $0x1D640;
	[sflag:s0] =	ssyncadd.s32 @!p0 $0xFFFFFF60;
	s0 =	simm.s32 @!p0 $0x50  }
0x137: {  	[tilespmem:s31], [sflag:$0x1] =	stream.indirect.gather @!p0 [hbm4b:s5+s0], $0x40, s9, s0, $0xb8;
	[tilespmem:$0x1FF80] =	vst v63  }
0x138: {  	s0 =	simm.s32 @!p0 $0x4  }
0x139: {  	_ =	swait.ge @!p0 [sflag:s0], $0x1400  }
0x13a: {  	[sflag:s0] =	ssyncset.done @!p0 $0x0  }
0x13b: {  	s9 =	simm.s32 @!p0 $0x1D5A0;
	[sflag:s0] =	ssyncadd.s32 @!p0 $0xFFFFEC00;
	s0 =	sadd.s32 @!p0 s8, s14  }
0x13c: {  	[tilespmem:s9], [sflag:$0x6] =	stream.linear.gather @!p0 [hbm4b:s0+s2], $0xA0, $0x38;
	[tilespmem:$0x1FF80] =	vst v63  }
0x13d: {  	_ =	swait.ge [sflag:s10], $0xA0  }
0x13e: {  	[sflag:s10] =	ssyncset.done $0x0  }
0x13f: {  	[sflag:s10] =	ssyncadd.s32 $0xFFFFFF60  }
0x140: {  	[tilespmem:s24], [sflag:$0x2] =	stream.indirect.gather [hbm4b:s5+s22], $0x40, s19, s22, $0xb8;
	[tilespmem:$0x1FF80] =	vst v63  }
0x141: {  	_ =	swait.ge [sflag:s25], $0x1400  }
0x142: {  	[sflag:s25] =	ssyncset.done $0x0  }
0x143: {  	[sflag:s25] =	ssyncadd.s32 $0xFFFFEC00  }
0x144: {  	[spmem:s3] =	stream.indirect.scatter.add.f32 [tilespmem:s23], [sflag:$0x3], $0x40, s15, s22, $0xb8;
	[tilespmem:$0x1FF80] =	vst v63  }
0x145: {  	_ =	swait.ge [sflag:s28], $0x1400  }
0x146: {  	[sflag:s28] =	ssyncset.done $0x0  }
.Ltmp6:
0x147: {  	[sflag:s28] =	ssyncadd.s32 $0xFFFFEC00;
	(pc) =	sbr.rel @p0 .LBB2_10-.Ltmp6, $4  }
0x148: {  	[spmem:s3] =	stream.indirect.scatter.add.f32 [tilespmem:s24], [sflag:$0x4], $0x40, s1, s22, $0xb8;
	[tilespmem:$0x1FF80] =	vst v63  }
0x149: {  	_ =	swait.ge [sflag:s29], $0x1400  }
0x14a: {  	[sflag:s29] =	ssyncset.done $0x0  }
0x14b: {  	[sflag:s29] =	ssyncadd.s32 $0xFFFFEC00  }
0x14c: {  	s0 =	rddreg [dreg:$0x1e]  }
0x14d: {  	s0 =	sadd.s32 s8, s0  }
0x14e: {  	[tilespmem:s18], [sflag:$0x7] =	stream.linear.gather [hbm4b:s0+s4], $0xA0, $0x38;
	[tilespmem:$0x1FF80] =	vst v63  }
0x14f: {  	_ =	swait.ge [sflag:s20], $0xA0  }
0x150: {  	[sflag:s20] =	ssyncset.done $0x0  }
0x151: {  	[sflag:s20] =	ssyncadd.s32 $0xFFFFFF60  }
0x152: {  	[tilespmem:s23], [sflag:$0x1] =	stream.indirect.gather [hbm4b:s5+s22], $0x40, s16, s22, $0xb8;
	[tilespmem:$0x1FF80] =	vst v63  }
0x153: {  	_ =	swait.ge [sflag:s7], $0x1400  }
0x154: {  	[sflag:s7] =	ssyncset.done $0x0;
	s31 =	rddreg [dreg:$0x1b]  }
0x155: {  	[sflag:s7] =	ssyncadd.s32 $0xFFFFEC00;
	s0 =	sadd.s32 s8, s31  }
0x156: {  	[tilespmem:s19], [sflag:$0x8] =	stream.linear.gather [hbm4b:s0+s4], $0xA0, $0x38;
	[tilespmem:$0x1FF80] =	vst v63  }
.Ltmp7:
0x157: {  	_ = 	snop;
	(pc) =	sbr.rel .LBB2_8-.Ltmp7, $4  }
0x158: {  	_ =	swait.ge [sflag:s21], $0xA0  }
0x159: {  	[sflag:s21] =	ssyncset.done $0x0  }
0x15a: {  	s30 =	sadd.s32 $0x280, s30;
	s8 =	sadd.s32 $0x50, s8;
	[sflag:s21] =	ssyncadd.s32 $0xFFFFFF60  }
0x15b: {  	[tilespmem:s24], [sflag:$0x2] =	stream.indirect.gather [hbm4b:s5+s22], $0x40, s17, s22, $0xb8;
	[tilespmem:$0x1FF80] =	vst v63  }
.LBB2_11:
0x15c: {  	_ =	sfence.sel $0x180000  }
0x15d: {  	[bflag:$0x0] =	sbarrier.arrive $0xFFFF  }
0x15e: {  	_ =	strace $0x9000004A  }
0x15f: {  	s0 =	stileid.u32;
	[bflag:$0x2] =	sbarrier.arrive $0xFFFF  }
0x160: {  	p0 =	sne.s32 s0, $0x0;
	s0 =	rddreg [dreg:$0x3]  }
0x161: {  	s0 =	sadd.s32 @!p0 $0x100000, s0  }
0x162: {  	[sflag:s0] =	ssyncadd.tile.s32 @!p0 $0x1;
	_ =	shalt  }
.Lfunc_end2:
_tile_overlayer_lowered:
.L_overlay_start_2:
0x163: {  	(tag) =	ssettag $0x2  }
0x164: {  	s0 =	rddreg [dreg:$0x0];
	s2 =	stileid.u32  }
0x165: {  	s1 =	rddreg [dreg:$0x1];
	p0 =	sne.s32 s2, $0x0  }
0x166: {  	s3 =	rddreg [dreg:$0x2];
	[bflag:$0x3] =	sbarrier.arrive $0xFFFF;
	s2 =	simm.s32 @!p0 $0x1C09  }
0x167: {  	[timem:s3], [sflag:s2] =	dma.local @!p0 [hbm:s0], s1  }
0x168: {  	s0 =	simm.s32 @!p0 $0x9  }
0x169: {  	_ =	swait.ge @!p0 [sflag:s0], s1  }
0x16a: {  	s1 =	ssub.s32 @!p0 $0x0, s1;
	[sflag:s0] =	ssyncset.done @!p0 $0x0  }
0x16b: {  	[sflag:s0] =	ssyncadd.s32 @!p0 s1  }
0x16c: {  	[bflag:$0x3] =	sbarrier.arrive $0xFFFF  }
0x16d: {  	_ =	shalt  }

// kernel: kernel.14.cloned.1.call-start
scs
__scs_entry_jumppad:
0x0: {  	(pc) =	sbr.rel $0x88, $3  }
0x1: {  	(tag) =	ssettag $0x0;
	lr =	simm.s32 $0x1  }
0x2: {  	[smem:$0x3F8A] =	sst lr;
	_ =	strace $0xD0000000  }
0x3: {  	_ = 	snop  }
0x4: {  	_ = 	snop  }
0x5: {  	_ = 	snop  }
0x6: {  	_ = 	snop  }
0x7: {  	_ = 	snop  }
__scs_overlays_trampoline_lowered:
0x8: {  	[smem:$0x3F99] =	sst s0  }
0x9: {  	[smem:$0x3F9A] =	sst s1  }
0xa: {  	[smem:$0x3F9B] =	sst s2  }
0xb: {  	[smem:$0x3F9C] =	sst s3  }
0xc: {  	[smem:$0x3F9D] =	sst s4  }
0xd: {  	[smem:$0x3F9E] =	sst s5  }
0xe: {  	[smem:$0x3F9F] =	sst s6  }
0xf: {  	[smem:$0x3FA0] =	sst s7  }
0x10: {  	[smem:$0x3FA1] =	sst s8  }
0x11: {  	[smem:$0x3FA2] =	sst s9;
	s0 =	simm.s32 @!p0 $0x0  }
0x12: {  	s1 =	sld [smem:$0x3F88];
	s0 =	simm.s32 @p0 $0x1  }
0x13: {  	[smem:$0x3FA3] =	sst s0;
	s0 =	simm.s32 @!p1 $0x0  }
0x14: {  	s2 =	sld [smem:$0x3F87];
	s0 =	simm.s32 @p1 $0x1  }
0x15: {  	[smem:$0x3FA4] =	sst s0;
	s0 =	simm.s32 @!p2 $0x0  }
0x16: {  	s3 =	sld [smem:$0x3FDB];
	s0 =	simm.s32 @p2 $0x1  }
0x17: {  	s4 =	simm.s32 $0x1BF5;
	[smem:$0x3FA6] =	sst s0  }
0x18: {  	s0 =	sld [smem:$0x3F89];
	_ =	swait.ge [sflag:s4], $0x0  }
0x19: {  	s7 =	sld [smem:$0x3F8A]  }
0x1a: {  	s8 =	sadd.s32 $0xFFFFE003, lr  }
0x1b: {  	s9 =	sadd.s32 $0xFFFFFEF7, lr;
	s5 =	simm.s32 $0xFFFFFFFF;
	p2 =	slt.u32 s8, $0xFFFFF086  }
0x1c: {  	p1 =	slt.u32 s9, $0xF7A;
	s5 =	simm.s32 @!p2 $0x0  }
0x1d: {  	s5 =	simm.s32 @p1 $0x1;
	p0 =	seq.s32 s7, s2  }
0x1e: {  	s7 =	smul.u32 @!p0 $0xF7A, s2;
	p2 =	seq.s32 @!p0 s5, $0x0  }
0x1f: {  	s9 =	smul.u32 $0xF7A, s1;
	s8 =	simm.s32 @!p0 $0x1BF5;
	p2 =	por !p2, p0  }
0x20: {  	[sflag:s8] =	ssyncset.s32 @!p0 $0xFFFFF086;
	s6 =	sadd.s32 @!p0 s3, s7;
	s7 =	simm.s32 @!p0 $0x108  }
0x21: {  	s3 =	sadd.s32 s3, s9;
	s6 =	sadd.s32 @!p0 $0x88, s6;
	s7 =	simm.s32 @p2 $0x1082  }
0x22: {  	[simem:s7], [sflag:s8] =	dma.local @!p0 [hbm:s6], $0xF7A  }
0x23: {  	s9 =	sor.u32 $0xD0000000, s2;
	s6 =	simm.s32 $0x108;
	_ =	swait.ge @!p0 [sflag:s8], $0x0  }
0x24: {  	s3 =	sadd.s32 $0x88, s3;
	s6 =	simm.s32 @!p1 $0x1082;
	[sflag:s4] =	ssyncset.s32 $0xFFFFF086  }
0x25: {  	[simem:s6], [sflag:s4] =	dma.local [hbm:s3], $0xF7A  }
0x26: {  	[smem:$0x3F8A] =	sst s1;
	(tag) =	ssettag s2;
	_ =	strace s9  }
0x27: {  	s1 =	sld [smem:$0x3F9A]  }
0x28: {  	s2 =	sld [smem:$0x3F9B]  }
0x29: {  	s4 =	sld [smem:$0x3F9D]  }
0x2a: {  	p0 =	seq.s32 s5, $0x0;
	s5 =	sld [smem:$0x3F9E]  }
0x2b: {  	s6 =	sld [smem:$0x3F9F]  }
0x2c: {  	s7 =	sld [smem:$0x3FA0]  }
0x2d: {  	s3 =	simm.s32 $0x108;
	s8 =	sld [smem:$0x3FA1]  }
0x2e: {  	s3 =	simm.s32 @!p0 $0x1082;
	s9 =	sld [smem:$0x3FA2]  }
0x2f: {  	lr =	sadd.s32 s0, s3;
	s0 =	sld [smem:$0x3F99]  }
0x30: {  	s3 =	sld [smem:$0x3F9C]  }
0x31: {  	[smem:$0x3FA5] =	sst s10  }
0x32: {  	s10 =	sld [smem:$0x3FA3];
	_ =	sdelay $0x3  }
0x33: {  	p0 =	seq.s32 s10, $0x1;
	s10 =	sld [smem:$0x3FA5];
	_ =	sdelay $0x3  }
0x34: {  	[smem:$0x3FA5] =	sst s10  }
0x35: {  	s10 =	sld [smem:$0x3FA4];
	_ =	sdelay $0x3  }
0x36: {  	p1 =	seq.s32 s10, $0x1;
	s10 =	sld [smem:$0x3FA5];
	_ =	sdelay $0x3  }
0x37: {  	[smem:$0x3FA5] =	sst s10  }
0x38: {  	s10 =	sld [smem:$0x3FA6]  }
0x39: {  	_ = 	snop;
	(pc) =	sbr.ind lr, $3  }
0x3a: {  	_ = 	snop  }
0x3b: {  	_ = 	snop  }
0x3c: {  	p2 =	seq.s32 s10, $0x1;
	s10 =	sld [smem:$0x3FA5]  }
0x3d: {  	_ =	shalt  }
0x3e: {  	_ =	shalt  }
0x3f: {  	_ =	shalt  }
0x40: {  	_ =	shalt  }
0x41: {  	_ =	shalt  }
0x42: {  	_ =	shalt  }
0x43: {  	_ =	shalt  }
0x44: {  	_ =	shalt  }
0x45: {  	_ =	shalt  }
0x46: {  	_ =	shalt  }
0x47: {  	_ =	shalt  }
0x48: {  	_ =	shalt  }
0x49: {  	_ =	shalt  }
0x4a: {  	_ =	shalt  }
0x4b: {  	_ =	shalt  }
0x4c: {  	_ =	shalt  }
0x4d: {  	_ =	shalt  }
0x4e: {  	_ =	shalt  }
0x4f: {  	_ =	shalt  }
0x50: {  	_ =	shalt  }
0x51: {  	_ =	shalt  }
0x52: {  	_ =	shalt  }
0x53: {  	_ =	shalt  }
0x54: {  	_ =	shalt  }
0x55: {  	_ =	shalt  }
0x56: {  	_ =	shalt  }
0x57: {  	_ =	shalt  }
0x58: {  	_ =	shalt  }
0x59: {  	_ =	shalt  }
0x5a: {  	_ =	shalt  }
0x5b: {  	_ =	shalt  }
0x5c: {  	_ =	shalt  }
0x5d: {  	_ =	shalt  }
0x5e: {  	_ =	shalt  }
0x5f: {  	_ =	shalt  }
0x60: {  	_ =	shalt  }
0x61: {  	_ =	shalt  }
0x62: {  	_ =	shalt  }
0x63: {  	_ =	shalt  }
0x64: {  	_ =	shalt  }
0x65: {  	_ =	shalt  }
0x66: {  	_ =	shalt  }
0x67: {  	_ =	shalt  }
0x68: {  	_ =	shalt  }
0x69: {  	_ =	shalt  }
0x6a: {  	_ =	shalt  }
0x6b: {  	_ =	shalt  }
0x6c: {  	_ =	shalt  }
0x6d: {  	_ =	shalt  }
0x6e: {  	_ =	shalt  }
0x6f: {  	_ =	shalt  }
0x70: {  	_ =	shalt  }
0x71: {  	_ =	shalt  }
0x72: {  	_ =	shalt  }
0x73: {  	_ =	shalt  }
0x74: {  	_ =	shalt  }
0x75: {  	_ =	shalt  }
0x76: {  	_ =	shalt  }
0x77: {  	_ =	shalt  }
0x78: {  	_ =	shalt  }
0x79: {  	_ =	shalt  }
0x7a: {  	_ =	shalt  }
0x7b: {  	_ =	shalt  }
0x7c: {  	_ =	shalt  }
0x7d: {  	_ =	shalt  }
0x7e: {  	_ =	shalt  }
0x7f: {  	_ =	shalt  }
0x80: {  	_ =	shalt  }
0x81: {  	_ =	shalt  }
0x82: {  	_ =	shalt  }
0x83: {  	_ =	shalt  }
0x84: {  	_ =	shalt  }
0x85: {  	_ =	shalt  }
0x86: {  	_ =	shalt  }
0x87: {  	_ =	shalt  }
.Lfunc_end0:
.L_simem_size_0:
called_computation.2_lowered:
.L_overlay_start_0:
0x88: {  	s2 =	sld [smem:$0x3FD9]  }
0x89: {  	s3 =	sld [smem:$0x3FFE];
	_ =	sdelay $0x1  }
0x8a: {  	s1 =	srdreg.scid  }
0x8b: {  	s0 =	sand.u32 $0x1, s1  }
0x8c: {  	s14 =	sshll.u32 s0, $0xA;
	s2 =	sadd.s32 s3, s2  }
0x8d: {  	s2 =	sadd.s32 s2, s14  }
0x8e: {  	[smem:$0x3FB1] =	sst s2  }
0x8f: {  	_ = 	snop  }
0x90: {  	s2 =	sld [smem:$0x3FD0];
	_ =	sdelay $0x2  }
0x91: {  	s15 =	simm.s32 $0xB;
	s4 =	simm.s32 $0x10  }
0x92: {  	[smem:s4], [sflag:s15] =	dma.local [hbm:s2], $0x1  }
0x93: {  	_ =	swait.eq [sflag:s15], $0x1  }
0x94: {  	[sflag:s15] =	ssyncset.done $0x0  }
0x95: {  	[sflag:s15] =	ssyncadd.s32 $0xFFFFFFFF  }
0x96: {  	s16 =	sld [smem:$0x11];
	(tm) =	ssettm $0x1  }
0x97: {  	s17 =	sld [smem:$0x3FFB];
	_ =	sdelay $0x3  }
0x98: {  	_ =	strace s17  }
0x99: {  	s3 =	sld [smem:$0x3FFC];
	_ =	sdelay $0x3  }
0x9a: {  	_ =	strace s3  }
0x9b: {  	s3 =	sld [smem:$0x3FFD];
	_ =	sdelay $0x3  }
0x9c: {  	_ =	strace s3  }
0x9d: {  	_ =	strace $0x8FFFFFFF  }
0x9e: {  	s18 =	sld [smem:$0x3FDB];
	_ =	sdelay $0x1  }
0x9f: {  	s19 =	simm.s32 $_scs_section_size  }
0xa0: {  	s5 =	simm.s32 $_size__tile_overlayer_lowered;
	s6 =	simm.s32 $_tile_overlayer_lowered  }
0xa1: {  	s22 =	simm.s32 $0x1BFF;
	s21 =	sshll.u32 s6, $0x1;
	s3 =	sadd.s32 s19, s18  }
0xa2: {  	s7 =	simm.s32 $0x0;
	s20 =	sshll.u32 s5, $0x1;
	s5 =	sadd.s32 s21, s3  }
0xa3: {  	[timem:s7], [sflag:s22] =	dma.local [hbm:s5], s20  }
0xa4: {  	_ =	swait.ge [sflag:s22], s20  }
0xa5: {  	s4 =	ssub.s32 $0x0, s20;
	[sflag:s22] =	ssyncset.done $0x0  }
0xa6: {  	[sflag:s22] =	ssyncadd.s32 s4;
	_ =	sdelay $0x1  }
0xa7: {  	s23 =	simm.s32 $0x1B8B  }
0xa8: {  	_ =	swait.ge [sflag:s23], $0x1  }
0xa9: {  	[sflag:s23] =	ssyncset.done $0x0  }
0xaa: {  	s25 =	simm.s32 $0x1B8E;
	s24 =	sld [smem:$0x3FFE];
	[sflag:s23] =	ssyncadd.s32 $0xFFFFFFFF  }
0xab: {  	s26 =	simm.s32 $execute0_lowered;
	[smem:$0x3FD2] =	sst s25  }
0xac: {  	s5 =	sshll.u32 s26, $0x1;
	_ =	strace $0x8000004C;
	[dreg:$0x1] =	wrdreg $0xFFFFFFFF  }
0xad: {  	s28 =	simm.s32 $_size_execute0_lowered;
	s3 =	sadd.s32 s3, s5;
	[dreg:$0x0] =	wrdreg $0x0  }
0xae: {  	s5 =	sshll.u32 s28, $0x1;
	[dreg:$0x2] =	wrdreg s3  }
0xaf: {  	[dreg:$0x3] =	wrdreg s5  }
0xb0: {  	[dreg:$0x4] =	wrdreg $0xC0  }
0xb1: {  	_ =	task [dreg:s7], $0x5FFFF  }
0xb2: {  	[dreg:$0x1] =	wrdreg $0xFFFFFFFF  }
0xb3: {  	[dreg:$0x0] =	wrdreg $0x60  }
0xb4: {  	[dreg:$0x2] =	wrdreg s24  }
0xb5: {  	[dreg:$0x3] =	wrdreg s16  }
0xb6: {  	[dreg:$0x4] =	wrdreg $0x0  }
0xb7: {  	[dreg:$0x5] =	wrdreg $0x9  }
0xb8: {  	_ =	task.clear_ibuf [dreg:s7], $0x6FFFF;
	_ =	strace $0x9000004C  }
0xb9: {  	s29 =	simm.s32 $0x9;
	_ =	strace $0x8000004E  }
0xba: {  	_ =	swait.ge [sflag:s29], $0x1  }
0xbb: {  	[sflag:s29] =	ssyncadd.s32 $0xFFFFFFFF  }
0xbc: {  	_ =	strace $0x9000004E  }
0xbd: {  	_ =	sfence  }
0xbe: {  	s30 =	sld [smem:$0x0];
	_ =	sdelay $0x2  }
0xbf: {  	s31 =	sshll.u32 s1, $0xD;
	s1 =	sshrl.u32 s1, $0x2  }
0xc0: {  	s3 =	sand.u32 $0x4000, s31;
	s1 =	sadd.s32 s1, s30  }
0xc1: {  	s0 =	sor.u32 s3, s0;
	s1 =	sshll.u32 s1, $0x11  }
0xc2: {  	s0 =	sor.u32 s1, s0  }
0xc3: {  	s0 =	sadd.s32 $0x8F2B, s0  }
0xc4: {  	[sflag:s0] =	ssyncadd.remote.s32 $0x1  }
0xc5: {  	_ =	sfence.sel $0xFFFF  }
0xc6: {  	[dreg:$0x0] =	wrdreg $0xFFFFFFFF;
	(pc) =	sbr.abs _section_cstart, $3  }
0xc7: {  	[dreg:$0x1] =	wrdreg $0xFFFFFFFF  }
0xc8: {  	_ =	task.clear_ibuf [dreg:s7], $0x2FFFF;
	_ =	strace $0x9FFFFFFF  }
0xc9: {  	(tm) =	ssettm $0x7FFFFFFF  }
tec
execute0_lowered:
.L_overlay_start_1:
0x0: {  	(tag) =	ssettag $0x1  }
0x1: {  	s0 =	rddreg [dreg:$0x0]  }
0x2: {  	s14 =	rddreg [dreg:$0x1]  }
0x3: {  	s3 =	rddreg [dreg:$0x2];
	s4 =	simm.s32 $0x0  }
0x4: {  	s15 =	stileid.u32;
	s1 =	srdreg.scid;
	s28 =	simm.s32 $0x2  }
0x5: {  	s29 =	simm.s32 $0x3;
	[smem:$0x7FF] =	sst s4;
	s2 =	smul.u32 $0x758, s15  }
0x6: {  	s5 =	sadd.s32 $0x1CA00, s0;
	s6 =	sadd.s32 $0x173C00, s0;
	s1 =	sand.u32 $0x1, s1  }
0x7: {  	s16 =	sadd.s32 $0x10200, s0;
	s17 =	sadd.s32 $0x3A00, s0;
	s12 =	smul.u32 $0x4E8, s15  }
0x8: {  	s11 =	sadd.s32 $0x60B800, s0;
	s19 =	sshll.u32 s15, $0x6;
	s25 =	smul.u32 $0x3200, s15  }
0x9: {  	_ =	strace $0x8000004D;
	[dreg:$0x4] =	wrdreg s6;
	s18 =	smul.u32 $0x30D400, s1  }
0xa: {  	s7 =	sshll.u32 s1, $0x4;
	s9 =	ssub.s32 $0x2, s1;
	s30 =	sor.u32 $0x1C09, s19  }
0xb: {  	s1 =	smul.u32 $0x32000, s1;
	s2 =	smin.u32 s2, $0x6DD8;
	s7 =	sor.u32 s15, s7  }
0xc: {  	s10 =	sshrl.u32 s9, $0x1;
	s12 =	smin.u32 s12, $0x4938;
	[dreg:$0x6] =	wrdreg s30  }
0xd: {  	s2 =	sshll.u32 s2, $0x6;
	s7 =	smul.u32 $0x3200, s7;
	s9 =	ssub.s32 s9, s10  }
0xe: {  	s12 =	sshll.u32 s12, $0x6;
	s1 =	sadd.s32 s25, s1;
	s8 =	sadd.s32 s18, s2  }
0xf: {  	s2 =	sadd.s32 s2, s3;
	s6 =	sadd.s32 s12, s18;
	s12 =	sadd.s32 s12, s3  }
0x10: {  	s15 =	smax.u32 s9, $0x1;
	s18 =	sadd.s32 $0x460, s1;
	[dreg:$0x5] =	wrdreg s2  }
0x11: {  	s8 =	sshrl.u32 s8, $0x3;
	s7 =	sshrl.u32 s7, $0x3;
	[dreg:$0xb] =	wrdreg s12  }
0x12: {  	[dreg:$0x17] =	wrdreg s15;
	s0 =	sadd.s32 s8, s0;
	s20 =	sadd.s32 s14, s7  }
0x13: {  	s21 =	sor.u32 $0x14, s7;
	s8 =	sadd.s32 s11, s8;
	[dreg:$0x7] =	wrdreg s20  }
0x14: {  	s22 =	sor.u32 $0x28, s7;
	s26 =	sadd.s32 s16, s7;
	[dreg:$0xa] =	wrdreg s8  }
0x15: {  	s24 =	sor.u32 $0x3C, s7;
	s7 =	sadd.s32 s17, s7;
	[dreg:$0xc] =	wrdreg s26  }
0x16: {  	s19 =	sadd.s32 $0x3C0, s1;
	s13 =	sadd.s32 s14, s21;
	[dreg:$0xf] =	wrdreg s7  }
0x17: {  	s6 =	sshrl.u32 s6, $0x3;
	s23 =	sadd.s32 s14, s22;
	[dreg:$0x8] =	wrdreg s13  }
0x18: {  	s6 =	sadd.s32 s11, s6;
	s31 =	sadd.s32 s16, s21;
	[dreg:$0x9] =	wrdreg s23  }
0x19: {  	s15 =	simm.s32 $0x1D690;
	s6 =	sadd.s32 $0x3A980, s6;
	[dreg:$0xd] =	wrdreg s31  }
0x1a: {  	s2 =	sadd.s32 s17, s21;
	s8 =	sadd.s32 s16, s22;
	[dreg:$0xe] =	wrdreg s6  }
0x1b: {  	s10 =	sadd.s32 s17, s22;
	s11 =	sadd.s32 s14, s24;
	[dreg:$0x10] =	wrdreg s2  }
0x1c: {  	s12 =	sadd.s32 s16, s24;
	s0 =	sadd.s32 $0x7E600, s0;
	[dreg:$0x11] =	wrdreg s8  }
0x1d: {  	s20 =	sadd.s32 $0x320, s1;
	s21 =	sshrl.u32 s19, $0x3;
	[dreg:$0x12] =	wrdreg s10  }
0x1e: {  	s1 =	sadd.s32 $0x280, s1;
	s19 =	simm.s32 $0x1D6E0;
	[dreg:$0x13] =	wrdreg s11  }
0x1f: {  	s7 =	simm.s32 $0x4;
	[dreg:$0x14] =	wrdreg s12;
	s13 =	sadd.s32 s17, s24  }
0x20: {  	[dreg:$0x16] =	wrdreg s0;
	s0 =	sshrl.u32 s18, $0x3;
	s6 =	sshrl.u32 s20, $0x3  }
0x21: {  	[dreg:$0x18] =	wrdreg s1;
	s24 =	sadd.s32 s21, s14;
	s25 =	sadd.s32 s21, s16  }
0x22: {  	s26 =	sadd.s32 s21, s17;
	s11 =	smov.u32 s16;
	s12 =	smov.u32 s17  }
0x23: {  	s2 =	simm.s32 $0x9;
	s18 =	simm.s32 $0x1D640;
	s20 =	simm.s32 $0x5  }
0x24: {  	s21 =	simm.s32 $0x6;
	s10 =	simm.s32 $0x8;
	[dreg:$0x15] =	wrdreg s13  }
0x25: {  	s1 =	simm.s32 $0x1D730;
	s8 =	simm.s32 $0x0;
	[dreg:$0x1c] =	wrdreg s24  }
0x26: {  	s22 =	sadd.s32 s0, s14;
	s23 =	sadd.s32 s0, s16;
	[dreg:$0x1d] =	wrdreg s25  }
0x27: {  	s0 =	sadd.s32 s0, s17;
	[dreg:$0x1e] =	wrdreg s26;
	s31 =	sadd.s32 s6, s14  }
.Ltmp0:
0x28: {  	s13 =	sadd.s32 s6, s16;
	s14 =	sadd.s32 s6, s17;
	(pc) =	sbr.rel .LBB2_1-.Ltmp0, $4  }
0x29: {  	s16 =	simm.s32 $0x1D500;
	s17 =	simm.s32 $0x1D5A0;
	[dreg:$0x19] =	wrdreg s22  }
0x2a: {  	s24 =	simm.s32 $0x1EB80;
	s25 =	simm.s32 $0x1;
	[dreg:$0x1a] =	wrdreg s23  }
0x2b: {  	s26 =	simm.s32 $0x1D550;
	s6 =	simm.s32 $0x1D5F0;
	[dreg:$0x1b] =	wrdreg s0  }
0x2c: {  	[dreg:$0x1f] =	wrdreg s31;
	s22 =	simm.s32 $0x50;
	s23 =	simm.s32 $0x1D780  }
.LBB2_10:
0x2d: {  	_ =	swait.ge [sflag:s7], $0x1400  }
0x2e: {  	[sflag:s7] =	ssyncset.done $0x0  }
0x2f: {  	[sflag:s7] =	ssyncadd.s32 $0xFFFFEC00  }
0x30: {  	[bflag:$0x0] =	sbarrier.arrive $0xFFFF  }
0x31: {  	s2 =	sld [smem:$0x7FD]  }
0x32: {  	s30 =	rddreg [dreg:$0x6]  }
0x33: {  	s0 =	rddreg [dreg:$0x16]  }
0x34: {  	[hbm:s0], [sflag:s30] =	dma.local [spmem:s2], $0x3AC0  }
0x35: {  	s2 =	simm.s32 $0x9  }
0x36: {  	_ =	swait.ge [sflag:s2], $0x3AC0  }
0x37: {  	s8 =	sld [smem:$0x7FC];
	_ =	sdelay $0x2  }
0x38: {  	s31 =	rddreg [dreg:$0x17];
	s8 =	sadd.s32 $0x1, s8  }
0x39: {  	p0 =	sne.s32 s8, s31  }
.Ltmp1:
0x3a: {  	_ = 	snop;
	(pc) =	sbr.rel @!p0 .LBB2_11-.Ltmp1, $3  }
0x3b: {  	[sflag:s2] =	ssyncset.done $0x0  }
0x3c: {  	[sflag:s2] =	ssyncadd.s32 $0xFFFFC540  }
0x3d: {  	[bflag:$0x0] =	sbarrier.arrive $0xFFFF;
	_ =	sdelay $0x1  }
.LBB2_1:
0x3e: {  	[smem:$0x7FC] =	sst s8  }
0x3f: {  	s0 =	rddreg [dreg:$0x5]  }
0x40: {  	s31 =	rddreg [dreg:$0x4];
	s9 =	sshrl.u32 s0, $0x3  }
0x41: {  	[smem:$0x7FD] =	sst s9  }
0x42: {  	[spmem:s9], [sflag:s30] =	dma.local [hbm:s31], $0x3AC0  }
0x43: {  	_ =	swait.ge [sflag:s2], $0x3AC0  }
0x44: {  	[sflag:s2] =	ssyncset.done $0x0  }
0x45: {  	[sflag:s2] =	ssyncadd.s32 $0xFFFFC540;
	s2 =	rddreg [dreg:$0x7]  }
0x46: {  	[tilespmem:s16], [sflag:$0x5] =	stream.linear.gather [hbm4b:s2+s4], $0xA0, $0x38;
	[tilespmem:$0x1FF80] =	vst v63  }
0x47: {  	s8 =	rddreg [dreg:$0x8]  }
0x48: {  	[tilespmem:s17], [sflag:$0x6] =	stream.linear.gather [hbm4b:s8+s4], $0xA0, $0x38;
	[tilespmem:$0x1FF80] =	vst v63  }
0x49: {  	s9 =	rddreg [dreg:$0x9]  }
0x4a: {  	[tilespmem:s18], [sflag:$0x7] =	stream.linear.gather [hbm4b:s9+s4], $0xA0, $0x38;
	[tilespmem:$0x1FF80] =	vst v63  }
0x4b: {  	s31 =	rddreg [dreg:$0x13]  }
0x4c: {  	[tilespmem:s19], [sflag:$0x8] =	stream.linear.gather [hbm4b:s31+s4], $0xA0, $0x38;
	[tilespmem:$0x1FF80] =	vst v63  }
0x4d: {  	_ =	swait.ge [sflag:s20], $0xA0  }
0x4e: {  	[sflag:s20] =	ssyncset.done $0x0  }
0x4f: {  	[sflag:s20] =	ssyncadd.s32 $0xFFFFFF60  }
0x50: {  	_ =	swait.ge [sflag:s21], $0xA0  }
0x51: {  	[sflag:s21] =	ssyncset.done $0x0  }
0x52: {  	[sflag:s21] =	ssyncadd.s32 $0xFFFFFF60  }
0x53: {  	[bflag:$0x0] =	sbarrier.arrive $0xFFFF  }
0x54: {  	[tilespmem:s23], [sflag:$0x1] =	stream.indirect.gather [hbm4b:s5+s22], $0x40, s16, s22, $0xb8;
	[tilespmem:$0x1FF80] =	vst v63  }
0x55: {  	s30 =	simm.s32 $0x0;
	s8 =	rddreg [dreg:$0x18]  }
0x56: {  	[tilespmem:s24], [sflag:$0x2] =	stream.indirect.gather [hbm4b:s5+s22], $0x40, s17, s22, $0xb8;
	[tilespmem:$0x1FF80] =	vst v63  }
.LBB2_2:
0x57: {  	_ =	swait.ge [sflag:s25], $0x1400  }
0x58: {  	[sflag:s25] =	ssyncset.done $0x0  }
0x59: {  	[sflag:s25] =	ssyncadd.s32 $0xFFFFEC00  }
0x5a: {  	[spmem:s3] =	stream.indirect.scatter.add.f32 [tilespmem:s23], [sflag:$0x3], $0x40, s26, s22, $0xb8;
	[tilespmem:$0x1FF80] =	vst v63  }
0x5b: {  	_ =	swait.ge [sflag:s28], $0x1400  }
0x5c: {  	[sflag:s28] =	ssyncset.done $0x0  }
0x5d: {  	[sflag:s28] =	ssyncadd.s32 $0xFFFFEC00  }
0x5e: {  	[spmem:s3] =	stream.indirect.scatter.add.f32 [tilespmem:s24], [sflag:$0x4], $0x40, s6, s22, $0xb8;
	[tilespmem:$0x1FF80] =	vst v63  }
0x5f: {  	_ =	swait.ge [sflag:s29], $0x1400  }
0x60: {  	p0 =	seq.s32 s30, $0x5F0;
	[sflag:s29] =	ssyncset.done $0x0  }
0x61: {  	s31 =	simm.s32 @p0 $0x7;
	[sflag:s29] =	ssyncadd.s32 $0xFFFFEC00  }
0x62: {  	_ =	swait.ge @p0 [sflag:s31], $0xA0  }
0x63: {  	s0 =	simm.s32 @p0 $0x1D640;
	[sflag:s31] =	ssyncset.done @p0 $0x0  }
0x64: {  	s2 =	simm.s32 @p0 $0x1D780;
	[sflag:s31] =	ssyncadd.s32 @p0 $0xFFFFFF60;
	s31 =	simm.s32 @p0 $0x50  }
0x65: {  	[tilespmem:s2], [sflag:$0x1] =	stream.indirect.gather @p0 [hbm4b:s5+s31], $0x40, s0, s31, $0xb8;
	[tilespmem:$0x1FF80] =	vst v63  }
0x66: {  	s0 =	simm.s32 @p0 $0x4  }
0x67: {  	_ =	swait.ge @p0 [sflag:s0], $0x1400  }
0x68: {  	[sflag:s0] =	ssyncset.done @p0 $0x0  }
0x69: {  	[sflag:s0] =	ssyncadd.s32 @p0 $0xFFFFEC00  }
0x6a: {  	s0 =	sshrl.u32 @!p0 s8, $0x3;
	s2 =	rddreg [dreg:$0x1]  }
0x6b: {  	s31 =	simm.s32 @!p0 $0x1D500;
	s0 =	sadd.s32 @!p0 s2, s0;
	s2 =	simm.s32 @!p0 $0x0  }
0x6c: {  	[tilespmem:s31], [sflag:$0x5] =	stream.linear.gather @!p0 [hbm4b:s0+s2], $0xA0, $0x38;
	[tilespmem:$0x1FF80] =	vst v63  }
0x6d: {  	s0 =	simm.s32 @!p0 $0x7  }
0x6e: {  	_ =	swait.ge @!p0 [sflag:s0], $0xA0  }
0x6f: {  	s9 =	simm.s32 @!p0 $0x1D780;
	[sflag:s0] =	ssyncset.done @!p0 $0x0  }
0x70: {  	s31 =	simm.s32 @!p0 $0x1D640;
	[sflag:s0] =	ssyncadd.s32 @!p0 $0xFFFFFF60;
	s0 =	simm.s32 @!p0 $0x50  }
0x71: {  	[tilespmem:s9], [sflag:$0x1] =	stream.indirect.gather @!p0 [hbm4b:s5+s0], $0x40, s31, s0, $0xb8;
	[tilespmem:$0x1FF80] =	vst v63  }
0x72: {  	s0 =	simm.s32 @!p0 $0x4  }
0x73: {  	_ =	swait.ge @!p0 [sflag:s0], $0x1400  }
0x74: {  	[sflag:s0] =	ssyncset.done @!p0 $0x0  }
0x75: {  	[sflag:s0] =	ssyncadd.s32 @!p0 $0xFFFFEC00;
	s0 =	rddreg [dreg:$0x1f]  }
0x76: {  	s9 =	simm.s32 @!p0 $0x1D5A0;
	s0 =	sadd.s32 @!p0 s30, s0  }
0x77: {  	[tilespmem:s9], [sflag:$0x6] =	stream.linear.gather @!p0 [hbm4b:s0+s2], $0xA0, $0x38;
	[tilespmem:$0x1FF80] =	vst v63  }
0x78: {  	_ =	swait.ge [sflag:s10], $0xA0  }
0x79: {  	[sflag:s10] =	ssyncset.done $0x0  }
0x7a: {  	[sflag:s10] =	ssyncadd.s32 $0xFFFFFF60  }
0x7b: {  	[tilespmem:s24], [sflag:$0x2] =	stream.indirect.gather [hbm4b:s5+s22], $0x40, s19, s22, $0xb8;
	[tilespmem:$0x1FF80] =	vst v63  }
0x7c: {  	_ =	swait.ge [sflag:s25], $0x1400  }
0x7d: {  	[sflag:s25] =	ssyncset.done $0x0  }
0x7e: {  	[sflag:s25] =	ssyncadd.s32 $0xFFFFEC00  }
0x7f: {  	[spmem:s3] =	stream.indirect.scatter.add.f32 [tilespmem:s23], [sflag:$0x3], $0x40, s15, s22, $0xb8;
	[tilespmem:$0x1FF80] =	vst v63  }
0x80: {  	_ =	swait.ge [sflag:s28], $0x1400  }
0x81: {  	[sflag:s28] =	ssyncset.done $0x0  }
.Ltmp2:
0x82: {  	[sflag:s28] =	ssyncadd.s32 $0xFFFFEC00;
	(pc) =	sbr.rel @p0 .LBB2_4-.Ltmp2, $4  }
0x83: {  	[spmem:s3] =	stream.indirect.scatter.add.f32 [tilespmem:s24], [sflag:$0x4], $0x40, s1, s22, $0xb8;
	[tilespmem:$0x1FF80] =	vst v63  }
0x84: {  	_ =	swait.ge [sflag:s29], $0x1400  }
0x85: {  	[sflag:s29] =	ssyncset.done $0x0  }
0x86: {  	[sflag:s29] =	ssyncadd.s32 $0xFFFFEC00  }
0x87: {  	s0 =	rddreg [dreg:$0x1c]  }
0x88: {  	s0 =	sadd.s32 s30, s0  }
0x89: {  	[tilespmem:s18], [sflag:$0x7] =	stream.linear.gather [hbm4b:s0+s4], $0xA0, $0x38;
	[tilespmem:$0x1FF80] =	vst v63  }
0x8a: {  	_ =	swait.ge [sflag:s20], $0xA0  }
0x8b: {  	[sflag:s20] =	ssyncset.done $0x0  }
0x8c: {  	[sflag:s20] =	ssyncadd.s32 $0xFFFFFF60  }
0x8d: {  	[tilespmem:s23], [sflag:$0x1] =	stream.indirect.gather [hbm4b:s5+s22], $0x40, s16, s22, $0xb8;
	[tilespmem:$0x1FF80] =	vst v63  }
0x8e: {  	_ =	swait.ge [sflag:s7], $0x1400  }
0x8f: {  	[sflag:s7] =	ssyncset.done $0x0;
	s31 =	rddreg [dreg:$0x19]  }
0x90: {  	[sflag:s7] =	ssyncadd.s32 $0xFFFFEC00;
	s0 =	sadd.s32 s30, s31  }
0x91: {  	[tilespmem:s19], [sflag:$0x8] =	stream.linear.gather [hbm4b:s0+s4], $0xA0, $0x38;
	[tilespmem:$0x1FF80] =	vst v63  }
.Ltmp3:
0x92: {  	_ = 	snop;
	(pc) =	sbr.rel .LBB2_2-.Ltmp3, $4  }
0x93: {  	_ =	swait.ge [sflag:s21], $0xA0  }
0x94: {  	[sflag:s21] =	ssyncset.done $0x0  }
0x95: {  	s8 =	sadd.s32 $0x280, s8;
	s30 =	sadd.s32 $0x50, s30;
	[sflag:s21] =	ssyncadd.s32 $0xFFFFFF60  }
0x96: {  	[tilespmem:s24], [sflag:$0x2] =	stream.indirect.gather [hbm4b:s5+s22], $0x40, s17, s22, $0xb8;
	[tilespmem:$0x1FF80] =	vst v63  }
.LBB2_4:
0x97: {  	_ =	swait.ge [sflag:s7], $0x1400  }
0x98: {  	[sflag:s7] =	ssyncset.done $0x0  }
0x99: {  	[sflag:s7] =	ssyncadd.s32 $0xFFFFEC00  }
0x9a: {  	[bflag:$0x0] =	sbarrier.arrive $0xFFFF  }
0x9b: {  	s8 =	sld [smem:$0x7FD]  }
0x9c: {  	s2 =	rddreg [dreg:$0x6]  }
0x9d: {  	s0 =	rddreg [dreg:$0xa]  }
0x9e: {  	[hbm:s0], [sflag:s2] =	dma.local [spmem:s8], $0x3AC0  }
0x9f: {  	s8 =	simm.s32 $0x9  }
0xa0: {  	_ =	swait.ge [sflag:s8], $0x3AC0  }
0xa1: {  	[sflag:s8] =	ssyncset.done $0x0  }
0xa2: {  	[sflag:s8] =	ssyncadd.s32 $0xFFFFC540  }
0xa3: {  	[bflag:$0x0] =	sbarrier.arrive $0xFFFF  }
0xa4: {  	s9 =	rddreg [dreg:$0xb]  }
0xa5: {  	s31 =	rddreg [dreg:$0x4];
	s9 =	sshrl.u32 s9, $0x3  }
0xa6: {  	[smem:$0x7FB] =	sst s9  }
0xa7: {  	[spmem:s9], [sflag:s2] =	dma.local [hbm:s31], $0x2740  }
0xa8: {  	_ =	swait.ge [sflag:s8], $0x2740  }
0xa9: {  	[sflag:s8] =	ssyncset.done $0x0  }
0xaa: {  	s31 =	rddreg [dreg:$0xc];
	[sflag:s8] =	ssyncadd.s32 $0xFFFFD8C0;
	s8 =	simm.s32 $0x0  }
0xab: {  	[tilespmem:s16], [sflag:$0x5] =	stream.linear.gather [hbm4b:s31+s8], $0xA0, $0x38;
	[tilespmem:$0x1FF80] =	vst v63  }
0xac: {  	s2 =	rddreg [dreg:$0xd]  }
0xad: {  	[tilespmem:s17], [sflag:$0x6] =	stream.linear.gather [hbm4b:s2+s8], $0xA0, $0x38;
	[tilespmem:$0x1FF80] =	vst v63  }
0xae: {  	s9 =	rddreg [dreg:$0x11]  }
0xaf: {  	[tilespmem:s18], [sflag:$0x7] =	stream.linear.gather [hbm4b:s9+s8], $0xA0, $0x38;
	[tilespmem:$0x1FF80] =	vst v63  }
0xb0: {  	s31 =	rddreg [dreg:$0x14]  }
0xb1: {  	[tilespmem:s19], [sflag:$0x8] =	stream.linear.gather [hbm4b:s31+s8], $0xA0, $0x38;
	[tilespmem:$0x1FF80] =	vst v63  }
0xb2: {  	_ =	swait.ge [sflag:s20], $0xA0  }
0xb3: {  	[sflag:s20] =	ssyncset.done $0x0  }
0xb4: {  	[sflag:s20] =	ssyncadd.s32 $0xFFFFFF60  }
0xb5: {  	_ =	swait.ge [sflag:s21], $0xA0  }
0xb6: {  	[sflag:s21] =	ssyncset.done $0x0  }
0xb7: {  	[sflag:s21] =	ssyncadd.s32 $0xFFFFFF60  }
0xb8: {  	[bflag:$0x0] =	sbarrier.arrive $0xFFFF  }
0xb9: {  	[tilespmem:s23], [sflag:$0x1] =	stream.indirect.gather [hbm4b:s5+s22], $0x40, s16, s22, $0xb8;
	[tilespmem:$0x1FF80] =	vst v63  }
0xba: {  	s30 =	rddreg [dreg:$0x18]  }
0xbb: {  	[tilespmem:s24], [sflag:$0x2] =	stream.indirect.gather [hbm4b:s5+s22], $0x40, s17, s22, $0xb8;
	[tilespmem:$0x1FF80] =	vst v63  }
.LBB2_5:
0xbc: {  	_ =	swait.ge [sflag:s25], $0x1400  }
0xbd: {  	[sflag:s25] =	ssyncset.done $0x0  }
0xbe: {  	[sflag:s25] =	ssyncadd.s32 $0xFFFFEC00  }
0xbf: {  	[spmem:s3] =	stream.indirect.scatter.add.f32 [tilespmem:s23], [sflag:$0x3], $0x40, s26, s22, $0xb8;
	[tilespmem:$0x1FF80] =	vst v63  }
0xc0: {  	_ =	swait.ge [sflag:s28], $0x1400  }
0xc1: {  	[sflag:s28] =	ssyncset.done $0x0  }
0xc2: {  	[sflag:s28] =	ssyncadd.s32 $0xFFFFEC00  }
0xc3: {  	[spmem:s3] =	stream.indirect.scatter.add.f32 [tilespmem:s24], [sflag:$0x4], $0x40, s6, s22, $0xb8;
	[tilespmem:$0x1FF80] =	vst v63  }
0xc4: {  	_ =	swait.ge [sflag:s29], $0x1400  }
0xc5: {  	p0 =	seq.s32 s8, $0x5F0;
	[sflag:s29] =	ssyncset.done $0x0  }
0xc6: {  	s0 =	simm.s32 @p0 $0x7;
	[sflag:s29] =	ssyncadd.s32 $0xFFFFEC00  }
0xc7: {  	_ =	swait.ge @p0 [sflag:s0], $0xA0  }
0xc8: {  	s2 =	simm.s32 @p0 $0x1D640;
	[sflag:s0] =	ssyncset.done @p0 $0x0  }
0xc9: {  	s9 =	simm.s32 @p0 $0x1D780;
	[sflag:s0] =	ssyncadd.s32 @p0 $0xFFFFFF60;
	s0 =	simm.s32 @p0 $0x50  }
0xca: {  	[tilespmem:s9], [sflag:$0x1] =	stream.indirect.gather @p0 [hbm4b:s5+s0], $0x40, s2, s0, $0xb8;
	[tilespmem:$0x1FF80] =	vst v63  }
0xcb: {  	s0 =	simm.s32 @p0 $0x4  }
0xcc: {  	_ =	swait.ge @p0 [sflag:s0], $0x1400  }
0xcd: {  	[sflag:s0] =	ssyncset.done @p0 $0x0  }
0xce: {  	[sflag:s0] =	ssyncadd.s32 @p0 $0xFFFFEC00;
	s0 =	sshrl.u32 @!p0 s30, $0x3  }
0xcf: {  	s2 =	simm.s32 @!p0 $0x0;
	s9 =	simm.s32 @!p0 $0x1D500;
	s0 =	sadd.s32 @!p0 s11, s0  }
0xd0: {  	[tilespmem:s9], [sflag:$0x5] =	stream.linear.gather @!p0 [hbm4b:s0+s2], $0xA0, $0x38;
	[tilespmem:$0x1FF80] =	vst v63  }
0xd1: {  	s0 =	simm.s32 @!p0 $0x7  }
0xd2: {  	_ =	swait.ge @!p0 [sflag:s0], $0xA0  }
0xd3: {  	s31 =	simm.s32 @!p0 $0x1D780;
	[sflag:s0] =	ssyncset.done @!p0 $0x0  }
0xd4: {  	s9 =	simm.s32 @!p0 $0x1D640;
	[sflag:s0] =	ssyncadd.s32 @!p0 $0xFFFFFF60;
	s0 =	simm.s32 @!p0 $0x50  }
0xd5: {  	[tilespmem:s31], [sflag:$0x1] =	stream.indirect.gather @!p0 [hbm4b:s5+s0], $0x40, s9, s0, $0xb8;
	[tilespmem:$0x1FF80] =	vst v63  }
0xd6: {  	s0 =	simm.s32 @!p0 $0x4  }
0xd7: {  	_ =	swait.ge @!p0 [sflag:s0], $0x1400  }
0xd8: {  	[sflag:s0] =	ssyncset.done @!p0 $0x0  }
0xd9: {  	s9 =	simm.s32 @!p0 $0x1D5A0;
	[sflag:s0] =	ssyncadd.s32 @!p0 $0xFFFFEC00;
	s0 =	sadd.s32 @!p0 s8, s13  }
0xda: {  	[tilespmem:s9], [sflag:$0x6] =	stream.linear.gather @!p0 [hbm4b:s0+s2], $0xA0, $0x38;
	[tilespmem:$0x1FF80] =	vst v63  }
0xdb: {  	_ =	swait.ge [sflag:s10], $0xA0  }
0xdc: {  	[sflag:s10] =	ssyncset.done $0x0  }
0xdd: {  	[sflag:s10] =	ssyncadd.s32 $0xFFFFFF60  }
0xde: {  	[tilespmem:s24], [sflag:$0x2] =	stream.indirect.gather [hbm4b:s5+s22], $0x40, s19, s22, $0xb8;
	[tilespmem:$0x1FF80] =	vst v63  }
0xdf: {  	_ =	swait.ge [sflag:s25], $0x1400  }
0xe0: {  	[sflag:s25] =	ssyncset.done $0x0  }
0xe1: {  	[sflag:s25] =	ssyncadd.s32 $0xFFFFEC00  }
0xe2: {  	[spmem:s3] =	stream.indirect.scatter.add.f32 [tilespmem:s23], [sflag:$0x3], $0x40, s15, s22, $0xb8;
	[tilespmem:$0x1FF80] =	vst v63  }
0xe3: {  	_ =	swait.ge [sflag:s28], $0x1400  }
0xe4: {  	[sflag:s28] =	ssyncset.done $0x0  }
.Ltmp4:
0xe5: {  	[sflag:s28] =	ssyncadd.s32 $0xFFFFEC00;
	(pc) =	sbr.rel @p0 .LBB2_7-.Ltmp4, $4  }
0xe6: {  	[spmem:s3] =	stream.indirect.scatter.add.f32 [tilespmem:s24], [sflag:$0x4], $0x40, s1, s22, $0xb8;
	[tilespmem:$0x1FF80] =	vst v63  }
0xe7: {  	_ =	swait.ge [sflag:s29], $0x1400  }
0xe8: {  	[sflag:s29] =	ssyncset.done $0x0  }
0xe9: {  	[sflag:s29] =	ssyncadd.s32 $0xFFFFEC00  }
0xea: {  	s0 =	rddreg [dreg:$0x1d]  }
0xeb: {  	s0 =	sadd.s32 s8, s0  }
0xec: {  	[tilespmem:s18], [sflag:$0x7] =	stream.linear.gather [hbm4b:s0+s4], $0xA0, $0x38;
	[tilespmem:$0x1FF80] =	vst v63  }
0xed: {  	_ =	swait.ge [sflag:s20], $0xA0  }
0xee: {  	[sflag:s20] =	ssyncset.done $0x0  }
0xef: {  	[sflag:s20] =	ssyncadd.s32 $0xFFFFFF60  }
0xf0: {  	[tilespmem:s23], [sflag:$0x1] =	stream.indirect.gather [hbm4b:s5+s22], $0x40, s16, s22, $0xb8;
	[tilespmem:$0x1FF80] =	vst v63  }
0xf1: {  	_ =	swait.ge [sflag:s7], $0x1400  }
0xf2: {  	[sflag:s7] =	ssyncset.done $0x0;
	s31 =	rddreg [dreg:$0x1a]  }
0xf3: {  	[sflag:s7] =	ssyncadd.s32 $0xFFFFEC00;
	s0 =	sadd.s32 s8, s31  }
0xf4: {  	[tilespmem:s19], [sflag:$0x8] =	stream.linear.gather [hbm4b:s0+s4], $0xA0, $0x38;
	[tilespmem:$0x1FF80] =	vst v63  }
.Ltmp5:
0xf5: {  	_ = 	snop;
	(pc) =	sbr.rel .LBB2_5-.Ltmp5, $4  }
0xf6: {  	_ =	swait.ge [sflag:s21], $0xA0  }
0xf7: {  	[sflag:s21] =	ssyncset.done $0x0  }
0xf8: {  	s30 =	sadd.s32 $0x280, s30;
	s8 =	sadd.s32 $0x50, s8;
	[sflag:s21] =	ssyncadd.s32 $0xFFFFFF60  }
0xf9: {  	[tilespmem:s24], [sflag:$0x2] =	stream.indirect.gather [hbm4b:s5+s22], $0x40, s17, s22, $0xb8;
	[tilespmem:$0x1FF80] =	vst v63  }
.LBB2_7:
0xfa: {  	_ =	swait.ge [sflag:s7], $0x1400  }
0xfb: {  	[sflag:s7] =	ssyncset.done $0x0  }
0xfc: {  	[sflag:s7] =	ssyncadd.s32 $0xFFFFEC00  }
0xfd: {  	[bflag:$0x0] =	sbarrier.arrive $0xFFFF  }
0xfe: {  	s8 =	sld [smem:$0x7FB]  }
0xff: {  	s2 =	rddreg [dreg:$0x6]  }
0x100: {  	s0 =	rddreg [dreg:$0xe]  }
0x101: {  	[hbm:s0], [sflag:s2] =	dma.local [spmem:s8], $0x2740  }
0x102: {  	s8 =	simm.s32 $0x9  }
0x103: {  	_ =	swait.ge [sflag:s8], $0x2740  }
0x104: {  	[sflag:s8] =	ssyncset.done $0x0  }
0x105: {  	[sflag:s8] =	ssyncadd.s32 $0xFFFFD8C0  }
0x106: {  	[bflag:$0x0] =	sbarrier.arrive $0xFFFF  }
0x107: {  	s9 =	sld [smem:$0x7FD];
	_ =	sdelay $0x1  }
0x108: {  	s31 =	rddreg [dreg:$0x4]  }
0x109: {  	[spmem:s9], [sflag:s2] =	dma.local [hbm:s31], $0x3AC0  }
0x10a: {  	_ =	swait.ge [sflag:s8], $0x3AC0  }
0x10b: {  	[sflag:s8] =	ssyncset.done $0x0  }
0x10c: {  	s31 =	rddreg [dreg:$0xf];
	[sflag:s8] =	ssyncadd.s32 $0xFFFFC540;
	s8 =	simm.s32 $0x0  }
0x10d: {  	[tilespmem:s16], [sflag:$0x5] =	stream.linear.gather [hbm4b:s31+s8], $0xA0, $0x38;
	[tilespmem:$0x1FF80] =	vst v63  }
0x10e: {  	s2 =	rddreg [dreg:$0x10]  }
0x10f: {  	[tilespmem:s17], [sflag:$0x6] =	stream.linear.gather [hbm4b:s2+s8], $0xA0, $0x38;
	[tilespmem:$0x1FF80] =	vst v63  }
0x110: {  	s9 =	rddreg [dreg:$0x12]  }
0x111: {  	[tilespmem:s18], [sflag:$0x7] =	stream.linear.gather [hbm4b:s9+s8], $0xA0, $0x38;
	[tilespmem:$0x1FF80] =	vst v63  }
0x112: {  	s31 =	rddreg [dreg:$0x15]  }
0x113: {  	[tilespmem:s19], [sflag:$0x8] =	stream.linear.gather [hbm4b:s31+s8], $0xA0, $0x38;
	[tilespmem:$0x1FF80] =	vst v63  }
0x114: {  	_ =	swait.ge [sflag:s20], $0xA0  }
0x115: {  	[sflag:s20] =	ssyncset.done $0x0  }
0x116: {  	[sflag:s20] =	ssyncadd.s32 $0xFFFFFF60  }
0x117: {  	_ =	swait.ge [sflag:s21], $0xA0  }
0x118: {  	[sflag:s21] =	ssyncset.done $0x0  }
0x119: {  	[sflag:s21] =	ssyncadd.s32 $0xFFFFFF60  }
0x11a: {  	[bflag:$0x0] =	sbarrier.arrive $0xFFFF  }
0x11b: {  	[tilespmem:s23], [sflag:$0x1] =	stream.indirect.gather [hbm4b:s5+s22], $0x40, s16, s22, $0xb8;
	[tilespmem:$0x1FF80] =	vst v63  }
0x11c: {  	s30 =	rddreg [dreg:$0x18]  }
0x11d: {  	[tilespmem:s24], [sflag:$0x2] =	stream.indirect.gather [hbm4b:s5+s22], $0x40, s17, s22, $0xb8;
	[tilespmem:$0x1FF80] =	vst v63  }
.LBB2_8:
0x11e: {  	_ =	swait.ge [sflag:s25], $0x1400  }
0x11f: {  	[sflag:s25] =	ssyncset.done $0x0  }
0x120: {  	[sflag:s25] =	ssyncadd.s32 $0xFFFFEC00  }
0x121: {  	[spmem:s3] =	stream.indirect.scatter.add.f32 [tilespmem:s23], [sflag:$0x3], $0x40, s26, s22, $0xb8;
	[tilespmem:$0x1FF80] =	vst v63  }
0x122: {  	_ =	swait.ge [sflag:s28], $0x1400  }
0x123: {  	[sflag:s28] =	ssyncset.done $0x0  }
0x124: {  	[sflag:s28] =	ssyncadd.s32 $0xFFFFEC00  }
0x125: {  	[spmem:s3] =	stream.indirect.scatter.add.f32 [tilespmem:s24], [sflag:$0x4], $0x40, s6, s22, $0xb8;
	[tilespmem:$0x1FF80] =	vst v63  }
0x126: {  	_ =	swait.ge [sflag:s29], $0x1400  }
0x127: {  	p0 =	seq.s32 s8, $0x5F0;
	[sflag:s29] =	ssyncset.done $0x0  }
0x128: {  	s0 =	simm.s32 @p0 $0x7;
	[sflag:s29] =	ssyncadd.s32 $0xFFFFEC00  }
0x129: {  	_ =	swait.ge @p0 [sflag:s0], $0xA0  }
0x12a: {  	s2 =	simm.s32 @p0 $0x1D640;
	[sflag:s0] =	ssyncset.done @p0 $0x0  }
0x12b: {  	s9 =	simm.s32 @p0 $0x1D780;
	[sflag:s0] =	ssyncadd.s32 @p0 $0xFFFFFF60;
	s0 =	simm.s32 @p0 $0x50  }
0x12c: {  	[tilespmem:s9], [sflag:$0x1] =	stream.indirect.gather @p0 [hbm4b:s5+s0], $0x40, s2, s0, $0xb8;
	[tilespmem:$0x1FF80] =	vst v63  }
0x12d: {  	s0 =	simm.s32 @p0 $0x4  }
0x12e: {  	_ =	swait.ge @p0 [sflag:s0], $0x1400  }
0x12f: {  	[sflag:s0] =	ssyncset.done @p0 $0x0  }
0x130: {  	[sflag:s0] =	ssyncadd.s32 @p0 $0xFFFFEC00;
	s0 =	sshrl.u32 @!p0 s30, $0x3  }
0x131: {  	s2 =	simm.s32 @!p0 $0x0;
	s9 =	simm.s32 @!p0 $0x1D500;
	s0 =	sadd.s32 @!p0 s12, s0  }
0x132: {  	[tilespmem:s9], [sflag:$0x5] =	stream.linear.gather @!p0 [hbm4b:s0+s2], $0xA0, $0x38;
	[tilespmem:$0x1FF80] =	vst v63  }
0x133: {  	s0 =	simm.s32 @!p0 $0x7  }
0x134: {  	_ =	swait.ge @!p0 [sflag:s0], $0xA0  }
0x135: {  	s31 =	simm.s32 @!p0 $0x1D780;
	[sflag:s0] =	ssyncset.done @!p0 $0x0  }
0x136: {  	s9 =	simm.s32 @!p0 $0x1D640;
	[sflag:s0] =	ssyncadd.s32 @!p0 $0xFFFFFF60;
	s0 =	simm.s32 @!p0 $0x50  }
0x137: {  	[tilespmem:s31], [sflag:$0x1] =	stream.indirect.gather @!p0 [hbm4b:s5+s0], $0x40, s9, s0, $0xb8;
	[tilespmem:$0x1FF80] =	vst v63  }
0x138: {  	s0 =	simm.s32 @!p0 $0x4  }
0x139: {  	_ =	swait.ge @!p0 [sflag:s0], $0x1400  }
0x13a: {  	[sflag:s0] =	ssyncset.done @!p0 $0x0  }
0x13b: {  	s9 =	simm.s32 @!p0 $0x1D5A0;
	[sflag:s0] =	ssyncadd.s32 @!p0 $0xFFFFEC00;
	s0 =	sadd.s32 @!p0 s8, s14  }
0x13c: {  	[tilespmem:s9], [sflag:$0x6] =	stream.linear.gather @!p0 [hbm4b:s0+s2], $0xA0, $0x38;
	[tilespmem:$0x1FF80] =	vst v63  }
0x13d: {  	_ =	swait.ge [sflag:s10], $0xA0  }
0x13e: {  	[sflag:s10] =	ssyncset.done $0x0  }
0x13f: {  	[sflag:s10] =	ssyncadd.s32 $0xFFFFFF60  }
0x140: {  	[tilespmem:s24], [sflag:$0x2] =	stream.indirect.gather [hbm4b:s5+s22], $0x40, s19, s22, $0xb8;
	[tilespmem:$0x1FF80] =	vst v63  }
0x141: {  	_ =	swait.ge [sflag:s25], $0x1400  }
0x142: {  	[sflag:s25] =	ssyncset.done $0x0  }
0x143: {  	[sflag:s25] =	ssyncadd.s32 $0xFFFFEC00  }
0x144: {  	[spmem:s3] =	stream.indirect.scatter.add.f32 [tilespmem:s23], [sflag:$0x3], $0x40, s15, s22, $0xb8;
	[tilespmem:$0x1FF80] =	vst v63  }
0x145: {  	_ =	swait.ge [sflag:s28], $0x1400  }
0x146: {  	[sflag:s28] =	ssyncset.done $0x0  }
.Ltmp6:
0x147: {  	[sflag:s28] =	ssyncadd.s32 $0xFFFFEC00;
	(pc) =	sbr.rel @p0 .LBB2_10-.Ltmp6, $4  }
0x148: {  	[spmem:s3] =	stream.indirect.scatter.add.f32 [tilespmem:s24], [sflag:$0x4], $0x40, s1, s22, $0xb8;
	[tilespmem:$0x1FF80] =	vst v63  }
0x149: {  	_ =	swait.ge [sflag:s29], $0x1400  }
0x14a: {  	[sflag:s29] =	ssyncset.done $0x0  }
0x14b: {  	[sflag:s29] =	ssyncadd.s32 $0xFFFFEC00  }
0x14c: {  	s0 =	rddreg [dreg:$0x1e]  }
0x14d: {  	s0 =	sadd.s32 s8, s0  }
0x14e: {  	[tilespmem:s18], [sflag:$0x7] =	stream.linear.gather [hbm4b:s0+s4], $0xA0, $0x38;
	[tilespmem:$0x1FF80] =	vst v63  }
0x14f: {  	_ =	swait.ge [sflag:s20], $0xA0  }
0x150: {  	[sflag:s20] =	ssyncset.done $0x0  }
0x151: {  	[sflag:s20] =	ssyncadd.s32 $0xFFFFFF60  }
0x152: {  	[tilespmem:s23], [sflag:$0x1] =	stream.indirect.gather [hbm4b:s5+s22], $0x40, s16, s22, $0xb8;
	[tilespmem:$0x1FF80] =	vst v63  }
0x153: {  	_ =	swait.ge [sflag:s7], $0x1400  }
0x154: {  	[sflag:s7] =	ssyncset.done $0x0;
	s31 =	rddreg [dreg:$0x1b]  }
0x155: {  	[sflag:s7] =	ssyncadd.s32 $0xFFFFEC00;
	s0 =	sadd.s32 s8, s31  }
0x156: {  	[tilespmem:s19], [sflag:$0x8] =	stream.linear.gather [hbm4b:s0+s4], $0xA0, $0x38;
	[tilespmem:$0x1FF80] =	vst v63  }
.Ltmp7:
0x157: {  	_ = 	snop;
	(pc) =	sbr.rel .LBB2_8-.Ltmp7, $4  }
0x158: {  	_ =	swait.ge [sflag:s21], $0xA0  }
0x159: {  	[sflag:s21] =	ssyncset.done $0x0  }
0x15a: {  	s30 =	sadd.s32 $0x280, s30;
	s8 =	sadd.s32 $0x50, s8;
	[sflag:s21] =	ssyncadd.s32 $0xFFFFFF60  }
0x15b: {  	[tilespmem:s24], [sflag:$0x2] =	stream.indirect.gather [hbm4b:s5+s22], $0x40, s17, s22, $0xb8;
	[tilespmem:$0x1FF80] =	vst v63  }
.LBB2_11:
0x15c: {  	_ =	sfence.sel $0x180000  }
0x15d: {  	[bflag:$0x0] =	sbarrier.arrive $0xFFFF  }
0x15e: {  	_ =	strace $0x9000004D  }
0x15f: {  	s0 =	stileid.u32;
	[bflag:$0x2] =	sbarrier.arrive $0xFFFF  }
0x160: {  	p0 =	sne.s32 s0, $0x0;
	s0 =	rddreg [dreg:$0x3]  }
0x161: {  	s0 =	sadd.s32 @!p0 $0x100000, s0  }
0x162: {  	[sflag:s0] =	ssyncadd.tile.s32 @!p0 $0x1;
	_ =	shalt  }
.Lfunc_end2:
_tile_overlayer_lowered:
.L_overlay_start_2:
0x163: {  	(tag) =	ssettag $0x2  }
0x164: {  	s0 =	rddreg [dreg:$0x0];
	s2 =	stileid.u32  }
0x165: {  	s1 =	rddreg [dreg:$0x1];
	p0 =	sne.s32 s2, $0x0  }
0x166: {  	s3 =	rddreg [dreg:$0x2];
	[bflag:$0x3] =	sbarrier.arrive $0xFFFF;
	s2 =	simm.s32 @!p0 $0x1C09  }
0x167: {  	[timem:s3], [sflag:s2] =	dma.local @!p0 [hbm:s0], s1  }
0x168: {  	s0 =	simm.s32 @!p0 $0x9  }
0x169: {  	_ =	swait.ge @!p0 [sflag:s0], s1  }
0x16a: {  	s1 =	ssub.s32 @!p0 $0x0, s1;
	[sflag:s0] =	ssyncset.done @!p0 $0x0  }
0x16b: {  	[sflag:s0] =	ssyncadd.s32 @!p0 s1  }
0x16c: {  	[bflag:$0x3] =	sbarrier.arrive $0xFFFF  }
0x16d: {  	_ =	shalt  }

// kernel: kernel.8.cloned.1.call-start
scs
__scs_entry_jumppad:
0x0: {  	(pc) =	sbr.rel $0x88, $3  }
0x1: {  	(tag) =	ssettag $0x0;
	lr =	simm.s32 $0x1  }
0x2: {  	[smem:$0x3F8A] =	sst lr;
	_ =	strace $0xD0000000  }
0x3: {  	_ = 	snop  }
0x4: {  	_ = 	snop  }
0x5: {  	_ = 	snop  }
0x6: {  	_ = 	snop  }
0x7: {  	_ = 	snop  }
__scs_overlays_trampoline_lowered:
0x8: {  	[smem:$0x3F99] =	sst s0  }
0x9: {  	[smem:$0x3F9A] =	sst s1  }
0xa: {  	[smem:$0x3F9B] =	sst s2  }
0xb: {  	[smem:$0x3F9C] =	sst s3  }
0xc: {  	[smem:$0x3F9D] =	sst s4  }
0xd: {  	[smem:$0x3F9E] =	sst s5  }
0xe: {  	[smem:$0x3F9F] =	sst s6  }
0xf: {  	[smem:$0x3FA0] =	sst s7  }
0x10: {  	[smem:$0x3FA1] =	sst s8  }
0x11: {  	[smem:$0x3FA2] =	sst s9;
	s0 =	simm.s32 @!p0 $0x0  }
0x12: {  	s1 =	sld [smem:$0x3F88];
	s0 =	simm.s32 @p0 $0x1  }
0x13: {  	[smem:$0x3FA3] =	sst s0;
	s0 =	simm.s32 @!p1 $0x0  }
0x14: {  	s2 =	sld [smem:$0x3F87];
	s0 =	simm.s32 @p1 $0x1  }
0x15: {  	[smem:$0x3FA4] =	sst s0;
	s0 =	simm.s32 @!p2 $0x0  }
0x16: {  	s3 =	sld [smem:$0x3FDB];
	s0 =	simm.s32 @p2 $0x1  }
0x17: {  	s4 =	simm.s32 $0x1BF5;
	[smem:$0x3FA6] =	sst s0  }
0x18: {  	s0 =	sld [smem:$0x3F89];
	_ =	swait.ge [sflag:s4], $0x0  }
0x19: {  	s7 =	sld [smem:$0x3F8A]  }
0x1a: {  	s8 =	sadd.s32 $0xFFFFE003, lr  }
0x1b: {  	s9 =	sadd.s32 $0xFFFFFEF7, lr;
	s5 =	simm.s32 $0xFFFFFFFF;
	p2 =	slt.u32 s8, $0xFFFFF086  }
0x1c: {  	p1 =	slt.u32 s9, $0xF7A;
	s5 =	simm.s32 @!p2 $0x0  }
0x1d: {  	s5 =	simm.s32 @p1 $0x1;
	p0 =	seq.s32 s7, s2  }
0x1e: {  	s7 =	smul.u32 @!p0 $0xF7A, s2;
	p2 =	seq.s32 @!p0 s5, $0x0  }
0x1f: {  	s9 =	smul.u32 $0xF7A, s1;
	s8 =	simm.s32 @!p0 $0x1BF5;
	p2 =	por !p2, p0  }
0x20: {  	[sflag:s8] =	ssyncset.s32 @!p0 $0xFFFFF086;
	s6 =	sadd.s32 @!p0 s3, s7;
	s7 =	simm.s32 @!p0 $0x108  }
0x21: {  	s3 =	sadd.s32 s3, s9;
	s6 =	sadd.s32 @!p0 $0x88, s6;
	s7 =	simm.s32 @p2 $0x1082  }
0x22: {  	[simem:s7], [sflag:s8] =	dma.local @!p0 [hbm:s6], $0xF7A  }
0x23: {  	s9 =	sor.u32 $0xD0000000, s2;
	s6 =	simm.s32 $0x108;
	_ =	swait.ge @!p0 [sflag:s8], $0x0  }
0x24: {  	s3 =	sadd.s32 $0x88, s3;
	s6 =	simm.s32 @!p1 $0x1082;
	[sflag:s4] =	ssyncset.s32 $0xFFFFF086  }
0x25: {  	[simem:s6], [sflag:s4] =	dma.local [hbm:s3], $0xF7A  }
0x26: {  	[smem:$0x3F8A] =	sst s1;
	(tag) =	ssettag s2;
	_ =	strace s9  }
0x27: {  	s1 =	sld [smem:$0x3F9A]  }
0x28: {  	s2 =	sld [smem:$0x3F9B]  }
0x29: {  	s4 =	sld [smem:$0x3F9D]  }
0x2a: {  	p0 =	seq.s32 s5, $0x0;
	s5 =	sld [smem:$0x3F9E]  }
0x2b: {  	s6 =	sld [smem:$0x3F9F]  }
0x2c: {  	s7 =	sld [smem:$0x3FA0]  }
0x2d: {  	s3 =	simm.s32 $0x108;
	s8 =	sld [smem:$0x3FA1]  }
0x2e: {  	s3 =	simm.s32 @!p0 $0x1082;
	s9 =	sld [smem:$0x3FA2]  }
0x2f: {  	lr =	sadd.s32 s0, s3;
	s0 =	sld [smem:$0x3F99]  }
0x30: {  	s3 =	sld [smem:$0x3F9C]  }
0x31: {  	[smem:$0x3FA5] =	sst s10  }
0x32: {  	s10 =	sld [smem:$0x3FA3];
	_ =	sdelay $0x3  }
0x33: {  	p0 =	seq.s32 s10, $0x1;
	s10 =	sld [smem:$0x3FA5];
	_ =	sdelay $0x3  }
0x34: {  	[smem:$0x3FA5] =	sst s10  }
0x35: {  	s10 =	sld [smem:$0x3FA4];
	_ =	sdelay $0x3  }
0x36: {  	p1 =	seq.s32 s10, $0x1;
	s10 =	sld [smem:$0x3FA5];
	_ =	sdelay $0x3  }
0x37: {  	[smem:$0x3FA5] =	sst s10  }
0x38: {  	s10 =	sld [smem:$0x3FA6]  }
0x39: {  	_ = 	snop;
	(pc) =	sbr.ind lr, $3  }
0x3a: {  	_ = 	snop  }
0x3b: {  	_ = 	snop  }
0x3c: {  	p2 =	seq.s32 s10, $0x1;
	s10 =	sld [smem:$0x3FA5]  }
0x3d: {  	_ =	shalt  }
0x3e: {  	_ =	shalt  }
0x3f: {  	_ =	shalt  }
0x40: {  	_ =	shalt  }
0x41: {  	_ =	shalt  }
0x42: {  	_ =	shalt  }
0x43: {  	_ =	shalt  }
0x44: {  	_ =	shalt  }
0x45: {  	_ =	shalt  }
0x46: {  	_ =	shalt  }
0x47: {  	_ =	shalt  }
0x48: {  	_ =	shalt  }
0x49: {  	_ =	shalt  }
0x4a: {  	_ =	shalt  }
0x4b: {  	_ =	shalt  }
0x4c: {  	_ =	shalt  }
0x4d: {  	_ =	shalt  }
0x4e: {  	_ =	shalt  }
0x4f: {  	_ =	shalt  }
0x50: {  	_ =	shalt  }
0x51: {  	_ =	shalt  }
0x52: {  	_ =	shalt  }
0x53: {  	_ =	shalt  }
0x54: {  	_ =	shalt  }
0x55: {  	_ =	shalt  }
0x56: {  	_ =	shalt  }
0x57: {  	_ =	shalt  }
0x58: {  	_ =	shalt  }
0x59: {  	_ =	shalt  }
0x5a: {  	_ =	shalt  }
0x5b: {  	_ =	shalt  }
0x5c: {  	_ =	shalt  }
0x5d: {  	_ =	shalt  }
0x5e: {  	_ =	shalt  }
0x5f: {  	_ =	shalt  }
0x60: {  	_ =	shalt  }
0x61: {  	_ =	shalt  }
0x62: {  	_ =	shalt  }
0x63: {  	_ =	shalt  }
0x64: {  	_ =	shalt  }
0x65: {  	_ =	shalt  }
0x66: {  	_ =	shalt  }
0x67: {  	_ =	shalt  }
0x68: {  	_ =	shalt  }
0x69: {  	_ =	shalt  }
0x6a: {  	_ =	shalt  }
0x6b: {  	_ =	shalt  }
0x6c: {  	_ =	shalt  }
0x6d: {  	_ =	shalt  }
0x6e: {  	_ =	shalt  }
0x6f: {  	_ =	shalt  }
0x70: {  	_ =	shalt  }
0x71: {  	_ =	shalt  }
0x72: {  	_ =	shalt  }
0x73: {  	_ =	shalt  }
0x74: {  	_ =	shalt  }
0x75: {  	_ =	shalt  }
0x76: {  	_ =	shalt  }
0x77: {  	_ =	shalt  }
0x78: {  	_ =	shalt  }
0x79: {  	_ =	shalt  }
0x7a: {  	_ =	shalt  }
0x7b: {  	_ =	shalt  }
0x7c: {  	_ =	shalt  }
0x7d: {  	_ =	shalt  }
0x7e: {  	_ =	shalt  }
0x7f: {  	_ =	shalt  }
0x80: {  	_ =	shalt  }
0x81: {  	_ =	shalt  }
0x82: {  	_ =	shalt  }
0x83: {  	_ =	shalt  }
0x84: {  	_ =	shalt  }
0x85: {  	_ =	shalt  }
0x86: {  	_ =	shalt  }
0x87: {  	_ =	shalt  }
.Lfunc_end0:
.L_simem_size_0:
called_computation_lowered:
.L_overlay_start_0:
0x88: {  	s2 =	sld [smem:$0x3FD9]  }
0x89: {  	s3 =	sld [smem:$0x3FFE];
	_ =	sdelay $0x1  }
0x8a: {  	s1 =	srdreg.scid  }
0x8b: {  	s0 =	sand.u32 $0x1, s1  }
0x8c: {  	s14 =	sshll.u32 s0, $0xA;
	s2 =	sadd.s32 s3, s2  }
0x8d: {  	s2 =	sadd.s32 s2, s14  }
0x8e: {  	[smem:$0x3FB1] =	sst s2  }
0x8f: {  	_ = 	snop  }
0x90: {  	s2 =	sld [smem:$0x3FD0];
	_ =	sdelay $0x2  }
0x91: {  	s15 =	simm.s32 $0xB;
	s4 =	simm.s32 $0x10  }
0x92: {  	[smem:s4], [sflag:s15] =	dma.local [hbm:s2], $0x1  }
0x93: {  	_ =	swait.eq [sflag:s15], $0x1  }
0x94: {  	[sflag:s15] =	ssyncset.done $0x0  }
0x95: {  	s16 =	sld [smem:$0x10];
	[sflag:s15] =	ssyncadd.s32 $0xFFFFFFFF  }
0x96: {  	s17 =	sld [smem:$0x11];
	(tm) =	ssettm $0x1  }
0x97: {  	s18 =	sld [smem:$0x3FFB];
	_ =	sdelay $0x3  }
0x98: {  	_ =	strace s18  }
0x99: {  	s4 =	sld [smem:$0x3FFC];
	_ =	sdelay $0x3  }
0x9a: {  	_ =	strace s4  }
0x9b: {  	s4 =	sld [smem:$0x3FFD];
	_ =	sdelay $0x3  }
0x9c: {  	_ =	strace s4  }
0x9d: {  	_ =	strace $0x8FFFFFFF  }
0x9e: {  	s19 =	sld [smem:$0x3FDB];
	_ =	sdelay $0x1  }
0x9f: {  	s5 =	simm.s32 $_scs_section_size  }
0xa0: {  	s6 =	simm.s32 $_size__tile_overlayer_lowered;
	s7 =	simm.s32 $_tile_overlayer_lowered  }
0xa1: {  	s22 =	simm.s32 $0x1BFF;
	s21 =	sshll.u32 s7, $0x1;
	s4 =	sadd.s32 s5, s19  }
0xa2: {  	s8 =	simm.s32 $0x0;
	s20 =	sshll.u32 s6, $0x1;
	s6 =	sadd.s32 s21, s4  }
0xa3: {  	[timem:s8], [sflag:s22] =	dma.local [hbm:s6], s20  }
0xa4: {  	_ =	swait.ge [sflag:s22], s20  }
0xa5: {  	s5 =	ssub.s32 $0x0, s20;
	[sflag:s22] =	ssyncset.done $0x0  }
0xa6: {  	[sflag:s22] =	ssyncadd.s32 s5;
	_ =	sdelay $0x1  }
0xa7: {  	s23 =	simm.s32 $0x1B8B  }
0xa8: {  	_ =	swait.ge [sflag:s23], $0x1  }
0xa9: {  	[sflag:s23] =	ssyncset.done $0x0  }
0xaa: {  	s25 =	simm.s32 $0x1B8E;
	s24 =	sld [smem:$0x3FFE];
	[sflag:s23] =	ssyncadd.s32 $0xFFFFFFFF  }
0xab: {  	s26 =	simm.s32 $execute0_lowered;
	[smem:$0x3FD2] =	sst s25  }
0xac: {  	s6 =	sshll.u32 s26, $0x1;
	_ =	strace $0x80000046;
	[dreg:$0x1] =	wrdreg $0xFFFFFFFF  }
0xad: {  	s28 =	simm.s32 $_size_execute0_lowered;
	s4 =	sadd.s32 s4, s6;
	[dreg:$0x0] =	wrdreg $0x0  }
0xae: {  	s6 =	sshll.u32 s28, $0x1;
	[dreg:$0x2] =	wrdreg s4  }
0xaf: {  	[dreg:$0x3] =	wrdreg s6  }
0xb0: {  	[dreg:$0x4] =	wrdreg $0xC0  }
0xb1: {  	_ =	task [dreg:s8], $0x5FFFF  }
0xb2: {  	[dreg:$0x1] =	wrdreg $0xFFFFFFFF  }
0xb3: {  	[dreg:$0x0] =	wrdreg $0x60  }
0xb4: {  	[dreg:$0x2] =	wrdreg s24  }
0xb5: {  	[dreg:$0x3] =	wrdreg s17  }
0xb6: {  	[dreg:$0x4] =	wrdreg s16  }
0xb7: {  	[dreg:$0x5] =	wrdreg $0x0  }
0xb8: {  	[dreg:$0x6] =	wrdreg $0x9  }
0xb9: {  	_ =	task.clear_ibuf [dreg:s8], $0x7FFFF;
	_ =	strace $0x90000046  }
0xba: {  	s29 =	simm.s32 $0x9;
	_ =	strace $0x80000048  }
0xbb: {  	_ =	swait.ge [sflag:s29], $0x1  }
0xbc: {  	[sflag:s29] =	ssyncadd.s32 $0xFFFFFFFF  }
0xbd: {  	_ =	strace $0x90000048  }
0xbe: {  	_ =	sfence  }
0xbf: {  	s30 =	sld [smem:$0x0];
	_ =	sdelay $0x2  }
0xc0: {  	s31 =	sshll.u32 s1, $0xD;
	s1 =	sshrl.u32 s1, $0x2  }
0xc1: {  	s3 =	sand.u32 $0x4000, s31;
	s1 =	sadd.s32 s1, s30  }
0xc2: {  	s0 =	sor.u32 s3, s0;
	s1 =	sshll.u32 s1, $0x11  }
0xc3: {  	s0 =	sor.u32 s1, s0  }
0xc4: {  	s0 =	sadd.s32 $0x8F2B, s0  }
0xc5: {  	[sflag:s0] =	ssyncadd.remote.s32 $0x1  }
0xc6: {  	_ =	sfence.sel $0xFFFF  }
0xc7: {  	[dreg:$0x0] =	wrdreg $0xFFFFFFFF;
	(pc) =	sbr.abs _section_cstart, $3  }
0xc8: {  	[dreg:$0x1] =	wrdreg $0xFFFFFFFF  }
0xc9: {  	_ =	task.clear_ibuf [dreg:s8], $0x2FFFF;
	_ =	strace $0x9FFFFFFF  }
0xca: {  	(tm) =	ssettm $0x7FFFFFFF  }
0xcb: {  	_ =	shalt  }
tec
execute0_lowered:
.L_overlay_start_1:
0x0: {  	(tag) =	ssettag $0x1  }
0x1: {  	s6 =	rddreg [dreg:$0x0]  }
0x2: {  	s7 =	rddreg [dreg:$0x1]  }
0x3: {  	s10 =	rddreg [dreg:$0x2]  }
0x4: {  	s0 =	srdreg.scid;
	s2 =	rddreg [dreg:$0x3]  }
0x5: {  	s1 =	stileid.u32;
	s3 =	simm.s32 $0x0;
	s19 =	simm.s32 $0x50  }
0x6: {  	s8 =	sand.u32 $0x1, s0;
	s0 =	rddreg [dreg:$0x4];
	s5 =	smul.u32 $0x758, s1  }
0x7: {  	s20 =	simm.s32 $0x0;
	[smem:$0x7FF] =	sst s3;
	s13 =	smul.u32 $0x4E8, s1  }
0x8: {  	s31 =	sshll.u32 s1, $0x6;
	s4 =	sshll.u32 s8, $0x4;
	_ =	strace $0x80000047  }
0x9: {  	s11 =	smul.u32 $0xC3500, s8;
	s8 =	ssub.s32 $0x2, s8;
	s4 =	sor.u32 s1, s4  }
0xa: {  	s5 =	smin.u32 s5, $0x6DD8;
	s13 =	smin.u32 s13, $0x4938;
	s29 =	sshrl.u32 s8, $0x1  }
0xb: {  	s9 =	smul.u32 $0x640, s4;
	s4 =	sadd.s32 $0x1CA00, s6;
	s12 =	sshll.u32 s5, $0x4  }
0xc: {  	s5 =	sadd.s32 $0x1CC00, s6;
	s13 =	sshll.u32 s13, $0x4;
	s17 =	ssub.s32 s8, s29  }
0xd: {  	s15 =	sadd.s32 s11, s12;
	s18 =	sadd.s32 s12, s2;
	s30 =	sadd.s32 s13, s11  }
0xe: {  	s8 =	sadd.s32 s13, s2;
	s13 =	smax.u32 s17, $0x1;
	s14 =	sadd.s32 s9, s6  }
0xf: {  	s15 =	sshrl.u32 s15, $0x3;
	s11 =	sshrl.u32 s30, $0x3;
	s17 =	sshrl.u32 s18, $0x3  }
0x10: {  	s18 =	simm.s32 $0x7540;
	s16 =	sadd.s32 s15, s6;
	s6 =	sadd.s32 s7, s9  }
0x11: {  	s7 =	sadd.s32 s10, s15;
	s9 =	sadd.s32 $0x10200, s14;
	s10 =	sadd.s32 s10, s11  }
0x12: {  	s11 =	sadd.s32 $0x3A00, s14;
	s14 =	simm.s32 $0xA740;
	s15 =	simm.s32 $0x1  }
0x13: {  	s10 =	sadd.s32 $0xEA60, s10;
	s12 =	sadd.s32 $0x1DC00, s16;
	s16 =	sor.u32 $0x1C01, s31  }
.LBB2_1:
0x14: {  	[tilespmem:s14], [sflag:$0x1] =	stream.linear.gather [hbm4b:s4+s3], $0x500, $0x38;
	[tilespmem:$0xAC40] =	vst v63  }
0x15: {  	_ =	swait.ge [sflag:s15], $0x500  }
0x16: {  	[sflag:s15] =	ssyncset.done $0x0  }
0x17: {  	[sflag:s15] =	ssyncadd.s32 $0xFFFFFB00  }
0x18: {  	[spmem:s17], [sflag:s16] =	dma.local [hbm:s5], $0xEB0  }
0x19: {  	_ =	swait.ge [sflag:s15], $0xEB0  }
0x1a: {  	[sflag:s15] =	ssyncset.done $0x0  }
0x1b: {  	[sflag:s15] =	ssyncadd.s32 $0xFFFFF150  }
0x1c: {  	[tilespmem:s18], [sflag:$0x1] =	stream.linear.gather [hbm4b:s6+s3], $0x3200, $0x38;
	[tilespmem:$0xAC40] =	vst v63  }
0x1d: {  	_ =	swait.ge [sflag:s15], $0x3200  }
0x1e: {  	[sflag:s15] =	ssyncset.done $0x0  }
0x1f: {  	[sflag:s15] =	ssyncadd.s32 $0xFFFFCE00  }
0x20: {  	s21 =	simm.s32 $0x7590;
	[bflag:$0x0] =	sbarrier.arrive $0xFFFF  }
0x21: {  	[spmem:s2] =	stream.indirect.scatter.add.f32 [tilespmem:s14], [sflag:$0x1], $0x10, s21, s19, $0xb8;
	[tilespmem:$0xAC40] =	vst v63  }
0x22: {  	s21 =	simm.s32 $0x3C0;
	_ =	swait.ge [sflag:s15], $0x500  }
.LBB2_2:
0x23: {  	s22 =	sshra.s32 s21, $0x2;
	[sflag:s15] =	ssyncset.done $0x0;
	p0 =	sne.s32 s21, $0xC6C0  }
.Ltmp0:
0x24: {  	s22 =	sadd.s32 $0x7540, s22;
	[sflag:s15] =	ssyncadd.s32 $0xFFFFFB00;
	(pc) =	sbr.rel @p0 .LBB2_2-.Ltmp0, $3  }
0x25: {  	[spmem:s2] =	stream.indirect.scatter.add.f32 [tilespmem:s14], [sflag:$0x1], $0x10, s22, s19, $0xb8;
	[tilespmem:$0xAC40] =	vst v63  }
0x26: {  	s21 =	sadd.s32 $0x280, s21;
	_ =	sdelay $0x1  }
0x27: {  	_ =	swait.ge [sflag:s15], $0x500  }
0x28: {  	[sflag:s15] =	ssyncset.done $0x0  }
0x29: {  	[sflag:s15] =	ssyncadd.s32 $0xFFFFFB00  }
0x2a: {  	[bflag:$0x0] =	sbarrier.arrive $0xFFFF  }
0x2b: {  	[hbm:s7], [sflag:s16] =	dma.local [spmem:s17], $0xEB0  }
0x2c: {  	_ =	swait.ge [sflag:s15], $0xEB0  }
0x2d: {  	[sflag:s15] =	ssyncset.done $0x0  }
0x2e: {  	[sflag:s15] =	ssyncadd.s32 $0xFFFFF150  }
0x2f: {  	s21 =	sshrl.u32 s8, $0x3;
	[bflag:$0x0] =	sbarrier.arrive $0xFFFF  }
0x30: {  	[spmem:s21], [sflag:s16] =	dma.local [hbm:s5], $0x9D0  }
0x31: {  	_ =	swait.ge [sflag:s15], $0x9D0  }
0x32: {  	[sflag:s15] =	ssyncset.done $0x0  }
0x33: {  	[sflag:s15] =	ssyncadd.s32 $0xFFFFF630  }
0x34: {  	[tilespmem:s18], [sflag:$0x1] =	stream.linear.gather [hbm4b:s9+s3], $0x3200, $0x38;
	[tilespmem:$0xAC40] =	vst v63  }
0x35: {  	_ =	swait.ge [sflag:s15], $0x3200  }
0x36: {  	[sflag:s15] =	ssyncset.done $0x0  }
0x37: {  	[sflag:s15] =	ssyncadd.s32 $0xFFFFCE00  }
0x38: {  	s22 =	simm.s32 $0x7590;
	[bflag:$0x0] =	sbarrier.arrive $0xFFFF  }
0x39: {  	[spmem:s2] =	stream.indirect.scatter.add.f32 [tilespmem:s14], [sflag:$0x1], $0x10, s22, s19, $0xb8;
	[tilespmem:$0xAC40] =	vst v63  }
0x3a: {  	s22 =	simm.s32 $0x3C0;
	_ =	swait.ge [sflag:s15], $0x500  }
.LBB2_4:
0x3b: {  	s23 =	sshra.s32 s22, $0x2;
	[sflag:s15] =	ssyncset.done $0x0;
	p0 =	sne.s32 s22, $0xC6C0  }
.Ltmp1:
0x3c: {  	s23 =	sadd.s32 $0x7540, s23;
	[sflag:s15] =	ssyncadd.s32 $0xFFFFFB00;
	(pc) =	sbr.rel @p0 .LBB2_4-.Ltmp1, $3  }
0x3d: {  	[spmem:s2] =	stream.indirect.scatter.add.f32 [tilespmem:s14], [sflag:$0x1], $0x10, s23, s19, $0xb8;
	[tilespmem:$0xAC40] =	vst v63  }
0x3e: {  	s22 =	sadd.s32 $0x280, s22;
	_ =	sdelay $0x1  }
0x3f: {  	_ =	swait.ge [sflag:s15], $0x500  }
0x40: {  	[sflag:s15] =	ssyncset.done $0x0  }
0x41: {  	[sflag:s15] =	ssyncadd.s32 $0xFFFFFB00  }
0x42: {  	[bflag:$0x0] =	sbarrier.arrive $0xFFFF  }
0x43: {  	[hbm:s10], [sflag:s16] =	dma.local [spmem:s21], $0x9D0  }
0x44: {  	_ =	swait.ge [sflag:s15], $0x9D0  }
0x45: {  	[sflag:s15] =	ssyncset.done $0x0  }
0x46: {  	[sflag:s15] =	ssyncadd.s32 $0xFFFFF630  }
0x47: {  	[bflag:$0x0] =	sbarrier.arrive $0xFFFF  }
0x48: {  	[spmem:s17], [sflag:s16] =	dma.local [hbm:s5], $0xEB0  }
0x49: {  	_ =	swait.ge [sflag:s15], $0xEB0  }
0x4a: {  	[sflag:s15] =	ssyncset.done $0x0  }
0x4b: {  	[sflag:s15] =	ssyncadd.s32 $0xFFFFF150  }
0x4c: {  	[tilespmem:s18], [sflag:$0x1] =	stream.linear.gather [hbm4b:s11+s3], $0x3200, $0x38;
	[tilespmem:$0xAC40] =	vst v63  }
0x4d: {  	_ =	swait.ge [sflag:s15], $0x3200  }
0x4e: {  	[sflag:s15] =	ssyncset.done $0x0  }
0x4f: {  	[sflag:s15] =	ssyncadd.s32 $0xFFFFCE00  }
0x50: {  	s31 =	simm.s32 $0x7590;
	[bflag:$0x0] =	sbarrier.arrive $0xFFFF  }
0x51: {  	[spmem:s2] =	stream.indirect.scatter.add.f32 [tilespmem:s14], [sflag:$0x1], $0x10, s31, s19, $0xb8;
	[tilespmem:$0xAC40] =	vst v63  }
0x52: {  	s21 =	simm.s32 $0x3C0;
	_ =	swait.ge [sflag:s15], $0x500  }
.LBB2_6:
0x53: {  	s22 =	sshra.s32 s21, $0x2;
	[sflag:s15] =	ssyncset.done $0x0;
	p0 =	sne.s32 s21, $0xC6C0  }
.Ltmp2:
0x54: {  	s22 =	sadd.s32 $0x7540, s22;
	[sflag:s15] =	ssyncadd.s32 $0xFFFFFB00;
	(pc) =	sbr.rel @p0 .LBB2_6-.Ltmp2, $3  }
0x55: {  	[spmem:s2] =	stream.indirect.scatter.add.f32 [tilespmem:s14], [sflag:$0x1], $0x10, s22, s19, $0xb8;
	[tilespmem:$0xAC40] =	vst v63  }
0x56: {  	s21 =	sadd.s32 $0x280, s21;
	_ =	sdelay $0x1  }
0x57: {  	_ =	swait.ge [sflag:s15], $0x500  }
0x58: {  	[sflag:s15] =	ssyncset.done $0x0  }
0x59: {  	s20 =	sadd.s32 $0x1, s20;
	[sflag:s15] =	ssyncadd.s32 $0xFFFFFB00  }
0x5a: {  	p0 =	sne.s32 s20, s13;
	[bflag:$0x0] =	sbarrier.arrive $0xFFFF  }
0x5b: {  	[hbm:s12], [sflag:s16] =	dma.local [spmem:s17], $0xEB0  }
.Ltmp3:
0x5c: {  	_ =	swait.ge [sflag:s15], $0xEB0;
	(pc) =	sbr.rel @p0 .LBB2_1-.Ltmp3, $3  }
0x5d: {  	[sflag:s15] =	ssyncset.done $0x0  }
0x5e: {  	[sflag:s15] =	ssyncadd.s32 $0xFFFFF150  }
0x5f: {  	[bflag:$0x0] =	sbarrier.arrive $0xFFFF;
	_ =	sdelay $0x1  }
0x60: {  	_ =	sfence.sel $0x180000  }
0x61: {  	[bflag:$0x0] =	sbarrier.arrive $0xFFFF  }
0x62: {  	p0 =	sne.s32 s1, $0x0;
	_ =	strace $0x90000047  }
0x63: {  	s0 =	sadd.s32 @!p0 $0x100000, s0;
	[bflag:$0x2] =	sbarrier.arrive $0xFFFF  }
0x64: {  	[sflag:s0] =	ssyncadd.tile.s32 @!p0 $0x1;
	_ =	shalt  }
.Lfunc_end2:
_tile_overlayer_lowered:
.L_overlay_start_2:
0x65: {  	(tag) =	ssettag $0x2  }
0x66: {  	s0 =	rddreg [dreg:$0x0];
	s2 =	stileid.u32  }
0x67: {  	s1 =	rddreg [dreg:$0x1];
	p0 =	sne.s32 s2, $0x0  }
0x68: {  	s3 =	rddreg [dreg:$0x2];
	[bflag:$0x3] =	sbarrier.arrive $0xFFFF;
	s2 =	simm.s32 @!p0 $0x1C01  }
0x69: {  	[timem:s3], [sflag:s2] =	dma.local @!p0 [hbm:s0], s1  }
0x6a: {  	s0 =	simm.s32 @!p0 $0x1  }
0x6b: {  	_ =	swait.ge @!p0 [sflag:s0], s1  }
0x6c: {  	s1 =	ssub.s32 @!p0 $0x0, s1;
	[sflag:s0] =	ssyncset.done @!p0 $0x0  }
0x6d: {  	[sflag:s0] =	ssyncadd.s32 @!p0 s1  }
0x6e: {  	[bflag:$0x3] =	sbarrier.arrive $0xFFFF  }
0x6f: {  	_ =	shalt  }

</sc_bundles>
